<compile_context>
chip_gen: v7x
topology: tpu7x:2x2x1
jax: 0.10.2.dev20260603
libtpu: 0.0.44.dev20260713+nightly
codegen_flags: <defaults>
</compile_context>

<pallas_src>
import functools

import jax
import jax.numpy as jnp
from jax import lax
from jax.experimental import pallas as pl
from jax.experimental.pallas import tpu as pltpu
from jax.experimental.pallas import tpu_sc as plsc

N = 10000
E = 320000
D = 128
HID = 256

NC, NS = 2, 16
NW = NC * NS
EPW = E // NW
CH = 64
NB = 4
NCHUNK = EPW // CH
TAIL = EPW - NCHUNK * CH
NR = 10240
RPT = NR // NS
HN = 10240
HPT = HN // NS

_mesh = plsc.VectorSubcoreMesh(core_axis_name="c", subcore_axis_name="s")


def _sc_body(with_deg, *refs):
    if with_deg:
        (x_hbm, src_hbm, dst_hbm, out0, out1, deg0, deg1,
         sb0, sb1, sb2, sb3, db0, db1, db2, db3,
         rw0, rw1, rw2, rw3, srct, dstt, rowst,
         onesb, sdeg, degstage, accum,
         gs0, gs1, gs2, gs3, ss0, ss1, ss2, ss3,
         is0, is1, is2, is3, tsem) = refs
    else:
        (x_hbm, src_hbm, dst_hbm, out0, out1,
         sb0, sb1, sb2, sb3, db0, db1, db2, db3,
         rw0, rw1, rw2, rw3, srct, dstt, rowst, accum,
         gs0, gs1, gs2, gs3, ss0, ss1, ss2, ss3,
         is0, is1, is2, is3, tsem) = refs
    srcb = (sb0, sb1, sb2, sb3)
    dstb = (db0, db1, db2, db3)
    rows = (rw0, rw1, rw2, rw3)
    gs = (gs0, gs1, gs2, gs3)
    ss = (ss0, ss1, ss2, ss3)
    isem = (is0, is1, is2, is3)

    cid = lax.axis_index("c")
    sid = lax.axis_index("s")
    wid = sid * NC + cid
    row0 = sid * RPT

    def _zb(i, c):
        for j in range(D // 16):
            rw0[i, pl.ds(j * 16, 16)] = jnp.zeros((16,), jnp.float32)
        return c
    lax.fori_loop(0, CH, _zb, 0)
    for k in range(RPT // CH):
        if k >= 2:
            pltpu.make_async_copy(
                rw0, accum.at[pl.ds(row0 + (k - 2) * CH, CH), :],
                tsem).wait()
        pltpu.async_copy(rw0, accum.at[pl.ds(row0 + k * CH, CH), :], tsem)
    for k in range(RPT // CH - 2, RPT // CH):
        pltpu.make_async_copy(rw0, accum.at[pl.ds(row0 + k * CH, CH), :],
                              tsem).wait()
    if with_deg:
        for i in range(CH // 16):
            onesb[pl.ds(i * 16, 16)] = jnp.ones((16,), jnp.float32)

        def _zd(i, c):
            degstage[pl.ds(i * 16, 16)] = jnp.zeros((16,), jnp.float32)
            return c
        lax.fori_loop(0, HPT // 16, _zd, 0)
        pltpu.sync_copy(degstage, sdeg.at[pl.ds(sid * HPT, HPT)])
    plsc.subcore_barrier()

    base = wid * EPW

    def _load(off, j):
        pltpu.async_copy(src_hbm.at[pl.ds(off, CH)], srcb[j], isem[j])
        pltpu.async_copy(dst_hbm.at[pl.ds(off, CH)], dstb[j], isem[j])

    def _wait_load(j):
        pltpu.make_async_copy(src_hbm.at[pl.ds(0, CH)], srcb[j], isem[j]).wait()
        pltpu.make_async_copy(dst_hbm.at[pl.ds(0, CH)], dstb[j], isem[j]).wait()

    def _gather(j):
        pltpu.async_copy(x_hbm.at[srcb[j]], rows[j], gs[j])

    def _wait_gather(j):
        pltpu.make_async_copy(x_hbm.at[srcb[j]], rows[j], gs[j]).wait()

    def _scatter(j):
        pltpu.async_copy(rows[j], accum.at[dstb[j]], ss[j], add=True)
        if with_deg:
            pltpu.async_copy(onesb, sdeg.at[dstb[j]], ss[j], add=True)

    def _wait_scatter(j):
        pltpu.make_async_copy(rows[j], accum.at[dstb[j]], ss[j]).wait()
        if with_deg:
            pltpu.make_async_copy(onesb, sdeg.at[dstb[j]], ss[j]).wait()

    _load(base, 0)
    _wait_load(0)
    _gather(0)
    _load(base + CH, 1)
    _wait_load(1)
    _gather(1)

    for b in range(NB):
        j2 = (b + 2) % NB
        if b >= 2:
            _wait_scatter(j2)
        _load(base + (b + 2) * CH, j2)
        _wait_gather(b)
        _scatter(b)
        _wait_load(j2)
        _gather(j2)

    def _block(g, c):
        for b in range(NB):
            ch = g * NB + b
            j2 = (b + 2) % NB

            @pl.when(ch + 2 < NCHUNK)
            def _():
                _wait_scatter(j2)
                _load(base + (ch + 2) * CH, j2)
            _wait_gather(b)
            _scatter(b)

            @pl.when(ch + 2 < NCHUNK)
            def _():
                _wait_load(j2)
                _gather(j2)
        return c
    lax.fori_loop(1, NCHUNK // NB, _block, 0)

    for j in range(NB):
        _wait_scatter(j)

    offt = base + NCHUNK * CH
    pltpu.sync_copy(src_hbm.at[pl.ds(offt, TAIL)], srct)
    pltpu.sync_copy(dst_hbm.at[pl.ds(offt, TAIL)], dstt)
    pltpu.async_copy(x_hbm.at[srct], rowst, tsem).wait()
    pltpu.sync_copy(rowst, accum.at[dstt], add=True)
    if with_deg:
        pltpu.sync_copy(onesb.at[pl.ds(0, TAIL)], sdeg.at[dstt], add=True)
    plsc.subcore_barrier()

    stg = (rw0, rw1)

    def _stage_in(k, j):
        pltpu.async_copy(accum.at[pl.ds(row0 + k * CH, CH), :], stg[j], gs[j])

    def _wait_in(k, j):
        pltpu.make_async_copy(accum.at[pl.ds(row0 + k * CH, CH), :], stg[j],
                              gs[j]).wait()

    def _stage_out(k, j):
        r0 = row0 + k * CH

        @pl.when(cid == 0)
        def _():
            pltpu.async_copy(stg[j], out0.at[pl.ds(r0, CH), :], ss[j])

        @pl.when(cid == 1)
        def _():
            pltpu.async_copy(stg[j], out1.at[pl.ds(r0, CH), :], ss[j])

    def _wait_out(k, j):
        r0 = row0 + k * CH

        @pl.when(cid == 0)
        def _():
            pltpu.make_async_copy(stg[j], out0.at[pl.ds(r0, CH), :],
                                  ss[j]).wait()

        @pl.when(cid == 1)
        def _():
            pltpu.make_async_copy(stg[j], out1.at[pl.ds(r0, CH), :],
                                  ss[j]).wait()

    NK = RPT // CH
    _stage_in(0, 0)
    for k in range(NK):
        j = k % 2
        if k + 1 < NK:
            if k >= 1:
                _wait_out(k - 1, 1 - j)
            _stage_in(k + 1, 1 - j)
        _wait_in(k, j)
        _stage_out(k, j)
    _wait_out(NK - 2, (NK - 2) % 2)
    _wait_out(NK - 1, (NK - 1) % 2)
    if with_deg:
        d0row = sid * HPT
        pltpu.sync_copy(sdeg.at[pl.ds(d0row, HPT)], degstage)

        @pl.when(cid == 0)
        def _():
            pltpu.sync_copy(degstage, deg0.at[pl.ds(d0row, HPT)])

        @pl.when(cid == 1)
        def _():
            pltpu.sync_copy(degstage, deg1.at[pl.ds(d0row, HPT)])


_f32 = jnp.float32


def _sc_scratch(with_deg):
    s = []
    s += [pltpu.VMEM((CH,), jnp.int32)] * 4
    s += [pltpu.VMEM((CH,), jnp.int32)] * 4
    s += [pltpu.VMEM((CH, D), _f32)] * 4
    s += [pltpu.VMEM((TAIL,), jnp.int32)] * 2
    s += [pltpu.VMEM((TAIL, D), _f32)]
    if with_deg:
        s += [pltpu.VMEM((CH,), _f32)]
        s += [pltpu.VMEM_SHARED((HN,), _f32)]
        s += [pltpu.VMEM((HPT,), _f32)]
    s += [pltpu.VMEM_SHARED((NR, D), _f32)]
    s += [pltpu.SemaphoreType.DMA] * 13
    return s


_sc_pass1 = pl.kernel(
    functools.partial(_sc_body, True),
    out_type=(jax.ShapeDtypeStruct((NR, D), _f32),
              jax.ShapeDtypeStruct((NR, D), _f32),
              jax.ShapeDtypeStruct((HN,), _f32),
              jax.ShapeDtypeStruct((HN,), _f32)),
    mesh=_mesh,
    scratch_types=_sc_scratch(True),
    name="sage_sc_pass1",
)

_sc_pass2 = pl.kernel(
    functools.partial(_sc_body, False),
    out_type=(jax.ShapeDtypeStruct((NR, D), _f32),
              jax.ShapeDtypeStruct((NR, D), _f32)),
    mesh=_mesh,
    scratch_types=_sc_scratch(False),
    name="sage_sc_pass2",
)

BM = 400
GRID = N // BM

_DN = (((1,), (1,)), ((), ()))


def _tc_mid_body(p0, p1, d0, d1, x, w1l, b1, w1r, w2l, b2, w2r, y2, z2):
    r = 1.0 / jnp.maximum(d0[...] + d1[...], 1.0)
    agg = (p0[...] + p1[...]) * r
    h = lax.dot_general(agg, w1l[...], _DN, preferred_element_type=_f32)
    h += lax.dot_general(x[...], w1r[...], _DN, preferred_element_type=_f32)
    h = jnp.maximum(h + b1[...], 0.0)
    y2[...] = lax.dot_general(h, w2l[...], _DN, preferred_element_type=_f32)
    z2[...] = lax.dot_general(h, w2r[...], _DN, preferred_element_type=_f32) + b2[...]


def _row_spec(c):
    return pl.BlockSpec((BM, c), lambda i: (i, 0))


def _full_spec(r, c):
    return pl.BlockSpec((r, c), lambda i: (0, 0))


_tc_mid = pl.pallas_call(
    _tc_mid_body,
    grid=(GRID,),
    in_specs=[
        _row_spec(D), _row_spec(D), _row_spec(1), _row_spec(1), _row_spec(D),
        _full_spec(HID, D), _full_spec(1, HID), _full_spec(HID, D),
        _full_spec(D, HID), _full_spec(1, D), _full_spec(D, HID),
    ],
    out_specs=[_row_spec(D), _row_spec(D)],
    out_shape=[jax.ShapeDtypeStruct((N, D), _f32),
               jax.ShapeDtypeStruct((N, D), _f32)],
    name="sage_tc_mid",
)


def _tc_out_body(p0, p1, d0, d1, z2, out):
    r = 1.0 / jnp.maximum(d0[...] + d1[...], 1.0)
    out[...] = (p0[...] + p1[...]) * r + z2[...]


_tc_out = pl.pallas_call(
    _tc_out_body,
    grid=(GRID,),
    in_specs=[_row_spec(D), _row_spec(D), _row_spec(1), _row_spec(1),
              _row_spec(D)],
    out_specs=_row_spec(D),
    out_shape=jax.ShapeDtypeStruct((N, D), _f32),
    name="sage_tc_out",
)


def kernel(x, edge_index, W1l, b1l, W1r, W2l, b2l, W2r):
    src = edge_index[0]
    dst = edge_index[1]
    p0, p1, dg0, dg1 = _sc_pass1(x, src, dst)
    d0 = dg0.reshape(HN, 1)
    d1 = dg1.reshape(HN, 1)
    y2, z2 = _tc_mid(p0, p1, d0, d1, x, W1l, b1l.reshape(1, HID), W1r,
                     W2l, b2l.reshape(1, D), W2r)
    q0, q1 = _sc_pass2(y2, src, dst)
    return _tc_out(q0, q1, d0, d1, z2)

# --- scband reference (transcript-rebuilt; emitter-appended) ---
"""Pipeline reference for scband-graph-sage-gnn-32169305047056 (READ-ONLY COPY).

The authoritative reference and input builder live on the scoring server;
editing this copy changes nothing except your own understanding.
"""

import jax, jax.numpy as jnp
import numpy as np

N_NODES = 10000
N_EDGES = 320000
IN_CH = 128
HID_CH = 256
OUT_CH = 128


def setup_inputs(seed: int = 0) -> dict:
    key = jax.random.key(seed)
    ks = jax.random.split(key, 8)
    x = jax.random.normal(ks[0], (N_NODES, IN_CH), dtype=jnp.float32)
    edge_index = jax.random.randint(ks[1], (2, N_EDGES), 0, N_NODES, dtype=jnp.int64 if jax.config.jax_enable_x64 else jnp.int32).astype(jnp.int32)
    def glorot(k, shape):
        fan_in, fan_out = shape[1], shape[0]
        lim = jnp.sqrt(6.0 / (fan_in + fan_out))
        return jax.random.uniform(k, shape, dtype=jnp.float32, minval=-lim, maxval=lim)
    W1l = glorot(ks[2], (HID_CH, IN_CH))
    b1l = jnp.zeros((HID_CH,), dtype=jnp.float32)
    W1r = glorot(ks[3], (HID_CH, IN_CH))
    W2l = glorot(ks[4], (OUT_CH, HID_CH))
    b2l = jnp.zeros((OUT_CH,), dtype=jnp.float32)
    W2r = glorot(ks[5], (OUT_CH, HID_CH))
    return {"x": x, "edge_index": edge_index, "W1l": W1l, "b1l": b1l, "W1r": W1r, "W2l": W2l, "b2l": b2l, "W2r": W2r}


def _sage_conv(x, edge_index, Wl, bl, Wr):
    # PyG SAGEConv (mean aggr): out = lin_l(mean_j x_j) + lin_r(x_i)
    src = edge_index[0]
    dst = edge_index[1]
    n = x.shape[0]
    msgs = jnp.take(x, src, axis=0)                      # gather
    summed = jax.ops.segment_sum(msgs, dst, num_segments=n)  # scatter-add
    deg = jax.ops.segment_sum(jnp.ones((edge_index.shape[1],), dtype=x.dtype), dst, num_segments=n)
    mean = summed / jnp.clip(deg, 1.0)[:, None]
    return mean @ Wl.T + bl + x @ Wr.T


def reference(x, edge_index, W1l, b1l, W1r, W2l, b2l, W2r):
    h = _sage_conv(x, edge_index, W1l, b1l, W1r)
    h = jax.nn.relu(h)
    # dropout p=0.0 -> identity
    out = _sage_conv(h, edge_index, W2l, b2l, W2r)
    return out

if __name__ == "__main__":
    import jax
    _d = setup_inputs()
    print(jax.jit(kernel)(*tuple(_d.values())))

</pallas_src>

<mosaic_0001>
#map = affine_map<(d0, d1) -> (0, 0)>
#map1 = affine_map<(d0, d1) -> (0)>
module attributes {stable_mosaic.version = 14 : i64} {
  func.func @sage_sc_pass1(%arg0: i32, %arg1: i32, %arg2: memref<10000x128xf32, #tpu.memory_space<hbm>>, %arg3: memref<320000xi32, #tpu.memory_space<hbm>>, %arg4: memref<320000xi32, #tpu.memory_space<hbm>>, %arg5: memref<10240x128xf32, #tpu.memory_space<hbm>>, %arg6: memref<10240x128xf32, #tpu.memory_space<hbm>>, %arg7: memref<10240xf32, #tpu.memory_space<hbm>>, %arg8: memref<10240xf32, #tpu.memory_space<hbm>>, %arg9: memref<64xi32, #tpu.memory_space<vmem>>, %arg10: memref<64xi32, #tpu.memory_space<vmem>>, %arg11: memref<64xi32, #tpu.memory_space<vmem>>, %arg12: memref<64xi32, #tpu.memory_space<vmem>>, %arg13: memref<64xi32, #tpu.memory_space<vmem>>, %arg14: memref<64xi32, #tpu.memory_space<vmem>>, %arg15: memref<64xi32, #tpu.memory_space<vmem>>, %arg16: memref<64xi32, #tpu.memory_space<vmem>>, %arg17: memref<64x128xf32, #tpu.memory_space<vmem>>, %arg18: memref<64x128xf32, #tpu.memory_space<vmem>>, %arg19: memref<64x128xf32, #tpu.memory_space<vmem>>, %arg20: memref<64x128xf32, #tpu.memory_space<vmem>>, %arg21: memref<16xi32, #tpu.memory_space<vmem>>, %arg22: memref<16xi32, #tpu.memory_space<vmem>>, %arg23: memref<16x128xf32, #tpu.memory_space<vmem>>, %arg24: memref<64xf32, #tpu.memory_space<vmem>>, %arg25: memref<10240xf32, #tpu.memory_space<vmem_shared>>, %arg26: memref<640xf32, #tpu.memory_space<vmem>>, %arg27: memref<10240x128xf32, #tpu.memory_space<vmem_shared>>, %arg28: memref<!tpu.dma_semaphore, #tpu.memory_space<semaphore_mem>>, %arg29: memref<!tpu.dma_semaphore, #tpu.memory_space<semaphore_mem>>, %arg30: memref<!tpu.dma_semaphore, #tpu.memory_space<semaphore_mem>>, %arg31: memref<!tpu.dma_semaphore, #tpu.memory_space<semaphore_mem>>, %arg32: memref<!tpu.dma_semaphore, #tpu.memory_space<semaphore_mem>>, %arg33: memref<!tpu.dma_semaphore, #tpu.memory_space<semaphore_mem>>, %arg34: memref<!tpu.dma_semaphore, #tpu.memory_space<semaphore_mem>>, %arg35: memref<!tpu.dma_semaphore, #tpu.memory_space<semaphore_mem>>, %arg36: memref<!tpu.dma_semaphore, #tpu.memory_space<semaphore_mem>>, %arg37: memref<!tpu.dma_semaphore, #tpu.memory_space<semaphore_mem>>, %arg38: memref<!tpu.dma_semaphore, #tpu.memory_space<semaphore_mem>>, %arg39: memref<!tpu.dma_semaphore, #tpu.memory_space<semaphore_mem>>, %arg40: memref<!tpu.dma_semaphore, #tpu.memory_space<semaphore_mem>>) attributes {dimension_semantics = [#tpu.dimension_semantics<core_parallel>, #tpu.dimension_semantics<subcore_parallel>], iteration_bounds = array<i64: 2, 16>, scalar_prefetch = 0 : i64, scratch_operands = 32 : i64, tpu.core_type = #tpu.core_type<sc_vector_subcore>, window_params = [{transform_indices = #map}, {transform_indices = #map1}, {transform_indices = #map1}, {transform_indices = #map}, {transform_indices = #map}, {transform_indices = #map1}, {transform_indices = #map1}]} {
    %mul3A = arith.constant 2 : i32
    %mul3A_0 = arith.muli %arg1, %mul3A : i32
    %add3A = arith.addi %mul3A_0, %arg0 : i32
    %mul3A_1 = arith.constant 640 : i32
    %mul3A_2 = arith.muli %arg1, %mul3A_1 : i32
    %scan3A = arith.constant 0 : i32
    %scan3A_3 = arith.constant 0 : i32
    %scan3A_4 = arith.constant 64 : i32
    %scan3A_5 = arith.addi %scan3A_3, %scan3A_4 : i32
    %scan3A_6 = arith.constant 1 : i32
    scf.for %scan3A_704 = %scan3A_3 to %scan3A_5 step %scan3A_6  : i32 {
      %broadcast_in_dim3A_705 = arith.constant 0.000000e+00 : f32
      %broadcast_in_dim3A_706 = vector.broadcast %broadcast_in_dim3A_705 : f32 to vector<16xf32>
      %swap3A_707 = arith.index_cast %scan3A_704 : i32 to index
      %swap3A_708 = arith.constant 0 : index
      %swap3A_709 = tpu.vector_load %arg17[%swap3A_707, %swap3A_708] {strides = array<i32>} : memref<64x128xf32, #tpu.memory_space<vmem>>, vector<1x16xf32>,
      %swap3A_710 = vector.shape_cast %swap3A_709 : vector<1x16xf32> to vector<16xf32>
      %swap3A_711 = vector.shape_cast %broadcast_in_dim3A_706 : vector<16xf32> to vector<1x16xf32>
      tpu.vector_store %arg17[%swap3A_707, %swap3A_708], %swap3A_711 {strides = array<i32>} : memref<64x128xf32, #tpu.memory_space<vmem>>, vector<1x16xf32>,
      %broadcast_in_dim3A_712 = arith.constant 0.000000e+00 : f32
      %broadcast_in_dim3A_713 = vector.broadcast %broadcast_in_dim3A_712 : f32 to vector<16xf32>
      %swap3A_714 = arith.index_cast %scan3A_704 : i32 to index
      %swap3A_715 = arith.constant 16 : index
      %swap3A_716 = tpu.vector_load %arg17[%swap3A_714, %swap3A_715] {strides = array<i32>} : memref<64x128xf32, #tpu.memory_space<vmem>>, vector<1x16xf32>,
      %swap3A_717 = vector.shape_cast %swap3A_716 : vector<1x16xf32> to vector<16xf32>
      %swap3A_718 = vector.shape_cast %broadcast_in_dim3A_713 : vector<16xf32> to vector<1x16xf32>
      tpu.vector_store %arg17[%swap3A_714, %swap3A_715], %swap3A_718 {strides = array<i32>} : memref<64x128xf32, #tpu.memory_space<vmem>>, vector<1x16xf32>,
      %broadcast_in_dim3A_719 = arith.constant 0.000000e+00 : f32
      %broadcast_in_dim3A_720 = vector.broadcast %broadcast_in_dim3A_719 : f32 to vector<16xf32>
      %swap3A_721 = arith.index_cast %scan3A_704 : i32 to index
      %swap3A_722 = arith.constant 32 : index
      %swap3A_723 = tpu.vector_load %arg17[%swap3A_721, %swap3A_722] {strides = array<i32>} : memref<64x128xf32, #tpu.memory_space<vmem>>, vector<1x16xf32>,
      %swap3A_724 = vector.shape_cast %swap3A_723 : vector<1x16xf32> to vector<16xf32>
      %swap3A_725 = vector.shape_cast %broadcast_in_dim3A_720 : vector<16xf32> to vector<1x16xf32>
      tpu.vector_store %arg17[%swap3A_721, %swap3A_722], %swap3A_725 {strides = array<i32>} : memref<64x128xf32, #tpu.memory_space<vmem>>, vector<1x16xf32>,
      %broadcast_in_dim3A_726 = arith.constant 0.000000e+00 : f32
      %broadcast_in_dim3A_727 = vector.broadcast %broadcast_in_dim3A_726 : f32 to vector<16xf32>
      %swap3A_728 = arith.index_cast %scan3A_704 : i32 to index
      %swap3A_729 = arith.constant 48 : index
      %swap3A_730 = tpu.vector_load %arg17[%swap3A_728, %swap3A_729] {strides = array<i32>} : memref<64x128xf32, #tpu.memory_space<vmem>>, vector<1x16xf32>,
      %swap3A_731 = vector.shape_cast %swap3A_730 : vector<1x16xf32> to vector<16xf32>
      %swap3A_732 = vector.shape_cast %broadcast_in_dim3A_727 : vector<16xf32> to vector<1x16xf32>
      tpu.vector_store %arg17[%swap3A_728, %swap3A_729], %swap3A_732 {strides = array<i32>} : memref<64x128xf32, #tpu.memory_space<vmem>>, vector<1x16xf32>,
      %broadcast_in_dim3A_733 = arith.constant 0.000000e+00 : f32
      %broadcast_in_dim3A_734 = vector.broadcast %broadcast_in_dim3A_733 : f32 to vector<16xf32>
      %swap3A_735 = arith.index_cast %scan3A_704 : i32 to index
      %swap3A_736 = arith.constant 64 : index
      %swap3A_737 = tpu.vector_load %arg17[%swap3A_735, %swap3A_736] {strides = array<i32>} : memref<64x128xf32, #tpu.memory_space<vmem>>, vector<1x16xf32>,
      %swap3A_738 = vector.shape_cast %swap3A_737 : vector<1x16xf32> to vector<16xf32>
      %swap3A_739 = vector.shape_cast %broadcast_in_dim3A_734 : vector<16xf32> to vector<1x16xf32>
      tpu.vector_store %arg17[%swap3A_735, %swap3A_736], %swap3A_739 {strides = array<i32>} : memref<64x128xf32, #tpu.memory_space<vmem>>, vector<1x16xf32>,
      %broadcast_in_dim3A_740 = arith.constant 0.000000e+00 : f32
      %broadcast_in_dim3A_741 = vector.broadcast %broadcast_in_dim3A_740 : f32 to vector<16xf32>
      %swap3A_742 = arith.index_cast %scan3A_704 : i32 to index
      %swap3A_743 = arith.constant 80 : index
      %swap3A_744 = tpu.vector_load %arg17[%swap3A_742, %swap3A_743] {strides = array<i32>} : memref<64x128xf32, #tpu.memory_space<vmem>>, vector<1x16xf32>,
      %swap3A_745 = vector.shape_cast %swap3A_744 : vector<1x16xf32> to vector<16xf32>
      %swap3A_746 = vector.shape_cast %broadcast_in_dim3A_741 : vector<16xf32> to vector<1x16xf32>
      tpu.vector_store %arg17[%swap3A_742, %swap3A_743], %swap3A_746 {strides = array<i32>} : memref<64x128xf32, #tpu.memory_space<vmem>>, vector<1x16xf32>,
      %broadcast_in_dim3A_747 = arith.constant 0.000000e+00 : f32
      %broadcast_in_dim3A_748 = vector.broadcast %broadcast_in_dim3A_747 : f32 to vector<16xf32>
      %swap3A_749 = arith.index_cast %scan3A_704 : i32 to index
      %swap3A_750 = arith.constant 96 : index
      %swap3A_751 = tpu.vector_load %arg17[%swap3A_749, %swap3A_750] {strides = array<i32>} : memref<64x128xf32, #tpu.memory_space<vmem>>, vector<1x16xf32>,
      %swap3A_752 = vector.shape_cast %swap3A_751 : vector<1x16xf32> to vector<16xf32>
      %swap3A_753 = vector.shape_cast %broadcast_in_dim3A_748 : vector<16xf32> to vector<1x16xf32>
      tpu.vector_store %arg17[%swap3A_749, %swap3A_750], %swap3A_753 {strides = array<i32>} : memref<64x128xf32, #tpu.memory_space<vmem>>, vector<1x16xf32>,
      %broadcast_in_dim3A_754 = arith.constant 0.000000e+00 : f32
      %broadcast_in_dim3A_755 = vector.broadcast %broadcast_in_dim3A_754 : f32 to vector<16xf32>
      %swap3A_756 = arith.index_cast %scan3A_704 : i32 to index
      %swap3A_757 = arith.constant 112 : index
      %swap3A_758 = tpu.vector_load %arg17[%swap3A_756, %swap3A_757] {strides = array<i32>} : memref<64x128xf32, #tpu.memory_space<vmem>>, vector<1x16xf32>,
      %swap3A_759 = vector.shape_cast %swap3A_758 : vector<1x16xf32> to vector<16xf32>
      %swap3A_760 = vector.shape_cast %broadcast_in_dim3A_755 : vector<16xf32> to vector<1x16xf32>
      tpu.vector_store %arg17[%swap3A_756, %swap3A_757], %swap3A_760 {strides = array<i32>} : memref<64x128xf32, #tpu.memory_space<vmem>>, vector<1x16xf32>,
    }
    %scan3A_7 = arith.constant 64 : i32
    %add3A_8 = arith.constant 0 : i32
    %add3A_9 = arith.addi %mul3A_2, %add3A_8 : i32
    %dma_start3A = arith.constant 0 : i32
    %dma_start3A_10 = tpu.memref_slice %arg27[%add3A_9, %dma_start3A] : memref<10240x128xf32, #tpu.memory_space<vmem_shared>> -> memref<64x128xf32, #tpu.memory_space<vmem_shared>>
    %dma_start3A_11 = arith.constant 0 : i32
    %dma_start3A_12 = tpu.memref_slice %arg27[%add3A_9, %dma_start3A_11] : memref<10240x128xf32, #tpu.memory_space<vmem_shared>> -> memref<64x128xf32, #tpu.memory_space<vmem_shared>>
    tpu.enqueue_dma source(%arg17 : memref<64x128xf32, #tpu.memory_space<vmem>>) target(%dma_start3A_12 : memref<64x128xf32, #tpu.memory_space<vmem_shared>>) target_semaphore(%arg40 : memref<!tpu.dma_semaphore, #tpu.memory_space<semaphore_mem>>)
    %add3A_13 = arith.constant 64 : i32
    %add3A_14 = arith.addi %mul3A_2, %add3A_13 : i32
    %dma_start3A_15 = arith.constant 0 : i32
    %dma_start3A_16 = tpu.memref_slice %arg27[%add3A_14, %dma_start3A_15] : memref<10240x128xf32, #tpu.memory_space<vmem_shared>> -> memref<64x128xf32, #tpu.memory_space<vmem_shared>>
    %dma_start3A_17 = arith.constant 0 : i32
    %dma_start3A_18 = tpu.memref_slice %arg27[%add3A_14, %dma_start3A_17] : memref<10240x128xf32, #tpu.memory_space<vmem_shared>> -> memref<64x128xf32, #tpu.memory_space<vmem_shared>>
    tpu.enqueue_dma source(%arg17 : memref<64x128xf32, #tpu.memory_space<vmem>>) target(%dma_start3A_18 : memref<64x128xf32, #tpu.memory_space<vmem_shared>>) target_semaphore(%arg40 : memref<!tpu.dma_semaphore, #tpu.memory_space<semaphore_mem>>)
    %add3A_19 = arith.constant 0 : i32
    %add3A_20 = arith.addi %mul3A_2, %add3A_19 : i32
    %dma_wait3A = arith.constant 0 : i32
    %dma_wait3A_21 = tpu.memref_slice %arg27[%add3A_20, %dma_wait3A] : memref<10240x128xf32, #tpu.memory_space<vmem_shared>> -> memref<64x128xf32, #tpu.memory_space<vmem_shared>>
    %dma_wait3A_22 = arith.constant 0 : i32
    %dma_wait3A_23 = tpu.memref_slice %arg27[%add3A_20, %dma_wait3A_22] : memref<10240x128xf32, #tpu.memory_space<vmem_shared>> -> memref<64x128xf32, #tpu.memory_space<vmem_shared>>
    tpu.wait_dma2 semaphore(%arg40 : memref<!tpu.dma_semaphore, #tpu.memory_space<semaphore_mem>>) src(%arg17 : memref<64x128xf32, #tpu.memory_space<vmem>>) dst(%dma_wait3A_23 : memref<64x128xf32, #tpu.memory_space<vmem_shared>>)
    %add3A_24 = arith.constant 128 : i32
    %add3A_25 = arith.addi %mul3A_2, %add3A_24 : i32
    %dma_start3A_26 = arith.constant 0 : i32
    %dma_start3A_27 = tpu.memref_slice %arg27[%add3A_25, %dma_start3A_26] : memref<10240x128xf32, #tpu.memory_space<vmem_shared>> -> memref<64x128xf32, #tpu.memory_space<vmem_shared>>
    %dma_start3A_28 = arith.constant 0 : i32
    %dma_start3A_29 = tpu.memref_slice %arg27[%add3A_25, %dma_start3A_28] : memref<10240x128xf32, #tpu.memory_space<vmem_shared>> -> memref<64x128xf32, #tpu.memory_space<vmem_shared>>
    tpu.enqueue_dma source(%arg17 : memref<64x128xf32, #tpu.memory_space<vmem>>) target(%dma_start3A_29 : memref<64x128xf32, #tpu.memory_space<vmem_shared>>) target_semaphore(%arg40 : memref<!tpu.dma_semaphore, #tpu.memory_space<semaphore_mem>>)
    %add3A_30 = arith.constant 64 : i32
    %add3A_31 = arith.addi %mul3A_2, %add3A_30 : i32
    %dma_wait3A_32 = arith.constant 0 : i32
    %dma_wait3A_33 = tpu.memref_slice %arg27[%add3A_31, %dma_wait3A_32] : memref<10240x128xf32, #tpu.memory_space<vmem_shared>> -> memref<64x128xf32, #tpu.memory_space<vmem_shared>>
    %dma_wait3A_34 = arith.constant 0 : i32
    %dma_wait3A_35 = tpu.memref_slice %arg27[%add3A_31, %dma_wait3A_34] : memref<10240x128xf32, #tpu.memory_space<vmem_shared>> -> memref<64x128xf32, #tpu.memory_space<vmem_shared>>
    tpu.wait_dma2 semaphore(%arg40 : memref<!tpu.dma_semaphore, #tpu.memory_space<semaphore_mem>>) src(%arg17 : memref<64x128xf32, #tpu.memory_space<vmem>>) dst(%dma_wait3A_35 : memref<64x128xf32, #tpu.memory_space<vmem_shared>>)
    %add3A_36 = arith.constant 192 : i32
    %add3A_37 = arith.addi %mul3A_2, %add3A_36 : i32
    %dma_start3A_38 = arith.constant 0 : i32
    %dma_start3A_39 = tpu.memref_slice %arg27[%add3A_37, %dma_start3A_38] : memref<10240x128xf32, #tpu.memory_space<vmem_shared>> -> memref<64x128xf32, #tpu.memory_space<vmem_shared>>
    %dma_start3A_40 = arith.constant 0 : i32
    %dma_start3A_41 = tpu.memref_slice %arg27[%add3A_37, %dma_start3A_40] : memref<10240x128xf32, #tpu.memory_space<vmem_shared>> -> memref<64x128xf32, #tpu.memory_space<vmem_shared>>
    tpu.enqueue_dma source(%arg17 : memref<64x128xf32, #tpu.memory_space<vmem>>) target(%dma_start3A_41 : memref<64x128xf32, #tpu.memory_space<vmem_shared>>) target_semaphore(%arg40 : memref<!tpu.dma_semaphore, #tpu.memory_space<semaphore_mem>>)
    %add3A_42 = arith.constant 128 : i32
    %add3A_43 = arith.addi %mul3A_2, %add3A_42 : i32
    %dma_wait3A_44 = arith.constant 0 : i32
    %dma_wait3A_45 = tpu.memref_slice %arg27[%add3A_43, %dma_wait3A_44] : memref<10240x128xf32, #tpu.memory_space<vmem_shared>> -> memref<64x128xf32, #tpu.memory_space<vmem_shared>>
    %dma_wait3A_46 = arith.constant 0 : i32
    %dma_wait3A_47 = tpu.memref_slice %arg27[%add3A_43, %dma_wait3A_46] : memref<10240x128xf32, #tpu.memory_space<vmem_shared>> -> memref<64x128xf32, #tpu.memory_space<vmem_shared>>
    tpu.wait_dma2 semaphore(%arg40 : memref<!tpu.dma_semaphore, #tpu.memory_space<semaphore_mem>>) src(%arg17 : memref<64x128xf32, #tpu.memory_space<vmem>>) dst(%dma_wait3A_47 : memref<64x128xf32, #tpu.memory_space<vmem_shared>>)
    %add3A_48 = arith.constant 256 : i32
    %add3A_49 = arith.addi %mul3A_2, %add3A_48 : i32
    %dma_start3A_50 = arith.constant 0 : i32
    %dma_start3A_51 = tpu.memref_slice %arg27[%add3A_49, %dma_start3A_50] : memref<10240x128xf32, #tpu.memory_space<vmem_shared>> -> memref<64x128xf32, #tpu.memory_space<vmem_shared>>
    %dma_start3A_52 = arith.constant 0 : i32
    %dma_start3A_53 = tpu.memref_slice %arg27[%add3A_49, %dma_start3A_52] : memref<10240x128xf32, #tpu.memory_space<vmem_shared>> -> memref<64x128xf32, #tpu.memory_space<vmem_shared>>
    tpu.enqueue_dma source(%arg17 : memref<64x128xf32, #tpu.memory_space<vmem>>) target(%dma_start3A_53 : memref<64x128xf32, #tpu.memory_space<vmem_shared>>) target_semaphore(%arg40 : memref<!tpu.dma_semaphore, #tpu.memory_space<semaphore_mem>>)
    %add3A_54 = arith.constant 192 : i32
    %add3A_55 = arith.addi %mul3A_2, %add3A_54 : i32
    %dma_wait3A_56 = arith.constant 0 : i32
    %dma_wait3A_57 = tpu.memref_slice %arg27[%add3A_55, %dma_wait3A_56] : memref<10240x128xf32, #tpu.memory_space<vmem_shared>> -> memref<64x128xf32, #tpu.memory_space<vmem_shared>>
    %dma_wait3A_58 = arith.constant 0 : i32
    %dma_wait3A_59 = tpu.memref_slice %arg27[%add3A_55, %dma_wait3A_58] : memref<10240x128xf32, #tpu.memory_space<vmem_shared>> -> memref<64x128xf32, #tpu.memory_space<vmem_shared>>
    tpu.wait_dma2 semaphore(%arg40 : memref<!tpu.dma_semaphore, #tpu.memory_space<semaphore_mem>>) src(%arg17 : memref<64x128xf32, #tpu.memory_space<vmem>>) dst(%dma_wait3A_59 : memref<64x128xf32, #tpu.memory_space<vmem_shared>>)
    %add3A_60 = arith.constant 320 : i32
    %add3A_61 = arith.addi %mul3A_2, %add3A_60 : i32
    %dma_start3A_62 = arith.constant 0 : i32
    %dma_start3A_63 = tpu.memref_slice %arg27[%add3A_61, %dma_start3A_62] : memref<10240x128xf32, #tpu.memory_space<vmem_shared>> -> memref<64x128xf32, #tpu.memory_space<vmem_shared>>
    %dma_start3A_64 = arith.constant 0 : i32
    %dma_start3A_65 = tpu.memref_slice %arg27[%add3A_61, %dma_start3A_64] : memref<10240x128xf32, #tpu.memory_space<vmem_shared>> -> memref<64x128xf32, #tpu.memory_space<vmem_shared>>
    tpu.enqueue_dma source(%arg17 : memref<64x128xf32, #tpu.memory_space<vmem>>) target(%dma_start3A_65 : memref<64x128xf32, #tpu.memory_space<vmem_shared>>) target_semaphore(%arg40 : memref<!tpu.dma_semaphore, #tpu.memory_space<semaphore_mem>>)
    %add3A_66 = arith.constant 256 : i32
    %add3A_67 = arith.addi %mul3A_2, %add3A_66 : i32
    %dma_wait3A_68 = arith.constant 0 : i32
    %dma_wait3A_69 = tpu.memref_slice %arg27[%add3A_67, %dma_wait3A_68] : memref<10240x128xf32, #tpu.memory_space<vmem_shared>> -> memref<64x128xf32, #tpu.memory_space<vmem_shared>>
    %dma_wait3A_70 = arith.constant 0 : i32
    %dma_wait3A_71 = tpu.memref_slice %arg27[%add3A_67, %dma_wait3A_70] : memref<10240x128xf32, #tpu.memory_space<vmem_shared>> -> memref<64x128xf32, #tpu.memory_space<vmem_shared>>
    tpu.wait_dma2 semaphore(%arg40 : memref<!tpu.dma_semaphore, #tpu.memory_space<semaphore_mem>>) src(%arg17 : memref<64x128xf32, #tpu.memory_space<vmem>>) dst(%dma_wait3A_71 : memref<64x128xf32, #tpu.memory_space<vmem_shared>>)
    %add3A_72 = arith.constant 384 : i32
    %add3A_73 = arith.addi %mul3A_2, %add3A_72 : i32
    %dma_start3A_74 = arith.constant 0 : i32
    %dma_start3A_75 = tpu.memref_slice %arg27[%add3A_73, %dma_start3A_74] : memref<10240x128xf32, #tpu.memory_space<vmem_shared>> -> memref<64x128xf32, #tpu.memory_space<vmem_shared>>
    %dma_start3A_76 = arith.constant 0 : i32
    %dma_start3A_77 = tpu.memref_slice %arg27[%add3A_73, %dma_start3A_76] : memref<10240x128xf32, #tpu.memory_space<vmem_shared>> -> memref<64x128xf32, #tpu.memory_space<vmem_shared>>
    tpu.enqueue_dma source(%arg17 : memref<64x128xf32, #tpu.memory_space<vmem>>) target(%dma_start3A_77 : memref<64x128xf32, #tpu.memory_space<vmem_shared>>) target_semaphore(%arg40 : memref<!tpu.dma_semaphore, #tpu.memory_space<semaphore_mem>>)
    %add3A_78 = arith.constant 320 : i32
    %add3A_79 = arith.addi %mul3A_2, %add3A_78 : i32
    %dma_wait3A_80 = arith.constant 0 : i32
    %dma_wait3A_81 = tpu.memref_slice %arg27[%add3A_79, %dma_wait3A_80] : memref<10240x128xf32, #tpu.memory_space<vmem_shared>> -> memref<64x128xf32, #tpu.memory_space<vmem_shared>>
    %dma_wait3A_82 = arith.constant 0 : i32
    %dma_wait3A_83 = tpu.memref_slice %arg27[%add3A_79, %dma_wait3A_82] : memref<10240x128xf32, #tpu.memory_space<vmem_shared>> -> memref<64x128xf32, #tpu.memory_space<vmem_shared>>
    tpu.wait_dma2 semaphore(%arg40 : memref<!tpu.dma_semaphore, #tpu.memory_space<semaphore_mem>>) src(%arg17 : memref<64x128xf32, #tpu.memory_space<vmem>>) dst(%dma_wait3A_83 : memref<64x128xf32, #tpu.memory_space<vmem_shared>>)
    %add3A_84 = arith.constant 448 : i32
    %add3A_85 = arith.addi %mul3A_2, %add3A_84 : i32
    %dma_start3A_86 = arith.constant 0 : i32
    %dma_start3A_87 = tpu.memref_slice %arg27[%add3A_85, %dma_start3A_86] : memref<10240x128xf32, #tpu.memory_space<vmem_shared>> -> memref<64x128xf32, #tpu.memory_space<vmem_shared>>
    %dma_start3A_88 = arith.constant 0 : i32
    %dma_start3A_89 = tpu.memref_slice %arg27[%add3A_85, %dma_start3A_88] : memref<10240x128xf32, #tpu.memory_space<vmem_shared>> -> memref<64x128xf32, #tpu.memory_space<vmem_shared>>
    tpu.enqueue_dma source(%arg17 : memref<64x128xf32, #tpu.memory_space<vmem>>) target(%dma_start3A_89 : memref<64x128xf32, #tpu.memory_space<vmem_shared>>) target_semaphore(%arg40 : memref<!tpu.dma_semaphore, #tpu.memory_space<semaphore_mem>>)
    %add3A_90 = arith.constant 384 : i32
    %add3A_91 = arith.addi %mul3A_2, %add3A_90 : i32
    %dma_wait3A_92 = arith.constant 0 : i32
    %dma_wait3A_93 = tpu.memref_slice %arg27[%add3A_91, %dma_wait3A_92] : memref<10240x128xf32, #tpu.memory_space<vmem_shared>> -> memref<64x128xf32, #tpu.memory_space<vmem_shared>>
    %dma_wait3A_94 = arith.constant 0 : i32
    %dma_wait3A_95 = tpu.memref_slice %arg27[%add3A_91, %dma_wait3A_94] : memref<10240x128xf32, #tpu.memory_space<vmem_shared>> -> memref<64x128xf32, #tpu.memory_space<vmem_shared>>
    tpu.wait_dma2 semaphore(%arg40 : memref<!tpu.dma_semaphore, #tpu.memory_space<semaphore_mem>>) src(%arg17 : memref<64x128xf32, #tpu.memory_space<vmem>>) dst(%dma_wait3A_95 : memref<64x128xf32, #tpu.memory_space<vmem_shared>>)
    %add3A_96 = arith.constant 512 : i32
    %add3A_97 = arith.addi %mul3A_2, %add3A_96 : i32
    %dma_start3A_98 = arith.constant 0 : i32
    %dma_start3A_99 = tpu.memref_slice %arg27[%add3A_97, %dma_start3A_98] : memref<10240x128xf32, #tpu.memory_space<vmem_shared>> -> memref<64x128xf32, #tpu.memory_space<vmem_shared>>
    %dma_start3A_100 = arith.constant 0 : i32
    %dma_start3A_101 = tpu.memref_slice %arg27[%add3A_97, %dma_start3A_100] : memref<10240x128xf32, #tpu.memory_space<vmem_shared>> -> memref<64x128xf32, #tpu.memory_space<vmem_shared>>
    tpu.enqueue_dma source(%arg17 : memref<64x128xf32, #tpu.memory_space<vmem>>) target(%dma_start3A_101 : memref<64x128xf32, #tpu.memory_space<vmem_shared>>) target_semaphore(%arg40 : memref<!tpu.dma_semaphore, #tpu.memory_space<semaphore_mem>>)
    %add3A_102 = arith.constant 448 : i32
    %add3A_103 = arith.addi %mul3A_2, %add3A_102 : i32
    %dma_wait3A_104 = arith.constant 0 : i32
    %dma_wait3A_105 = tpu.memref_slice %arg27[%add3A_103, %dma_wait3A_104] : memref<10240x128xf32, #tpu.memory_space<vmem_shared>> -> memref<64x128xf32, #tpu.memory_space<vmem_shared>>
    %dma_wait3A_106 = arith.constant 0 : i32
    %dma_wait3A_107 = tpu.memref_slice %arg27[%add3A_103, %dma_wait3A_106] : memref<10240x128xf32, #tpu.memory_space<vmem_shared>> -> memref<64x128xf32, #tpu.memory_space<vmem_shared>>
    tpu.wait_dma2 semaphore(%arg40 : memref<!tpu.dma_semaphore, #tpu.memory_space<semaphore_mem>>) src(%arg17 : memref<64x128xf32, #tpu.memory_space<vmem>>) dst(%dma_wait3A_107 : memref<64x128xf32, #tpu.memory_space<vmem_shared>>)
    %add3A_108 = arith.constant 576 : i32
    %add3A_109 = arith.addi %mul3A_2, %add3A_108 : i32
    %dma_start3A_110 = arith.constant 0 : i32
    %dma_start3A_111 = tpu.memref_slice %arg27[%add3A_109, %dma_start3A_110] : memref<10240x128xf32, #tpu.memory_space<vmem_shared>> -> memref<64x128xf32, #tpu.memory_space<vmem_shared>>
    %dma_start3A_112 = arith.constant 0 : i32
    %dma_start3A_113 = tpu.memref_slice %arg27[%add3A_109, %dma_start3A_112] : memref<10240x128xf32, #tpu.memory_space<vmem_shared>> -> memref<64x128xf32, #tpu.memory_space<vmem_shared>>
    tpu.enqueue_dma source(%arg17 : memref<64x128xf32, #tpu.memory_space<vmem>>) target(%dma_start3A_113 : memref<64x128xf32, #tpu.memory_space<vmem_shared>>) target_semaphore(%arg40 : memref<!tpu.dma_semaphore, #tpu.memory_space<semaphore_mem>>)
    %add3A_114 = arith.constant 512 : i32
    %add3A_115 = arith.addi %mul3A_2, %add3A_114 : i32
    %dma_wait3A_116 = arith.constant 0 : i32
    %dma_wait3A_117 = tpu.memref_slice %arg27[%add3A_115, %dma_wait3A_116] : memref<10240x128xf32, #tpu.memory_space<vmem_shared>> -> memref<64x128xf32, #tpu.memory_space<vmem_shared>>
    %dma_wait3A_118 = arith.constant 0 : i32
    %dma_wait3A_119 = tpu.memref_slice %arg27[%add3A_115, %dma_wait3A_118] : memref<10240x128xf32, #tpu.memory_space<vmem_shared>> -> memref<64x128xf32, #tpu.memory_space<vmem_shared>>
    tpu.wait_dma2 semaphore(%arg40 : memref<!tpu.dma_semaphore, #tpu.memory_space<semaphore_mem>>) src(%arg17 : memref<64x128xf32, #tpu.memory_space<vmem>>) dst(%dma_wait3A_119 : memref<64x128xf32, #tpu.memory_space<vmem_shared>>)
    %add3A_120 = arith.constant 576 : i32
    %add3A_121 = arith.addi %mul3A_2, %add3A_120 : i32
    %dma_wait3A_122 = arith.constant 0 : i32
    %dma_wait3A_123 = tpu.memref_slice %arg27[%add3A_121, %dma_wait3A_122] : memref<10240x128xf32, #tpu.memory_space<vmem_shared>> -> memref<64x128xf32, #tpu.memory_space<vmem_shared>>
    %dma_wait3A_124 = arith.constant 0 : i32
    %dma_wait3A_125 = tpu.memref_slice %arg27[%add3A_121, %dma_wait3A_124] : memref<10240x128xf32, #tpu.memory_space<vmem_shared>> -> memref<64x128xf32, #tpu.memory_space<vmem_shared>>
    tpu.wait_dma2 semaphore(%arg40 : memref<!tpu.dma_semaphore, #tpu.memory_space<semaphore_mem>>) src(%arg17 : memref<64x128xf32, #tpu.memory_space<vmem>>) dst(%dma_wait3A_125 : memref<64x128xf32, #tpu.memory_space<vmem_shared>>)
    %broadcast_in_dim3A = arith.constant 1.000000e+00 : f32
    %broadcast_in_dim3A_126 = vector.broadcast %broadcast_in_dim3A : f32 to vector<16xf32>
    %swap3A = arith.constant 0 : index
    %swap3A_127 = tpu.vector_load %arg24[%swap3A] {strides = array<i32>} : memref<64xf32, #tpu.memory_space<vmem>>, vector<16xf32>,
    %swap3A_128 = vector.shape_cast %swap3A_127 : vector<16xf32> to vector<16xf32>
    %swap3A_129 = vector.shape_cast %broadcast_in_dim3A_126 : vector<16xf32> to vector<16xf32>
    tpu.vector_store %arg24[%swap3A], %swap3A_129 {strides = array<i32>} : memref<64xf32, #tpu.memory_space<vmem>>, vector<16xf32>,
    %broadcast_in_dim3A_130 = arith.constant 1.000000e+00 : f32
    %broadcast_in_dim3A_131 = vector.broadcast %broadcast_in_dim3A_130 : f32 to vector<16xf32>
    %swap3A_132 = arith.constant 16 : index
    %swap3A_133 = tpu.vector_load %arg24[%swap3A_132] {strides = array<i32>} : memref<64xf32, #tpu.memory_space<vmem>>, vector<16xf32>,
    %swap3A_134 = vector.shape_cast %swap3A_133 : vector<16xf32> to vector<16xf32>
    %swap3A_135 = vector.shape_cast %broadcast_in_dim3A_131 : vector<16xf32> to vector<16xf32>
    tpu.vector_store %arg24[%swap3A_132], %swap3A_135 {strides = array<i32>} : memref<64xf32, #tpu.memory_space<vmem>>, vector<16xf32>,
    %broadcast_in_dim3A_136 = arith.constant 1.000000e+00 : f32
    %broadcast_in_dim3A_137 = vector.broadcast %broadcast_in_dim3A_136 : f32 to vector<16xf32>
    %swap3A_138 = arith.constant 32 : index
    %swap3A_139 = tpu.vector_load %arg24[%swap3A_138] {strides = array<i32>} : memref<64xf32, #tpu.memory_space<vmem>>, vector<16xf32>,
    %swap3A_140 = vector.shape_cast %swap3A_139 : vector<16xf32> to vector<16xf32>
    %swap3A_141 = vector.shape_cast %broadcast_in_dim3A_137 : vector<16xf32> to vector<16xf32>
    tpu.vector_store %arg24[%swap3A_138], %swap3A_141 {strides = array<i32>} : memref<64xf32, #tpu.memory_space<vmem>>, vector<16xf32>,
    %broadcast_in_dim3A_142 = arith.constant 1.000000e+00 : f32
    %broadcast_in_dim3A_143 = vector.broadcast %broadcast_in_dim3A_142 : f32 to vector<16xf32>
    %swap3A_144 = arith.constant 48 : index
    %swap3A_145 = tpu.vector_load %arg24[%swap3A_144] {strides = array<i32>} : memref<64xf32, #tpu.memory_space<vmem>>, vector<16xf32>,
    %swap3A_146 = vector.shape_cast %swap3A_145 : vector<16xf32> to vector<16xf32>
    %swap3A_147 = vector.shape_cast %broadcast_in_dim3A_143 : vector<16xf32> to vector<16xf32>
    tpu.vector_store %arg24[%swap3A_144], %swap3A_147 {strides = array<i32>} : memref<64xf32, #tpu.memory_space<vmem>>, vector<16xf32>,
    %scan3A_148 = arith.constant 0 : i32
    %scan3A_149 = arith.constant 0 : i32
    %scan3A_150 = arith.constant 40 : i32
    %scan3A_151 = arith.addi %scan3A_149, %scan3A_150 : i32
    %scan3A_152 = arith.constant 1 : i32
    scf.for %scan3A_704 = %scan3A_149 to %scan3A_151 step %scan3A_152  : i32 {
      %broadcast_in_dim3A_705 = arith.constant 0.000000e+00 : f32
      %broadcast_in_dim3A_706 = vector.broadcast %broadcast_in_dim3A_705 : f32 to vector<16xf32>
      %mul3A_707 = arith.constant 16 : i32
      %mul3A_708 = arith.muli %scan3A_704, %mul3A_707 : i32
      %swap3A_709 = arith.index_cast %mul3A_708 : i32 to index
      %swap3A_710 = tpu.vector_load %arg26[%swap3A_709] {strides = array<i32>} : memref<640xf32, #tpu.memory_space<vmem>>, vector<16xf32>,
      %swap3A_711 = vector.shape_cast %swap3A_710 : vector<16xf32> to vector<16xf32>
      %swap3A_712 = vector.shape_cast %broadcast_in_dim3A_706 : vector<16xf32> to vector<16xf32>
      tpu.vector_store %arg26[%swap3A_709], %swap3A_712 {strides = array<i32>} : memref<640xf32, #tpu.memory_space<vmem>>, vector<16xf32>,
    }
    %scan3A_153 = arith.constant 40 : i32
    %mul3A_154 = arith.constant 640 : i32
    %mul3A_155 = arith.muli %arg1, %mul3A_154 : i32
    "tpu.region"() ({
      %run_scoped3A = tpu.sem_alloc : memref<!tpu.dma_semaphore, #tpu.memory_space<semaphore_mem>>
      %dma_start3A_704 = tpu.memref_slice %arg25[%mul3A_155] : memref<10240xf32, #tpu.memory_space<vmem_shared>> -> memref<640xf32, #tpu.memory_space<vmem_shared>>
      %dma_start3A_705 = tpu.memref_slice %arg25[%mul3A_155] : memref<10240xf32, #tpu.memory_space<vmem_shared>> -> memref<640xf32, #tpu.memory_space<vmem_shared>>
      tpu.enqueue_dma source(%arg26 : memref<640xf32, #tpu.memory_space<vmem>>) target(%dma_start3A_705 : memref<640xf32, #tpu.memory_space<vmem_shared>>) target_semaphore(%run_scoped3A : memref<!tpu.dma_semaphore, #tpu.memory_space<semaphore_mem>>)
      %dma_wait3A_706 = tpu.memref_slice %arg25[%mul3A_155] : memref<10240xf32, #tpu.memory_space<vmem_shared>> -> memref<640xf32, #tpu.memory_space<vmem_shared>>
      %dma_wait3A_707 = tpu.memref_slice %arg25[%mul3A_155] : memref<10240xf32, #tpu.memory_space<vmem_shared>> -> memref<640xf32, #tpu.memory_space<vmem_shared>>
      tpu.wait_dma2 semaphore(%run_scoped3A : memref<!tpu.dma_semaphore, #tpu.memory_space<semaphore_mem>>) src(%arg26 : memref<640xf32, #tpu.memory_space<vmem>>) dst(%dma_wait3A_707 : memref<640xf32, #tpu.memory_space<vmem_shared>>)
      tpu.yield
    }) : () -> ()
    %barrier3A = arith.constant 0 : index
    tpu.barrier barrier_id(%barrier3A)
    %mul3A_156 = arith.constant 10000 : i32
    %mul3A_157 = arith.muli %add3A, %mul3A_156 : i32
    %dma_start3A_158 = tpu.memref_slice %arg3[%mul3A_157] : memref<320000xi32, #tpu.memory_space<hbm>> -> memref<64xi32, #tpu.memory_space<hbm>>
    %dma_start3A_159 = tpu.memref_slice %arg3[%mul3A_157] : memref<320000xi32, #tpu.memory_space<hbm>> -> memref<64xi32, #tpu.memory_space<hbm>>
    tpu.enqueue_dma source(%dma_start3A_159 : memref<64xi32, #tpu.memory_space<hbm>>) target(%arg9 : memref<64xi32, #tpu.memory_space<vmem>>) target_semaphore(%arg36 : memref<!tpu.dma_semaphore, #tpu.memory_space<semaphore_mem>>)
    %dma_start3A_160 = tpu.memref_slice %arg4[%mul3A_157] : memref<320000xi32, #tpu.memory_space<hbm>> -> memref<64xi32, #tpu.memory_space<hbm>>
    %dma_start3A_161 = tpu.memref_slice %arg4[%mul3A_157] : memref<320000xi32, #tpu.memory_space<hbm>> -> memref<64xi32, #tpu.memory_space<hbm>>
    tpu.enqueue_dma source(%dma_start3A_161 : memref<64xi32, #tpu.memory_space<hbm>>) target(%arg13 : memref<64xi32, #tpu.memory_space<vmem>>) target_semaphore(%arg36 : memref<!tpu.dma_semaphore, #tpu.memory_space<semaphore_mem>>)
    %dma_wait3A_162 = arith.constant 0 : i32
    %dma_wait3A_163 = tpu.memref_slice %arg3[%dma_wait3A_162] : memref<320000xi32, #tpu.memory_space<hbm>> -> memref<64xi32, #tpu.memory_space<hbm>>
    %dma_wait3A_164 = arith.constant 0 : i32
    %dma_wait3A_165 = tpu.memref_slice %arg3[%dma_wait3A_164] : memref<320000xi32, #tpu.memory_space<hbm>> -> memref<64xi32, #tpu.memory_space<hbm>>
    tpu.wait_dma2 semaphore(%arg36 : memref<!tpu.dma_semaphore, #tpu.memory_space<semaphore_mem>>) src(%dma_wait3A_165 : memref<64xi32, #tpu.memory_space<hbm>>) dst(%arg9 : memref<64xi32, #tpu.memory_space<vmem>>)
    %dma_wait3A_166 = arith.constant 0 : i32
    %dma_wait3A_167 = tpu.memref_slice %arg4[%dma_wait3A_166] : memref<320000xi32, #tpu.memory_space<hbm>> -> memref<64xi32, #tpu.memory_space<hbm>>
    %dma_wait3A_168 = arith.constant 0 : i32
    %dma_wait3A_169 = tpu.memref_slice %arg4[%dma_wait3A_168] : memref<320000xi32, #tpu.memory_space<hbm>> -> memref<64xi32, #tpu.memory_space<hbm>>
    tpu.wait_dma2 semaphore(%arg36 : memref<!tpu.dma_semaphore, #tpu.memory_space<semaphore_mem>>) src(%dma_wait3A_169 : memref<64xi32, #tpu.memory_space<hbm>>) dst(%arg13 : memref<64xi32, #tpu.memory_space<vmem>>)
    %dma_start3A_170 = arith.constant 0 : i32
    %dma_start3A_171 = arith.constant 0 : i32
    %dma_start3A_172 = tpu.memref_slice %arg2[%dma_start3A_170, %dma_start3A_171] : memref<10000x128xf32, #tpu.memory_space<hbm>> -> memref<10000x128xf32, #tpu.memory_space<hbm>>
    tpu.enqueue_indirect_dma source(%dma_start3A_172 : memref<10000x128xf32, #tpu.memory_space<hbm>>) target(%arg17 : memref<64x128xf32, #tpu.memory_space<vmem>>) offsets(%arg9 : memref<64xi32, #tpu.memory_space<vmem>>) semaphore(%arg28 : memref<!tpu.dma_semaphore, #tpu.memory_space<semaphore_mem>>)
    %add3A_173 = arith.constant 64 : i32
    %add3A_174 = arith.addi %mul3A_157, %add3A_173 : i32
    %dma_start3A_175 = tpu.memref_slice %arg3[%add3A_174] : memref<320000xi32, #tpu.memory_space<hbm>> -> memref<64xi32, #tpu.memory_space<hbm>>
    %dma_start3A_176 = tpu.memref_slice %arg3[%add3A_174] : memref<320000xi32, #tpu.memory_space<hbm>> -> memref<64xi32, #tpu.memory_space<hbm>>
    tpu.enqueue_dma source(%dma_start3A_176 : memref<64xi32, #tpu.memory_space<hbm>>) target(%arg10 : memref<64xi32, #tpu.memory_space<vmem>>) target_semaphore(%arg37 : memref<!tpu.dma_semaphore, #tpu.memory_space<semaphore_mem>>)
    %dma_start3A_177 = tpu.memref_slice %arg4[%add3A_174] : memref<320000xi32, #tpu.memory_space<hbm>> -> memref<64xi32, #tpu.memory_space<hbm>>
    %dma_start3A_178 = tpu.memref_slice %arg4[%add3A_174] : memref<320000xi32, #tpu.memory_space<hbm>> -> memref<64xi32, #tpu.memory_space<hbm>>
    tpu.enqueue_dma source(%dma_start3A_178 : memref<64xi32, #tpu.memory_space<hbm>>) target(%arg14 : memref<64xi32, #tpu.memory_space<vmem>>) target_semaphore(%arg37 : memref<!tpu.dma_semaphore, #tpu.memory_space<semaphore_mem>>)
    %dma_wait3A_179 = arith.constant 0 : i32
    %dma_wait3A_180 = tpu.memref_slice %arg3[%dma_wait3A_179] : memref<320000xi32, #tpu.memory_space<hbm>> -> memref<64xi32, #tpu.memory_space<hbm>>
    %dma_wait3A_181 = arith.constant 0 : i32
    %dma_wait3A_182 = tpu.memref_slice %arg3[%dma_wait3A_181] : memref<320000xi32, #tpu.memory_space<hbm>> -> memref<64xi32, #tpu.memory_space<hbm>>
    tpu.wait_dma2 semaphore(%arg37 : memref<!tpu.dma_semaphore, #tpu.memory_space<semaphore_mem>>) src(%dma_wait3A_182 : memref<64xi32, #tpu.memory_space<hbm>>) dst(%arg10 : memref<64xi32, #tpu.memory_space<vmem>>)
    %dma_wait3A_183 = arith.constant 0 : i32
    %dma_wait3A_184 = tpu.memref_slice %arg4[%dma_wait3A_183] : memref<320000xi32, #tpu.memory_space<hbm>> -> memref<64xi32, #tpu.memory_space<hbm>>
    %dma_wait3A_185 = arith.constant 0 : i32
    %dma_wait3A_186 = tpu.memref_slice %arg4[%dma_wait3A_185] : memref<320000xi32, #tpu.memory_space<hbm>> -> memref<64xi32, #tpu.memory_space<hbm>>
    tpu.wait_dma2 semaphore(%arg37 : memref<!tpu.dma_semaphore, #tpu.memory_space<semaphore_mem>>) src(%dma_wait3A_186 : memref<64xi32, #tpu.memory_space<hbm>>) dst(%arg14 : memref<64xi32, #tpu.memory_space<vmem>>)
    %dma_start3A_187 = arith.constant 0 : i32
    %dma_start3A_188 = arith.constant 0 : i32
    %dma_start3A_189 = tpu.memref_slice %arg2[%dma_start3A_187, %dma_start3A_188] : memref<10000x128xf32, #tpu.memory_space<hbm>> -> memref<10000x128xf32, #tpu.memory_space<hbm>>
    tpu.enqueue_indirect_dma source(%dma_start3A_189 : memref<10000x128xf32, #tpu.memory_space<hbm>>) target(%arg18 : memref<64x128xf32, #tpu.memory_space<vmem>>) offsets(%arg10 : memref<64xi32, #tpu.memory_space<vmem>>) semaphore(%arg29 : memref<!tpu.dma_semaphore, #tpu.memory_space<semaphore_mem>>)
    %add3A_190 = arith.constant 128 : i32
    %add3A_191 = arith.addi %mul3A_157, %add3A_190 : i32
    %dma_start3A_192 = tpu.memref_slice %arg3[%add3A_191] : memref<320000xi32, #tpu.memory_space<hbm>> -> memref<64xi32, #tpu.memory_space<hbm>>
    %dma_start3A_193 = tpu.memref_slice %arg3[%add3A_191] : memref<320000xi32, #tpu.memory_space<hbm>> -> memref<64xi32, #tpu.memory_space<hbm>>
    tpu.enqueue_dma source(%dma_start3A_193 : memref<64xi32, #tpu.memory_space<hbm>>) target(%arg11 : memref<64xi32, #tpu.memory_space<vmem>>) target_semaphore(%arg38 : memref<!tpu.dma_semaphore, #tpu.memory_space<semaphore_mem>>)
    %dma_start3A_194 = tpu.memref_slice %arg4[%add3A_191] : memref<320000xi32, #tpu.memory_space<hbm>> -> memref<64xi32, #tpu.memory_space<hbm>>
    %dma_start3A_195 = tpu.memref_slice %arg4[%add3A_191] : memref<320000xi32, #tpu.memory_space<hbm>> -> memref<64xi32, #tpu.memory_space<hbm>>
    tpu.enqueue_dma source(%dma_start3A_195 : memref<64xi32, #tpu.memory_space<hbm>>) target(%arg15 : memref<64xi32, #tpu.memory_space<vmem>>) target_semaphore(%arg38 : memref<!tpu.dma_semaphore, #tpu.memory_space<semaphore_mem>>)
    %dma_wait3A_196 = arith.constant 0 : i32
    %dma_wait3A_197 = arith.constant 0 : i32
    %dma_wait3A_198 = tpu.memref_slice %arg2[%dma_wait3A_196, %dma_wait3A_197] : memref<10000x128xf32, #tpu.memory_space<hbm>> -> memref<10000x128xf32, #tpu.memory_space<hbm>>
    tpu.wait_indirect_dma semaphore(%arg28 : memref<!tpu.dma_semaphore, #tpu.memory_space<semaphore_mem>>) src(%dma_wait3A_198 : memref<10000x128xf32, #tpu.memory_space<hbm>>) dst(%arg17 : memref<64x128xf32, #tpu.memory_space<vmem>>)
    %dma_start3A_199 = arith.constant 0 : i32
    %dma_start3A_200 = arith.constant 0 : i32
    %dma_start3A_201 = tpu.memref_slice %arg27[%dma_start3A_199, %dma_start3A_200] : memref<10240x128xf32, #tpu.memory_space<vmem_shared>> -> memref<10240x128xf32, #tpu.memory_space<vmem_shared>>
    tpu.enqueue_indirect_dma source(%arg17 : memref<64x128xf32, #tpu.memory_space<vmem>>) target(%dma_start3A_201 : memref<10240x128xf32, #tpu.memory_space<vmem_shared>>) offsets(%arg13 : memref<64xi32, #tpu.memory_space<vmem>>) semaphore(%arg32 : memref<!tpu.dma_semaphore, #tpu.memory_space<semaphore_mem>>) {add = true}
    %dma_start3A_202 = arith.constant 0 : i32
    %dma_start3A_203 = tpu.memref_slice %arg25[%dma_start3A_202] : memref<10240xf32, #tpu.memory_space<vmem_shared>> -> memref<10240xf32, #tpu.memory_space<vmem_shared>>
    tpu.enqueue_indirect_dma source(%arg24 : memref<64xf32, #tpu.memory_space<vmem>>) target(%dma_start3A_203 : memref<10240xf32, #tpu.memory_space<vmem_shared>>) offsets(%arg13 : memref<64xi32, #tpu.memory_space<vmem>>) semaphore(%arg32 : memref<!tpu.dma_semaphore, #tpu.memory_space<semaphore_mem>>) {add = true}
    %dma_wait3A_204 = arith.constant 0 : i32
    %dma_wait3A_205 = tpu.memref_slice %arg3[%dma_wait3A_204] : memref<320000xi32, #tpu.memory_space<hbm>> -> memref<64xi32, #tpu.memory_space<hbm>>
    %dma_wait3A_206 = arith.constant 0 : i32
    %dma_wait3A_207 = tpu.memref_slice %arg3[%dma_wait3A_206] : memref<320000xi32, #tpu.memory_space<hbm>> -> memref<64xi32, #tpu.memory_space<hbm>>
    tpu.wait_dma2 semaphore(%arg38 : memref<!tpu.dma_semaphore, #tpu.memory_space<semaphore_mem>>) src(%dma_wait3A_207 : memref<64xi32, #tpu.memory_space<hbm>>) dst(%arg11 : memref<64xi32, #tpu.memory_space<vmem>>)
    %dma_wait3A_208 = arith.constant 0 : i32
    %dma_wait3A_209 = tpu.memref_slice %arg4[%dma_wait3A_208] : memref<320000xi32, #tpu.memory_space<hbm>> -> memref<64xi32, #tpu.memory_space<hbm>>
    %dma_wait3A_210 = arith.constant 0 : i32
    %dma_wait3A_211 = tpu.memref_slice %arg4[%dma_wait3A_210] : memref<320000xi32, #tpu.memory_space<hbm>> -> memref<64xi32, #tpu.memory_space<hbm>>
    tpu.wait_dma2 semaphore(%arg38 : memref<!tpu.dma_semaphore, #tpu.memory_space<semaphore_mem>>) src(%dma_wait3A_211 : memref<64xi32, #tpu.memory_space<hbm>>) dst(%arg15 : memref<64xi32, #tpu.memory_space<vmem>>)
    %dma_start3A_212 = arith.constant 0 : i32
    %dma_start3A_213 = arith.constant 0 : i32
    %dma_start3A_214 = tpu.memref_slice %arg2[%dma_start3A_212, %dma_start3A_213] : memref<10000x128xf32, #tpu.memory_space<hbm>> -> memref<10000x128xf32, #tpu.memory_space<hbm>>
    tpu.enqueue_indirect_dma source(%dma_start3A_214 : memref<10000x128xf32, #tpu.memory_space<hbm>>) target(%arg19 : memref<64x128xf32, #tpu.memory_space<vmem>>) offsets(%arg11 : memref<64xi32, #tpu.memory_space<vmem>>) semaphore(%arg30 : memref<!tpu.dma_semaphore, #tpu.memory_space<semaphore_mem>>)
    %add3A_215 = arith.constant 192 : i32
    %add3A_216 = arith.addi %mul3A_157, %add3A_215 : i32
    %dma_start3A_217 = tpu.memref_slice %arg3[%add3A_216] : memref<320000xi32, #tpu.memory_space<hbm>> -> memref<64xi32, #tpu.memory_space<hbm>>
    %dma_start3A_218 = tpu.memref_slice %arg3[%add3A_216] : memref<320000xi32, #tpu.memory_space<hbm>> -> memref<64xi32, #tpu.memory_space<hbm>>
    tpu.enqueue_dma source(%dma_start3A_218 : memref<64xi32, #tpu.memory_space<hbm>>) target(%arg12 : memref<64xi32, #tpu.memory_space<vmem>>) target_semaphore(%arg39 : memref<!tpu.dma_semaphore, #tpu.memory_space<semaphore_mem>>)
    %dma_start3A_219 = tpu.memref_slice %arg4[%add3A_216] : memref<320000xi32, #tpu.memory_space<hbm>> -> memref<64xi32, #tpu.memory_space<hbm>>
    %dma_start3A_220 = tpu.memref_slice %arg4[%add3A_216] : memref<320000xi32, #tpu.memory_space<hbm>> -> memref<64xi32, #tpu.memory_space<hbm>>
    tpu.enqueue_dma source(%dma_start3A_220 : memref<64xi32, #tpu.memory_space<hbm>>) target(%arg16 : memref<64xi32, #tpu.memory_space<vmem>>) target_semaphore(%arg39 : memref<!tpu.dma_semaphore, #tpu.memory_space<semaphore_mem>>)
    %dma_wait3A_221 = arith.constant 0 : i32
    %dma_wait3A_222 = arith.constant 0 : i32
    %dma_wait3A_223 = tpu.memref_slice %arg2[%dma_wait3A_221, %dma_wait3A_222] : memref<10000x128xf32, #tpu.memory_space<hbm>> -> memref<10000x128xf32, #tpu.memory_space<hbm>>
    tpu.wait_indirect_dma semaphore(%arg29 : memref<!tpu.dma_semaphore, #tpu.memory_space<semaphore_mem>>) src(%dma_wait3A_223 : memref<10000x128xf32, #tpu.memory_space<hbm>>) dst(%arg18 : memref<64x128xf32, #tpu.memory_space<vmem>>)
    %dma_start3A_224 = arith.constant 0 : i32
    %dma_start3A_225 = arith.constant 0 : i32
    %dma_start3A_226 = tpu.memref_slice %arg27[%dma_start3A_224, %dma_start3A_225] : memref<10240x128xf32, #tpu.memory_space<vmem_shared>> -> memref<10240x128xf32, #tpu.memory_space<vmem_shared>>
    tpu.enqueue_indirect_dma source(%arg18 : memref<64x128xf32, #tpu.memory_space<vmem>>) target(%dma_start3A_226 : memref<10240x128xf32, #tpu.memory_space<vmem_shared>>) offsets(%arg14 : memref<64xi32, #tpu.memory_space<vmem>>) semaphore(%arg33 : memref<!tpu.dma_semaphore, #tpu.memory_space<semaphore_mem>>) {add = true}
    %dma_start3A_227 = arith.constant 0 : i32
    %dma_start3A_228 = tpu.memref_slice %arg25[%dma_start3A_227] : memref<10240xf32, #tpu.memory_space<vmem_shared>> -> memref<10240xf32, #tpu.memory_space<vmem_shared>>
    tpu.enqueue_indirect_dma source(%arg24 : memref<64xf32, #tpu.memory_space<vmem>>) target(%dma_start3A_228 : memref<10240xf32, #tpu.memory_space<vmem_shared>>) offsets(%arg14 : memref<64xi32, #tpu.memory_space<vmem>>) semaphore(%arg33 : memref<!tpu.dma_semaphore, #tpu.memory_space<semaphore_mem>>) {add = true}
    %dma_wait3A_229 = arith.constant 0 : i32
    %dma_wait3A_230 = tpu.memref_slice %arg3[%dma_wait3A_229] : memref<320000xi32, #tpu.memory_space<hbm>> -> memref<64xi32, #tpu.memory_space<hbm>>
    %dma_wait3A_231 = arith.constant 0 : i32
    %dma_wait3A_232 = tpu.memref_slice %arg3[%dma_wait3A_231] : memref<320000xi32, #tpu.memory_space<hbm>> -> memref<64xi32, #tpu.memory_space<hbm>>
    tpu.wait_dma2 semaphore(%arg39 : memref<!tpu.dma_semaphore, #tpu.memory_space<semaphore_mem>>) src(%dma_wait3A_232 : memref<64xi32, #tpu.memory_space<hbm>>) dst(%arg12 : memref<64xi32, #tpu.memory_space<vmem>>)
    %dma_wait3A_233 = arith.constant 0 : i32
    %dma_wait3A_234 = tpu.memref_slice %arg4[%dma_wait3A_233] : memref<320000xi32, #tpu.memory_space<hbm>> -> memref<64xi32, #tpu.memory_space<hbm>>
    %dma_wait3A_235 = arith.constant 0 : i32
    %dma_wait3A_236 = tpu.memref_slice %arg4[%dma_wait3A_235] : memref<320000xi32, #tpu.memory_space<hbm>> -> memref<64xi32, #tpu.memory_space<hbm>>
    tpu.wait_dma2 semaphore(%arg39 : memref<!tpu.dma_semaphore, #tpu.memory_space<semaphore_mem>>) src(%dma_wait3A_236 : memref<64xi32, #tpu.memory_space<hbm>>) dst(%arg16 : memref<64xi32, #tpu.memory_space<vmem>>)
    %dma_start3A_237 = arith.constant 0 : i32
    %dma_start3A_238 = arith.constant 0 : i32
    %dma_start3A_239 = tpu.memref_slice %arg2[%dma_start3A_237, %dma_start3A_238] : memref<10000x128xf32, #tpu.memory_space<hbm>> -> memref<10000x128xf32, #tpu.memory_space<hbm>>
    tpu.enqueue_indirect_dma source(%dma_start3A_239 : memref<10000x128xf32, #tpu.memory_space<hbm>>) target(%arg20 : memref<64x128xf32, #tpu.memory_space<vmem>>) offsets(%arg12 : memref<64xi32, #tpu.memory_space<vmem>>) semaphore(%arg31 : memref<!tpu.dma_semaphore, #tpu.memory_space<semaphore_mem>>)
    %dma_wait3A_240 = arith.constant 0 : i32
    %dma_wait3A_241 = arith.constant 0 : i32
    %dma_wait3A_242 = tpu.memref_slice %arg27[%dma_wait3A_240, %dma_wait3A_241] : memref<10240x128xf32, #tpu.memory_space<vmem_shared>> -> memref<10240x128xf32, #tpu.memory_space<vmem_shared>>
    tpu.wait_indirect_dma semaphore(%arg32 : memref<!tpu.dma_semaphore, #tpu.memory_space<semaphore_mem>>) src(%arg17 : memref<64x128xf32, #tpu.memory_space<vmem>>) dst(%dma_wait3A_242 : memref<10240x128xf32, #tpu.memory_space<vmem_shared>>)
    %dma_wait3A_243 = arith.constant 0 : i32
    %dma_wait3A_244 = tpu.memref_slice %arg25[%dma_wait3A_243] : memref<10240xf32, #tpu.memory_space<vmem_shared>> -> memref<10240xf32, #tpu.memory_space<vmem_shared>>
    tpu.wait_indirect_dma semaphore(%arg32 : memref<!tpu.dma_semaphore, #tpu.memory_space<semaphore_mem>>) src(%arg24 : memref<64xf32, #tpu.memory_space<vmem>>) dst(%dma_wait3A_244 : memref<10240xf32, #tpu.memory_space<vmem_shared>>)
    %add3A_245 = arith.constant 256 : i32
    %add3A_246 = arith.addi %mul3A_157, %add3A_245 : i32
    %dma_start3A_247 = tpu.memref_slice %arg3[%add3A_246] : memref<320000xi32, #tpu.memory_space<hbm>> -> memref<64xi32, #tpu.memory_space<hbm>>
    %dma_start3A_248 = tpu.memref_slice %arg3[%add3A_246] : memref<320000xi32, #tpu.memory_space<hbm>> -> memref<64xi32, #tpu.memory_space<hbm>>
    tpu.enqueue_dma source(%dma_start3A_248 : memref<64xi32, #tpu.memory_space<hbm>>) target(%arg9 : memref<64xi32, #tpu.memory_space<vmem>>) target_semaphore(%arg36 : memref<!tpu.dma_semaphore, #tpu.memory_space<semaphore_mem>>)
    %dma_start3A_249 = tpu.memref_slice %arg4[%add3A_246] : memref<320000xi32, #tpu.memory_space<hbm>> -> memref<64xi32, #tpu.memory_space<hbm>>
    %dma_start3A_250 = tpu.memref_slice %arg4[%add3A_246] : memref<320000xi32, #tpu.memory_space<hbm>> -> memref<64xi32, #tpu.memory_space<hbm>>
    tpu.enqueue_dma source(%dma_start3A_250 : memref<64xi32, #tpu.memory_space<hbm>>) target(%arg13 : memref<64xi32, #tpu.memory_space<vmem>>) target_semaphore(%arg36 : memref<!tpu.dma_semaphore, #tpu.memory_space<semaphore_mem>>)
    %dma_wait3A_251 = arith.constant 0 : i32
    %dma_wait3A_252 = arith.constant 0 : i32
    %dma_wait3A_253 = tpu.memref_slice %arg2[%dma_wait3A_251, %dma_wait3A_252] : memref<10000x128xf32, #tpu.memory_space<hbm>> -> memref<10000x128xf32, #tpu.memory_space<hbm>>
    tpu.wait_indirect_dma semaphore(%arg30 : memref<!tpu.dma_semaphore, #tpu.memory_space<semaphore_mem>>) src(%dma_wait3A_253 : memref<10000x128xf32, #tpu.memory_space<hbm>>) dst(%arg19 : memref<64x128xf32, #tpu.memory_space<vmem>>)
    %dma_start3A_254 = arith.constant 0 : i32
    %dma_start3A_255 = arith.constant 0 : i32
    %dma_start3A_256 = tpu.memref_slice %arg27[%dma_start3A_254, %dma_start3A_255] : memref<10240x128xf32, #tpu.memory_space<vmem_shared>> -> memref<10240x128xf32, #tpu.memory_space<vmem_shared>>
    tpu.enqueue_indirect_dma source(%arg19 : memref<64x128xf32, #tpu.memory_space<vmem>>) target(%dma_start3A_256 : memref<10240x128xf32, #tpu.memory_space<vmem_shared>>) offsets(%arg15 : memref<64xi32, #tpu.memory_space<vmem>>) semaphore(%arg34 : memref<!tpu.dma_semaphore, #tpu.memory_space<semaphore_mem>>) {add = true}
    %dma_start3A_257 = arith.constant 0 : i32
    %dma_start3A_258 = tpu.memref_slice %arg25[%dma_start3A_257] : memref<10240xf32, #tpu.memory_space<vmem_shared>> -> memref<10240xf32, #tpu.memory_space<vmem_shared>>
    tpu.enqueue_indirect_dma source(%arg24 : memref<64xf32, #tpu.memory_space<vmem>>) target(%dma_start3A_258 : memref<10240xf32, #tpu.memory_space<vmem_shared>>) offsets(%arg15 : memref<64xi32, #tpu.memory_space<vmem>>) semaphore(%arg34 : memref<!tpu.dma_semaphore, #tpu.memory_space<semaphore_mem>>) {add = true}
    %dma_wait3A_259 = arith.constant 0 : i32
    %dma_wait3A_260 = tpu.memref_slice %arg3[%dma_wait3A_259] : memref<320000xi32, #tpu.memory_space<hbm>> -> memref<64xi32, #tpu.memory_space<hbm>>
    %dma_wait3A_261 = arith.constant 0 : i32
    %dma_wait3A_262 = tpu.memref_slice %arg3[%dma_wait3A_261] : memref<320000xi32, #tpu.memory_space<hbm>> -> memref<64xi32, #tpu.memory_space<hbm>>
    tpu.wait_dma2 semaphore(%arg36 : memref<!tpu.dma_semaphore, #tpu.memory_space<semaphore_mem>>) src(%dma_wait3A_262 : memref<64xi32, #tpu.memory_space<hbm>>) dst(%arg9 : memref<64xi32, #tpu.memory_space<vmem>>)
    %dma_wait3A_263 = arith.constant 0 : i32
    %dma_wait3A_264 = tpu.memref_slice %arg4[%dma_wait3A_263] : memref<320000xi32, #tpu.memory_space<hbm>> -> memref<64xi32, #tpu.memory_space<hbm>>
    %dma_wait3A_265 = arith.constant 0 : i32
    %dma_wait3A_266 = tpu.memref_slice %arg4[%dma_wait3A_265] : memref<320000xi32, #tpu.memory_space<hbm>> -> memref<64xi32, #tpu.memory_space<hbm>>
    tpu.wait_dma2 semaphore(%arg36 : memref<!tpu.dma_semaphore, #tpu.memory_space<semaphore_mem>>) src(%dma_wait3A_266 : memref<64xi32, #tpu.memory_space<hbm>>) dst(%arg13 : memref<64xi32, #tpu.memory_space<vmem>>)
    %dma_start3A_267 = arith.constant 0 : i32
    %dma_start3A_268 = arith.constant 0 : i32
    %dma_start3A_269 = tpu.memref_slice %arg2[%dma_start3A_267, %dma_start3A_268] : memref<10000x128xf32, #tpu.memory_space<hbm>> -> memref<10000x128xf32, #tpu.memory_space<hbm>>
    tpu.enqueue_indirect_dma source(%dma_start3A_269 : memref<10000x128xf32, #tpu.memory_space<hbm>>) target(%arg17 : memref<64x128xf32, #tpu.memory_space<vmem>>) offsets(%arg9 : memref<64xi32, #tpu.memory_space<vmem>>) semaphore(%arg28 : memref<!tpu.dma_semaphore, #tpu.memory_space<semaphore_mem>>)
    %dma_wait3A_270 = arith.constant 0 : i32
    %dma_wait3A_271 = arith.constant 0 : i32
    %dma_wait3A_272 = tpu.memref_slice %arg27[%dma_wait3A_270, %dma_wait3A_271] : memref<10240x128xf32, #tpu.memory_space<vmem_shared>> -> memref<10240x128xf32, #tpu.memory_space<vmem_shared>>
    tpu.wait_indirect_dma semaphore(%arg33 : memref<!tpu.dma_semaphore, #tpu.memory_space<semaphore_mem>>) src(%arg18 : memref<64x128xf32, #tpu.memory_space<vmem>>) dst(%dma_wait3A_272 : memref<10240x128xf32, #tpu.memory_space<vmem_shared>>)
    %dma_wait3A_273 = arith.constant 0 : i32
    %dma_wait3A_274 = tpu.memref_slice %arg25[%dma_wait3A_273] : memref<10240xf32, #tpu.memory_space<vmem_shared>> -> memref<10240xf32, #tpu.memory_space<vmem_shared>>
    tpu.wait_indirect_dma semaphore(%arg33 : memref<!tpu.dma_semaphore, #tpu.memory_space<semaphore_mem>>) src(%arg24 : memref<64xf32, #tpu.memory_space<vmem>>) dst(%dma_wait3A_274 : memref<10240xf32, #tpu.memory_space<vmem_shared>>)
    %add3A_275 = arith.constant 320 : i32
    %add3A_276 = arith.addi %mul3A_157, %add3A_275 : i32
    %dma_start3A_277 = tpu.memref_slice %arg3[%add3A_276] : memref<320000xi32, #tpu.memory_space<hbm>> -> memref<64xi32, #tpu.memory_space<hbm>>
    %dma_start3A_278 = tpu.memref_slice %arg3[%add3A_276] : memref<320000xi32, #tpu.memory_space<hbm>> -> memref<64xi32, #tpu.memory_space<hbm>>
    tpu.enqueue_dma source(%dma_start3A_278 : memref<64xi32, #tpu.memory_space<hbm>>) target(%arg10 : memref<64xi32, #tpu.memory_space<vmem>>) target_semaphore(%arg37 : memref<!tpu.dma_semaphore, #tpu.memory_space<semaphore_mem>>)
    %dma_start3A_279 = tpu.memref_slice %arg4[%add3A_276] : memref<320000xi32, #tpu.memory_space<hbm>> -> memref<64xi32, #tpu.memory_space<hbm>>
    %dma_start3A_280 = tpu.memref_slice %arg4[%add3A_276] : memref<320000xi32, #tpu.memory_space<hbm>> -> memref<64xi32, #tpu.memory_space<hbm>>
    tpu.enqueue_dma source(%dma_start3A_280 : memref<64xi32, #tpu.memory_space<hbm>>) target(%arg14 : memref<64xi32, #tpu.memory_space<vmem>>) target_semaphore(%arg37 : memref<!tpu.dma_semaphore, #tpu.memory_space<semaphore_mem>>)
    %dma_wait3A_281 = arith.constant 0 : i32
    %dma_wait3A_282 = arith.constant 0 : i32
    %dma_wait3A_283 = tpu.memref_slice %arg2[%dma_wait3A_281, %dma_wait3A_282] : memref<10000x128xf32, #tpu.memory_space<hbm>> -> memref<10000x128xf32, #tpu.memory_space<hbm>>
    tpu.wait_indirect_dma semaphore(%arg31 : memref<!tpu.dma_semaphore, #tpu.memory_space<semaphore_mem>>) src(%dma_wait3A_283 : memref<10000x128xf32, #tpu.memory_space<hbm>>) dst(%arg20 : memref<64x128xf32, #tpu.memory_space<vmem>>)
    %dma_start3A_284 = arith.constant 0 : i32
    %dma_start3A_285 = arith.constant 0 : i32
    %dma_start3A_286 = tpu.memref_slice %arg27[%dma_start3A_284, %dma_start3A_285] : memref<10240x128xf32, #tpu.memory_space<vmem_shared>> -> memref<10240x128xf32, #tpu.memory_space<vmem_shared>>
    tpu.enqueue_indirect_dma source(%arg20 : memref<64x128xf32, #tpu.memory_space<vmem>>) target(%dma_start3A_286 : memref<10240x128xf32, #tpu.memory_space<vmem_shared>>) offsets(%arg16 : memref<64xi32, #tpu.memory_space<vmem>>) semaphore(%arg35 : memref<!tpu.dma_semaphore, #tpu.memory_space<semaphore_mem>>) {add = true}
    %dma_start3A_287 = arith.constant 0 : i32
    %dma_start3A_288 = tpu.memref_slice %arg25[%dma_start3A_287] : memref<10240xf32, #tpu.memory_space<vmem_shared>> -> memref<10240xf32, #tpu.memory_space<vmem_shared>>
    tpu.enqueue_indirect_dma source(%arg24 : memref<64xf32, #tpu.memory_space<vmem>>) target(%dma_start3A_288 : memref<10240xf32, #tpu.memory_space<vmem_shared>>) offsets(%arg16 : memref<64xi32, #tpu.memory_space<vmem>>) semaphore(%arg35 : memref<!tpu.dma_semaphore, #tpu.memory_space<semaphore_mem>>) {add = true}
    %dma_wait3A_289 = arith.constant 0 : i32
    %dma_wait3A_290 = tpu.memref_slice %arg3[%dma_wait3A_289] : memref<320000xi32, #tpu.memory_space<hbm>> -> memref<64xi32, #tpu.memory_space<hbm>>
    %dma_wait3A_291 = arith.constant 0 : i32
    %dma_wait3A_292 = tpu.memref_slice %arg3[%dma_wait3A_291] : memref<320000xi32, #tpu.memory_space<hbm>> -> memref<64xi32, #tpu.memory_space<hbm>>
    tpu.wait_dma2 semaphore(%arg37 : memref<!tpu.dma_semaphore, #tpu.memory_space<semaphore_mem>>) src(%dma_wait3A_292 : memref<64xi32, #tpu.memory_space<hbm>>) dst(%arg10 : memref<64xi32, #tpu.memory_space<vmem>>)
    %dma_wait3A_293 = arith.constant 0 : i32
    %dma_wait3A_294 = tpu.memref_slice %arg4[%dma_wait3A_293] : memref<320000xi32, #tpu.memory_space<hbm>> -> memref<64xi32, #tpu.memory_space<hbm>>
    %dma_wait3A_295 = arith.constant 0 : i32
    %dma_wait3A_296 = tpu.memref_slice %arg4[%dma_wait3A_295] : memref<320000xi32, #tpu.memory_space<hbm>> -> memref<64xi32, #tpu.memory_space<hbm>>
    tpu.wait_dma2 semaphore(%arg37 : memref<!tpu.dma_semaphore, #tpu.memory_space<semaphore_mem>>) src(%dma_wait3A_296 : memref<64xi32, #tpu.memory_space<hbm>>) dst(%arg14 : memref<64xi32, #tpu.memory_space<vmem>>)
    %dma_start3A_297 = arith.constant 0 : i32
    %dma_start3A_298 = arith.constant 0 : i32
    %dma_start3A_299 = tpu.memref_slice %arg2[%dma_start3A_297, %dma_start3A_298] : memref<10000x128xf32, #tpu.memory_space<hbm>> -> memref<10000x128xf32, #tpu.memory_space<hbm>>
    tpu.enqueue_indirect_dma source(%dma_start3A_299 : memref<10000x128xf32, #tpu.memory_space<hbm>>) target(%arg18 : memref<64x128xf32, #tpu.memory_space<vmem>>) offsets(%arg10 : memref<64xi32, #tpu.memory_space<vmem>>) semaphore(%arg29 : memref<!tpu.dma_semaphore, #tpu.memory_space<semaphore_mem>>)
    %scan3A_300 = arith.constant 0 : i32
    %scan3A_301 = arith.constant 1 : i32
    %scan3A_302 = arith.constant 38 : i32
    %scan3A_303 = arith.addi %scan3A_301, %scan3A_302 : i32
    %scan3A_304 = arith.constant 1 : i32
    scf.for %scan3A_704 = %scan3A_301 to %scan3A_303 step %scan3A_304  : i32 {
      %mul3A_705 = arith.constant 4 : i32
      %mul3A_706 = arith.muli %scan3A_704, %mul3A_705 : i32
      %add3A_707 = arith.constant 0 : i32
      %add3A_708 = arith.addi %mul3A_706, %add3A_707 : i32
      %add3A_709 = arith.constant 2 : i32
      %add3A_710 = arith.addi %add3A_708, %add3A_709 : i32
      %lt3A = arith.constant 156 : i32
      %lt3A_711 = arith.cmpi slt, %add3A_710, %lt3A : i32
      %convert_element_type3A_712 = arith.extui %lt3A_711 : i1 to i32
      %cond3A_713 = arith.constant 0 : i32
      %cond3A_714 = arith.cmpi ne, %convert_element_type3A_712, %cond3A_713 : i32
      scf.if %cond3A_714 {
        %dma_wait3A_808 = arith.constant 0 : i32
        %dma_wait3A_809 = arith.constant 0 : i32
        %dma_wait3A_810 = tpu.memref_slice %arg27[%dma_wait3A_808, %dma_wait3A_809] : memref<10240x128xf32, #tpu.memory_space<vmem_shared>> -> memref<10240x128xf32, #tpu.memory_space<vmem_shared>>
        tpu.wait_indirect_dma semaphore(%arg34 : memref<!tpu.dma_semaphore, #tpu.memory_space<semaphore_mem>>) src(%arg19 : memref<64x128xf32, #tpu.memory_space<vmem>>) dst(%dma_wait3A_810 : memref<10240x128xf32, #tpu.memory_space<vmem_shared>>)
        %dma_wait3A_811 = arith.constant 0 : i32
        %dma_wait3A_812 = tpu.memref_slice %arg25[%dma_wait3A_811] : memref<10240xf32, #tpu.memory_space<vmem_shared>> -> memref<10240xf32, #tpu.memory_space<vmem_shared>>
        tpu.wait_indirect_dma semaphore(%arg34 : memref<!tpu.dma_semaphore, #tpu.memory_space<semaphore_mem>>) src(%arg24 : memref<64xf32, #tpu.memory_space<vmem>>) dst(%dma_wait3A_812 : memref<10240xf32, #tpu.memory_space<vmem_shared>>)
        %add3A_813 = arith.constant 2 : i32
        %add3A_814 = arith.addi %add3A_708, %add3A_813 : i32
        %mul3A_815 = arith.constant 64 : i32
        %mul3A_816 = arith.muli %add3A_814, %mul3A_815 : i32
        %add3A_817 = arith.addi %mul3A_157, %mul3A_816 : i32
        %dma_start3A_818 = tpu.memref_slice %arg3[%add3A_817] : memref<320000xi32, #tpu.memory_space<hbm>> -> memref<64xi32, #tpu.memory_space<hbm>>
        %dma_start3A_819 = tpu.memref_slice %arg3[%add3A_817] : memref<320000xi32, #tpu.memory_space<hbm>> -> memref<64xi32, #tpu.memory_space<hbm>>
        tpu.enqueue_dma source(%dma_start3A_819 : memref<64xi32, #tpu.memory_space<hbm>>) target(%arg11 : memref<64xi32, #tpu.memory_space<vmem>>) target_semaphore(%arg38 : memref<!tpu.dma_semaphore, #tpu.memory_space<semaphore_mem>>)
        %dma_start3A_820 = tpu.memref_slice %arg4[%add3A_817] : memref<320000xi32, #tpu.memory_space<hbm>> -> memref<64xi32, #tpu.memory_space<hbm>>
        %dma_start3A_821 = tpu.memref_slice %arg4[%add3A_817] : memref<320000xi32, #tpu.memory_space<hbm>> -> memref<64xi32, #tpu.memory_space<hbm>>
        tpu.enqueue_dma source(%dma_start3A_821 : memref<64xi32, #tpu.memory_space<hbm>>) target(%arg15 : memref<64xi32, #tpu.memory_space<vmem>>) target_semaphore(%arg38 : memref<!tpu.dma_semaphore, #tpu.memory_space<semaphore_mem>>)
      } else {
      }
      %dma_wait3A_715 = arith.constant 0 : i32
      %dma_wait3A_716 = arith.constant 0 : i32
      %dma_wait3A_717 = tpu.memref_slice %arg2[%dma_wait3A_715, %dma_wait3A_716] : memref<10000x128xf32, #tpu.memory_space<hbm>> -> memref<10000x128xf32, #tpu.memory_space<hbm>>
      tpu.wait_indirect_dma semaphore(%arg28 : memref<!tpu.dma_semaphore, #tpu.memory_space<semaphore_mem>>) src(%dma_wait3A_717 : memref<10000x128xf32, #tpu.memory_space<hbm>>) dst(%arg17 : memref<64x128xf32, #tpu.memory_space<vmem>>)
      %dma_start3A_718 = arith.constant 0 : i32
      %dma_start3A_719 = arith.constant 0 : i32
      %dma_start3A_720 = tpu.memref_slice %arg27[%dma_start3A_718, %dma_start3A_719] : memref<10240x128xf32, #tpu.memory_space<vmem_shared>> -> memref<10240x128xf32, #tpu.memory_space<vmem_shared>>
      tpu.enqueue_indirect_dma source(%arg17 : memref<64x128xf32, #tpu.memory_space<vmem>>) target(%dma_start3A_720 : memref<10240x128xf32, #tpu.memory_space<vmem_shared>>) offsets(%arg13 : memref<64xi32, #tpu.memory_space<vmem>>) semaphore(%arg32 : memref<!tpu.dma_semaphore, #tpu.memory_space<semaphore_mem>>) {add = true}
      %dma_start3A_721 = arith.constant 0 : i32
      %dma_start3A_722 = tpu.memref_slice %arg25[%dma_start3A_721] : memref<10240xf32, #tpu.memory_space<vmem_shared>> -> memref<10240xf32, #tpu.memory_space<vmem_shared>>
      tpu.enqueue_indirect_dma source(%arg24 : memref<64xf32, #tpu.memory_space<vmem>>) target(%dma_start3A_722 : memref<10240xf32, #tpu.memory_space<vmem_shared>>) offsets(%arg13 : memref<64xi32, #tpu.memory_space<vmem>>) semaphore(%arg32 : memref<!tpu.dma_semaphore, #tpu.memory_space<semaphore_mem>>) {add = true}
      %add3A_723 = arith.constant 2 : i32
      %add3A_724 = arith.addi %add3A_708, %add3A_723 : i32
      %lt3A_725 = arith.constant 156 : i32
      %lt3A_726 = arith.cmpi slt, %add3A_724, %lt3A_725 : i32
      %convert_element_type3A_727 = arith.extui %lt3A_726 : i1 to i32
      %cond3A_728 = arith.constant 0 : i32
      %cond3A_729 = arith.cmpi ne, %convert_element_type3A_727, %cond3A_728 : i32
      scf.if %cond3A_729 {
        %dma_wait3A_808 = arith.constant 0 : i32
        %dma_wait3A_809 = tpu.memref_slice %arg3[%dma_wait3A_808] : memref<320000xi32, #tpu.memory_space<hbm>> -> memref<64xi32, #tpu.memory_space<hbm>>
        %dma_wait3A_810 = arith.constant 0 : i32
        %dma_wait3A_811 = tpu.memref_slice %arg3[%dma_wait3A_810] : memref<320000xi32, #tpu.memory_space<hbm>> -> memref<64xi32, #tpu.memory_space<hbm>>
        tpu.wait_dma2 semaphore(%arg38 : memref<!tpu.dma_semaphore, #tpu.memory_space<semaphore_mem>>) src(%dma_wait3A_811 : memref<64xi32, #tpu.memory_space<hbm>>) dst(%arg11 : memref<64xi32, #tpu.memory_space<vmem>>)
        %dma_wait3A_812 = arith.constant 0 : i32
        %dma_wait3A_813 = tpu.memref_slice %arg4[%dma_wait3A_812] : memref<320000xi32, #tpu.memory_space<hbm>> -> memref<64xi32, #tpu.memory_space<hbm>>
        %dma_wait3A_814 = arith.constant 0 : i32
        %dma_wait3A_815 = tpu.memref_slice %arg4[%dma_wait3A_814] : memref<320000xi32, #tpu.memory_space<hbm>> -> memref<64xi32, #tpu.memory_space<hbm>>
        tpu.wait_dma2 semaphore(%arg38 : memref<!tpu.dma_semaphore, #tpu.memory_space<semaphore_mem>>) src(%dma_wait3A_815 : memref<64xi32, #tpu.memory_space<hbm>>) dst(%arg15 : memref<64xi32, #tpu.memory_space<vmem>>)
        %dma_start3A_816 = arith.constant 0 : i32
        %dma_start3A_817 = arith.constant 0 : i32
        %dma_start3A_818 = tpu.memref_slice %arg2[%dma_start3A_816, %dma_start3A_817] : memref<10000x128xf32, #tpu.memory_space<hbm>> -> memref<10000x128xf32, #tpu.memory_space<hbm>>
        tpu.enqueue_indirect_dma source(%dma_start3A_818 : memref<10000x128xf32, #tpu.memory_space<hbm>>) target(%arg19 : memref<64x128xf32, #tpu.memory_space<vmem>>) offsets(%arg11 : memref<64xi32, #tpu.memory_space<vmem>>) semaphore(%arg30 : memref<!tpu.dma_semaphore, #tpu.memory_space<semaphore_mem>>)
      } else {
      }
      %mul3A_730 = arith.constant 4 : i32
      %mul3A_731 = arith.muli %scan3A_704, %mul3A_730 : i32
      %add3A_732 = arith.constant 1 : i32
      %add3A_733 = arith.addi %mul3A_731, %add3A_732 : i32
      %add3A_734 = arith.constant 2 : i32
      %add3A_735 = arith.addi %add3A_733, %add3A_734 : i32
      %lt3A_736 = arith.constant 156 : i32
      %lt3A_737 = arith.cmpi slt, %add3A_735, %lt3A_736 : i32
      %convert_element_type3A_738 = arith.extui %lt3A_737 : i1 to i32
      %cond3A_739 = arith.constant 0 : i32
      %cond3A_740 = arith.cmpi ne, %convert_element_type3A_738, %cond3A_739 : i32
      scf.if %cond3A_740 {
        %dma_wait3A_808 = arith.constant 0 : i32
        %dma_wait3A_809 = arith.constant 0 : i32
        %dma_wait3A_810 = tpu.memref_slice %arg27[%dma_wait3A_808, %dma_wait3A_809] : memref<10240x128xf32, #tpu.memory_space<vmem_shared>> -> memref<10240x128xf32, #tpu.memory_space<vmem_shared>>
        tpu.wait_indirect_dma semaphore(%arg35 : memref<!tpu.dma_semaphore, #tpu.memory_space<semaphore_mem>>) src(%arg20 : memref<64x128xf32, #tpu.memory_space<vmem>>) dst(%dma_wait3A_810 : memref<10240x128xf32, #tpu.memory_space<vmem_shared>>)
        %dma_wait3A_811 = arith.constant 0 : i32
        %dma_wait3A_812 = tpu.memref_slice %arg25[%dma_wait3A_811] : memref<10240xf32, #tpu.memory_space<vmem_shared>> -> memref<10240xf32, #tpu.memory_space<vmem_shared>>
        tpu.wait_indirect_dma semaphore(%arg35 : memref<!tpu.dma_semaphore, #tpu.memory_space<semaphore_mem>>) src(%arg24 : memref<64xf32, #tpu.memory_space<vmem>>) dst(%dma_wait3A_812 : memref<10240xf32, #tpu.memory_space<vmem_shared>>)
        %add3A_813 = arith.constant 2 : i32
        %add3A_814 = arith.addi %add3A_733, %add3A_813 : i32
        %mul3A_815 = arith.constant 64 : i32
        %mul3A_816 = arith.muli %add3A_814, %mul3A_815 : i32
        %add3A_817 = arith.addi %mul3A_157, %mul3A_816 : i32
        %dma_start3A_818 = tpu.memref_slice %arg3[%add3A_817] : memref<320000xi32, #tpu.memory_space<hbm>> -> memref<64xi32, #tpu.memory_space<hbm>>
        %dma_start3A_819 = tpu.memref_slice %arg3[%add3A_817] : memref<320000xi32, #tpu.memory_space<hbm>> -> memref<64xi32, #tpu.memory_space<hbm>>
        tpu.enqueue_dma source(%dma_start3A_819 : memref<64xi32, #tpu.memory_space<hbm>>) target(%arg12 : memref<64xi32, #tpu.memory_space<vmem>>) target_semaphore(%arg39 : memref<!tpu.dma_semaphore, #tpu.memory_space<semaphore_mem>>)
        %dma_start3A_820 = tpu.memref_slice %arg4[%add3A_817] : memref<320000xi32, #tpu.memory_space<hbm>> -> memref<64xi32, #tpu.memory_space<hbm>>
        %dma_start3A_821 = tpu.memref_slice %arg4[%add3A_817] : memref<320000xi32, #tpu.memory_space<hbm>> -> memref<64xi32, #tpu.memory_space<hbm>>
        tpu.enqueue_dma source(%dma_start3A_821 : memref<64xi32, #tpu.memory_space<hbm>>) target(%arg16 : memref<64xi32, #tpu.memory_space<vmem>>) target_semaphore(%arg39 : memref<!tpu.dma_semaphore, #tpu.memory_space<semaphore_mem>>)
      } else {
      }
      %dma_wait3A_741 = arith.constant 0 : i32
      %dma_wait3A_742 = arith.constant 0 : i32
      %dma_wait3A_743 = tpu.memref_slice %arg2[%dma_wait3A_741, %dma_wait3A_742] : memref<10000x128xf32, #tpu.memory_space<hbm>> -> memref<10000x128xf32, #tpu.memory_space<hbm>>
      tpu.wait_indirect_dma semaphore(%arg29 : memref<!tpu.dma_semaphore, #tpu.memory_space<semaphore_mem>>) src(%dma_wait3A_743 : memref<10000x128xf32, #tpu.memory_space<hbm>>) dst(%arg18 : memref<64x128xf32, #tpu.memory_space<vmem>>)
      %dma_start3A_744 = arith.constant 0 : i32
      %dma_start3A_745 = arith.constant 0 : i32
      %dma_start3A_746 = tpu.memref_slice %arg27[%dma_start3A_744, %dma_start3A_745] : memref<10240x128xf32, #tpu.memory_space<vmem_shared>> -> memref<10240x128xf32, #tpu.memory_space<vmem_shared>>
      tpu.enqueue_indirect_dma source(%arg18 : memref<64x128xf32, #tpu.memory_space<vmem>>) target(%dma_start3A_746 : memref<10240x128xf32, #tpu.memory_space<vmem_shared>>) offsets(%arg14 : memref<64xi32, #tpu.memory_space<vmem>>) semaphore(%arg33 : memref<!tpu.dma_semaphore, #tpu.memory_space<semaphore_mem>>) {add = true}
      %dma_start3A_747 = arith.constant 0 : i32
      %dma_start3A_748 = tpu.memref_slice %arg25[%dma_start3A_747] : memref<10240xf32, #tpu.memory_space<vmem_shared>> -> memref<10240xf32, #tpu.memory_space<vmem_shared>>
      tpu.enqueue_indirect_dma source(%arg24 : memref<64xf32, #tpu.memory_space<vmem>>) target(%dma_start3A_748 : memref<10240xf32, #tpu.memory_space<vmem_shared>>) offsets(%arg14 : memref<64xi32, #tpu.memory_space<vmem>>) semaphore(%arg33 : memref<!tpu.dma_semaphore, #tpu.memory_space<semaphore_mem>>) {add = true}
      %add3A_749 = arith.constant 2 : i32
      %add3A_750 = arith.addi %add3A_733, %add3A_749 : i32
      %lt3A_751 = arith.constant 156 : i32
      %lt3A_752 = arith.cmpi slt, %add3A_750, %lt3A_751 : i32
      %convert_element_type3A_753 = arith.extui %lt3A_752 : i1 to i32
      %cond3A_754 = arith.constant 0 : i32
      %cond3A_755 = arith.cmpi ne, %convert_element_type3A_753, %cond3A_754 : i32
      scf.if %cond3A_755 {
        %dma_wait3A_808 = arith.constant 0 : i32
        %dma_wait3A_809 = tpu.memref_slice %arg3[%dma_wait3A_808] : memref<320000xi32, #tpu.memory_space<hbm>> -> memref<64xi32, #tpu.memory_space<hbm>>
        %dma_wait3A_810 = arith.constant 0 : i32
        %dma_wait3A_811 = tpu.memref_slice %arg3[%dma_wait3A_810] : memref<320000xi32, #tpu.memory_space<hbm>> -> memref<64xi32, #tpu.memory_space<hbm>>
        tpu.wait_dma2 semaphore(%arg39 : memref<!tpu.dma_semaphore, #tpu.memory_space<semaphore_mem>>) src(%dma_wait3A_811 : memref<64xi32, #tpu.memory_space<hbm>>) dst(%arg12 : memref<64xi32, #tpu.memory_space<vmem>>)
        %dma_wait3A_812 = arith.constant 0 : i32
        %dma_wait3A_813 = tpu.memref_slice %arg4[%dma_wait3A_812] : memref<320000xi32, #tpu.memory_space<hbm>> -> memref<64xi32, #tpu.memory_space<hbm>>
        %dma_wait3A_814 = arith.constant 0 : i32
        %dma_wait3A_815 = tpu.memref_slice %arg4[%dma_wait3A_814] : memref<320000xi32, #tpu.memory_space<hbm>> -> memref<64xi32, #tpu.memory_space<hbm>>
        tpu.wait_dma2 semaphore(%arg39 : memref<!tpu.dma_semaphore, #tpu.memory_space<semaphore_mem>>) src(%dma_wait3A_815 : memref<64xi32, #tpu.memory_space<hbm>>) dst(%arg16 : memref<64xi32, #tpu.memory_space<vmem>>)
        %dma_start3A_816 = arith.constant 0 : i32
        %dma_start3A_817 = arith.constant 0 : i32
        %dma_start3A_818 = tpu.memref_slice %arg2[%dma_start3A_816, %dma_start3A_817] : memref<10000x128xf32, #tpu.memory_space<hbm>> -> memref<10000x128xf32, #tpu.memory_space<hbm>>
        tpu.enqueue_indirect_dma source(%dma_start3A_818 : memref<10000x128xf32, #tpu.memory_space<hbm>>) target(%arg20 : memref<64x128xf32, #tpu.memory_space<vmem>>) offsets(%arg12 : memref<64xi32, #tpu.memory_space<vmem>>) semaphore(%arg31 : memref<!tpu.dma_semaphore, #tpu.memory_space<semaphore_mem>>)
      } else {
      }
      %mul3A_756 = arith.constant 4 : i32
      %mul3A_757 = arith.muli %scan3A_704, %mul3A_756 : i32
      %add3A_758 = arith.constant 2 : i32
      %add3A_759 = arith.addi %mul3A_757, %add3A_758 : i32
      %add3A_760 = arith.constant 2 : i32
      %add3A_761 = arith.addi %add3A_759, %add3A_760 : i32
      %lt3A_762 = arith.constant 156 : i32
      %lt3A_763 = arith.cmpi slt, %add3A_761, %lt3A_762 : i32
      %convert_element_type3A_764 = arith.extui %lt3A_763 : i1 to i32
      %cond3A_765 = arith.constant 0 : i32
      %cond3A_766 = arith.cmpi ne, %convert_element_type3A_764, %cond3A_765 : i32
      scf.if %cond3A_766 {
        %dma_wait3A_808 = arith.constant 0 : i32
        %dma_wait3A_809 = arith.constant 0 : i32
        %dma_wait3A_810 = tpu.memref_slice %arg27[%dma_wait3A_808, %dma_wait3A_809] : memref<10240x128xf32, #tpu.memory_space<vmem_shared>> -> memref<10240x128xf32, #tpu.memory_space<vmem_shared>>
        tpu.wait_indirect_dma semaphore(%arg32 : memref<!tpu.dma_semaphore, #tpu.memory_space<semaphore_mem>>) src(%arg17 : memref<64x128xf32, #tpu.memory_space<vmem>>) dst(%dma_wait3A_810 : memref<10240x128xf32, #tpu.memory_space<vmem_shared>>)
        %dma_wait3A_811 = arith.constant 0 : i32
        %dma_wait3A_812 = tpu.memref_slice %arg25[%dma_wait3A_811] : memref<10240xf32, #tpu.memory_space<vmem_shared>> -> memref<10240xf32, #tpu.memory_space<vmem_shared>>
        tpu.wait_indirect_dma semaphore(%arg32 : memref<!tpu.dma_semaphore, #tpu.memory_space<semaphore_mem>>) src(%arg24 : memref<64xf32, #tpu.memory_space<vmem>>) dst(%dma_wait3A_812 : memref<10240xf32, #tpu.memory_space<vmem_shared>>)
        %add3A_813 = arith.constant 2 : i32
        %add3A_814 = arith.addi %add3A_759, %add3A_813 : i32
        %mul3A_815 = arith.constant 64 : i32
        %mul3A_816 = arith.muli %add3A_814, %mul3A_815 : i32
        %add3A_817 = arith.addi %mul3A_157, %mul3A_816 : i32
        %dma_start3A_818 = tpu.memref_slice %arg3[%add3A_817] : memref<320000xi32, #tpu.memory_space<hbm>> -> memref<64xi32, #tpu.memory_space<hbm>>
        %dma_start3A_819 = tpu.memref_slice %arg3[%add3A_817] : memref<320000xi32, #tpu.memory_space<hbm>> -> memref<64xi32, #tpu.memory_space<hbm>>
        tpu.enqueue_dma source(%dma_start3A_819 : memref<64xi32, #tpu.memory_space<hbm>>) target(%arg9 : memref<64xi32, #tpu.memory_space<vmem>>) target_semaphore(%arg36 : memref<!tpu.dma_semaphore, #tpu.memory_space<semaphore_mem>>)
        %dma_start3A_820 = tpu.memref_slice %arg4[%add3A_817] : memref<320000xi32, #tpu.memory_space<hbm>> -> memref<64xi32, #tpu.memory_space<hbm>>
        %dma_start3A_821 = tpu.memref_slice %arg4[%add3A_817] : memref<320000xi32, #tpu.memory_space<hbm>> -> memref<64xi32, #tpu.memory_space<hbm>>
        tpu.enqueue_dma source(%dma_start3A_821 : memref<64xi32, #tpu.memory_space<hbm>>) target(%arg13 : memref<64xi32, #tpu.memory_space<vmem>>) target_semaphore(%arg36 : memref<!tpu.dma_semaphore, #tpu.memory_space<semaphore_mem>>)
      } else {
      }
      %dma_wait3A_767 = arith.constant 0 : i32
      %dma_wait3A_768 = arith.constant 0 : i32
      %dma_wait3A_769 = tpu.memref_slice %arg2[%dma_wait3A_767, %dma_wait3A_768] : memref<10000x128xf32, #tpu.memory_space<hbm>> -> memref<10000x128xf32, #tpu.memory_space<hbm>>
      tpu.wait_indirect_dma semaphore(%arg30 : memref<!tpu.dma_semaphore, #tpu.memory_space<semaphore_mem>>) src(%dma_wait3A_769 : memref<10000x128xf32, #tpu.memory_space<hbm>>) dst(%arg19 : memref<64x128xf32, #tpu.memory_space<vmem>>)
      %dma_start3A_770 = arith.constant 0 : i32
      %dma_start3A_771 = arith.constant 0 : i32
      %dma_start3A_772 = tpu.memref_slice %arg27[%dma_start3A_770, %dma_start3A_771] : memref<10240x128xf32, #tpu.memory_space<vmem_shared>> -> memref<10240x128xf32, #tpu.memory_space<vmem_shared>>
      tpu.enqueue_indirect_dma source(%arg19 : memref<64x128xf32, #tpu.memory_space<vmem>>) target(%dma_start3A_772 : memref<10240x128xf32, #tpu.memory_space<vmem_shared>>) offsets(%arg15 : memref<64xi32, #tpu.memory_space<vmem>>) semaphore(%arg34 : memref<!tpu.dma_semaphore, #tpu.memory_space<semaphore_mem>>) {add = true}
      %dma_start3A_773 = arith.constant 0 : i32
      %dma_start3A_774 = tpu.memref_slice %arg25[%dma_start3A_773] : memref<10240xf32, #tpu.memory_space<vmem_shared>> -> memref<10240xf32, #tpu.memory_space<vmem_shared>>
      tpu.enqueue_indirect_dma source(%arg24 : memref<64xf32, #tpu.memory_space<vmem>>) target(%dma_start3A_774 : memref<10240xf32, #tpu.memory_space<vmem_shared>>) offsets(%arg15 : memref<64xi32, #tpu.memory_space<vmem>>) semaphore(%arg34 : memref<!tpu.dma_semaphore, #tpu.memory_space<semaphore_mem>>) {add = true}
      %add3A_775 = arith.constant 2 : i32
      %add3A_776 = arith.addi %add3A_759, %add3A_775 : i32
      %lt3A_777 = arith.constant 156 : i32
      %lt3A_778 = arith.cmpi slt, %add3A_776, %lt3A_777 : i32
      %convert_element_type3A_779 = arith.extui %lt3A_778 : i1 to i32
      %cond3A_780 = arith.constant 0 : i32
      %cond3A_781 = arith.cmpi ne, %convert_element_type3A_779, %cond3A_780 : i32
      scf.if %cond3A_781 {
        %dma_wait3A_808 = arith.constant 0 : i32
        %dma_wait3A_809 = tpu.memref_slice %arg3[%dma_wait3A_808] : memref<320000xi32, #tpu.memory_space<hbm>> -> memref<64xi32, #tpu.memory_space<hbm>>
        %dma_wait3A_810 = arith.constant 0 : i32
        %dma_wait3A_811 = tpu.memref_slice %arg3[%dma_wait3A_810] : memref<320000xi32, #tpu.memory_space<hbm>> -> memref<64xi32, #tpu.memory_space<hbm>>
        tpu.wait_dma2 semaphore(%arg36 : memref<!tpu.dma_semaphore, #tpu.memory_space<semaphore_mem>>) src(%dma_wait3A_811 : memref<64xi32, #tpu.memory_space<hbm>>) dst(%arg9 : memref<64xi32, #tpu.memory_space<vmem>>)
        %dma_wait3A_812 = arith.constant 0 : i32
        %dma_wait3A_813 = tpu.memref_slice %arg4[%dma_wait3A_812] : memref<320000xi32, #tpu.memory_space<hbm>> -> memref<64xi32, #tpu.memory_space<hbm>>
        %dma_wait3A_814 = arith.constant 0 : i32
        %dma_wait3A_815 = tpu.memref_slice %arg4[%dma_wait3A_814] : memref<320000xi32, #tpu.memory_space<hbm>> -> memref<64xi32, #tpu.memory_space<hbm>>
        tpu.wait_dma2 semaphore(%arg36 : memref<!tpu.dma_semaphore, #tpu.memory_space<semaphore_mem>>) src(%dma_wait3A_815 : memref<64xi32, #tpu.memory_space<hbm>>) dst(%arg13 : memref<64xi32, #tpu.memory_space<vmem>>)
        %dma_start3A_816 = arith.constant 0 : i32
        %dma_start3A_817 = arith.constant 0 : i32
        %dma_start3A_818 = tpu.memref_slice %arg2[%dma_start3A_816, %dma_start3A_817] : memref<10000x128xf32, #tpu.memory_space<hbm>> -> memref<10000x128xf32, #tpu.memory_space<hbm>>
        tpu.enqueue_indirect_dma source(%dma_start3A_818 : memref<10000x128xf32, #tpu.memory_space<hbm>>) target(%arg17 : memref<64x128xf32, #tpu.memory_space<vmem>>) offsets(%arg9 : memref<64xi32, #tpu.memory_space<vmem>>) semaphore(%arg28 : memref<!tpu.dma_semaphore, #tpu.memory_space<semaphore_mem>>)
      } else {
      }
      %mul3A_782 = arith.constant 4 : i32
      %mul3A_783 = arith.muli %scan3A_704, %mul3A_782 : i32
      %add3A_784 = arith.constant 3 : i32
      %add3A_785 = arith.addi %mul3A_783, %add3A_784 : i32
      %add3A_786 = arith.constant 2 : i32
      %add3A_787 = arith.addi %add3A_785, %add3A_786 : i32
      %lt3A_788 = arith.constant 156 : i32
      %lt3A_789 = arith.cmpi slt, %add3A_787, %lt3A_788 : i32
      %convert_element_type3A_790 = arith.extui %lt3A_789 : i1 to i32
      %cond3A_791 = arith.constant 0 : i32
      %cond3A_792 = arith.cmpi ne, %convert_element_type3A_790, %cond3A_791 : i32
      scf.if %cond3A_792 {
        %dma_wait3A_808 = arith.constant 0 : i32
        %dma_wait3A_809 = arith.constant 0 : i32
        %dma_wait3A_810 = tpu.memref_slice %arg27[%dma_wait3A_808, %dma_wait3A_809] : memref<10240x128xf32, #tpu.memory_space<vmem_shared>> -> memref<10240x128xf32, #tpu.memory_space<vmem_shared>>
        tpu.wait_indirect_dma semaphore(%arg33 : memref<!tpu.dma_semaphore, #tpu.memory_space<semaphore_mem>>) src(%arg18 : memref<64x128xf32, #tpu.memory_space<vmem>>) dst(%dma_wait3A_810 : memref<10240x128xf32, #tpu.memory_space<vmem_shared>>)
        %dma_wait3A_811 = arith.constant 0 : i32
        %dma_wait3A_812 = tpu.memref_slice %arg25[%dma_wait3A_811] : memref<10240xf32, #tpu.memory_space<vmem_shared>> -> memref<10240xf32, #tpu.memory_space<vmem_shared>>
        tpu.wait_indirect_dma semaphore(%arg33 : memref<!tpu.dma_semaphore, #tpu.memory_space<semaphore_mem>>) src(%arg24 : memref<64xf32, #tpu.memory_space<vmem>>) dst(%dma_wait3A_812 : memref<10240xf32, #tpu.memory_space<vmem_shared>>)
        %add3A_813 = arith.constant 2 : i32
        %add3A_814 = arith.addi %add3A_785, %add3A_813 : i32
        %mul3A_815 = arith.constant 64 : i32
        %mul3A_816 = arith.muli %add3A_814, %mul3A_815 : i32
        %add3A_817 = arith.addi %mul3A_157, %mul3A_816 : i32
        %dma_start3A_818 = tpu.memref_slice %arg3[%add3A_817] : memref<320000xi32, #tpu.memory_space<hbm>> -> memref<64xi32, #tpu.memory_space<hbm>>
        %dma_start3A_819 = tpu.memref_slice %arg3[%add3A_817] : memref<320000xi32, #tpu.memory_space<hbm>> -> memref<64xi32, #tpu.memory_space<hbm>>
        tpu.enqueue_dma source(%dma_start3A_819 : memref<64xi32, #tpu.memory_space<hbm>>) target(%arg10 : memref<64xi32, #tpu.memory_space<vmem>>) target_semaphore(%arg37 : memref<!tpu.dma_semaphore, #tpu.memory_space<semaphore_mem>>)
        %dma_start3A_820 = tpu.memref_slice %arg4[%add3A_817] : memref<320000xi32, #tpu.memory_space<hbm>> -> memref<64xi32, #tpu.memory_space<hbm>>
        %dma_start3A_821 = tpu.memref_slice %arg4[%add3A_817] : memref<320000xi32, #tpu.memory_space<hbm>> -> memref<64xi32, #tpu.memory_space<hbm>>
        tpu.enqueue_dma source(%dma_start3A_821 : memref<64xi32, #tpu.memory_space<hbm>>) target(%arg14 : memref<64xi32, #tpu.memory_space<vmem>>) target_semaphore(%arg37 : memref<!tpu.dma_semaphore, #tpu.memory_space<semaphore_mem>>)
      } else {
      }
      %dma_wait3A_793 = arith.constant 0 : i32
      %dma_wait3A_794 = arith.constant 0 : i32
      %dma_wait3A_795 = tpu.memref_slice %arg2[%dma_wait3A_793, %dma_wait3A_794] : memref<10000x128xf32, #tpu.memory_space<hbm>> -> memref<10000x128xf32, #tpu.memory_space<hbm>>
      tpu.wait_indirect_dma semaphore(%arg31 : memref<!tpu.dma_semaphore, #tpu.memory_space<semaphore_mem>>) src(%dma_wait3A_795 : memref<10000x128xf32, #tpu.memory_space<hbm>>) dst(%arg20 : memref<64x128xf32, #tpu.memory_space<vmem>>)
      %dma_start3A_796 = arith.constant 0 : i32
      %dma_start3A_797 = arith.constant 0 : i32
      %dma_start3A_798 = tpu.memref_slice %arg27[%dma_start3A_796, %dma_start3A_797] : memref<10240x128xf32, #tpu.memory_space<vmem_shared>> -> memref<10240x128xf32, #tpu.memory_space<vmem_shared>>
      tpu.enqueue_indirect_dma source(%arg20 : memref<64x128xf32, #tpu.memory_space<vmem>>) target(%dma_start3A_798 : memref<10240x128xf32, #tpu.memory_space<vmem_shared>>) offsets(%arg16 : memref<64xi32, #tpu.memory_space<vmem>>) semaphore(%arg35 : memref<!tpu.dma_semaphore, #tpu.memory_space<semaphore_mem>>) {add = true}
      %dma_start3A_799 = arith.constant 0 : i32
      %dma_start3A_800 = tpu.memref_slice %arg25[%dma_start3A_799] : memref<10240xf32, #tpu.memory_space<vmem_shared>> -> memref<10240xf32, #tpu.memory_space<vmem_shared>>
      tpu.enqueue_indirect_dma source(%arg24 : memref<64xf32, #tpu.memory_space<vmem>>) target(%dma_start3A_800 : memref<10240xf32, #tpu.memory_space<vmem_shared>>) offsets(%arg16 : memref<64xi32, #tpu.memory_space<vmem>>) semaphore(%arg35 : memref<!tpu.dma_semaphore, #tpu.memory_space<semaphore_mem>>) {add = true}
      %add3A_801 = arith.constant 2 : i32
      %add3A_802 = arith.addi %add3A_785, %add3A_801 : i32
      %lt3A_803 = arith.constant 156 : i32
      %lt3A_804 = arith.cmpi slt, %add3A_802, %lt3A_803 : i32
      %convert_element_type3A_805 = arith.extui %lt3A_804 : i1 to i32
      %cond3A_806 = arith.constant 0 : i32
      %cond3A_807 = arith.cmpi ne, %convert_element_type3A_805, %cond3A_806 : i32
      scf.if %cond3A_807 {
        %dma_wait3A_808 = arith.constant 0 : i32
        %dma_wait3A_809 = tpu.memref_slice %arg3[%dma_wait3A_808] : memref<320000xi32, #tpu.memory_space<hbm>> -> memref<64xi32, #tpu.memory_space<hbm>>
        %dma_wait3A_810 = arith.constant 0 : i32
        %dma_wait3A_811 = tpu.memref_slice %arg3[%dma_wait3A_810] : memref<320000xi32, #tpu.memory_space<hbm>> -> memref<64xi32, #tpu.memory_space<hbm>>
        tpu.wait_dma2 semaphore(%arg37 : memref<!tpu.dma_semaphore, #tpu.memory_space<semaphore_mem>>) src(%dma_wait3A_811 : memref<64xi32, #tpu.memory_space<hbm>>) dst(%arg10 : memref<64xi32, #tpu.memory_space<vmem>>)
        %dma_wait3A_812 = arith.constant 0 : i32
        %dma_wait3A_813 = tpu.memref_slice %arg4[%dma_wait3A_812] : memref<320000xi32, #tpu.memory_space<hbm>> -> memref<64xi32, #tpu.memory_space<hbm>>
        %dma_wait3A_814 = arith.constant 0 : i32
        %dma_wait3A_815 = tpu.memref_slice %arg4[%dma_wait3A_814] : memref<320000xi32, #tpu.memory_space<hbm>> -> memref<64xi32, #tpu.memory_space<hbm>>
        tpu.wait_dma2 semaphore(%arg37 : memref<!tpu.dma_semaphore, #tpu.memory_space<semaphore_mem>>) src(%dma_wait3A_815 : memref<64xi32, #tpu.memory_space<hbm>>) dst(%arg14 : memref<64xi32, #tpu.memory_space<vmem>>)
        %dma_start3A_816 = arith.constant 0 : i32
        %dma_start3A_817 = arith.constant 0 : i32
        %dma_start3A_818 = tpu.memref_slice %arg2[%dma_start3A_816, %dma_start3A_817] : memref<10000x128xf32, #tpu.memory_space<hbm>> -> memref<10000x128xf32, #tpu.memory_space<hbm>>
        tpu.enqueue_indirect_dma source(%dma_start3A_818 : memref<10000x128xf32, #tpu.memory_space<hbm>>) target(%arg18 : memref<64x128xf32, #tpu.memory_space<vmem>>) offsets(%arg10 : memref<64xi32, #tpu.memory_space<vmem>>) semaphore(%arg29 : memref<!tpu.dma_semaphore, #tpu.memory_space<semaphore_mem>>)
      } else {
      }
    }
    %scan3A_305 = arith.constant 38 : i32
    %dma_wait3A_306 = arith.constant 0 : i32
    %dma_wait3A_307 = arith.constant 0 : i32
    %dma_wait3A_308 = tpu.memref_slice %arg27[%dma_wait3A_306, %dma_wait3A_307] : memref<10240x128xf32, #tpu.memory_space<vmem_shared>> -> memref<10240x128xf32, #tpu.memory_space<vmem_shared>>
    tpu.wait_indirect_dma semaphore(%arg32 : memref<!tpu.dma_semaphore, #tpu.memory_space<semaphore_mem>>) src(%arg17 : memref<64x128xf32, #tpu.memory_space<vmem>>) dst(%dma_wait3A_308 : memref<10240x128xf32, #tpu.memory_space<vmem_shared>>)
    %dma_wait3A_309 = arith.constant 0 : i32
    %dma_wait3A_310 = tpu.memref_slice %arg25[%dma_wait3A_309] : memref<10240xf32, #tpu.memory_space<vmem_shared>> -> memref<10240xf32, #tpu.memory_space<vmem_shared>>
    tpu.wait_indirect_dma semaphore(%arg32 : memref<!tpu.dma_semaphore, #tpu.memory_space<semaphore_mem>>) src(%arg24 : memref<64xf32, #tpu.memory_space<vmem>>) dst(%dma_wait3A_310 : memref<10240xf32, #tpu.memory_space<vmem_shared>>)
    %dma_wait3A_311 = arith.constant 0 : i32
    %dma_wait3A_312 = arith.constant 0 : i32
    %dma_wait3A_313 = tpu.memref_slice %arg27[%dma_wait3A_311, %dma_wait3A_312] : memref<10240x128xf32, #tpu.memory_space<vmem_shared>> -> memref<10240x128xf32, #tpu.memory_space<vmem_shared>>
    tpu.wait_indirect_dma semaphore(%arg33 : memref<!tpu.dma_semaphore, #tpu.memory_space<semaphore_mem>>) src(%arg18 : memref<64x128xf32, #tpu.memory_space<vmem>>) dst(%dma_wait3A_313 : memref<10240x128xf32, #tpu.memory_space<vmem_shared>>)
    %dma_wait3A_314 = arith.constant 0 : i32
    %dma_wait3A_315 = tpu.memref_slice %arg25[%dma_wait3A_314] : memref<10240xf32, #tpu.memory_space<vmem_shared>> -> memref<10240xf32, #tpu.memory_space<vmem_shared>>
    tpu.wait_indirect_dma semaphore(%arg33 : memref<!tpu.dma_semaphore, #tpu.memory_space<semaphore_mem>>) src(%arg24 : memref<64xf32, #tpu.memory_space<vmem>>) dst(%dma_wait3A_315 : memref<10240xf32, #tpu.memory_space<vmem_shared>>)
    %dma_wait3A_316 = arith.constant 0 : i32
    %dma_wait3A_317 = arith.constant 0 : i32
    %dma_wait3A_318 = tpu.memref_slice %arg27[%dma_wait3A_316, %dma_wait3A_317] : memref<10240x128xf32, #tpu.memory_space<vmem_shared>> -> memref<10240x128xf32, #tpu.memory_space<vmem_shared>>
    tpu.wait_indirect_dma semaphore(%arg34 : memref<!tpu.dma_semaphore, #tpu.memory_space<semaphore_mem>>) src(%arg19 : memref<64x128xf32, #tpu.memory_space<vmem>>) dst(%dma_wait3A_318 : memref<10240x128xf32, #tpu.memory_space<vmem_shared>>)
    %dma_wait3A_319 = arith.constant 0 : i32
    %dma_wait3A_320 = tpu.memref_slice %arg25[%dma_wait3A_319] : memref<10240xf32, #tpu.memory_space<vmem_shared>> -> memref<10240xf32, #tpu.memory_space<vmem_shared>>
    tpu.wait_indirect_dma semaphore(%arg34 : memref<!tpu.dma_semaphore, #tpu.memory_space<semaphore_mem>>) src(%arg24 : memref<64xf32, #tpu.memory_space<vmem>>) dst(%dma_wait3A_320 : memref<10240xf32, #tpu.memory_space<vmem_shared>>)
    %dma_wait3A_321 = arith.constant 0 : i32
    %dma_wait3A_322 = arith.constant 0 : i32
    %dma_wait3A_323 = tpu.memref_slice %arg27[%dma_wait3A_321, %dma_wait3A_322] : memref<10240x128xf32, #tpu.memory_space<vmem_shared>> -> memref<10240x128xf32, #tpu.memory_space<vmem_shared>>
    tpu.wait_indirect_dma semaphore(%arg35 : memref<!tpu.dma_semaphore, #tpu.memory_space<semaphore_mem>>) src(%arg20 : memref<64x128xf32, #tpu.memory_space<vmem>>) dst(%dma_wait3A_323 : memref<10240x128xf32, #tpu.memory_space<vmem_shared>>)
    %dma_wait3A_324 = arith.constant 0 : i32
    %dma_wait3A_325 = tpu.memref_slice %arg25[%dma_wait3A_324] : memref<10240xf32, #tpu.memory_space<vmem_shared>> -> memref<10240xf32, #tpu.memory_space<vmem_shared>>
    tpu.wait_indirect_dma semaphore(%arg35 : memref<!tpu.dma_semaphore, #tpu.memory_space<semaphore_mem>>) src(%arg24 : memref<64xf32, #tpu.memory_space<vmem>>) dst(%dma_wait3A_325 : memref<10240xf32, #tpu.memory_space<vmem_shared>>)
    %add3A_326 = arith.constant 9984 : i32
    %add3A_327 = arith.addi %mul3A_157, %add3A_326 : i32
    "tpu.region"() ({
      %run_scoped3A = tpu.sem_alloc : memref<!tpu.dma_semaphore, #tpu.memory_space<semaphore_mem>>
      %dma_start3A_704 = tpu.memref_slice %arg3[%add3A_327] : memref<320000xi32, #tpu.memory_space<hbm>> -> memref<16xi32, #tpu.memory_space<hbm>>
      %dma_start3A_705 = tpu.memref_slice %arg3[%add3A_327] : memref<320000xi32, #tpu.memory_space<hbm>> -> memref<16xi32, #tpu.memory_space<hbm>>
      tpu.enqueue_dma source(%dma_start3A_705 : memref<16xi32, #tpu.memory_space<hbm>>) target(%arg21 : memref<16xi32, #tpu.memory_space<vmem>>) target_semaphore(%run_scoped3A : memref<!tpu.dma_semaphore, #tpu.memory_space<semaphore_mem>>)
      %dma_wait3A_706 = tpu.memref_slice %arg3[%add3A_327] : memref<320000xi32, #tpu.memory_space<hbm>> -> memref<16xi32, #tpu.memory_space<hbm>>
      %dma_wait3A_707 = tpu.memref_slice %arg3[%add3A_327] : memref<320000xi32, #tpu.memory_space<hbm>> -> memref<16xi32, #tpu.memory_space<hbm>>
      tpu.wait_dma2 semaphore(%run_scoped3A : memref<!tpu.dma_semaphore, #tpu.memory_space<semaphore_mem>>) src(%dma_wait3A_707 : memref<16xi32, #tpu.memory_space<hbm>>) dst(%arg21 : memref<16xi32, #tpu.memory_space<vmem>>)
      tpu.yield
    }) : () -> ()
    "tpu.region"() ({
      %run_scoped3A = tpu.sem_alloc : memref<!tpu.dma_semaphore, #tpu.memory_space<semaphore_mem>>
      %dma_start3A_704 = tpu.memref_slice %arg4[%add3A_327] : memref<320000xi32, #tpu.memory_space<hbm>> -> memref<16xi32, #tpu.memory_space<hbm>>
      %dma_start3A_705 = tpu.memref_slice %arg4[%add3A_327] : memref<320000xi32, #tpu.memory_space<hbm>> -> memref<16xi32, #tpu.memory_space<hbm>>
      tpu.enqueue_dma source(%dma_start3A_705 : memref<16xi32, #tpu.memory_space<hbm>>) target(%arg22 : memref<16xi32, #tpu.memory_space<vmem>>) target_semaphore(%run_scoped3A : memref<!tpu.dma_semaphore, #tpu.memory_space<semaphore_mem>>)
      %dma_wait3A_706 = tpu.memref_slice %arg4[%add3A_327] : memref<320000xi32, #tpu.memory_space<hbm>> -> memref<16xi32, #tpu.memory_space<hbm>>
      %dma_wait3A_707 = tpu.memref_slice %arg4[%add3A_327] : memref<320000xi32, #tpu.memory_space<hbm>> -> memref<16xi32, #tpu.memory_space<hbm>>
      tpu.wait_dma2 semaphore(%run_scoped3A : memref<!tpu.dma_semaphore, #tpu.memory_space<semaphore_mem>>) src(%dma_wait3A_707 : memref<16xi32, #tpu.memory_space<hbm>>) dst(%arg22 : memref<16xi32, #tpu.memory_space<vmem>>)
      tpu.yield
    }) : () -> ()
    %dma_start3A_328 = arith.constant 0 : i32
    %dma_start3A_329 = arith.constant 0 : i32
    %dma_start3A_330 = tpu.memref_slice %arg2[%dma_start3A_328, %dma_start3A_329] : memref<10000x128xf32, #tpu.memory_space<hbm>> -> memref<10000x128xf32, #tpu.memory_space<hbm>>
    tpu.enqueue_indirect_dma source(%dma_start3A_330 : memref<10000x128xf32, #tpu.memory_space<hbm>>) target(%arg23 : memref<16x128xf32, #tpu.memory_space<vmem>>) offsets(%arg21 : memref<16xi32, #tpu.memory_space<vmem>>) semaphore(%arg40 : memref<!tpu.dma_semaphore, #tpu.memory_space<semaphore_mem>>)
    %dma_wait3A_331 = arith.constant 0 : i32
    %dma_wait3A_332 = arith.constant 0 : i32
    %dma_wait3A_333 = tpu.memref_slice %arg2[%dma_wait3A_331, %dma_wait3A_332] : memref<10000x128xf32, #tpu.memory_space<hbm>> -> memref<10000x128xf32, #tpu.memory_space<hbm>>
    tpu.wait_indirect_dma semaphore(%arg40 : memref<!tpu.dma_semaphore, #tpu.memory_space<semaphore_mem>>) src(%dma_wait3A_333 : memref<10000x128xf32, #tpu.memory_space<hbm>>) dst(%arg23 : memref<16x128xf32, #tpu.memory_space<vmem>>)
    "tpu.region"() ({
      %run_scoped3A = tpu.sem_alloc : memref<!tpu.dma_semaphore, #tpu.memory_space<semaphore_mem>>
      %dma_start3A_704 = arith.constant 0 : i32
      %dma_start3A_705 = arith.constant 0 : i32
      %dma_start3A_706 = tpu.memref_slice %arg27[%dma_start3A_704, %dma_start3A_705] : memref<10240x128xf32, #tpu.memory_space<vmem_shared>> -> memref<10240x128xf32, #tpu.memory_space<vmem_shared>>
      tpu.enqueue_indirect_dma source(%arg23 : memref<16x128xf32, #tpu.memory_space<vmem>>) target(%dma_start3A_706 : memref<10240x128xf32, #tpu.memory_space<vmem_shared>>) offsets(%arg22 : memref<16xi32, #tpu.memory_space<vmem>>) semaphore(%run_scoped3A : memref<!tpu.dma_semaphore, #tpu.memory_space<semaphore_mem>>) {add = true}
      %dma_wait3A_707 = arith.constant 0 : i32
      %dma_wait3A_708 = arith.constant 0 : i32
      %dma_wait3A_709 = tpu.memref_slice %arg27[%dma_wait3A_707, %dma_wait3A_708] : memref<10240x128xf32, #tpu.memory_space<vmem_shared>> -> memref<10240x128xf32, #tpu.memory_space<vmem_shared>>
      tpu.wait_indirect_dma semaphore(%run_scoped3A : memref<!tpu.dma_semaphore, #tpu.memory_space<semaphore_mem>>) src(%arg23 : memref<16x128xf32, #tpu.memory_space<vmem>>) dst(%dma_wait3A_709 : memref<10240x128xf32, #tpu.memory_space<vmem_shared>>)
      tpu.yield
    }) : () -> ()
    "tpu.region"() ({
      %run_scoped3A = tpu.sem_alloc : memref<!tpu.dma_semaphore, #tpu.memory_space<semaphore_mem>>
      %dma_start3A_704 = arith.constant 0 : i32
      %dma_start3A_705 = tpu.memref_slice %arg24[%dma_start3A_704] : memref<64xf32, #tpu.memory_space<vmem>> -> memref<16xf32, #tpu.memory_space<vmem>>
      %dma_start3A_706 = arith.constant 0 : i32
      %dma_start3A_707 = tpu.memref_slice %arg25[%dma_start3A_706] : memref<10240xf32, #tpu.memory_space<vmem_shared>> -> memref<10240xf32, #tpu.memory_space<vmem_shared>>
      tpu.enqueue_indirect_dma source(%dma_start3A_705 : memref<16xf32, #tpu.memory_space<vmem>>) target(%dma_start3A_707 : memref<10240xf32, #tpu.memory_space<vmem_shared>>) offsets(%arg22 : memref<16xi32, #tpu.memory_space<vmem>>) semaphore(%run_scoped3A : memref<!tpu.dma_semaphore, #tpu.memory_space<semaphore_mem>>) {add = true}
      %dma_wait3A_708 = arith.constant 0 : i32
      %dma_wait3A_709 = tpu.memref_slice %arg24[%dma_wait3A_708] : memref<64xf32, #tpu.memory_space<vmem>> -> memref<16xf32, #tpu.memory_space<vmem>>
      %dma_wait3A_710 = arith.constant 0 : i32
      %dma_wait3A_711 = tpu.memref_slice %arg25[%dma_wait3A_710] : memref<10240xf32, #tpu.memory_space<vmem_shared>> -> memref<10240xf32, #tpu.memory_space<vmem_shared>>
      tpu.wait_indirect_dma semaphore(%run_scoped3A : memref<!tpu.dma_semaphore, #tpu.memory_space<semaphore_mem>>) src(%dma_wait3A_709 : memref<16xf32, #tpu.memory_space<vmem>>) dst(%dma_wait3A_711 : memref<10240xf32, #tpu.memory_space<vmem_shared>>)
      tpu.yield
    }) : () -> ()
    %barrier3A_334 = arith.constant 0 : index
    tpu.barrier barrier_id(%barrier3A_334)
    %add3A_335 = arith.constant 0 : i32
    %add3A_336 = arith.addi %mul3A_2, %add3A_335 : i32
    %dma_start3A_337 = arith.constant 0 : i32
    %dma_start3A_338 = tpu.memref_slice %arg27[%add3A_336, %dma_start3A_337] : memref<10240x128xf32, #tpu.memory_space<vmem_shared>> -> memref<64x128xf32, #tpu.memory_space<vmem_shared>>
    %dma_start3A_339 = arith.constant 0 : i32
    %dma_start3A_340 = tpu.memref_slice %arg27[%add3A_336, %dma_start3A_339] : memref<10240x128xf32, #tpu.memory_space<vmem_shared>> -> memref<64x128xf32, #tpu.memory_space<vmem_shared>>
    tpu.enqueue_dma source(%dma_start3A_340 : memref<64x128xf32, #tpu.memory_space<vmem_shared>>) target(%arg17 : memref<64x128xf32, #tpu.memory_space<vmem>>) target_semaphore(%arg28 : memref<!tpu.dma_semaphore, #tpu.memory_space<semaphore_mem>>)
    %add3A_341 = arith.constant 64 : i32
    %add3A_342 = arith.addi %mul3A_2, %add3A_341 : i32
    %dma_start3A_343 = arith.constant 0 : i32
    %dma_start3A_344 = tpu.memref_slice %arg27[%add3A_342, %dma_start3A_343] : memref<10240x128xf32, #tpu.memory_space<vmem_shared>> -> memref<64x128xf32, #tpu.memory_space<vmem_shared>>
    %dma_start3A_345 = arith.constant 0 : i32
    %dma_start3A_346 = tpu.memref_slice %arg27[%add3A_342, %dma_start3A_345] : memref<10240x128xf32, #tpu.memory_space<vmem_shared>> -> memref<64x128xf32, #tpu.memory_space<vmem_shared>>
    tpu.enqueue_dma source(%dma_start3A_346 : memref<64x128xf32, #tpu.memory_space<vmem_shared>>) target(%arg18 : memref<64x128xf32, #tpu.memory_space<vmem>>) target_semaphore(%arg29 : memref<!tpu.dma_semaphore, #tpu.memory_space<semaphore_mem>>)
    %add3A_347 = arith.constant 0 : i32
    %add3A_348 = arith.addi %mul3A_2, %add3A_347 : i32
    %dma_wait3A_349 = arith.constant 0 : i32
    %dma_wait3A_350 = tpu.memref_slice %arg27[%add3A_348, %dma_wait3A_349] : memref<10240x128xf32, #tpu.memory_space<vmem_shared>> -> memref<64x128xf32, #tpu.memory_space<vmem_shared>>
    %dma_wait3A_351 = arith.constant 0 : i32
    %dma_wait3A_352 = tpu.memref_slice %arg27[%add3A_348, %dma_wait3A_351] : memref<10240x128xf32, #tpu.memory_space<vmem_shared>> -> memref<64x128xf32, #tpu.memory_space<vmem_shared>>
    tpu.wait_dma2 semaphore(%arg28 : memref<!tpu.dma_semaphore, #tpu.memory_space<semaphore_mem>>) src(%dma_wait3A_352 : memref<64x128xf32, #tpu.memory_space<vmem_shared>>) dst(%arg17 : memref<64x128xf32, #tpu.memory_space<vmem>>)
    %add3A_353 = arith.constant 0 : i32
    %add3A_354 = arith.addi %mul3A_2, %add3A_353 : i32
    %eq3A = arith.constant 0 : i32
    %eq3A_355 = arith.cmpi eq, %arg0, %eq3A : i32
    %convert_element_type3A = arith.extui %eq3A_355 : i1 to i32
    %cond3A = arith.constant 0 : i32
    %cond3A_356 = arith.cmpi ne, %convert_element_type3A, %cond3A : i32
    scf.if %cond3A_356 {
      %dma_start3A_704 = arith.constant 0 : i32
      %dma_start3A_705 = tpu.memref_slice %arg5[%add3A_354, %dma_start3A_704] : memref<10240x128xf32, #tpu.memory_space<hbm>> -> memref<64x128xf32, #tpu.memory_space<hbm>>
      %dma_start3A_706 = arith.constant 0 : i32
      %dma_start3A_707 = tpu.memref_slice %arg5[%add3A_354, %dma_start3A_706] : memref<10240x128xf32, #tpu.memory_space<hbm>> -> memref<64x128xf32, #tpu.memory_space<hbm>>
      tpu.enqueue_dma source(%arg17 : memref<64x128xf32, #tpu.memory_space<vmem>>) target(%dma_start3A_707 : memref<64x128xf32, #tpu.memory_space<hbm>>) target_semaphore(%arg32 : memref<!tpu.dma_semaphore, #tpu.memory_space<semaphore_mem>>)
    } else {
    }
    %eq3A_357 = arith.constant 1 : i32
    %eq3A_358 = arith.cmpi eq, %arg0, %eq3A_357 : i32
    %convert_element_type3A_359 = arith.extui %eq3A_358 : i1 to i32
    %cond3A_360 = arith.constant 0 : i32
    %cond3A_361 = arith.cmpi ne, %convert_element_type3A_359, %cond3A_360 : i32
    scf.if %cond3A_361 {
      %dma_start3A_704 = arith.constant 0 : i32
      %dma_start3A_705 = tpu.memref_slice %arg6[%add3A_354, %dma_start3A_704] : memref<10240x128xf32, #tpu.memory_space<hbm>> -> memref<64x128xf32, #tpu.memory_space<hbm>>
      %dma_start3A_706 = arith.constant 0 : i32
      %dma_start3A_707 = tpu.memref_slice %arg6[%add3A_354, %dma_start3A_706] : memref<10240x128xf32, #tpu.memory_space<hbm>> -> memref<64x128xf32, #tpu.memory_space<hbm>>
      tpu.enqueue_dma source(%arg17 : memref<64x128xf32, #tpu.memory_space<vmem>>) target(%dma_start3A_707 : memref<64x128xf32, #tpu.memory_space<hbm>>) target_semaphore(%arg32 : memref<!tpu.dma_semaphore, #tpu.memory_space<semaphore_mem>>)
    } else {
    }
    %add3A_362 = arith.constant 0 : i32
    %add3A_363 = arith.addi %mul3A_2, %add3A_362 : i32
    %eq3A_364 = arith.constant 0 : i32
    %eq3A_365 = arith.cmpi eq, %arg0, %eq3A_364 : i32
    %convert_element_type3A_366 = arith.extui %eq3A_365 : i1 to i32
    %cond3A_367 = arith.constant 0 : i32
    %cond3A_368 = arith.cmpi ne, %convert_element_type3A_366, %cond3A_367 : i32
    scf.if %cond3A_368 {
      %dma_wait3A_704 = arith.constant 0 : i32
      %dma_wait3A_705 = tpu.memref_slice %arg5[%add3A_363, %dma_wait3A_704] : memref<10240x128xf32, #tpu.memory_space<hbm>> -> memref<64x128xf32, #tpu.memory_space<hbm>>
      %dma_wait3A_706 = arith.constant 0 : i32
      %dma_wait3A_707 = tpu.memref_slice %arg5[%add3A_363, %dma_wait3A_706] : memref<10240x128xf32, #tpu.memory_space<hbm>> -> memref<64x128xf32, #tpu.memory_space<hbm>>
      tpu.wait_dma2 semaphore(%arg32 : memref<!tpu.dma_semaphore, #tpu.memory_space<semaphore_mem>>) src(%arg17 : memref<64x128xf32, #tpu.memory_space<vmem>>) dst(%dma_wait3A_707 : memref<64x128xf32, #tpu.memory_space<hbm>>)
    } else {
    }
    %eq3A_369 = arith.constant 1 : i32
    %eq3A_370 = arith.cmpi eq, %arg0, %eq3A_369 : i32
    %convert_element_type3A_371 = arith.extui %eq3A_370 : i1 to i32
    %cond3A_372 = arith.constant 0 : i32
    %cond3A_373 = arith.cmpi ne, %convert_element_type3A_371, %cond3A_372 : i32
    scf.if %cond3A_373 {
      %dma_wait3A_704 = arith.constant 0 : i32
      %dma_wait3A_705 = tpu.memref_slice %arg6[%add3A_363, %dma_wait3A_704] : memref<10240x128xf32, #tpu.memory_space<hbm>> -> memref<64x128xf32, #tpu.memory_space<hbm>>
      %dma_wait3A_706 = arith.constant 0 : i32
      %dma_wait3A_707 = tpu.memref_slice %arg6[%add3A_363, %dma_wait3A_706] : memref<10240x128xf32, #tpu.memory_space<hbm>> -> memref<64x128xf32, #tpu.memory_space<hbm>>
      tpu.wait_dma2 semaphore(%arg32 : memref<!tpu.dma_semaphore, #tpu.memory_space<semaphore_mem>>) src(%arg17 : memref<64x128xf32, #tpu.memory_space<vmem>>) dst(%dma_wait3A_707 : memref<64x128xf32, #tpu.memory_space<hbm>>)
    } else {
    }
    %add3A_374 = arith.constant 128 : i32
    %add3A_375 = arith.addi %mul3A_2, %add3A_374 : i32
    %dma_start3A_376 = arith.constant 0 : i32
    %dma_start3A_377 = tpu.memref_slice %arg27[%add3A_375, %dma_start3A_376] : memref<10240x128xf32, #tpu.memory_space<vmem_shared>> -> memref<64x128xf32, #tpu.memory_space<vmem_shared>>
    %dma_start3A_378 = arith.constant 0 : i32
    %dma_start3A_379 = tpu.memref_slice %arg27[%add3A_375, %dma_start3A_378] : memref<10240x128xf32, #tpu.memory_space<vmem_shared>> -> memref<64x128xf32, #tpu.memory_space<vmem_shared>>
    tpu.enqueue_dma source(%dma_start3A_379 : memref<64x128xf32, #tpu.memory_space<vmem_shared>>) target(%arg17 : memref<64x128xf32, #tpu.memory_space<vmem>>) target_semaphore(%arg28 : memref<!tpu.dma_semaphore, #tpu.memory_space<semaphore_mem>>)
    %add3A_380 = arith.constant 64 : i32
    %add3A_381 = arith.addi %mul3A_2, %add3A_380 : i32
    %dma_wait3A_382 = arith.constant 0 : i32
    %dma_wait3A_383 = tpu.memref_slice %arg27[%add3A_381, %dma_wait3A_382] : memref<10240x128xf32, #tpu.memory_space<vmem_shared>> -> memref<64x128xf32, #tpu.memory_space<vmem_shared>>
    %dma_wait3A_384 = arith.constant 0 : i32
    %dma_wait3A_385 = tpu.memref_slice %arg27[%add3A_381, %dma_wait3A_384] : memref<10240x128xf32, #tpu.memory_space<vmem_shared>> -> memref<64x128xf32, #tpu.memory_space<vmem_shared>>
    tpu.wait_dma2 semaphore(%arg29 : memref<!tpu.dma_semaphore, #tpu.memory_space<semaphore_mem>>) src(%dma_wait3A_385 : memref<64x128xf32, #tpu.memory_space<vmem_shared>>) dst(%arg18 : memref<64x128xf32, #tpu.memory_space<vmem>>)
    %add3A_386 = arith.constant 64 : i32
    %add3A_387 = arith.addi %mul3A_2, %add3A_386 : i32
    %eq3A_388 = arith.constant 0 : i32
    %eq3A_389 = arith.cmpi eq, %arg0, %eq3A_388 : i32
    %convert_element_type3A_390 = arith.extui %eq3A_389 : i1 to i32
    %cond3A_391 = arith.constant 0 : i32
    %cond3A_392 = arith.cmpi ne, %convert_element_type3A_390, %cond3A_391 : i32
    scf.if %cond3A_392 {
      %dma_start3A_704 = arith.constant 0 : i32
      %dma_start3A_705 = tpu.memref_slice %arg5[%add3A_387, %dma_start3A_704] : memref<10240x128xf32, #tpu.memory_space<hbm>> -> memref<64x128xf32, #tpu.memory_space<hbm>>
      %dma_start3A_706 = arith.constant 0 : i32
      %dma_start3A_707 = tpu.memref_slice %arg5[%add3A_387, %dma_start3A_706] : memref<10240x128xf32, #tpu.memory_space<hbm>> -> memref<64x128xf32, #tpu.memory_space<hbm>>
      tpu.enqueue_dma source(%arg18 : memref<64x128xf32, #tpu.memory_space<vmem>>) target(%dma_start3A_707 : memref<64x128xf32, #tpu.memory_space<hbm>>) target_semaphore(%arg33 : memref<!tpu.dma_semaphore, #tpu.memory_space<semaphore_mem>>)
    } else {
    }
    %eq3A_393 = arith.constant 1 : i32
    %eq3A_394 = arith.cmpi eq, %arg0, %eq3A_393 : i32
    %convert_element_type3A_395 = arith.extui %eq3A_394 : i1 to i32
    %cond3A_396 = arith.constant 0 : i32
    %cond3A_397 = arith.cmpi ne, %convert_element_type3A_395, %cond3A_396 : i32
    scf.if %cond3A_397 {
      %dma_start3A_704 = arith.constant 0 : i32
      %dma_start3A_705 = tpu.memref_slice %arg6[%add3A_387, %dma_start3A_704] : memref<10240x128xf32, #tpu.memory_space<hbm>> -> memref<64x128xf32, #tpu.memory_space<hbm>>
      %dma_start3A_706 = arith.constant 0 : i32
      %dma_start3A_707 = tpu.memref_slice %arg6[%add3A_387, %dma_start3A_706] : memref<10240x128xf32, #tpu.memory_space<hbm>> -> memref<64x128xf32, #tpu.memory_space<hbm>>
      tpu.enqueue_dma source(%arg18 : memref<64x128xf32, #tpu.memory_space<vmem>>) target(%dma_start3A_707 : memref<64x128xf32, #tpu.memory_space<hbm>>) target_semaphore(%arg33 : memref<!tpu.dma_semaphore, #tpu.memory_space<semaphore_mem>>)
    } else {
    }
    %add3A_398 = arith.constant 64 : i32
    %add3A_399 = arith.addi %mul3A_2, %add3A_398 : i32
    %eq3A_400 = arith.constant 0 : i32
    %eq3A_401 = arith.cmpi eq, %arg0, %eq3A_400 : i32
    %convert_element_type3A_402 = arith.extui %eq3A_401 : i1 to i32
    %cond3A_403 = arith.constant 0 : i32
    %cond3A_404 = arith.cmpi ne, %convert_element_type3A_402, %cond3A_403 : i32
    scf.if %cond3A_404 {
      %dma_wait3A_704 = arith.constant 0 : i32
      %dma_wait3A_705 = tpu.memref_slice %arg5[%add3A_399, %dma_wait3A_704] : memref<10240x128xf32, #tpu.memory_space<hbm>> -> memref<64x128xf32, #tpu.memory_space<hbm>>
      %dma_wait3A_706 = arith.constant 0 : i32
      %dma_wait3A_707 = tpu.memref_slice %arg5[%add3A_399, %dma_wait3A_706] : memref<10240x128xf32, #tpu.memory_space<hbm>> -> memref<64x128xf32, #tpu.memory_space<hbm>>
      tpu.wait_dma2 semaphore(%arg33 : memref<!tpu.dma_semaphore, #tpu.memory_space<semaphore_mem>>) src(%arg18 : memref<64x128xf32, #tpu.memory_space<vmem>>) dst(%dma_wait3A_707 : memref<64x128xf32, #tpu.memory_space<hbm>>)
    } else {
    }
    %eq3A_405 = arith.constant 1 : i32
    %eq3A_406 = arith.cmpi eq, %arg0, %eq3A_405 : i32
    %convert_element_type3A_407 = arith.extui %eq3A_406 : i1 to i32
    %cond3A_408 = arith.constant 0 : i32
    %cond3A_409 = arith.cmpi ne, %convert_element_type3A_407, %cond3A_408 : i32
    scf.if %cond3A_409 {
      %dma_wait3A_704 = arith.constant 0 : i32
      %dma_wait3A_705 = tpu.memref_slice %arg6[%add3A_399, %dma_wait3A_704] : memref<10240x128xf32, #tpu.memory_space<hbm>> -> memref<64x128xf32, #tpu.memory_space<hbm>>
      %dma_wait3A_706 = arith.constant 0 : i32
      %dma_wait3A_707 = tpu.memref_slice %arg6[%add3A_399, %dma_wait3A_706] : memref<10240x128xf32, #tpu.memory_space<hbm>> -> memref<64x128xf32, #tpu.memory_space<hbm>>
      tpu.wait_dma2 semaphore(%arg33 : memref<!tpu.dma_semaphore, #tpu.memory_space<semaphore_mem>>) src(%arg18 : memref<64x128xf32, #tpu.memory_space<vmem>>) dst(%dma_wait3A_707 : memref<64x128xf32, #tpu.memory_space<hbm>>)
    } else {
    }
    %add3A_410 = arith.constant 192 : i32
    %add3A_411 = arith.addi %mul3A_2, %add3A_410 : i32
    %dma_start3A_412 = arith.constant 0 : i32
    %dma_start3A_413 = tpu.memref_slice %arg27[%add3A_411, %dma_start3A_412] : memref<10240x128xf32, #tpu.memory_space<vmem_shared>> -> memref<64x128xf32, #tpu.memory_space<vmem_shared>>
    %dma_start3A_414 = arith.constant 0 : i32
    %dma_start3A_415 = tpu.memref_slice %arg27[%add3A_411, %dma_start3A_414] : memref<10240x128xf32, #tpu.memory_space<vmem_shared>> -> memref<64x128xf32, #tpu.memory_space<vmem_shared>>
    tpu.enqueue_dma source(%dma_start3A_415 : memref<64x128xf32, #tpu.memory_space<vmem_shared>>) target(%arg18 : memref<64x128xf32, #tpu.memory_space<vmem>>) target_semaphore(%arg29 : memref<!tpu.dma_semaphore, #tpu.memory_space<semaphore_mem>>)
    %add3A_416 = arith.constant 128 : i32
    %add3A_417 = arith.addi %mul3A_2, %add3A_416 : i32
    %dma_wait3A_418 = arith.constant 0 : i32
    %dma_wait3A_419 = tpu.memref_slice %arg27[%add3A_417, %dma_wait3A_418] : memref<10240x128xf32, #tpu.memory_space<vmem_shared>> -> memref<64x128xf32, #tpu.memory_space<vmem_shared>>
    %dma_wait3A_420 = arith.constant 0 : i32
    %dma_wait3A_421 = tpu.memref_slice %arg27[%add3A_417, %dma_wait3A_420] : memref<10240x128xf32, #tpu.memory_space<vmem_shared>> -> memref<64x128xf32, #tpu.memory_space<vmem_shared>>
    tpu.wait_dma2 semaphore(%arg28 : memref<!tpu.dma_semaphore, #tpu.memory_space<semaphore_mem>>) src(%dma_wait3A_421 : memref<64x128xf32, #tpu.memory_space<vmem_shared>>) dst(%arg17 : memref<64x128xf32, #tpu.memory_space<vmem>>)
    %add3A_422 = arith.constant 128 : i32
    %add3A_423 = arith.addi %mul3A_2, %add3A_422 : i32
    %eq3A_424 = arith.constant 0 : i32
    %eq3A_425 = arith.cmpi eq, %arg0, %eq3A_424 : i32
    %convert_element_type3A_426 = arith.extui %eq3A_425 : i1 to i32
    %cond3A_427 = arith.constant 0 : i32
    %cond3A_428 = arith.cmpi ne, %convert_element_type3A_426, %cond3A_427 : i32
    scf.if %cond3A_428 {
      %dma_start3A_704 = arith.constant 0 : i32
      %dma_start3A_705 = tpu.memref_slice %arg5[%add3A_423, %dma_start3A_704] : memref<10240x128xf32, #tpu.memory_space<hbm>> -> memref<64x128xf32, #tpu.memory_space<hbm>>
      %dma_start3A_706 = arith.constant 0 : i32
      %dma_start3A_707 = tpu.memref_slice %arg5[%add3A_423, %dma_start3A_706] : memref<10240x128xf32, #tpu.memory_space<hbm>> -> memref<64x128xf32, #tpu.memory_space<hbm>>
      tpu.enqueue_dma source(%arg17 : memref<64x128xf32, #tpu.memory_space<vmem>>) target(%dma_start3A_707 : memref<64x128xf32, #tpu.memory_space<hbm>>) target_semaphore(%arg32 : memref<!tpu.dma_semaphore, #tpu.memory_space<semaphore_mem>>)
    } else {
    }
    %eq3A_429 = arith.constant 1 : i32
    %eq3A_430 = arith.cmpi eq, %arg0, %eq3A_429 : i32
    %convert_element_type3A_431 = arith.extui %eq3A_430 : i1 to i32
    %cond3A_432 = arith.constant 0 : i32
    %cond3A_433 = arith.cmpi ne, %convert_element_type3A_431, %cond3A_432 : i32
    scf.if %cond3A_433 {
      %dma_start3A_704 = arith.constant 0 : i32
      %dma_start3A_705 = tpu.memref_slice %arg6[%add3A_423, %dma_start3A_704] : memref<10240x128xf32, #tpu.memory_space<hbm>> -> memref<64x128xf32, #tpu.memory_space<hbm>>
      %dma_start3A_706 = arith.constant 0 : i32
      %dma_start3A_707 = tpu.memref_slice %arg6[%add3A_423, %dma_start3A_706] : memref<10240x128xf32, #tpu.memory_space<hbm>> -> memref<64x128xf32, #tpu.memory_space<hbm>>
      tpu.enqueue_dma source(%arg17 : memref<64x128xf32, #tpu.memory_space<vmem>>) target(%dma_start3A_707 : memref<64x128xf32, #tpu.memory_space<hbm>>) target_semaphore(%arg32 : memref<!tpu.dma_semaphore, #tpu.memory_space<semaphore_mem>>)
    } else {
    }
    %add3A_434 = arith.constant 128 : i32
    %add3A_435 = arith.addi %mul3A_2, %add3A_434 : i32
    %eq3A_436 = arith.constant 0 : i32
    %eq3A_437 = arith.cmpi eq, %arg0, %eq3A_436 : i32
    %convert_element_type3A_438 = arith.extui %eq3A_437 : i1 to i32
    %cond3A_439 = arith.constant 0 : i32
    %cond3A_440 = arith.cmpi ne, %convert_element_type3A_438, %cond3A_439 : i32
    scf.if %cond3A_440 {
      %dma_wait3A_704 = arith.constant 0 : i32
      %dma_wait3A_705 = tpu.memref_slice %arg5[%add3A_435, %dma_wait3A_704] : memref<10240x128xf32, #tpu.memory_space<hbm>> -> memref<64x128xf32, #tpu.memory_space<hbm>>
      %dma_wait3A_706 = arith.constant 0 : i32
      %dma_wait3A_707 = tpu.memref_slice %arg5[%add3A_435, %dma_wait3A_706] : memref<10240x128xf32, #tpu.memory_space<hbm>> -> memref<64x128xf32, #tpu.memory_space<hbm>>
      tpu.wait_dma2 semaphore(%arg32 : memref<!tpu.dma_semaphore, #tpu.memory_space<semaphore_mem>>) src(%arg17 : memref<64x128xf32, #tpu.memory_space<vmem>>) dst(%dma_wait3A_707 : memref<64x128xf32, #tpu.memory_space<hbm>>)
    } else {
    }
    %eq3A_441 = arith.constant 1 : i32
    %eq3A_442 = arith.cmpi eq, %arg0, %eq3A_441 : i32
    %convert_element_type3A_443 = arith.extui %eq3A_442 : i1 to i32
    %cond3A_444 = arith.constant 0 : i32
    %cond3A_445 = arith.cmpi ne, %convert_element_type3A_443, %cond3A_444 : i32
    scf.if %cond3A_445 {
      %dma_wait3A_704 = arith.constant 0 : i32
      %dma_wait3A_705 = tpu.memref_slice %arg6[%add3A_435, %dma_wait3A_704] : memref<10240x128xf32, #tpu.memory_space<hbm>> -> memref<64x128xf32, #tpu.memory_space<hbm>>
      %dma_wait3A_706 = arith.constant 0 : i32
      %dma_wait3A_707 = tpu.memref_slice %arg6[%add3A_435, %dma_wait3A_706] : memref<10240x128xf32, #tpu.memory_space<hbm>> -> memref<64x128xf32, #tpu.memory_space<hbm>>
      tpu.wait_dma2 semaphore(%arg32 : memref<!tpu.dma_semaphore, #tpu.memory_space<semaphore_mem>>) src(%arg17 : memref<64x128xf32, #tpu.memory_space<vmem>>) dst(%dma_wait3A_707 : memref<64x128xf32, #tpu.memory_space<hbm>>)
    } else {
    }
    %add3A_446 = arith.constant 256 : i32
    %add3A_447 = arith.addi %mul3A_2, %add3A_446 : i32
    %dma_start3A_448 = arith.constant 0 : i32
    %dma_start3A_449 = tpu.memref_slice %arg27[%add3A_447, %dma_start3A_448] : memref<10240x128xf32, #tpu.memory_space<vmem_shared>> -> memref<64x128xf32, #tpu.memory_space<vmem_shared>>
    %dma_start3A_450 = arith.constant 0 : i32
    %dma_start3A_451 = tpu.memref_slice %arg27[%add3A_447, %dma_start3A_450] : memref<10240x128xf32, #tpu.memory_space<vmem_shared>> -> memref<64x128xf32, #tpu.memory_space<vmem_shared>>
    tpu.enqueue_dma source(%dma_start3A_451 : memref<64x128xf32, #tpu.memory_space<vmem_shared>>) target(%arg17 : memref<64x128xf32, #tpu.memory_space<vmem>>) target_semaphore(%arg28 : memref<!tpu.dma_semaphore, #tpu.memory_space<semaphore_mem>>)
    %add3A_452 = arith.constant 192 : i32
    %add3A_453 = arith.addi %mul3A_2, %add3A_452 : i32
    %dma_wait3A_454 = arith.constant 0 : i32
    %dma_wait3A_455 = tpu.memref_slice %arg27[%add3A_453, %dma_wait3A_454] : memref<10240x128xf32, #tpu.memory_space<vmem_shared>> -> memref<64x128xf32, #tpu.memory_space<vmem_shared>>
    %dma_wait3A_456 = arith.constant 0 : i32
    %dma_wait3A_457 = tpu.memref_slice %arg27[%add3A_453, %dma_wait3A_456] : memref<10240x128xf32, #tpu.memory_space<vmem_shared>> -> memref<64x128xf32, #tpu.memory_space<vmem_shared>>
    tpu.wait_dma2 semaphore(%arg29 : memref<!tpu.dma_semaphore, #tpu.memory_space<semaphore_mem>>) src(%dma_wait3A_457 : memref<64x128xf32, #tpu.memory_space<vmem_shared>>) dst(%arg18 : memref<64x128xf32, #tpu.memory_space<vmem>>)
    %add3A_458 = arith.constant 192 : i32
    %add3A_459 = arith.addi %mul3A_2, %add3A_458 : i32
    %eq3A_460 = arith.constant 0 : i32
    %eq3A_461 = arith.cmpi eq, %arg0, %eq3A_460 : i32
    %convert_element_type3A_462 = arith.extui %eq3A_461 : i1 to i32
    %cond3A_463 = arith.constant 0 : i32
    %cond3A_464 = arith.cmpi ne, %convert_element_type3A_462, %cond3A_463 : i32
    scf.if %cond3A_464 {
      %dma_start3A_704 = arith.constant 0 : i32
      %dma_start3A_705 = tpu.memref_slice %arg5[%add3A_459, %dma_start3A_704] : memref<10240x128xf32, #tpu.memory_space<hbm>> -> memref<64x128xf32, #tpu.memory_space<hbm>>
      %dma_start3A_706 = arith.constant 0 : i32
      %dma_start3A_707 = tpu.memref_slice %arg5[%add3A_459, %dma_start3A_706] : memref<10240x128xf32, #tpu.memory_space<hbm>> -> memref<64x128xf32, #tpu.memory_space<hbm>>
      tpu.enqueue_dma source(%arg18 : memref<64x128xf32, #tpu.memory_space<vmem>>) target(%dma_start3A_707 : memref<64x128xf32, #tpu.memory_space<hbm>>) target_semaphore(%arg33 : memref<!tpu.dma_semaphore, #tpu.memory_space<semaphore_mem>>)
    } else {
    }
    %eq3A_465 = arith.constant 1 : i32
    %eq3A_466 = arith.cmpi eq, %arg0, %eq3A_465 : i32
    %convert_element_type3A_467 = arith.extui %eq3A_466 : i1 to i32
    %cond3A_468 = arith.constant 0 : i32
    %cond3A_469 = arith.cmpi ne, %convert_element_type3A_467, %cond3A_468 : i32
    scf.if %cond3A_469 {
      %dma_start3A_704 = arith.constant 0 : i32
      %dma_start3A_705 = tpu.memref_slice %arg6[%add3A_459, %dma_start3A_704] : memref<10240x128xf32, #tpu.memory_space<hbm>> -> memref<64x128xf32, #tpu.memory_space<hbm>>
      %dma_start3A_706 = arith.constant 0 : i32
      %dma_start3A_707 = tpu.memref_slice %arg6[%add3A_459, %dma_start3A_706] : memref<10240x128xf32, #tpu.memory_space<hbm>> -> memref<64x128xf32, #tpu.memory_space<hbm>>
      tpu.enqueue_dma source(%arg18 : memref<64x128xf32, #tpu.memory_space<vmem>>) target(%dma_start3A_707 : memref<64x128xf32, #tpu.memory_space<hbm>>) target_semaphore(%arg33 : memref<!tpu.dma_semaphore, #tpu.memory_space<semaphore_mem>>)
    } else {
    }
    %add3A_470 = arith.constant 192 : i32
    %add3A_471 = arith.addi %mul3A_2, %add3A_470 : i32
    %eq3A_472 = arith.constant 0 : i32
    %eq3A_473 = arith.cmpi eq, %arg0, %eq3A_472 : i32
    %convert_element_type3A_474 = arith.extui %eq3A_473 : i1 to i32
    %cond3A_475 = arith.constant 0 : i32
    %cond3A_476 = arith.cmpi ne, %convert_element_type3A_474, %cond3A_475 : i32
    scf.if %cond3A_476 {
      %dma_wait3A_704 = arith.constant 0 : i32
      %dma_wait3A_705 = tpu.memref_slice %arg5[%add3A_471, %dma_wait3A_704] : memref<10240x128xf32, #tpu.memory_space<hbm>> -> memref<64x128xf32, #tpu.memory_space<hbm>>
      %dma_wait3A_706 = arith.constant 0 : i32
      %dma_wait3A_707 = tpu.memref_slice %arg5[%add3A_471, %dma_wait3A_706] : memref<10240x128xf32, #tpu.memory_space<hbm>> -> memref<64x128xf32, #tpu.memory_space<hbm>>
      tpu.wait_dma2 semaphore(%arg33 : memref<!tpu.dma_semaphore, #tpu.memory_space<semaphore_mem>>) src(%arg18 : memref<64x128xf32, #tpu.memory_space<vmem>>) dst(%dma_wait3A_707 : memref<64x128xf32, #tpu.memory_space<hbm>>)
    } else {
    }
    %eq3A_477 = arith.constant 1 : i32
    %eq3A_478 = arith.cmpi eq, %arg0, %eq3A_477 : i32
    %convert_element_type3A_479 = arith.extui %eq3A_478 : i1 to i32
    %cond3A_480 = arith.constant 0 : i32
    %cond3A_481 = arith.cmpi ne, %convert_element_type3A_479, %cond3A_480 : i32
    scf.if %cond3A_481 {
      %dma_wait3A_704 = arith.constant 0 : i32
      %dma_wait3A_705 = tpu.memref_slice %arg6[%add3A_471, %dma_wait3A_704] : memref<10240x128xf32, #tpu.memory_space<hbm>> -> memref<64x128xf32, #tpu.memory_space<hbm>>
      %dma_wait3A_706 = arith.constant 0 : i32
      %dma_wait3A_707 = tpu.memref_slice %arg6[%add3A_471, %dma_wait3A_706] : memref<10240x128xf32, #tpu.memory_space<hbm>> -> memref<64x128xf32, #tpu.memory_space<hbm>>
      tpu.wait_dma2 semaphore(%arg33 : memref<!tpu.dma_semaphore, #tpu.memory_space<semaphore_mem>>) src(%arg18 : memref<64x128xf32, #tpu.memory_space<vmem>>) dst(%dma_wait3A_707 : memref<64x128xf32, #tpu.memory_space<hbm>>)
    } else {
    }
    %add3A_482 = arith.constant 320 : i32
    %add3A_483 = arith.addi %mul3A_2, %add3A_482 : i32
    %dma_start3A_484 = arith.constant 0 : i32
    %dma_start3A_485 = tpu.memref_slice %arg27[%add3A_483, %dma_start3A_484] : memref<10240x128xf32, #tpu.memory_space<vmem_shared>> -> memref<64x128xf32, #tpu.memory_space<vmem_shared>>
    %dma_start3A_486 = arith.constant 0 : i32
    %dma_start3A_487 = tpu.memref_slice %arg27[%add3A_483, %dma_start3A_486] : memref<10240x128xf32, #tpu.memory_space<vmem_shared>> -> memref<64x128xf32, #tpu.memory_space<vmem_shared>>
    tpu.enqueue_dma source(%dma_start3A_487 : memref<64x128xf32, #tpu.memory_space<vmem_shared>>) target(%arg18 : memref<64x128xf32, #tpu.memory_space<vmem>>) target_semaphore(%arg29 : memref<!tpu.dma_semaphore, #tpu.memory_space<semaphore_mem>>)
    %add3A_488 = arith.constant 256 : i32
    %add3A_489 = arith.addi %mul3A_2, %add3A_488 : i32
    %dma_wait3A_490 = arith.constant 0 : i32
    %dma_wait3A_491 = tpu.memref_slice %arg27[%add3A_489, %dma_wait3A_490] : memref<10240x128xf32, #tpu.memory_space<vmem_shared>> -> memref<64x128xf32, #tpu.memory_space<vmem_shared>>
    %dma_wait3A_492 = arith.constant 0 : i32
    %dma_wait3A_493 = tpu.memref_slice %arg27[%add3A_489, %dma_wait3A_492] : memref<10240x128xf32, #tpu.memory_space<vmem_shared>> -> memref<64x128xf32, #tpu.memory_space<vmem_shared>>
    tpu.wait_dma2 semaphore(%arg28 : memref<!tpu.dma_semaphore, #tpu.memory_space<semaphore_mem>>) src(%dma_wait3A_493 : memref<64x128xf32, #tpu.memory_space<vmem_shared>>) dst(%arg17 : memref<64x128xf32, #tpu.memory_space<vmem>>)
    %add3A_494 = arith.constant 256 : i32
    %add3A_495 = arith.addi %mul3A_2, %add3A_494 : i32
    %eq3A_496 = arith.constant 0 : i32
    %eq3A_497 = arith.cmpi eq, %arg0, %eq3A_496 : i32
    %convert_element_type3A_498 = arith.extui %eq3A_497 : i1 to i32
    %cond3A_499 = arith.constant 0 : i32
    %cond3A_500 = arith.cmpi ne, %convert_element_type3A_498, %cond3A_499 : i32
    scf.if %cond3A_500 {
      %dma_start3A_704 = arith.constant 0 : i32
      %dma_start3A_705 = tpu.memref_slice %arg5[%add3A_495, %dma_start3A_704] : memref<10240x128xf32, #tpu.memory_space<hbm>> -> memref<64x128xf32, #tpu.memory_space<hbm>>
      %dma_start3A_706 = arith.constant 0 : i32
      %dma_start3A_707 = tpu.memref_slice %arg5[%add3A_495, %dma_start3A_706] : memref<10240x128xf32, #tpu.memory_space<hbm>> -> memref<64x128xf32, #tpu.memory_space<hbm>>
      tpu.enqueue_dma source(%arg17 : memref<64x128xf32, #tpu.memory_space<vmem>>) target(%dma_start3A_707 : memref<64x128xf32, #tpu.memory_space<hbm>>) target_semaphore(%arg32 : memref<!tpu.dma_semaphore, #tpu.memory_space<semaphore_mem>>)
    } else {
    }
    %eq3A_501 = arith.constant 1 : i32
    %eq3A_502 = arith.cmpi eq, %arg0, %eq3A_501 : i32
    %convert_element_type3A_503 = arith.extui %eq3A_502 : i1 to i32
    %cond3A_504 = arith.constant 0 : i32
    %cond3A_505 = arith.cmpi ne, %convert_element_type3A_503, %cond3A_504 : i32
    scf.if %cond3A_505 {
      %dma_start3A_704 = arith.constant 0 : i32
      %dma_start3A_705 = tpu.memref_slice %arg6[%add3A_495, %dma_start3A_704] : memref<10240x128xf32, #tpu.memory_space<hbm>> -> memref<64x128xf32, #tpu.memory_space<hbm>>
      %dma_start3A_706 = arith.constant 0 : i32
      %dma_start3A_707 = tpu.memref_slice %arg6[%add3A_495, %dma_start3A_706] : memref<10240x128xf32, #tpu.memory_space<hbm>> -> memref<64x128xf32, #tpu.memory_space<hbm>>
      tpu.enqueue_dma source(%arg17 : memref<64x128xf32, #tpu.memory_space<vmem>>) target(%dma_start3A_707 : memref<64x128xf32, #tpu.memory_space<hbm>>) target_semaphore(%arg32 : memref<!tpu.dma_semaphore, #tpu.memory_space<semaphore_mem>>)
    } else {
    }
    %add3A_506 = arith.constant 256 : i32
    %add3A_507 = arith.addi %mul3A_2, %add3A_506 : i32
    %eq3A_508 = arith.constant 0 : i32
    %eq3A_509 = arith.cmpi eq, %arg0, %eq3A_508 : i32
    %convert_element_type3A_510 = arith.extui %eq3A_509 : i1 to i32
    %cond3A_511 = arith.constant 0 : i32
    %cond3A_512 = arith.cmpi ne, %convert_element_type3A_510, %cond3A_511 : i32
    scf.if %cond3A_512 {
      %dma_wait3A_704 = arith.constant 0 : i32
      %dma_wait3A_705 = tpu.memref_slice %arg5[%add3A_507, %dma_wait3A_704] : memref<10240x128xf32, #tpu.memory_space<hbm>> -> memref<64x128xf32, #tpu.memory_space<hbm>>
      %dma_wait3A_706 = arith.constant 0 : i32
      %dma_wait3A_707 = tpu.memref_slice %arg5[%add3A_507, %dma_wait3A_706] : memref<10240x128xf32, #tpu.memory_space<hbm>> -> memref<64x128xf32, #tpu.memory_space<hbm>>
      tpu.wait_dma2 semaphore(%arg32 : memref<!tpu.dma_semaphore, #tpu.memory_space<semaphore_mem>>) src(%arg17 : memref<64x128xf32, #tpu.memory_space<vmem>>) dst(%dma_wait3A_707 : memref<64x128xf32, #tpu.memory_space<hbm>>)
    } else {
    }
    %eq3A_513 = arith.constant 1 : i32
    %eq3A_514 = arith.cmpi eq, %arg0, %eq3A_513 : i32
    %convert_element_type3A_515 = arith.extui %eq3A_514 : i1 to i32
    %cond3A_516 = arith.constant 0 : i32
    %cond3A_517 = arith.cmpi ne, %convert_element_type3A_515, %cond3A_516 : i32
    scf.if %cond3A_517 {
      %dma_wait3A_704 = arith.constant 0 : i32
      %dma_wait3A_705 = tpu.memref_slice %arg6[%add3A_507, %dma_wait3A_704] : memref<10240x128xf32, #tpu.memory_space<hbm>> -> memref<64x128xf32, #tpu.memory_space<hbm>>
      %dma_wait3A_706 = arith.constant 0 : i32
      %dma_wait3A_707 = tpu.memref_slice %arg6[%add3A_507, %dma_wait3A_706] : memref<10240x128xf32, #tpu.memory_space<hbm>> -> memref<64x128xf32, #tpu.memory_space<hbm>>
      tpu.wait_dma2 semaphore(%arg32 : memref<!tpu.dma_semaphore, #tpu.memory_space<semaphore_mem>>) src(%arg17 : memref<64x128xf32, #tpu.memory_space<vmem>>) dst(%dma_wait3A_707 : memref<64x128xf32, #tpu.memory_space<hbm>>)
    } else {
    }
    %add3A_518 = arith.constant 384 : i32
    %add3A_519 = arith.addi %mul3A_2, %add3A_518 : i32
    %dma_start3A_520 = arith.constant 0 : i32
    %dma_start3A_521 = tpu.memref_slice %arg27[%add3A_519, %dma_start3A_520] : memref<10240x128xf32, #tpu.memory_space<vmem_shared>> -> memref<64x128xf32, #tpu.memory_space<vmem_shared>>
    %dma_start3A_522 = arith.constant 0 : i32
    %dma_start3A_523 = tpu.memref_slice %arg27[%add3A_519, %dma_start3A_522] : memref<10240x128xf32, #tpu.memory_space<vmem_shared>> -> memref<64x128xf32, #tpu.memory_space<vmem_shared>>
    tpu.enqueue_dma source(%dma_start3A_523 : memref<64x128xf32, #tpu.memory_space<vmem_shared>>) target(%arg17 : memref<64x128xf32, #tpu.memory_space<vmem>>) target_semaphore(%arg28 : memref<!tpu.dma_semaphore, #tpu.memory_space<semaphore_mem>>)
    %add3A_524 = arith.constant 320 : i32
    %add3A_525 = arith.addi %mul3A_2, %add3A_524 : i32
    %dma_wait3A_526 = arith.constant 0 : i32
    %dma_wait3A_527 = tpu.memref_slice %arg27[%add3A_525, %dma_wait3A_526] : memref<10240x128xf32, #tpu.memory_space<vmem_shared>> -> memref<64x128xf32, #tpu.memory_space<vmem_shared>>
    %dma_wait3A_528 = arith.constant 0 : i32
    %dma_wait3A_529 = tpu.memref_slice %arg27[%add3A_525, %dma_wait3A_528] : memref<10240x128xf32, #tpu.memory_space<vmem_shared>> -> memref<64x128xf32, #tpu.memory_space<vmem_shared>>
    tpu.wait_dma2 semaphore(%arg29 : memref<!tpu.dma_semaphore, #tpu.memory_space<semaphore_mem>>) src(%dma_wait3A_529 : memref<64x128xf32, #tpu.memory_space<vmem_shared>>) dst(%arg18 : memref<64x128xf32, #tpu.memory_space<vmem>>)
    %add3A_530 = arith.constant 320 : i32
    %add3A_531 = arith.addi %mul3A_2, %add3A_530 : i32
    %eq3A_532 = arith.constant 0 : i32
    %eq3A_533 = arith.cmpi eq, %arg0, %eq3A_532 : i32
    %convert_element_type3A_534 = arith.extui %eq3A_533 : i1 to i32
    %cond3A_535 = arith.constant 0 : i32
    %cond3A_536 = arith.cmpi ne, %convert_element_type3A_534, %cond3A_535 : i32
    scf.if %cond3A_536 {
      %dma_start3A_704 = arith.constant 0 : i32
      %dma_start3A_705 = tpu.memref_slice %arg5[%add3A_531, %dma_start3A_704] : memref<10240x128xf32, #tpu.memory_space<hbm>> -> memref<64x128xf32, #tpu.memory_space<hbm>>
      %dma_start3A_706 = arith.constant 0 : i32
      %dma_start3A_707 = tpu.memref_slice %arg5[%add3A_531, %dma_start3A_706] : memref<10240x128xf32, #tpu.memory_space<hbm>> -> memref<64x128xf32, #tpu.memory_space<hbm>>
      tpu.enqueue_dma source(%arg18 : memref<64x128xf32, #tpu.memory_space<vmem>>) target(%dma_start3A_707 : memref<64x128xf32, #tpu.memory_space<hbm>>) target_semaphore(%arg33 : memref<!tpu.dma_semaphore, #tpu.memory_space<semaphore_mem>>)
    } else {
    }
    %eq3A_537 = arith.constant 1 : i32
    %eq3A_538 = arith.cmpi eq, %arg0, %eq3A_537 : i32
    %convert_element_type3A_539 = arith.extui %eq3A_538 : i1 to i32
    %cond3A_540 = arith.constant 0 : i32
    %cond3A_541 = arith.cmpi ne, %convert_element_type3A_539, %cond3A_540 : i32
    scf.if %cond3A_541 {
      %dma_start3A_704 = arith.constant 0 : i32
      %dma_start3A_705 = tpu.memref_slice %arg6[%add3A_531, %dma_start3A_704] : memref<10240x128xf32, #tpu.memory_space<hbm>> -> memref<64x128xf32, #tpu.memory_space<hbm>>
      %dma_start3A_706 = arith.constant 0 : i32
      %dma_start3A_707 = tpu.memref_slice %arg6[%add3A_531, %dma_start3A_706] : memref<10240x128xf32, #tpu.memory_space<hbm>> -> memref<64x128xf32, #tpu.memory_space<hbm>>
      tpu.enqueue_dma source(%arg18 : memref<64x128xf32, #tpu.memory_space<vmem>>) target(%dma_start3A_707 : memref<64x128xf32, #tpu.memory_space<hbm>>) target_semaphore(%arg33 : memref<!tpu.dma_semaphore, #tpu.memory_space<semaphore_mem>>)
    } else {
    }
    %add3A_542 = arith.constant 320 : i32
    %add3A_543 = arith.addi %mul3A_2, %add3A_542 : i32
    %eq3A_544 = arith.constant 0 : i32
    %eq3A_545 = arith.cmpi eq, %arg0, %eq3A_544 : i32
    %convert_element_type3A_546 = arith.extui %eq3A_545 : i1 to i32
    %cond3A_547 = arith.constant 0 : i32
    %cond3A_548 = arith.cmpi ne, %convert_element_type3A_546, %cond3A_547 : i32
    scf.if %cond3A_548 {
      %dma_wait3A_704 = arith.constant 0 : i32
      %dma_wait3A_705 = tpu.memref_slice %arg5[%add3A_543, %dma_wait3A_704] : memref<10240x128xf32, #tpu.memory_space<hbm>> -> memref<64x128xf32, #tpu.memory_space<hbm>>
      %dma_wait3A_706 = arith.constant 0 : i32
      %dma_wait3A_707 = tpu.memref_slice %arg5[%add3A_543, %dma_wait3A_706] : memref<10240x128xf32, #tpu.memory_space<hbm>> -> memref<64x128xf32, #tpu.memory_space<hbm>>
      tpu.wait_dma2 semaphore(%arg33 : memref<!tpu.dma_semaphore, #tpu.memory_space<semaphore_mem>>) src(%arg18 : memref<64x128xf32, #tpu.memory_space<vmem>>) dst(%dma_wait3A_707 : memref<64x128xf32, #tpu.memory_space<hbm>>)
    } else {
    }
    %eq3A_549 = arith.constant 1 : i32
    %eq3A_550 = arith.cmpi eq, %arg0, %eq3A_549 : i32
    %convert_element_type3A_551 = arith.extui %eq3A_550 : i1 to i32
    %cond3A_552 = arith.constant 0 : i32
    %cond3A_553 = arith.cmpi ne, %convert_element_type3A_551, %cond3A_552 : i32
    scf.if %cond3A_553 {
      %dma_wait3A_704 = arith.constant 0 : i32
      %dma_wait3A_705 = tpu.memref_slice %arg6[%add3A_543, %dma_wait3A_704] : memref<10240x128xf32, #tpu.memory_space<hbm>> -> memref<64x128xf32, #tpu.memory_space<hbm>>
      %dma_wait3A_706 = arith.constant 0 : i32
      %dma_wait3A_707 = tpu.memref_slice %arg6[%add3A_543, %dma_wait3A_706] : memref<10240x128xf32, #tpu.memory_space<hbm>> -> memref<64x128xf32, #tpu.memory_space<hbm>>
      tpu.wait_dma2 semaphore(%arg33 : memref<!tpu.dma_semaphore, #tpu.memory_space<semaphore_mem>>) src(%arg18 : memref<64x128xf32, #tpu.memory_space<vmem>>) dst(%dma_wait3A_707 : memref<64x128xf32, #tpu.memory_space<hbm>>)
    } else {
    }
    %add3A_554 = arith.constant 448 : i32
    %add3A_555 = arith.addi %mul3A_2, %add3A_554 : i32
    %dma_start3A_556 = arith.constant 0 : i32
    %dma_start3A_557 = tpu.memref_slice %arg27[%add3A_555, %dma_start3A_556] : memref<10240x128xf32, #tpu.memory_space<vmem_shared>> -> memref<64x128xf32, #tpu.memory_space<vmem_shared>>
    %dma_start3A_558 = arith.constant 0 : i32
    %dma_start3A_559 = tpu.memref_slice %arg27[%add3A_555, %dma_start3A_558] : memref<10240x128xf32, #tpu.memory_space<vmem_shared>> -> memref<64x128xf32, #tpu.memory_space<vmem_shared>>
    tpu.enqueue_dma source(%dma_start3A_559 : memref<64x128xf32, #tpu.memory_space<vmem_shared>>) target(%arg18 : memref<64x128xf32, #tpu.memory_space<vmem>>) target_semaphore(%arg29 : memref<!tpu.dma_semaphore, #tpu.memory_space<semaphore_mem>>)
    %add3A_560 = arith.constant 384 : i32
    %add3A_561 = arith.addi %mul3A_2, %add3A_560 : i32
    %dma_wait3A_562 = arith.constant 0 : i32
    %dma_wait3A_563 = tpu.memref_slice %arg27[%add3A_561, %dma_wait3A_562] : memref<10240x128xf32, #tpu.memory_space<vmem_shared>> -> memref<64x128xf32, #tpu.memory_space<vmem_shared>>
    %dma_wait3A_564 = arith.constant 0 : i32
    %dma_wait3A_565 = tpu.memref_slice %arg27[%add3A_561, %dma_wait3A_564] : memref<10240x128xf32, #tpu.memory_space<vmem_shared>> -> memref<64x128xf32, #tpu.memory_space<vmem_shared>>
    tpu.wait_dma2 semaphore(%arg28 : memref<!tpu.dma_semaphore, #tpu.memory_space<semaphore_mem>>) src(%dma_wait3A_565 : memref<64x128xf32, #tpu.memory_space<vmem_shared>>) dst(%arg17 : memref<64x128xf32, #tpu.memory_space<vmem>>)
    %add3A_566 = arith.constant 384 : i32
    %add3A_567 = arith.addi %mul3A_2, %add3A_566 : i32
    %eq3A_568 = arith.constant 0 : i32
    %eq3A_569 = arith.cmpi eq, %arg0, %eq3A_568 : i32
    %convert_element_type3A_570 = arith.extui %eq3A_569 : i1 to i32
    %cond3A_571 = arith.constant 0 : i32
    %cond3A_572 = arith.cmpi ne, %convert_element_type3A_570, %cond3A_571 : i32
    scf.if %cond3A_572 {
      %dma_start3A_704 = arith.constant 0 : i32
      %dma_start3A_705 = tpu.memref_slice %arg5[%add3A_567, %dma_start3A_704] : memref<10240x128xf32, #tpu.memory_space<hbm>> -> memref<64x128xf32, #tpu.memory_space<hbm>>
      %dma_start3A_706 = arith.constant 0 : i32
      %dma_start3A_707 = tpu.memref_slice %arg5[%add3A_567, %dma_start3A_706] : memref<10240x128xf32, #tpu.memory_space<hbm>> -> memref<64x128xf32, #tpu.memory_space<hbm>>
      tpu.enqueue_dma source(%arg17 : memref<64x128xf32, #tpu.memory_space<vmem>>) target(%dma_start3A_707 : memref<64x128xf32, #tpu.memory_space<hbm>>) target_semaphore(%arg32 : memref<!tpu.dma_semaphore, #tpu.memory_space<semaphore_mem>>)
    } else {
    }
    %eq3A_573 = arith.constant 1 : i32
    %eq3A_574 = arith.cmpi eq, %arg0, %eq3A_573 : i32
    %convert_element_type3A_575 = arith.extui %eq3A_574 : i1 to i32
    %cond3A_576 = arith.constant 0 : i32
    %cond3A_577 = arith.cmpi ne, %convert_element_type3A_575, %cond3A_576 : i32
    scf.if %cond3A_577 {
      %dma_start3A_704 = arith.constant 0 : i32
      %dma_start3A_705 = tpu.memref_slice %arg6[%add3A_567, %dma_start3A_704] : memref<10240x128xf32, #tpu.memory_space<hbm>> -> memref<64x128xf32, #tpu.memory_space<hbm>>
      %dma_start3A_706 = arith.constant 0 : i32
      %dma_start3A_707 = tpu.memref_slice %arg6[%add3A_567, %dma_start3A_706] : memref<10240x128xf32, #tpu.memory_space<hbm>> -> memref<64x128xf32, #tpu.memory_space<hbm>>
      tpu.enqueue_dma source(%arg17 : memref<64x128xf32, #tpu.memory_space<vmem>>) target(%dma_start3A_707 : memref<64x128xf32, #tpu.memory_space<hbm>>) target_semaphore(%arg32 : memref<!tpu.dma_semaphore, #tpu.memory_space<semaphore_mem>>)
    } else {
    }
    %add3A_578 = arith.constant 384 : i32
    %add3A_579 = arith.addi %mul3A_2, %add3A_578 : i32
    %eq3A_580 = arith.constant 0 : i32
    %eq3A_581 = arith.cmpi eq, %arg0, %eq3A_580 : i32
    %convert_element_type3A_582 = arith.extui %eq3A_581 : i1 to i32
    %cond3A_583 = arith.constant 0 : i32
    %cond3A_584 = arith.cmpi ne, %convert_element_type3A_582, %cond3A_583 : i32
    scf.if %cond3A_584 {
      %dma_wait3A_704 = arith.constant 0 : i32
      %dma_wait3A_705 = tpu.memref_slice %arg5[%add3A_579, %dma_wait3A_704] : memref<10240x128xf32, #tpu.memory_space<hbm>> -> memref<64x128xf32, #tpu.memory_space<hbm>>
      %dma_wait3A_706 = arith.constant 0 : i32
      %dma_wait3A_707 = tpu.memref_slice %arg5[%add3A_579, %dma_wait3A_706] : memref<10240x128xf32, #tpu.memory_space<hbm>> -> memref<64x128xf32, #tpu.memory_space<hbm>>
      tpu.wait_dma2 semaphore(%arg32 : memref<!tpu.dma_semaphore, #tpu.memory_space<semaphore_mem>>) src(%arg17 : memref<64x128xf32, #tpu.memory_space<vmem>>) dst(%dma_wait3A_707 : memref<64x128xf32, #tpu.memory_space<hbm>>)
    } else {
    }
    %eq3A_585 = arith.constant 1 : i32
    %eq3A_586 = arith.cmpi eq, %arg0, %eq3A_585 : i32
    %convert_element_type3A_587 = arith.extui %eq3A_586 : i1 to i32
    %cond3A_588 = arith.constant 0 : i32
    %cond3A_589 = arith.cmpi ne, %convert_element_type3A_587, %cond3A_588 : i32
    scf.if %cond3A_589 {
      %dma_wait3A_704 = arith.constant 0 : i32
      %dma_wait3A_705 = tpu.memref_slice %arg6[%add3A_579, %dma_wait3A_704] : memref<10240x128xf32, #tpu.memory_space<hbm>> -> memref<64x128xf32, #tpu.memory_space<hbm>>
      %dma_wait3A_706 = arith.constant 0 : i32
      %dma_wait3A_707 = tpu.memref_slice %arg6[%add3A_579, %dma_wait3A_706] : memref<10240x128xf32, #tpu.memory_space<hbm>> -> memref<64x128xf32, #tpu.memory_space<hbm>>
      tpu.wait_dma2 semaphore(%arg32 : memref<!tpu.dma_semaphore, #tpu.memory_space<semaphore_mem>>) src(%arg17 : memref<64x128xf32, #tpu.memory_space<vmem>>) dst(%dma_wait3A_707 : memref<64x128xf32, #tpu.memory_space<hbm>>)
    } else {
    }
    %add3A_590 = arith.constant 512 : i32
    %add3A_591 = arith.addi %mul3A_2, %add3A_590 : i32
    %dma_start3A_592 = arith.constant 0 : i32
    %dma_start3A_593 = tpu.memref_slice %arg27[%add3A_591, %dma_start3A_592] : memref<10240x128xf32, #tpu.memory_space<vmem_shared>> -> memref<64x128xf32, #tpu.memory_space<vmem_shared>>
    %dma_start3A_594 = arith.constant 0 : i32
    %dma_start3A_595 = tpu.memref_slice %arg27[%add3A_591, %dma_start3A_594] : memref<10240x128xf32, #tpu.memory_space<vmem_shared>> -> memref<64x128xf32, #tpu.memory_space<vmem_shared>>
    tpu.enqueue_dma source(%dma_start3A_595 : memref<64x128xf32, #tpu.memory_space<vmem_shared>>) target(%arg17 : memref<64x128xf32, #tpu.memory_space<vmem>>) target_semaphore(%arg28 : memref<!tpu.dma_semaphore, #tpu.memory_space<semaphore_mem>>)
    %add3A_596 = arith.constant 448 : i32
    %add3A_597 = arith.addi %mul3A_2, %add3A_596 : i32
    %dma_wait3A_598 = arith.constant 0 : i32
    %dma_wait3A_599 = tpu.memref_slice %arg27[%add3A_597, %dma_wait3A_598] : memref<10240x128xf32, #tpu.memory_space<vmem_shared>> -> memref<64x128xf32, #tpu.memory_space<vmem_shared>>
    %dma_wait3A_600 = arith.constant 0 : i32
    %dma_wait3A_601 = tpu.memref_slice %arg27[%add3A_597, %dma_wait3A_600] : memref<10240x128xf32, #tpu.memory_space<vmem_shared>> -> memref<64x128xf32, #tpu.memory_space<vmem_shared>>
    tpu.wait_dma2 semaphore(%arg29 : memref<!tpu.dma_semaphore, #tpu.memory_space<semaphore_mem>>) src(%dma_wait3A_601 : memref<64x128xf32, #tpu.memory_space<vmem_shared>>) dst(%arg18 : memref<64x128xf32, #tpu.memory_space<vmem>>)
    %add3A_602 = arith.constant 448 : i32
    %add3A_603 = arith.addi %mul3A_2, %add3A_602 : i32
    %eq3A_604 = arith.constant 0 : i32
    %eq3A_605 = arith.cmpi eq, %arg0, %eq3A_604 : i32
    %convert_element_type3A_606 = arith.extui %eq3A_605 : i1 to i32
    %cond3A_607 = arith.constant 0 : i32
    %cond3A_608 = arith.cmpi ne, %convert_element_type3A_606, %cond3A_607 : i32
    scf.if %cond3A_608 {
      %dma_start3A_704 = arith.constant 0 : i32
      %dma_start3A_705 = tpu.memref_slice %arg5[%add3A_603, %dma_start3A_704] : memref<10240x128xf32, #tpu.memory_space<hbm>> -> memref<64x128xf32, #tpu.memory_space<hbm>>
      %dma_start3A_706 = arith.constant 0 : i32
      %dma_start3A_707 = tpu.memref_slice %arg5[%add3A_603, %dma_start3A_706] : memref<10240x128xf32, #tpu.memory_space<hbm>> -> memref<64x128xf32, #tpu.memory_space<hbm>>
      tpu.enqueue_dma source(%arg18 : memref<64x128xf32, #tpu.memory_space<vmem>>) target(%dma_start3A_707 : memref<64x128xf32, #tpu.memory_space<hbm>>) target_semaphore(%arg33 : memref<!tpu.dma_semaphore, #tpu.memory_space<semaphore_mem>>)
    } else {
    }
    %eq3A_609 = arith.constant 1 : i32
    %eq3A_610 = arith.cmpi eq, %arg0, %eq3A_609 : i32
    %convert_element_type3A_611 = arith.extui %eq3A_610 : i1 to i32
    %cond3A_612 = arith.constant 0 : i32
    %cond3A_613 = arith.cmpi ne, %convert_element_type3A_611, %cond3A_612 : i32
    scf.if %cond3A_613 {
      %dma_start3A_704 = arith.constant 0 : i32
      %dma_start3A_705 = tpu.memref_slice %arg6[%add3A_603, %dma_start3A_704] : memref<10240x128xf32, #tpu.memory_space<hbm>> -> memref<64x128xf32, #tpu.memory_space<hbm>>
      %dma_start3A_706 = arith.constant 0 : i32
      %dma_start3A_707 = tpu.memref_slice %arg6[%add3A_603, %dma_start3A_706] : memref<10240x128xf32, #tpu.memory_space<hbm>> -> memref<64x128xf32, #tpu.memory_space<hbm>>
      tpu.enqueue_dma source(%arg18 : memref<64x128xf32, #tpu.memory_space<vmem>>) target(%dma_start3A_707 : memref<64x128xf32, #tpu.memory_space<hbm>>) target_semaphore(%arg33 : memref<!tpu.dma_semaphore, #tpu.memory_space<semaphore_mem>>)
    } else {
    }
    %add3A_614 = arith.constant 448 : i32
    %add3A_615 = arith.addi %mul3A_2, %add3A_614 : i32
    %eq3A_616 = arith.constant 0 : i32
    %eq3A_617 = arith.cmpi eq, %arg0, %eq3A_616 : i32
    %convert_element_type3A_618 = arith.extui %eq3A_617 : i1 to i32
    %cond3A_619 = arith.constant 0 : i32
    %cond3A_620 = arith.cmpi ne, %convert_element_type3A_618, %cond3A_619 : i32
    scf.if %cond3A_620 {
      %dma_wait3A_704 = arith.constant 0 : i32
      %dma_wait3A_705 = tpu.memref_slice %arg5[%add3A_615, %dma_wait3A_704] : memref<10240x128xf32, #tpu.memory_space<hbm>> -> memref<64x128xf32, #tpu.memory_space<hbm>>
      %dma_wait3A_706 = arith.constant 0 : i32
      %dma_wait3A_707 = tpu.memref_slice %arg5[%add3A_615, %dma_wait3A_706] : memref<10240x128xf32, #tpu.memory_space<hbm>> -> memref<64x128xf32, #tpu.memory_space<hbm>>
      tpu.wait_dma2 semaphore(%arg33 : memref<!tpu.dma_semaphore, #tpu.memory_space<semaphore_mem>>) src(%arg18 : memref<64x128xf32, #tpu.memory_space<vmem>>) dst(%dma_wait3A_707 : memref<64x128xf32, #tpu.memory_space<hbm>>)
    } else {
    }
    %eq3A_621 = arith.constant 1 : i32
    %eq3A_622 = arith.cmpi eq, %arg0, %eq3A_621 : i32
    %convert_element_type3A_623 = arith.extui %eq3A_622 : i1 to i32
    %cond3A_624 = arith.constant 0 : i32
    %cond3A_625 = arith.cmpi ne, %convert_element_type3A_623, %cond3A_624 : i32
    scf.if %cond3A_625 {
      %dma_wait3A_704 = arith.constant 0 : i32
      %dma_wait3A_705 = tpu.memref_slice %arg6[%add3A_615, %dma_wait3A_704] : memref<10240x128xf32, #tpu.memory_space<hbm>> -> memref<64x128xf32, #tpu.memory_space<hbm>>
      %dma_wait3A_706 = arith.constant 0 : i32
      %dma_wait3A_707 = tpu.memref_slice %arg6[%add3A_615, %dma_wait3A_706] : memref<10240x128xf32, #tpu.memory_space<hbm>> -> memref<64x128xf32, #tpu.memory_space<hbm>>
      tpu.wait_dma2 semaphore(%arg33 : memref<!tpu.dma_semaphore, #tpu.memory_space<semaphore_mem>>) src(%arg18 : memref<64x128xf32, #tpu.memory_space<vmem>>) dst(%dma_wait3A_707 : memref<64x128xf32, #tpu.memory_space<hbm>>)
    } else {
    }
    %add3A_626 = arith.constant 576 : i32
    %add3A_627 = arith.addi %mul3A_2, %add3A_626 : i32
    %dma_start3A_628 = arith.constant 0 : i32
    %dma_start3A_629 = tpu.memref_slice %arg27[%add3A_627, %dma_start3A_628] : memref<10240x128xf32, #tpu.memory_space<vmem_shared>> -> memref<64x128xf32, #tpu.memory_space<vmem_shared>>
    %dma_start3A_630 = arith.constant 0 : i32
    %dma_start3A_631 = tpu.memref_slice %arg27[%add3A_627, %dma_start3A_630] : memref<10240x128xf32, #tpu.memory_space<vmem_shared>> -> memref<64x128xf32, #tpu.memory_space<vmem_shared>>
    tpu.enqueue_dma source(%dma_start3A_631 : memref<64x128xf32, #tpu.memory_space<vmem_shared>>) target(%arg18 : memref<64x128xf32, #tpu.memory_space<vmem>>) target_semaphore(%arg29 : memref<!tpu.dma_semaphore, #tpu.memory_space<semaphore_mem>>)
    %add3A_632 = arith.constant 512 : i32
    %add3A_633 = arith.addi %mul3A_2, %add3A_632 : i32
    %dma_wait3A_634 = arith.constant 0 : i32
    %dma_wait3A_635 = tpu.memref_slice %arg27[%add3A_633, %dma_wait3A_634] : memref<10240x128xf32, #tpu.memory_space<vmem_shared>> -> memref<64x128xf32, #tpu.memory_space<vmem_shared>>
    %dma_wait3A_636 = arith.constant 0 : i32
    %dma_wait3A_637 = tpu.memref_slice %arg27[%add3A_633, %dma_wait3A_636] : memref<10240x128xf32, #tpu.memory_space<vmem_shared>> -> memref<64x128xf32, #tpu.memory_space<vmem_shared>>
    tpu.wait_dma2 semaphore(%arg28 : memref<!tpu.dma_semaphore, #tpu.memory_space<semaphore_mem>>) src(%dma_wait3A_637 : memref<64x128xf32, #tpu.memory_space<vmem_shared>>) dst(%arg17 : memref<64x128xf32, #tpu.memory_space<vmem>>)
    %add3A_638 = arith.constant 512 : i32
    %add3A_639 = arith.addi %mul3A_2, %add3A_638 : i32
    %eq3A_640 = arith.constant 0 : i32
    %eq3A_641 = arith.cmpi eq, %arg0, %eq3A_640 : i32
    %convert_element_type3A_642 = arith.extui %eq3A_641 : i1 to i32
    %cond3A_643 = arith.constant 0 : i32
    %cond3A_644 = arith.cmpi ne, %convert_element_type3A_642, %cond3A_643 : i32
    scf.if %cond3A_644 {
      %dma_start3A_704 = arith.constant 0 : i32
      %dma_start3A_705 = tpu.memref_slice %arg5[%add3A_639, %dma_start3A_704] : memref<10240x128xf32, #tpu.memory_space<hbm>> -> memref<64x128xf32, #tpu.memory_space<hbm>>
      %dma_start3A_706 = arith.constant 0 : i32
      %dma_start3A_707 = tpu.memref_slice %arg5[%add3A_639, %dma_start3A_706] : memref<10240x128xf32, #tpu.memory_space<hbm>> -> memref<64x128xf32, #tpu.memory_space<hbm>>
      tpu.enqueue_dma source(%arg17 : memref<64x128xf32, #tpu.memory_space<vmem>>) target(%dma_start3A_707 : memref<64x128xf32, #tpu.memory_space<hbm>>) target_semaphore(%arg32 : memref<!tpu.dma_semaphore, #tpu.memory_space<semaphore_mem>>)
    } else {
    }
    %eq3A_645 = arith.constant 1 : i32
    %eq3A_646 = arith.cmpi eq, %arg0, %eq3A_645 : i32
    %convert_element_type3A_647 = arith.extui %eq3A_646 : i1 to i32
    %cond3A_648 = arith.constant 0 : i32
    %cond3A_649 = arith.cmpi ne, %convert_element_type3A_647, %cond3A_648 : i32
    scf.if %cond3A_649 {
      %dma_start3A_704 = arith.constant 0 : i32
      %dma_start3A_705 = tpu.memref_slice %arg6[%add3A_639, %dma_start3A_704] : memref<10240x128xf32, #tpu.memory_space<hbm>> -> memref<64x128xf32, #tpu.memory_space<hbm>>
      %dma_start3A_706 = arith.constant 0 : i32
      %dma_start3A_707 = tpu.memref_slice %arg6[%add3A_639, %dma_start3A_706] : memref<10240x128xf32, #tpu.memory_space<hbm>> -> memref<64x128xf32, #tpu.memory_space<hbm>>
      tpu.enqueue_dma source(%arg17 : memref<64x128xf32, #tpu.memory_space<vmem>>) target(%dma_start3A_707 : memref<64x128xf32, #tpu.memory_space<hbm>>) target_semaphore(%arg32 : memref<!tpu.dma_semaphore, #tpu.memory_space<semaphore_mem>>)
    } else {
    }
    %add3A_650 = arith.constant 576 : i32
    %add3A_651 = arith.addi %mul3A_2, %add3A_650 : i32
    %dma_wait3A_652 = arith.constant 0 : i32
    %dma_wait3A_653 = tpu.memref_slice %arg27[%add3A_651, %dma_wait3A_652] : memref<10240x128xf32, #tpu.memory_space<vmem_shared>> -> memref<64x128xf32, #tpu.memory_space<vmem_shared>>
    %dma_wait3A_654 = arith.constant 0 : i32
    %dma_wait3A_655 = tpu.memref_slice %arg27[%add3A_651, %dma_wait3A_654] : memref<10240x128xf32, #tpu.memory_space<vmem_shared>> -> memref<64x128xf32, #tpu.memory_space<vmem_shared>>
    tpu.wait_dma2 semaphore(%arg29 : memref<!tpu.dma_semaphore, #tpu.memory_space<semaphore_mem>>) src(%dma_wait3A_655 : memref<64x128xf32, #tpu.memory_space<vmem_shared>>) dst(%arg18 : memref<64x128xf32, #tpu.memory_space<vmem>>)
    %add3A_656 = arith.constant 576 : i32
    %add3A_657 = arith.addi %mul3A_2, %add3A_656 : i32
    %eq3A_658 = arith.constant 0 : i32
    %eq3A_659 = arith.cmpi eq, %arg0, %eq3A_658 : i32
    %convert_element_type3A_660 = arith.extui %eq3A_659 : i1 to i32
    %cond3A_661 = arith.constant 0 : i32
    %cond3A_662 = arith.cmpi ne, %convert_element_type3A_660, %cond3A_661 : i32
    scf.if %cond3A_662 {
      %dma_start3A_704 = arith.constant 0 : i32
      %dma_start3A_705 = tpu.memref_slice %arg5[%add3A_657, %dma_start3A_704] : memref<10240x128xf32, #tpu.memory_space<hbm>> -> memref<64x128xf32, #tpu.memory_space<hbm>>
      %dma_start3A_706 = arith.constant 0 : i32
      %dma_start3A_707 = tpu.memref_slice %arg5[%add3A_657, %dma_start3A_706] : memref<10240x128xf32, #tpu.memory_space<hbm>> -> memref<64x128xf32, #tpu.memory_space<hbm>>
      tpu.enqueue_dma source(%arg18 : memref<64x128xf32, #tpu.memory_space<vmem>>) target(%dma_start3A_707 : memref<64x128xf32, #tpu.memory_space<hbm>>) target_semaphore(%arg33 : memref<!tpu.dma_semaphore, #tpu.memory_space<semaphore_mem>>)
    } else {
    }
    %eq3A_663 = arith.constant 1 : i32
    %eq3A_664 = arith.cmpi eq, %arg0, %eq3A_663 : i32
    %convert_element_type3A_665 = arith.extui %eq3A_664 : i1 to i32
    %cond3A_666 = arith.constant 0 : i32
    %cond3A_667 = arith.cmpi ne, %convert_element_type3A_665, %cond3A_666 : i32
    scf.if %cond3A_667 {
      %dma_start3A_704 = arith.constant 0 : i32
      %dma_start3A_705 = tpu.memref_slice %arg6[%add3A_657, %dma_start3A_704] : memref<10240x128xf32, #tpu.memory_space<hbm>> -> memref<64x128xf32, #tpu.memory_space<hbm>>
      %dma_start3A_706 = arith.constant 0 : i32
      %dma_start3A_707 = tpu.memref_slice %arg6[%add3A_657, %dma_start3A_706] : memref<10240x128xf32, #tpu.memory_space<hbm>> -> memref<64x128xf32, #tpu.memory_space<hbm>>
      tpu.enqueue_dma source(%arg18 : memref<64x128xf32, #tpu.memory_space<vmem>>) target(%dma_start3A_707 : memref<64x128xf32, #tpu.memory_space<hbm>>) target_semaphore(%arg33 : memref<!tpu.dma_semaphore, #tpu.memory_space<semaphore_mem>>)
    } else {
    }
    %add3A_668 = arith.constant 512 : i32
    %add3A_669 = arith.addi %mul3A_2, %add3A_668 : i32
    %eq3A_670 = arith.constant 0 : i32
    %eq3A_671 = arith.cmpi eq, %arg0, %eq3A_670 : i32
    %convert_element_type3A_672 = arith.extui %eq3A_671 : i1 to i32
    %cond3A_673 = arith.constant 0 : i32
    %cond3A_674 = arith.cmpi ne, %convert_element_type3A_672, %cond3A_673 : i32
    scf.if %cond3A_674 {
      %dma_wait3A_704 = arith.constant 0 : i32
      %dma_wait3A_705 = tpu.memref_slice %arg5[%add3A_669, %dma_wait3A_704] : memref<10240x128xf32, #tpu.memory_space<hbm>> -> memref<64x128xf32, #tpu.memory_space<hbm>>
      %dma_wait3A_706 = arith.constant 0 : i32
      %dma_wait3A_707 = tpu.memref_slice %arg5[%add3A_669, %dma_wait3A_706] : memref<10240x128xf32, #tpu.memory_space<hbm>> -> memref<64x128xf32, #tpu.memory_space<hbm>>
      tpu.wait_dma2 semaphore(%arg32 : memref<!tpu.dma_semaphore, #tpu.memory_space<semaphore_mem>>) src(%arg17 : memref<64x128xf32, #tpu.memory_space<vmem>>) dst(%dma_wait3A_707 : memref<64x128xf32, #tpu.memory_space<hbm>>)
    } else {
    }
    %eq3A_675 = arith.constant 1 : i32
    %eq3A_676 = arith.cmpi eq, %arg0, %eq3A_675 : i32
    %convert_element_type3A_677 = arith.extui %eq3A_676 : i1 to i32
    %cond3A_678 = arith.constant 0 : i32
    %cond3A_679 = arith.cmpi ne, %convert_element_type3A_677, %cond3A_678 : i32
    scf.if %cond3A_679 {
      %dma_wait3A_704 = arith.constant 0 : i32
      %dma_wait3A_705 = tpu.memref_slice %arg6[%add3A_669, %dma_wait3A_704] : memref<10240x128xf32, #tpu.memory_space<hbm>> -> memref<64x128xf32, #tpu.memory_space<hbm>>
      %dma_wait3A_706 = arith.constant 0 : i32
      %dma_wait3A_707 = tpu.memref_slice %arg6[%add3A_669, %dma_wait3A_706] : memref<10240x128xf32, #tpu.memory_space<hbm>> -> memref<64x128xf32, #tpu.memory_space<hbm>>
      tpu.wait_dma2 semaphore(%arg32 : memref<!tpu.dma_semaphore, #tpu.memory_space<semaphore_mem>>) src(%arg17 : memref<64x128xf32, #tpu.memory_space<vmem>>) dst(%dma_wait3A_707 : memref<64x128xf32, #tpu.memory_space<hbm>>)
    } else {
    }
    %add3A_680 = arith.constant 576 : i32
    %add3A_681 = arith.addi %mul3A_2, %add3A_680 : i32
    %eq3A_682 = arith.constant 0 : i32
    %eq3A_683 = arith.cmpi eq, %arg0, %eq3A_682 : i32
    %convert_element_type3A_684 = arith.extui %eq3A_683 : i1 to i32
    %cond3A_685 = arith.constant 0 : i32
    %cond3A_686 = arith.cmpi ne, %convert_element_type3A_684, %cond3A_685 : i32
    scf.if %cond3A_686 {
      %dma_wait3A_704 = arith.constant 0 : i32
      %dma_wait3A_705 = tpu.memref_slice %arg5[%add3A_681, %dma_wait3A_704] : memref<10240x128xf32, #tpu.memory_space<hbm>> -> memref<64x128xf32, #tpu.memory_space<hbm>>
      %dma_wait3A_706 = arith.constant 0 : i32
      %dma_wait3A_707 = tpu.memref_slice %arg5[%add3A_681, %dma_wait3A_706] : memref<10240x128xf32, #tpu.memory_space<hbm>> -> memref<64x128xf32, #tpu.memory_space<hbm>>
      tpu.wait_dma2 semaphore(%arg33 : memref<!tpu.dma_semaphore, #tpu.memory_space<semaphore_mem>>) src(%arg18 : memref<64x128xf32, #tpu.memory_space<vmem>>) dst(%dma_wait3A_707 : memref<64x128xf32, #tpu.memory_space<hbm>>)
    } else {
    }
    %eq3A_687 = arith.constant 1 : i32
    %eq3A_688 = arith.cmpi eq, %arg0, %eq3A_687 : i32
    %convert_element_type3A_689 = arith.extui %eq3A_688 : i1 to i32
    %cond3A_690 = arith.constant 0 : i32
    %cond3A_691 = arith.cmpi ne, %convert_element_type3A_689, %cond3A_690 : i32
    scf.if %cond3A_691 {
      %dma_wait3A_704 = arith.constant 0 : i32
      %dma_wait3A_705 = tpu.memref_slice %arg6[%add3A_681, %dma_wait3A_704] : memref<10240x128xf32, #tpu.memory_space<hbm>> -> memref<64x128xf32, #tpu.memory_space<hbm>>
      %dma_wait3A_706 = arith.constant 0 : i32
      %dma_wait3A_707 = tpu.memref_slice %arg6[%add3A_681, %dma_wait3A_706] : memref<10240x128xf32, #tpu.memory_space<hbm>> -> memref<64x128xf32, #tpu.memory_space<hbm>>
      tpu.wait_dma2 semaphore(%arg33 : memref<!tpu.dma_semaphore, #tpu.memory_space<semaphore_mem>>) src(%arg18 : memref<64x128xf32, #tpu.memory_space<vmem>>) dst(%dma_wait3A_707 : memref<64x128xf32, #tpu.memory_space<hbm>>)
    } else {
    }
    %mul3A_692 = arith.constant 640 : i32
    %mul3A_693 = arith.muli %arg1, %mul3A_692 : i32
    "tpu.region"() ({
      %run_scoped3A = tpu.sem_alloc : memref<!tpu.dma_semaphore, #tpu.memory_space<semaphore_mem>>
      %dma_start3A_704 = tpu.memref_slice %arg25[%mul3A_693] : memref<10240xf32, #tpu.memory_space<vmem_shared>> -> memref<640xf32, #tpu.memory_space<vmem_shared>>
      %dma_start3A_705 = tpu.memref_slice %arg25[%mul3A_693] : memref<10240xf32, #tpu.memory_space<vmem_shared>> -> memref<640xf32, #tpu.memory_space<vmem_shared>>
      tpu.enqueue_dma source(%dma_start3A_705 : memref<640xf32, #tpu.memory_space<vmem_shared>>) target(%arg26 : memref<640xf32, #tpu.memory_space<vmem>>) target_semaphore(%run_scoped3A : memref<!tpu.dma_semaphore, #tpu.memory_space<semaphore_mem>>)
      %dma_wait3A_706 = tpu.memref_slice %arg25[%mul3A_693] : memref<10240xf32, #tpu.memory_space<vmem_shared>> -> memref<640xf32, #tpu.memory_space<vmem_shared>>
      %dma_wait3A_707 = tpu.memref_slice %arg25[%mul3A_693] : memref<10240xf32, #tpu.memory_space<vmem_shared>> -> memref<640xf32, #tpu.memory_space<vmem_shared>>
      tpu.wait_dma2 semaphore(%run_scoped3A : memref<!tpu.dma_semaphore, #tpu.memory_space<semaphore_mem>>) src(%dma_wait3A_707 : memref<640xf32, #tpu.memory_space<vmem_shared>>) dst(%arg26 : memref<640xf32, #tpu.memory_space<vmem>>)
      tpu.yield
    }) : () -> ()
    %eq3A_694 = arith.constant 0 : i32
    %eq3A_695 = arith.cmpi eq, %arg0, %eq3A_694 : i32
    %convert_element_type3A_696 = arith.extui %eq3A_695 : i1 to i32
    %cond3A_697 = arith.constant 0 : i32
    %cond3A_698 = arith.cmpi ne, %convert_element_type3A_696, %cond3A_697 : i32
    scf.if %cond3A_698 {
      "tpu.region"() ({
        %run_scoped3A = tpu.sem_alloc : memref<!tpu.dma_semaphore, #tpu.memory_space<semaphore_mem>>
        %dma_start3A_704 = tpu.memref_slice %arg7[%mul3A_693] : memref<10240xf32, #tpu.memory_space<hbm>> -> memref<640xf32, #tpu.memory_space<hbm>>
        %dma_start3A_705 = tpu.memref_slice %arg7[%mul3A_693] : memref<10240xf32, #tpu.memory_space<hbm>> -> memref<640xf32, #tpu.memory_space<hbm>>
        tpu.enqueue_dma source(%arg26 : memref<640xf32, #tpu.memory_space<vmem>>) target(%dma_start3A_705 : memref<640xf32, #tpu.memory_space<hbm>>) target_semaphore(%run_scoped3A : memref<!tpu.dma_semaphore, #tpu.memory_space<semaphore_mem>>)
        %dma_wait3A_706 = tpu.memref_slice %arg7[%mul3A_693] : memref<10240xf32, #tpu.memory_space<hbm>> -> memref<640xf32, #tpu.memory_space<hbm>>
        %dma_wait3A_707 = tpu.memref_slice %arg7[%mul3A_693] : memref<10240xf32, #tpu.memory_space<hbm>> -> memref<640xf32, #tpu.memory_space<hbm>>
        tpu.wait_dma2 semaphore(%run_scoped3A : memref<!tpu.dma_semaphore, #tpu.memory_space<semaphore_mem>>) src(%arg26 : memref<640xf32, #tpu.memory_space<vmem>>) dst(%dma_wait3A_707 : memref<640xf32, #tpu.memory_space<hbm>>)
        tpu.yield
      }) : () -> ()
    } else {
    }
    %eq3A_699 = arith.constant 1 : i32
    %eq3A_700 = arith.cmpi eq, %arg0, %eq3A_699 : i32
    %convert_element_type3A_701 = arith.extui %eq3A_700 : i1 to i32
    %cond3A_702 = arith.constant 0 : i32
    %cond3A_703 = arith.cmpi ne, %convert_element_type3A_701, %cond3A_702 : i32
    scf.if %cond3A_703 {
      "tpu.region"() ({
        %run_scoped3A = tpu.sem_alloc : memref<!tpu.dma_semaphore, #tpu.memory_space<semaphore_mem>>
        %dma_start3A_704 = tpu.memref_slice %arg8[%mul3A_693] : memref<10240xf32, #tpu.memory_space<hbm>> -> memref<640xf32, #tpu.memory_space<hbm>>
        %dma_start3A_705 = tpu.memref_slice %arg8[%mul3A_693] : memref<10240xf32, #tpu.memory_space<hbm>> -> memref<640xf32, #tpu.memory_space<hbm>>
        tpu.enqueue_dma source(%arg26 : memref<640xf32, #tpu.memory_space<vmem>>) target(%dma_start3A_705 : memref<640xf32, #tpu.memory_space<hbm>>) target_semaphore(%run_scoped3A : memref<!tpu.dma_semaphore, #tpu.memory_space<semaphore_mem>>)
        %dma_wait3A_706 = tpu.memref_slice %arg8[%mul3A_693] : memref<10240xf32, #tpu.memory_space<hbm>> -> memref<640xf32, #tpu.memory_space<hbm>>
        %dma_wait3A_707 = tpu.memref_slice %arg8[%mul3A_693] : memref<10240xf32, #tpu.memory_space<hbm>> -> memref<640xf32, #tpu.memory_space<hbm>>
        tpu.wait_dma2 semaphore(%run_scoped3A : memref<!tpu.dma_semaphore, #tpu.memory_space<semaphore_mem>>) src(%arg26 : memref<640xf32, #tpu.memory_space<vmem>>) dst(%dma_wait3A_707 : memref<640xf32, #tpu.memory_space<hbm>>)
        tpu.yield
      }) : () -> ()
    } else {
    }
    return
  }
}

#map = affine_map<(d0, d1) -> (0, 0)>
#map1 = affine_map<(d0, d1) -> (0)>
module attributes {stable_mosaic.version = 14 : i64} {
  func.func @sage_sc_pass2(%arg0: i32, %arg1: i32, %arg2: memref<10000x128xf32, #tpu.memory_space<hbm>>, %arg3: memref<320000xi32, #tpu.memory_space<hbm>>, %arg4: memref<320000xi32, #tpu.memory_space<hbm>>, %arg5: memref<10240x128xf32, #tpu.memory_space<hbm>>, %arg6: memref<10240x128xf32, #tpu.memory_space<hbm>>, %arg7: memref<64xi32, #tpu.memory_space<vmem>>, %arg8: memref<64xi32, #tpu.memory_space<vmem>>, %arg9: memref<64xi32, #tpu.memory_space<vmem>>, %arg10: memref<64xi32, #tpu.memory_space<vmem>>, %arg11: memref<64xi32, #tpu.memory_space<vmem>>, %arg12: memref<64xi32, #tpu.memory_space<vmem>>, %arg13: memref<64xi32, #tpu.memory_space<vmem>>, %arg14: memref<64xi32, #tpu.memory_space<vmem>>, %arg15: memref<64x128xf32, #tpu.memory_space<vmem>>, %arg16: memref<64x128xf32, #tpu.memory_space<vmem>>, %arg17: memref<64x128xf32, #tpu.memory_space<vmem>>, %arg18: memref<64x128xf32, #tpu.memory_space<vmem>>, %arg19: memref<16xi32, #tpu.memory_space<vmem>>, %arg20: memref<16xi32, #tpu.memory_space<vmem>>, %arg21: memref<16x128xf32, #tpu.memory_space<vmem>>, %arg22: memref<10240x128xf32, #tpu.memory_space<vmem_shared>>, %arg23: memref<!tpu.dma_semaphore, #tpu.memory_space<semaphore_mem>>, %arg24: memref<!tpu.dma_semaphore, #tpu.memory_space<semaphore_mem>>, %arg25: memref<!tpu.dma_semaphore, #tpu.memory_space<semaphore_mem>>, %arg26: memref<!tpu.dma_semaphore, #tpu.memory_space<semaphore_mem>>, %arg27: memref<!tpu.dma_semaphore, #tpu.memory_space<semaphore_mem>>, %arg28: memref<!tpu.dma_semaphore, #tpu.memory_space<semaphore_mem>>, %arg29: memref<!tpu.dma_semaphore, #tpu.memory_space<semaphore_mem>>, %arg30: memref<!tpu.dma_semaphore, #tpu.memory_space<semaphore_mem>>, %arg31: memref<!tpu.dma_semaphore, #tpu.memory_space<semaphore_mem>>, %arg32: memref<!tpu.dma_semaphore, #tpu.memory_space<semaphore_mem>>, %arg33: memref<!tpu.dma_semaphore, #tpu.memory_space<semaphore_mem>>, %arg34: memref<!tpu.dma_semaphore, #tpu.memory_space<semaphore_mem>>, %arg35: memref<!tpu.dma_semaphore, #tpu.memory_space<semaphore_mem>>) attributes {dimension_semantics = [#tpu.dimension_semantics<core_parallel>, #tpu.dimension_semantics<subcore_parallel>], iteration_bounds = array<i64: 2, 16>, scalar_prefetch = 0 : i64, scratch_operands = 29 : i64, tpu.core_type = #tpu.core_type<sc_vector_subcore>, window_params = [{transform_indices = #map}, {transform_indices = #map1}, {transform_indices = #map1}, {transform_indices = #map}, {transform_indices = #map}]} {
    %mul3A = arith.constant 2 : i32
    %mul3A_0 = arith.muli %arg1, %mul3A : i32
    %add3A = arith.addi %mul3A_0, %arg0 : i32
    %mul3A_1 = arith.constant 640 : i32
    %mul3A_2 = arith.muli %arg1, %mul3A_1 : i32
    %scan3A = arith.constant 0 : i32
    %scan3A_3 = arith.constant 0 : i32
    %scan3A_4 = arith.constant 64 : i32
    %scan3A_5 = arith.addi %scan3A_3, %scan3A_4 : i32
    %scan3A_6 = arith.constant 1 : i32
    scf.for %scan3A_642 = %scan3A_3 to %scan3A_5 step %scan3A_6  : i32 {
      %broadcast_in_dim3A = arith.constant 0.000000e+00 : f32
      %broadcast_in_dim3A_643 = vector.broadcast %broadcast_in_dim3A : f32 to vector<16xf32>
      %swap3A = arith.index_cast %scan3A_642 : i32 to index
      %swap3A_644 = arith.constant 0 : index
      %swap3A_645 = tpu.vector_load %arg15[%swap3A, %swap3A_644] {strides = array<i32>} : memref<64x128xf32, #tpu.memory_space<vmem>>, vector<1x16xf32>,
      %swap3A_646 = vector.shape_cast %swap3A_645 : vector<1x16xf32> to vector<16xf32>
      %swap3A_647 = vector.shape_cast %broadcast_in_dim3A_643 : vector<16xf32> to vector<1x16xf32>
      tpu.vector_store %arg15[%swap3A, %swap3A_644], %swap3A_647 {strides = array<i32>} : memref<64x128xf32, #tpu.memory_space<vmem>>, vector<1x16xf32>,
      %broadcast_in_dim3A_648 = arith.constant 0.000000e+00 : f32
      %broadcast_in_dim3A_649 = vector.broadcast %broadcast_in_dim3A_648 : f32 to vector<16xf32>
      %swap3A_650 = arith.index_cast %scan3A_642 : i32 to index
      %swap3A_651 = arith.constant 16 : index
      %swap3A_652 = tpu.vector_load %arg15[%swap3A_650, %swap3A_651] {strides = array<i32>} : memref<64x128xf32, #tpu.memory_space<vmem>>, vector<1x16xf32>,
      %swap3A_653 = vector.shape_cast %swap3A_652 : vector<1x16xf32> to vector<16xf32>
      %swap3A_654 = vector.shape_cast %broadcast_in_dim3A_649 : vector<16xf32> to vector<1x16xf32>
      tpu.vector_store %arg15[%swap3A_650, %swap3A_651], %swap3A_654 {strides = array<i32>} : memref<64x128xf32, #tpu.memory_space<vmem>>, vector<1x16xf32>,
      %broadcast_in_dim3A_655 = arith.constant 0.000000e+00 : f32
      %broadcast_in_dim3A_656 = vector.broadcast %broadcast_in_dim3A_655 : f32 to vector<16xf32>
      %swap3A_657 = arith.index_cast %scan3A_642 : i32 to index
      %swap3A_658 = arith.constant 32 : index
      %swap3A_659 = tpu.vector_load %arg15[%swap3A_657, %swap3A_658] {strides = array<i32>} : memref<64x128xf32, #tpu.memory_space<vmem>>, vector<1x16xf32>,
      %swap3A_660 = vector.shape_cast %swap3A_659 : vector<1x16xf32> to vector<16xf32>
      %swap3A_661 = vector.shape_cast %broadcast_in_dim3A_656 : vector<16xf32> to vector<1x16xf32>
      tpu.vector_store %arg15[%swap3A_657, %swap3A_658], %swap3A_661 {strides = array<i32>} : memref<64x128xf32, #tpu.memory_space<vmem>>, vector<1x16xf32>,
      %broadcast_in_dim3A_662 = arith.constant 0.000000e+00 : f32
      %broadcast_in_dim3A_663 = vector.broadcast %broadcast_in_dim3A_662 : f32 to vector<16xf32>
      %swap3A_664 = arith.index_cast %scan3A_642 : i32 to index
      %swap3A_665 = arith.constant 48 : index
      %swap3A_666 = tpu.vector_load %arg15[%swap3A_664, %swap3A_665] {strides = array<i32>} : memref<64x128xf32, #tpu.memory_space<vmem>>, vector<1x16xf32>,
      %swap3A_667 = vector.shape_cast %swap3A_666 : vector<1x16xf32> to vector<16xf32>
      %swap3A_668 = vector.shape_cast %broadcast_in_dim3A_663 : vector<16xf32> to vector<1x16xf32>
      tpu.vector_store %arg15[%swap3A_664, %swap3A_665], %swap3A_668 {strides = array<i32>} : memref<64x128xf32, #tpu.memory_space<vmem>>, vector<1x16xf32>,
      %broadcast_in_dim3A_669 = arith.constant 0.000000e+00 : f32
      %broadcast_in_dim3A_670 = vector.broadcast %broadcast_in_dim3A_669 : f32 to vector<16xf32>
      %swap3A_671 = arith.index_cast %scan3A_642 : i32 to index
      %swap3A_672 = arith.constant 64 : index
      %swap3A_673 = tpu.vector_load %arg15[%swap3A_671, %swap3A_672] {strides = array<i32>} : memref<64x128xf32, #tpu.memory_space<vmem>>, vector<1x16xf32>,
      %swap3A_674 = vector.shape_cast %swap3A_673 : vector<1x16xf32> to vector<16xf32>
      %swap3A_675 = vector.shape_cast %broadcast_in_dim3A_670 : vector<16xf32> to vector<1x16xf32>
      tpu.vector_store %arg15[%swap3A_671, %swap3A_672], %swap3A_675 {strides = array<i32>} : memref<64x128xf32, #tpu.memory_space<vmem>>, vector<1x16xf32>,
      %broadcast_in_dim3A_676 = arith.constant 0.000000e+00 : f32
      %broadcast_in_dim3A_677 = vector.broadcast %broadcast_in_dim3A_676 : f32 to vector<16xf32>
      %swap3A_678 = arith.index_cast %scan3A_642 : i32 to index
      %swap3A_679 = arith.constant 80 : index
      %swap3A_680 = tpu.vector_load %arg15[%swap3A_678, %swap3A_679] {strides = array<i32>} : memref<64x128xf32, #tpu.memory_space<vmem>>, vector<1x16xf32>,
      %swap3A_681 = vector.shape_cast %swap3A_680 : vector<1x16xf32> to vector<16xf32>
      %swap3A_682 = vector.shape_cast %broadcast_in_dim3A_677 : vector<16xf32> to vector<1x16xf32>
      tpu.vector_store %arg15[%swap3A_678, %swap3A_679], %swap3A_682 {strides = array<i32>} : memref<64x128xf32, #tpu.memory_space<vmem>>, vector<1x16xf32>,
      %broadcast_in_dim3A_683 = arith.constant 0.000000e+00 : f32
      %broadcast_in_dim3A_684 = vector.broadcast %broadcast_in_dim3A_683 : f32 to vector<16xf32>
      %swap3A_685 = arith.index_cast %scan3A_642 : i32 to index
      %swap3A_686 = arith.constant 96 : index
      %swap3A_687 = tpu.vector_load %arg15[%swap3A_685, %swap3A_686] {strides = array<i32>} : memref<64x128xf32, #tpu.memory_space<vmem>>, vector<1x16xf32>,
      %swap3A_688 = vector.shape_cast %swap3A_687 : vector<1x16xf32> to vector<16xf32>
      %swap3A_689 = vector.shape_cast %broadcast_in_dim3A_684 : vector<16xf32> to vector<1x16xf32>
      tpu.vector_store %arg15[%swap3A_685, %swap3A_686], %swap3A_689 {strides = array<i32>} : memref<64x128xf32, #tpu.memory_space<vmem>>, vector<1x16xf32>,
      %broadcast_in_dim3A_690 = arith.constant 0.000000e+00 : f32
      %broadcast_in_dim3A_691 = vector.broadcast %broadcast_in_dim3A_690 : f32 to vector<16xf32>
      %swap3A_692 = arith.index_cast %scan3A_642 : i32 to index
      %swap3A_693 = arith.constant 112 : index
      %swap3A_694 = tpu.vector_load %arg15[%swap3A_692, %swap3A_693] {strides = array<i32>} : memref<64x128xf32, #tpu.memory_space<vmem>>, vector<1x16xf32>,
      %swap3A_695 = vector.shape_cast %swap3A_694 : vector<1x16xf32> to vector<16xf32>
      %swap3A_696 = vector.shape_cast %broadcast_in_dim3A_691 : vector<16xf32> to vector<1x16xf32>
      tpu.vector_store %arg15[%swap3A_692, %swap3A_693], %swap3A_696 {strides = array<i32>} : memref<64x128xf32, #tpu.memory_space<vmem>>, vector<1x16xf32>,
    }
    %scan3A_7 = arith.constant 64 : i32
    %add3A_8 = arith.constant 0 : i32
    %add3A_9 = arith.addi %mul3A_2, %add3A_8 : i32
    %dma_start3A = arith.constant 0 : i32
    %dma_start3A_10 = tpu.memref_slice %arg22[%add3A_9, %dma_start3A] : memref<10240x128xf32, #tpu.memory_space<vmem_shared>> -> memref<64x128xf32, #tpu.memory_space<vmem_shared>>
    %dma_start3A_11 = arith.constant 0 : i32
    %dma_start3A_12 = tpu.memref_slice %arg22[%add3A_9, %dma_start3A_11] : memref<10240x128xf32, #tpu.memory_space<vmem_shared>> -> memref<64x128xf32, #tpu.memory_space<vmem_shared>>
    tpu.enqueue_dma source(%arg15 : memref<64x128xf32, #tpu.memory_space<vmem>>) target(%dma_start3A_12 : memref<64x128xf32, #tpu.memory_space<vmem_shared>>) target_semaphore(%arg35 : memref<!tpu.dma_semaphore, #tpu.memory_space<semaphore_mem>>)
    %add3A_13 = arith.constant 64 : i32
    %add3A_14 = arith.addi %mul3A_2, %add3A_13 : i32
    %dma_start3A_15 = arith.constant 0 : i32
    %dma_start3A_16 = tpu.memref_slice %arg22[%add3A_14, %dma_start3A_15] : memref<10240x128xf32, #tpu.memory_space<vmem_shared>> -> memref<64x128xf32, #tpu.memory_space<vmem_shared>>
    %dma_start3A_17 = arith.constant 0 : i32
    %dma_start3A_18 = tpu.memref_slice %arg22[%add3A_14, %dma_start3A_17] : memref<10240x128xf32, #tpu.memory_space<vmem_shared>> -> memref<64x128xf32, #tpu.memory_space<vmem_shared>>
    tpu.enqueue_dma source(%arg15 : memref<64x128xf32, #tpu.memory_space<vmem>>) target(%dma_start3A_18 : memref<64x128xf32, #tpu.memory_space<vmem_shared>>) target_semaphore(%arg35 : memref<!tpu.dma_semaphore, #tpu.memory_space<semaphore_mem>>)
    %add3A_19 = arith.constant 0 : i32
    %add3A_20 = arith.addi %mul3A_2, %add3A_19 : i32
    %dma_wait3A = arith.constant 0 : i32
    %dma_wait3A_21 = tpu.memref_slice %arg22[%add3A_20, %dma_wait3A] : memref<10240x128xf32, #tpu.memory_space<vmem_shared>> -> memref<64x128xf32, #tpu.memory_space<vmem_shared>>
    %dma_wait3A_22 = arith.constant 0 : i32
    %dma_wait3A_23 = tpu.memref_slice %arg22[%add3A_20, %dma_wait3A_22] : memref<10240x128xf32, #tpu.memory_space<vmem_shared>> -> memref<64x128xf32, #tpu.memory_space<vmem_shared>>
    tpu.wait_dma2 semaphore(%arg35 : memref<!tpu.dma_semaphore, #tpu.memory_space<semaphore_mem>>) src(%arg15 : memref<64x128xf32, #tpu.memory_space<vmem>>) dst(%dma_wait3A_23 : memref<64x128xf32, #tpu.memory_space<vmem_shared>>)
    %add3A_24 = arith.constant 128 : i32
    %add3A_25 = arith.addi %mul3A_2, %add3A_24 : i32
    %dma_start3A_26 = arith.constant 0 : i32
    %dma_start3A_27 = tpu.memref_slice %arg22[%add3A_25, %dma_start3A_26] : memref<10240x128xf32, #tpu.memory_space<vmem_shared>> -> memref<64x128xf32, #tpu.memory_space<vmem_shared>>
    %dma_start3A_28 = arith.constant 0 : i32
    %dma_start3A_29 = tpu.memref_slice %arg22[%add3A_25, %dma_start3A_28] : memref<10240x128xf32, #tpu.memory_space<vmem_shared>> -> memref<64x128xf32, #tpu.memory_space<vmem_shared>>
    tpu.enqueue_dma source(%arg15 : memref<64x128xf32, #tpu.memory_space<vmem>>) target(%dma_start3A_29 : memref<64x128xf32, #tpu.memory_space<vmem_shared>>) target_semaphore(%arg35 : memref<!tpu.dma_semaphore, #tpu.memory_space<semaphore_mem>>)
    %add3A_30 = arith.constant 64 : i32
    %add3A_31 = arith.addi %mul3A_2, %add3A_30 : i32
    %dma_wait3A_32 = arith.constant 0 : i32
    %dma_wait3A_33 = tpu.memref_slice %arg22[%add3A_31, %dma_wait3A_32] : memref<10240x128xf32, #tpu.memory_space<vmem_shared>> -> memref<64x128xf32, #tpu.memory_space<vmem_shared>>
    %dma_wait3A_34 = arith.constant 0 : i32
    %dma_wait3A_35 = tpu.memref_slice %arg22[%add3A_31, %dma_wait3A_34] : memref<10240x128xf32, #tpu.memory_space<vmem_shared>> -> memref<64x128xf32, #tpu.memory_space<vmem_shared>>
    tpu.wait_dma2 semaphore(%arg35 : memref<!tpu.dma_semaphore, #tpu.memory_space<semaphore_mem>>) src(%arg15 : memref<64x128xf32, #tpu.memory_space<vmem>>) dst(%dma_wait3A_35 : memref<64x128xf32, #tpu.memory_space<vmem_shared>>)
    %add3A_36 = arith.constant 192 : i32
    %add3A_37 = arith.addi %mul3A_2, %add3A_36 : i32
    %dma_start3A_38 = arith.constant 0 : i32
    %dma_start3A_39 = tpu.memref_slice %arg22[%add3A_37, %dma_start3A_38] : memref<10240x128xf32, #tpu.memory_space<vmem_shared>> -> memref<64x128xf32, #tpu.memory_space<vmem_shared>>
    %dma_start3A_40 = arith.constant 0 : i32
    %dma_start3A_41 = tpu.memref_slice %arg22[%add3A_37, %dma_start3A_40] : memref<10240x128xf32, #tpu.memory_space<vmem_shared>> -> memref<64x128xf32, #tpu.memory_space<vmem_shared>>
    tpu.enqueue_dma source(%arg15 : memref<64x128xf32, #tpu.memory_space<vmem>>) target(%dma_start3A_41 : memref<64x128xf32, #tpu.memory_space<vmem_shared>>) target_semaphore(%arg35 : memref<!tpu.dma_semaphore, #tpu.memory_space<semaphore_mem>>)
    %add3A_42 = arith.constant 128 : i32
    %add3A_43 = arith.addi %mul3A_2, %add3A_42 : i32
    %dma_wait3A_44 = arith.constant 0 : i32
    %dma_wait3A_45 = tpu.memref_slice %arg22[%add3A_43, %dma_wait3A_44] : memref<10240x128xf32, #tpu.memory_space<vmem_shared>> -> memref<64x128xf32, #tpu.memory_space<vmem_shared>>
    %dma_wait3A_46 = arith.constant 0 : i32
    %dma_wait3A_47 = tpu.memref_slice %arg22[%add3A_43, %dma_wait3A_46] : memref<10240x128xf32, #tpu.memory_space<vmem_shared>> -> memref<64x128xf32, #tpu.memory_space<vmem_shared>>
    tpu.wait_dma2 semaphore(%arg35 : memref<!tpu.dma_semaphore, #tpu.memory_space<semaphore_mem>>) src(%arg15 : memref<64x128xf32, #tpu.memory_space<vmem>>) dst(%dma_wait3A_47 : memref<64x128xf32, #tpu.memory_space<vmem_shared>>)
    %add3A_48 = arith.constant 256 : i32
    %add3A_49 = arith.addi %mul3A_2, %add3A_48 : i32
    %dma_start3A_50 = arith.constant 0 : i32
    %dma_start3A_51 = tpu.memref_slice %arg22[%add3A_49, %dma_start3A_50] : memref<10240x128xf32, #tpu.memory_space<vmem_shared>> -> memref<64x128xf32, #tpu.memory_space<vmem_shared>>
    %dma_start3A_52 = arith.constant 0 : i32
    %dma_start3A_53 = tpu.memref_slice %arg22[%add3A_49, %dma_start3A_52] : memref<10240x128xf32, #tpu.memory_space<vmem_shared>> -> memref<64x128xf32, #tpu.memory_space<vmem_shared>>
    tpu.enqueue_dma source(%arg15 : memref<64x128xf32, #tpu.memory_space<vmem>>) target(%dma_start3A_53 : memref<64x128xf32, #tpu.memory_space<vmem_shared>>) target_semaphore(%arg35 : memref<!tpu.dma_semaphore, #tpu.memory_space<semaphore_mem>>)
    %add3A_54 = arith.constant 192 : i32
    %add3A_55 = arith.addi %mul3A_2, %add3A_54 : i32
    %dma_wait3A_56 = arith.constant 0 : i32
    %dma_wait3A_57 = tpu.memref_slice %arg22[%add3A_55, %dma_wait3A_56] : memref<10240x128xf32, #tpu.memory_space<vmem_shared>> -> memref<64x128xf32, #tpu.memory_space<vmem_shared>>
    %dma_wait3A_58 = arith.constant 0 : i32
    %dma_wait3A_59 = tpu.memref_slice %arg22[%add3A_55, %dma_wait3A_58] : memref<10240x128xf32, #tpu.memory_space<vmem_shared>> -> memref<64x128xf32, #tpu.memory_space<vmem_shared>>
    tpu.wait_dma2 semaphore(%arg35 : memref<!tpu.dma_semaphore, #tpu.memory_space<semaphore_mem>>) src(%arg15 : memref<64x128xf32, #tpu.memory_space<vmem>>) dst(%dma_wait3A_59 : memref<64x128xf32, #tpu.memory_space<vmem_shared>>)
    %add3A_60 = arith.constant 320 : i32
    %add3A_61 = arith.addi %mul3A_2, %add3A_60 : i32
    %dma_start3A_62 = arith.constant 0 : i32
    %dma_start3A_63 = tpu.memref_slice %arg22[%add3A_61, %dma_start3A_62] : memref<10240x128xf32, #tpu.memory_space<vmem_shared>> -> memref<64x128xf32, #tpu.memory_space<vmem_shared>>
    %dma_start3A_64 = arith.constant 0 : i32
    %dma_start3A_65 = tpu.memref_slice %arg22[%add3A_61, %dma_start3A_64] : memref<10240x128xf32, #tpu.memory_space<vmem_shared>> -> memref<64x128xf32, #tpu.memory_space<vmem_shared>>
    tpu.enqueue_dma source(%arg15 : memref<64x128xf32, #tpu.memory_space<vmem>>) target(%dma_start3A_65 : memref<64x128xf32, #tpu.memory_space<vmem_shared>>) target_semaphore(%arg35 : memref<!tpu.dma_semaphore, #tpu.memory_space<semaphore_mem>>)
    %add3A_66 = arith.constant 256 : i32
    %add3A_67 = arith.addi %mul3A_2, %add3A_66 : i32
    %dma_wait3A_68 = arith.constant 0 : i32
    %dma_wait3A_69 = tpu.memref_slice %arg22[%add3A_67, %dma_wait3A_68] : memref<10240x128xf32, #tpu.memory_space<vmem_shared>> -> memref<64x128xf32, #tpu.memory_space<vmem_shared>>
    %dma_wait3A_70 = arith.constant 0 : i32
    %dma_wait3A_71 = tpu.memref_slice %arg22[%add3A_67, %dma_wait3A_70] : memref<10240x128xf32, #tpu.memory_space<vmem_shared>> -> memref<64x128xf32, #tpu.memory_space<vmem_shared>>
    tpu.wait_dma2 semaphore(%arg35 : memref<!tpu.dma_semaphore, #tpu.memory_space<semaphore_mem>>) src(%arg15 : memref<64x128xf32, #tpu.memory_space<vmem>>) dst(%dma_wait3A_71 : memref<64x128xf32, #tpu.memory_space<vmem_shared>>)
    %add3A_72 = arith.constant 384 : i32
    %add3A_73 = arith.addi %mul3A_2, %add3A_72 : i32
    %dma_start3A_74 = arith.constant 0 : i32
    %dma_start3A_75 = tpu.memref_slice %arg22[%add3A_73, %dma_start3A_74] : memref<10240x128xf32, #tpu.memory_space<vmem_shared>> -> memref<64x128xf32, #tpu.memory_space<vmem_shared>>
    %dma_start3A_76 = arith.constant 0 : i32
    %dma_start3A_77 = tpu.memref_slice %arg22[%add3A_73, %dma_start3A_76] : memref<10240x128xf32, #tpu.memory_space<vmem_shared>> -> memref<64x128xf32, #tpu.memory_space<vmem_shared>>
    tpu.enqueue_dma source(%arg15 : memref<64x128xf32, #tpu.memory_space<vmem>>) target(%dma_start3A_77 : memref<64x128xf32, #tpu.memory_space<vmem_shared>>) target_semaphore(%arg35 : memref<!tpu.dma_semaphore, #tpu.memory_space<semaphore_mem>>)
    %add3A_78 = arith.constant 320 : i32
    %add3A_79 = arith.addi %mul3A_2, %add3A_78 : i32
    %dma_wait3A_80 = arith.constant 0 : i32
    %dma_wait3A_81 = tpu.memref_slice %arg22[%add3A_79, %dma_wait3A_80] : memref<10240x128xf32, #tpu.memory_space<vmem_shared>> -> memref<64x128xf32, #tpu.memory_space<vmem_shared>>
    %dma_wait3A_82 = arith.constant 0 : i32
    %dma_wait3A_83 = tpu.memref_slice %arg22[%add3A_79, %dma_wait3A_82] : memref<10240x128xf32, #tpu.memory_space<vmem_shared>> -> memref<64x128xf32, #tpu.memory_space<vmem_shared>>
    tpu.wait_dma2 semaphore(%arg35 : memref<!tpu.dma_semaphore, #tpu.memory_space<semaphore_mem>>) src(%arg15 : memref<64x128xf32, #tpu.memory_space<vmem>>) dst(%dma_wait3A_83 : memref<64x128xf32, #tpu.memory_space<vmem_shared>>)
    %add3A_84 = arith.constant 448 : i32
    %add3A_85 = arith.addi %mul3A_2, %add3A_84 : i32
    %dma_start3A_86 = arith.constant 0 : i32
    %dma_start3A_87 = tpu.memref_slice %arg22[%add3A_85, %dma_start3A_86] : memref<10240x128xf32, #tpu.memory_space<vmem_shared>> -> memref<64x128xf32, #tpu.memory_space<vmem_shared>>
    %dma_start3A_88 = arith.constant 0 : i32
    %dma_start3A_89 = tpu.memref_slice %arg22[%add3A_85, %dma_start3A_88] : memref<10240x128xf32, #tpu.memory_space<vmem_shared>> -> memref<64x128xf32, #tpu.memory_space<vmem_shared>>
    tpu.enqueue_dma source(%arg15 : memref<64x128xf32, #tpu.memory_space<vmem>>) target(%dma_start3A_89 : memref<64x128xf32, #tpu.memory_space<vmem_shared>>) target_semaphore(%arg35 : memref<!tpu.dma_semaphore, #tpu.memory_space<semaphore_mem>>)
    %add3A_90 = arith.constant 384 : i32
    %add3A_91 = arith.addi %mul3A_2, %add3A_90 : i32
    %dma_wait3A_92 = arith.constant 0 : i32
    %dma_wait3A_93 = tpu.memref_slice %arg22[%add3A_91, %dma_wait3A_92] : memref<10240x128xf32, #tpu.memory_space<vmem_shared>> -> memref<64x128xf32, #tpu.memory_space<vmem_shared>>
    %dma_wait3A_94 = arith.constant 0 : i32
    %dma_wait3A_95 = tpu.memref_slice %arg22[%add3A_91, %dma_wait3A_94] : memref<10240x128xf32, #tpu.memory_space<vmem_shared>> -> memref<64x128xf32, #tpu.memory_space<vmem_shared>>
    tpu.wait_dma2 semaphore(%arg35 : memref<!tpu.dma_semaphore, #tpu.memory_space<semaphore_mem>>) src(%arg15 : memref<64x128xf32, #tpu.memory_space<vmem>>) dst(%dma_wait3A_95 : memref<64x128xf32, #tpu.memory_space<vmem_shared>>)
    %add3A_96 = arith.constant 512 : i32
    %add3A_97 = arith.addi %mul3A_2, %add3A_96 : i32
    %dma_start3A_98 = arith.constant 0 : i32
    %dma_start3A_99 = tpu.memref_slice %arg22[%add3A_97, %dma_start3A_98] : memref<10240x128xf32, #tpu.memory_space<vmem_shared>> -> memref<64x128xf32, #tpu.memory_space<vmem_shared>>
    %dma_start3A_100 = arith.constant 0 : i32
    %dma_start3A_101 = tpu.memref_slice %arg22[%add3A_97, %dma_start3A_100] : memref<10240x128xf32, #tpu.memory_space<vmem_shared>> -> memref<64x128xf32, #tpu.memory_space<vmem_shared>>
    tpu.enqueue_dma source(%arg15 : memref<64x128xf32, #tpu.memory_space<vmem>>) target(%dma_start3A_101 : memref<64x128xf32, #tpu.memory_space<vmem_shared>>) target_semaphore(%arg35 : memref<!tpu.dma_semaphore, #tpu.memory_space<semaphore_mem>>)
    %add3A_102 = arith.constant 448 : i32
    %add3A_103 = arith.addi %mul3A_2, %add3A_102 : i32
    %dma_wait3A_104 = arith.constant 0 : i32
    %dma_wait3A_105 = tpu.memref_slice %arg22[%add3A_103, %dma_wait3A_104] : memref<10240x128xf32, #tpu.memory_space<vmem_shared>> -> memref<64x128xf32, #tpu.memory_space<vmem_shared>>
    %dma_wait3A_106 = arith.constant 0 : i32
    %dma_wait3A_107 = tpu.memref_slice %arg22[%add3A_103, %dma_wait3A_106] : memref<10240x128xf32, #tpu.memory_space<vmem_shared>> -> memref<64x128xf32, #tpu.memory_space<vmem_shared>>
    tpu.wait_dma2 semaphore(%arg35 : memref<!tpu.dma_semaphore, #tpu.memory_space<semaphore_mem>>) src(%arg15 : memref<64x128xf32, #tpu.memory_space<vmem>>) dst(%dma_wait3A_107 : memref<64x128xf32, #tpu.memory_space<vmem_shared>>)
    %add3A_108 = arith.constant 576 : i32
    %add3A_109 = arith.addi %mul3A_2, %add3A_108 : i32
    %dma_start3A_110 = arith.constant 0 : i32
    %dma_start3A_111 = tpu.memref_slice %arg22[%add3A_109, %dma_start3A_110] : memref<10240x128xf32, #tpu.memory_space<vmem_shared>> -> memref<64x128xf32, #tpu.memory_space<vmem_shared>>
    %dma_start3A_112 = arith.constant 0 : i32
    %dma_start3A_113 = tpu.memref_slice %arg22[%add3A_109, %dma_start3A_112] : memref<10240x128xf32, #tpu.memory_space<vmem_shared>> -> memref<64x128xf32, #tpu.memory_space<vmem_shared>>
    tpu.enqueue_dma source(%arg15 : memref<64x128xf32, #tpu.memory_space<vmem>>) target(%dma_start3A_113 : memref<64x128xf32, #tpu.memory_space<vmem_shared>>) target_semaphore(%arg35 : memref<!tpu.dma_semaphore, #tpu.memory_space<semaphore_mem>>)
    %add3A_114 = arith.constant 512 : i32
    %add3A_115 = arith.addi %mul3A_2, %add3A_114 : i32
    %dma_wait3A_116 = arith.constant 0 : i32
    %dma_wait3A_117 = tpu.memref_slice %arg22[%add3A_115, %dma_wait3A_116] : memref<10240x128xf32, #tpu.memory_space<vmem_shared>> -> memref<64x128xf32, #tpu.memory_space<vmem_shared>>
    %dma_wait3A_118 = arith.constant 0 : i32
    %dma_wait3A_119 = tpu.memref_slice %arg22[%add3A_115, %dma_wait3A_118] : memref<10240x128xf32, #tpu.memory_space<vmem_shared>> -> memref<64x128xf32, #tpu.memory_space<vmem_shared>>
    tpu.wait_dma2 semaphore(%arg35 : memref<!tpu.dma_semaphore, #tpu.memory_space<semaphore_mem>>) src(%arg15 : memref<64x128xf32, #tpu.memory_space<vmem>>) dst(%dma_wait3A_119 : memref<64x128xf32, #tpu.memory_space<vmem_shared>>)
    %add3A_120 = arith.constant 576 : i32
    %add3A_121 = arith.addi %mul3A_2, %add3A_120 : i32
    %dma_wait3A_122 = arith.constant 0 : i32
    %dma_wait3A_123 = tpu.memref_slice %arg22[%add3A_121, %dma_wait3A_122] : memref<10240x128xf32, #tpu.memory_space<vmem_shared>> -> memref<64x128xf32, #tpu.memory_space<vmem_shared>>
    %dma_wait3A_124 = arith.constant 0 : i32
    %dma_wait3A_125 = tpu.memref_slice %arg22[%add3A_121, %dma_wait3A_124] : memref<10240x128xf32, #tpu.memory_space<vmem_shared>> -> memref<64x128xf32, #tpu.memory_space<vmem_shared>>
    tpu.wait_dma2 semaphore(%arg35 : memref<!tpu.dma_semaphore, #tpu.memory_space<semaphore_mem>>) src(%arg15 : memref<64x128xf32, #tpu.memory_space<vmem>>) dst(%dma_wait3A_125 : memref<64x128xf32, #tpu.memory_space<vmem_shared>>)
    %barrier3A = arith.constant 0 : index
    tpu.barrier barrier_id(%barrier3A)
    %mul3A_126 = arith.constant 10000 : i32
    %mul3A_127 = arith.muli %add3A, %mul3A_126 : i32
    %dma_start3A_128 = tpu.memref_slice %arg3[%mul3A_127] : memref<320000xi32, #tpu.memory_space<hbm>> -> memref<64xi32, #tpu.memory_space<hbm>>
    %dma_start3A_129 = tpu.memref_slice %arg3[%mul3A_127] : memref<320000xi32, #tpu.memory_space<hbm>> -> memref<64xi32, #tpu.memory_space<hbm>>
    tpu.enqueue_dma source(%dma_start3A_129 : memref<64xi32, #tpu.memory_space<hbm>>) target(%arg7 : memref<64xi32, #tpu.memory_space<vmem>>) target_semaphore(%arg31 : memref<!tpu.dma_semaphore, #tpu.memory_space<semaphore_mem>>)
    %dma_start3A_130 = tpu.memref_slice %arg4[%mul3A_127] : memref<320000xi32, #tpu.memory_space<hbm>> -> memref<64xi32, #tpu.memory_space<hbm>>
    %dma_start3A_131 = tpu.memref_slice %arg4[%mul3A_127] : memref<320000xi32, #tpu.memory_space<hbm>> -> memref<64xi32, #tpu.memory_space<hbm>>
    tpu.enqueue_dma source(%dma_start3A_131 : memref<64xi32, #tpu.memory_space<hbm>>) target(%arg11 : memref<64xi32, #tpu.memory_space<vmem>>) target_semaphore(%arg31 : memref<!tpu.dma_semaphore, #tpu.memory_space<semaphore_mem>>)
    %dma_wait3A_132 = arith.constant 0 : i32
    %dma_wait3A_133 = tpu.memref_slice %arg3[%dma_wait3A_132] : memref<320000xi32, #tpu.memory_space<hbm>> -> memref<64xi32, #tpu.memory_space<hbm>>
    %dma_wait3A_134 = arith.constant 0 : i32
    %dma_wait3A_135 = tpu.memref_slice %arg3[%dma_wait3A_134] : memref<320000xi32, #tpu.memory_space<hbm>> -> memref<64xi32, #tpu.memory_space<hbm>>
    tpu.wait_dma2 semaphore(%arg31 : memref<!tpu.dma_semaphore, #tpu.memory_space<semaphore_mem>>) src(%dma_wait3A_135 : memref<64xi32, #tpu.memory_space<hbm>>) dst(%arg7 : memref<64xi32, #tpu.memory_space<vmem>>)
    %dma_wait3A_136 = arith.constant 0 : i32
    %dma_wait3A_137 = tpu.memref_slice %arg4[%dma_wait3A_136] : memref<320000xi32, #tpu.memory_space<hbm>> -> memref<64xi32, #tpu.memory_space<hbm>>
    %dma_wait3A_138 = arith.constant 0 : i32
    %dma_wait3A_139 = tpu.memref_slice %arg4[%dma_wait3A_138] : memref<320000xi32, #tpu.memory_space<hbm>> -> memref<64xi32, #tpu.memory_space<hbm>>
    tpu.wait_dma2 semaphore(%arg31 : memref<!tpu.dma_semaphore, #tpu.memory_space<semaphore_mem>>) src(%dma_wait3A_139 : memref<64xi32, #tpu.memory_space<hbm>>) dst(%arg11 : memref<64xi32, #tpu.memory_space<vmem>>)
    %dma_start3A_140 = arith.constant 0 : i32
    %dma_start3A_141 = arith.constant 0 : i32
    %dma_start3A_142 = tpu.memref_slice %arg2[%dma_start3A_140, %dma_start3A_141] : memref<10000x128xf32, #tpu.memory_space<hbm>> -> memref<10000x128xf32, #tpu.memory_space<hbm>>
    tpu.enqueue_indirect_dma source(%dma_start3A_142 : memref<10000x128xf32, #tpu.memory_space<hbm>>) target(%arg15 : memref<64x128xf32, #tpu.memory_space<vmem>>) offsets(%arg7 : memref<64xi32, #tpu.memory_space<vmem>>) semaphore(%arg23 : memref<!tpu.dma_semaphore, #tpu.memory_space<semaphore_mem>>)
    %add3A_143 = arith.constant 64 : i32
    %add3A_144 = arith.addi %mul3A_127, %add3A_143 : i32
    %dma_start3A_145 = tpu.memref_slice %arg3[%add3A_144] : memref<320000xi32, #tpu.memory_space<hbm>> -> memref<64xi32, #tpu.memory_space<hbm>>
    %dma_start3A_146 = tpu.memref_slice %arg3[%add3A_144] : memref<320000xi32, #tpu.memory_space<hbm>> -> memref<64xi32, #tpu.memory_space<hbm>>
    tpu.enqueue_dma source(%dma_start3A_146 : memref<64xi32, #tpu.memory_space<hbm>>) target(%arg8 : memref<64xi32, #tpu.memory_space<vmem>>) target_semaphore(%arg32 : memref<!tpu.dma_semaphore, #tpu.memory_space<semaphore_mem>>)
    %dma_start3A_147 = tpu.memref_slice %arg4[%add3A_144] : memref<320000xi32, #tpu.memory_space<hbm>> -> memref<64xi32, #tpu.memory_space<hbm>>
    %dma_start3A_148 = tpu.memref_slice %arg4[%add3A_144] : memref<320000xi32, #tpu.memory_space<hbm>> -> memref<64xi32, #tpu.memory_space<hbm>>
    tpu.enqueue_dma source(%dma_start3A_148 : memref<64xi32, #tpu.memory_space<hbm>>) target(%arg12 : memref<64xi32, #tpu.memory_space<vmem>>) target_semaphore(%arg32 : memref<!tpu.dma_semaphore, #tpu.memory_space<semaphore_mem>>)
    %dma_wait3A_149 = arith.constant 0 : i32
    %dma_wait3A_150 = tpu.memref_slice %arg3[%dma_wait3A_149] : memref<320000xi32, #tpu.memory_space<hbm>> -> memref<64xi32, #tpu.memory_space<hbm>>
    %dma_wait3A_151 = arith.constant 0 : i32
    %dma_wait3A_152 = tpu.memref_slice %arg3[%dma_wait3A_151] : memref<320000xi32, #tpu.memory_space<hbm>> -> memref<64xi32, #tpu.memory_space<hbm>>
    tpu.wait_dma2 semaphore(%arg32 : memref<!tpu.dma_semaphore, #tpu.memory_space<semaphore_mem>>) src(%dma_wait3A_152 : memref<64xi32, #tpu.memory_space<hbm>>) dst(%arg8 : memref<64xi32, #tpu.memory_space<vmem>>)
    %dma_wait3A_153 = arith.constant 0 : i32
    %dma_wait3A_154 = tpu.memref_slice %arg4[%dma_wait3A_153] : memref<320000xi32, #tpu.memory_space<hbm>> -> memref<64xi32, #tpu.memory_space<hbm>>
    %dma_wait3A_155 = arith.constant 0 : i32
    %dma_wait3A_156 = tpu.memref_slice %arg4[%dma_wait3A_155] : memref<320000xi32, #tpu.memory_space<hbm>> -> memref<64xi32, #tpu.memory_space<hbm>>
    tpu.wait_dma2 semaphore(%arg32 : memref<!tpu.dma_semaphore, #tpu.memory_space<semaphore_mem>>) src(%dma_wait3A_156 : memref<64xi32, #tpu.memory_space<hbm>>) dst(%arg12 : memref<64xi32, #tpu.memory_space<vmem>>)
    %dma_start3A_157 = arith.constant 0 : i32
    %dma_start3A_158 = arith.constant 0 : i32
    %dma_start3A_159 = tpu.memref_slice %arg2[%dma_start3A_157, %dma_start3A_158] : memref<10000x128xf32, #tpu.memory_space<hbm>> -> memref<10000x128xf32, #tpu.memory_space<hbm>>
    tpu.enqueue_indirect_dma source(%dma_start3A_159 : memref<10000x128xf32, #tpu.memory_space<hbm>>) target(%arg16 : memref<64x128xf32, #tpu.memory_space<vmem>>) offsets(%arg8 : memref<64xi32, #tpu.memory_space<vmem>>) semaphore(%arg24 : memref<!tpu.dma_semaphore, #tpu.memory_space<semaphore_mem>>)
    %add3A_160 = arith.constant 128 : i32
    %add3A_161 = arith.addi %mul3A_127, %add3A_160 : i32
    %dma_start3A_162 = tpu.memref_slice %arg3[%add3A_161] : memref<320000xi32, #tpu.memory_space<hbm>> -> memref<64xi32, #tpu.memory_space<hbm>>
    %dma_start3A_163 = tpu.memref_slice %arg3[%add3A_161] : memref<320000xi32, #tpu.memory_space<hbm>> -> memref<64xi32, #tpu.memory_space<hbm>>
    tpu.enqueue_dma source(%dma_start3A_163 : memref<64xi32, #tpu.memory_space<hbm>>) target(%arg9 : memref<64xi32, #tpu.memory_space<vmem>>) target_semaphore(%arg33 : memref<!tpu.dma_semaphore, #tpu.memory_space<semaphore_mem>>)
    %dma_start3A_164 = tpu.memref_slice %arg4[%add3A_161] : memref<320000xi32, #tpu.memory_space<hbm>> -> memref<64xi32, #tpu.memory_space<hbm>>
    %dma_start3A_165 = tpu.memref_slice %arg4[%add3A_161] : memref<320000xi32, #tpu.memory_space<hbm>> -> memref<64xi32, #tpu.memory_space<hbm>>
    tpu.enqueue_dma source(%dma_start3A_165 : memref<64xi32, #tpu.memory_space<hbm>>) target(%arg13 : memref<64xi32, #tpu.memory_space<vmem>>) target_semaphore(%arg33 : memref<!tpu.dma_semaphore, #tpu.memory_space<semaphore_mem>>)
    %dma_wait3A_166 = arith.constant 0 : i32
    %dma_wait3A_167 = arith.constant 0 : i32
    %dma_wait3A_168 = tpu.memref_slice %arg2[%dma_wait3A_166, %dma_wait3A_167] : memref<10000x128xf32, #tpu.memory_space<hbm>> -> memref<10000x128xf32, #tpu.memory_space<hbm>>
    tpu.wait_indirect_dma semaphore(%arg23 : memref<!tpu.dma_semaphore, #tpu.memory_space<semaphore_mem>>) src(%dma_wait3A_168 : memref<10000x128xf32, #tpu.memory_space<hbm>>) dst(%arg15 : memref<64x128xf32, #tpu.memory_space<vmem>>)
    %dma_start3A_169 = arith.constant 0 : i32
    %dma_start3A_170 = arith.constant 0 : i32
    %dma_start3A_171 = tpu.memref_slice %arg22[%dma_start3A_169, %dma_start3A_170] : memref<10240x128xf32, #tpu.memory_space<vmem_shared>> -> memref<10240x128xf32, #tpu.memory_space<vmem_shared>>
    tpu.enqueue_indirect_dma source(%arg15 : memref<64x128xf32, #tpu.memory_space<vmem>>) target(%dma_start3A_171 : memref<10240x128xf32, #tpu.memory_space<vmem_shared>>) offsets(%arg11 : memref<64xi32, #tpu.memory_space<vmem>>) semaphore(%arg27 : memref<!tpu.dma_semaphore, #tpu.memory_space<semaphore_mem>>) {add = true}
    %dma_wait3A_172 = arith.constant 0 : i32
    %dma_wait3A_173 = tpu.memref_slice %arg3[%dma_wait3A_172] : memref<320000xi32, #tpu.memory_space<hbm>> -> memref<64xi32, #tpu.memory_space<hbm>>
    %dma_wait3A_174 = arith.constant 0 : i32
    %dma_wait3A_175 = tpu.memref_slice %arg3[%dma_wait3A_174] : memref<320000xi32, #tpu.memory_space<hbm>> -> memref<64xi32, #tpu.memory_space<hbm>>
    tpu.wait_dma2 semaphore(%arg33 : memref<!tpu.dma_semaphore, #tpu.memory_space<semaphore_mem>>) src(%dma_wait3A_175 : memref<64xi32, #tpu.memory_space<hbm>>) dst(%arg9 : memref<64xi32, #tpu.memory_space<vmem>>)
    %dma_wait3A_176 = arith.constant 0 : i32
    %dma_wait3A_177 = tpu.memref_slice %arg4[%dma_wait3A_176] : memref<320000xi32, #tpu.memory_space<hbm>> -> memref<64xi32, #tpu.memory_space<hbm>>
    %dma_wait3A_178 = arith.constant 0 : i32
    %dma_wait3A_179 = tpu.memref_slice %arg4[%dma_wait3A_178] : memref<320000xi32, #tpu.memory_space<hbm>> -> memref<64xi32, #tpu.memory_space<hbm>>
    tpu.wait_dma2 semaphore(%arg33 : memref<!tpu.dma_semaphore, #tpu.memory_space<semaphore_mem>>) src(%dma_wait3A_179 : memref<64xi32, #tpu.memory_space<hbm>>) dst(%arg13 : memref<64xi32, #tpu.memory_space<vmem>>)
    %dma_start3A_180 = arith.constant 0 : i32
    %dma_start3A_181 = arith.constant 0 : i32
    %dma_start3A_182 = tpu.memref_slice %arg2[%dma_start3A_180, %dma_start3A_181] : memref<10000x128xf32, #tpu.memory_space<hbm>> -> memref<10000x128xf32, #tpu.memory_space<hbm>>
    tpu.enqueue_indirect_dma source(%dma_start3A_182 : memref<10000x128xf32, #tpu.memory_space<hbm>>) target(%arg17 : memref<64x128xf32, #tpu.memory_space<vmem>>) offsets(%arg9 : memref<64xi32, #tpu.memory_space<vmem>>) semaphore(%arg25 : memref<!tpu.dma_semaphore, #tpu.memory_space<semaphore_mem>>)
    %add3A_183 = arith.constant 192 : i32
    %add3A_184 = arith.addi %mul3A_127, %add3A_183 : i32
    %dma_start3A_185 = tpu.memref_slice %arg3[%add3A_184] : memref<320000xi32, #tpu.memory_space<hbm>> -> memref<64xi32, #tpu.memory_space<hbm>>
    %dma_start3A_186 = tpu.memref_slice %arg3[%add3A_184] : memref<320000xi32, #tpu.memory_space<hbm>> -> memref<64xi32, #tpu.memory_space<hbm>>
    tpu.enqueue_dma source(%dma_start3A_186 : memref<64xi32, #tpu.memory_space<hbm>>) target(%arg10 : memref<64xi32, #tpu.memory_space<vmem>>) target_semaphore(%arg34 : memref<!tpu.dma_semaphore, #tpu.memory_space<semaphore_mem>>)
    %dma_start3A_187 = tpu.memref_slice %arg4[%add3A_184] : memref<320000xi32, #tpu.memory_space<hbm>> -> memref<64xi32, #tpu.memory_space<hbm>>
    %dma_start3A_188 = tpu.memref_slice %arg4[%add3A_184] : memref<320000xi32, #tpu.memory_space<hbm>> -> memref<64xi32, #tpu.memory_space<hbm>>
    tpu.enqueue_dma source(%dma_start3A_188 : memref<64xi32, #tpu.memory_space<hbm>>) target(%arg14 : memref<64xi32, #tpu.memory_space<vmem>>) target_semaphore(%arg34 : memref<!tpu.dma_semaphore, #tpu.memory_space<semaphore_mem>>)
    %dma_wait3A_189 = arith.constant 0 : i32
    %dma_wait3A_190 = arith.constant 0 : i32
    %dma_wait3A_191 = tpu.memref_slice %arg2[%dma_wait3A_189, %dma_wait3A_190] : memref<10000x128xf32, #tpu.memory_space<hbm>> -> memref<10000x128xf32, #tpu.memory_space<hbm>>
    tpu.wait_indirect_dma semaphore(%arg24 : memref<!tpu.dma_semaphore, #tpu.memory_space<semaphore_mem>>) src(%dma_wait3A_191 : memref<10000x128xf32, #tpu.memory_space<hbm>>) dst(%arg16 : memref<64x128xf32, #tpu.memory_space<vmem>>)
    %dma_start3A_192 = arith.constant 0 : i32
    %dma_start3A_193 = arith.constant 0 : i32
    %dma_start3A_194 = tpu.memref_slice %arg22[%dma_start3A_192, %dma_start3A_193] : memref<10240x128xf32, #tpu.memory_space<vmem_shared>> -> memref<10240x128xf32, #tpu.memory_space<vmem_shared>>
    tpu.enqueue_indirect_dma source(%arg16 : memref<64x128xf32, #tpu.memory_space<vmem>>) target(%dma_start3A_194 : memref<10240x128xf32, #tpu.memory_space<vmem_shared>>) offsets(%arg12 : memref<64xi32, #tpu.memory_space<vmem>>) semaphore(%arg28 : memref<!tpu.dma_semaphore, #tpu.memory_space<semaphore_mem>>) {add = true}
    %dma_wait3A_195 = arith.constant 0 : i32
    %dma_wait3A_196 = tpu.memref_slice %arg3[%dma_wait3A_195] : memref<320000xi32, #tpu.memory_space<hbm>> -> memref<64xi32, #tpu.memory_space<hbm>>
    %dma_wait3A_197 = arith.constant 0 : i32
    %dma_wait3A_198 = tpu.memref_slice %arg3[%dma_wait3A_197] : memref<320000xi32, #tpu.memory_space<hbm>> -> memref<64xi32, #tpu.memory_space<hbm>>
    tpu.wait_dma2 semaphore(%arg34 : memref<!tpu.dma_semaphore, #tpu.memory_space<semaphore_mem>>) src(%dma_wait3A_198 : memref<64xi32, #tpu.memory_space<hbm>>) dst(%arg10 : memref<64xi32, #tpu.memory_space<vmem>>)
    %dma_wait3A_199 = arith.constant 0 : i32
    %dma_wait3A_200 = tpu.memref_slice %arg4[%dma_wait3A_199] : memref<320000xi32, #tpu.memory_space<hbm>> -> memref<64xi32, #tpu.memory_space<hbm>>
    %dma_wait3A_201 = arith.constant 0 : i32
    %dma_wait3A_202 = tpu.memref_slice %arg4[%dma_wait3A_201] : memref<320000xi32, #tpu.memory_space<hbm>> -> memref<64xi32, #tpu.memory_space<hbm>>
    tpu.wait_dma2 semaphore(%arg34 : memref<!tpu.dma_semaphore, #tpu.memory_space<semaphore_mem>>) src(%dma_wait3A_202 : memref<64xi32, #tpu.memory_space<hbm>>) dst(%arg14 : memref<64xi32, #tpu.memory_space<vmem>>)
    %dma_start3A_203 = arith.constant 0 : i32
    %dma_start3A_204 = arith.constant 0 : i32
    %dma_start3A_205 = tpu.memref_slice %arg2[%dma_start3A_203, %dma_start3A_204] : memref<10000x128xf32, #tpu.memory_space<hbm>> -> memref<10000x128xf32, #tpu.memory_space<hbm>>
    tpu.enqueue_indirect_dma source(%dma_start3A_205 : memref<10000x128xf32, #tpu.memory_space<hbm>>) target(%arg18 : memref<64x128xf32, #tpu.memory_space<vmem>>) offsets(%arg10 : memref<64xi32, #tpu.memory_space<vmem>>) semaphore(%arg26 : memref<!tpu.dma_semaphore, #tpu.memory_space<semaphore_mem>>)
    %dma_wait3A_206 = arith.constant 0 : i32
    %dma_wait3A_207 = arith.constant 0 : i32
    %dma_wait3A_208 = tpu.memref_slice %arg22[%dma_wait3A_206, %dma_wait3A_207] : memref<10240x128xf32, #tpu.memory_space<vmem_shared>> -> memref<10240x128xf32, #tpu.memory_space<vmem_shared>>
    tpu.wait_indirect_dma semaphore(%arg27 : memref<!tpu.dma_semaphore, #tpu.memory_space<semaphore_mem>>) src(%arg15 : memref<64x128xf32, #tpu.memory_space<vmem>>) dst(%dma_wait3A_208 : memref<10240x128xf32, #tpu.memory_space<vmem_shared>>)
    %add3A_209 = arith.constant 256 : i32
    %add3A_210 = arith.addi %mul3A_127, %add3A_209 : i32
    %dma_start3A_211 = tpu.memref_slice %arg3[%add3A_210] : memref<320000xi32, #tpu.memory_space<hbm>> -> memref<64xi32, #tpu.memory_space<hbm>>
    %dma_start3A_212 = tpu.memref_slice %arg3[%add3A_210] : memref<320000xi32, #tpu.memory_space<hbm>> -> memref<64xi32, #tpu.memory_space<hbm>>
    tpu.enqueue_dma source(%dma_start3A_212 : memref<64xi32, #tpu.memory_space<hbm>>) target(%arg7 : memref<64xi32, #tpu.memory_space<vmem>>) target_semaphore(%arg31 : memref<!tpu.dma_semaphore, #tpu.memory_space<semaphore_mem>>)
    %dma_start3A_213 = tpu.memref_slice %arg4[%add3A_210] : memref<320000xi32, #tpu.memory_space<hbm>> -> memref<64xi32, #tpu.memory_space<hbm>>
    %dma_start3A_214 = tpu.memref_slice %arg4[%add3A_210] : memref<320000xi32, #tpu.memory_space<hbm>> -> memref<64xi32, #tpu.memory_space<hbm>>
    tpu.enqueue_dma source(%dma_start3A_214 : memref<64xi32, #tpu.memory_space<hbm>>) target(%arg11 : memref<64xi32, #tpu.memory_space<vmem>>) target_semaphore(%arg31 : memref<!tpu.dma_semaphore, #tpu.memory_space<semaphore_mem>>)
    %dma_wait3A_215 = arith.constant 0 : i32
    %dma_wait3A_216 = arith.constant 0 : i32
    %dma_wait3A_217 = tpu.memref_slice %arg2[%dma_wait3A_215, %dma_wait3A_216] : memref<10000x128xf32, #tpu.memory_space<hbm>> -> memref<10000x128xf32, #tpu.memory_space<hbm>>
    tpu.wait_indirect_dma semaphore(%arg25 : memref<!tpu.dma_semaphore, #tpu.memory_space<semaphore_mem>>) src(%dma_wait3A_217 : memref<10000x128xf32, #tpu.memory_space<hbm>>) dst(%arg17 : memref<64x128xf32, #tpu.memory_space<vmem>>)
    %dma_start3A_218 = arith.constant 0 : i32
    %dma_start3A_219 = arith.constant 0 : i32
    %dma_start3A_220 = tpu.memref_slice %arg22[%dma_start3A_218, %dma_start3A_219] : memref<10240x128xf32, #tpu.memory_space<vmem_shared>> -> memref<10240x128xf32, #tpu.memory_space<vmem_shared>>
    tpu.enqueue_indirect_dma source(%arg17 : memref<64x128xf32, #tpu.memory_space<vmem>>) target(%dma_start3A_220 : memref<10240x128xf32, #tpu.memory_space<vmem_shared>>) offsets(%arg13 : memref<64xi32, #tpu.memory_space<vmem>>) semaphore(%arg29 : memref<!tpu.dma_semaphore, #tpu.memory_space<semaphore_mem>>) {add = true}
    %dma_wait3A_221 = arith.constant 0 : i32
    %dma_wait3A_222 = tpu.memref_slice %arg3[%dma_wait3A_221] : memref<320000xi32, #tpu.memory_space<hbm>> -> memref<64xi32, #tpu.memory_space<hbm>>
    %dma_wait3A_223 = arith.constant 0 : i32
    %dma_wait3A_224 = tpu.memref_slice %arg3[%dma_wait3A_223] : memref<320000xi32, #tpu.memory_space<hbm>> -> memref<64xi32, #tpu.memory_space<hbm>>
    tpu.wait_dma2 semaphore(%arg31 : memref<!tpu.dma_semaphore, #tpu.memory_space<semaphore_mem>>) src(%dma_wait3A_224 : memref<64xi32, #tpu.memory_space<hbm>>) dst(%arg7 : memref<64xi32, #tpu.memory_space<vmem>>)
    %dma_wait3A_225 = arith.constant 0 : i32
    %dma_wait3A_226 = tpu.memref_slice %arg4[%dma_wait3A_225] : memref<320000xi32, #tpu.memory_space<hbm>> -> memref<64xi32, #tpu.memory_space<hbm>>
    %dma_wait3A_227 = arith.constant 0 : i32
    %dma_wait3A_228 = tpu.memref_slice %arg4[%dma_wait3A_227] : memref<320000xi32, #tpu.memory_space<hbm>> -> memref<64xi32, #tpu.memory_space<hbm>>
    tpu.wait_dma2 semaphore(%arg31 : memref<!tpu.dma_semaphore, #tpu.memory_space<semaphore_mem>>) src(%dma_wait3A_228 : memref<64xi32, #tpu.memory_space<hbm>>) dst(%arg11 : memref<64xi32, #tpu.memory_space<vmem>>)
    %dma_start3A_229 = arith.constant 0 : i32
    %dma_start3A_230 = arith.constant 0 : i32
    %dma_start3A_231 = tpu.memref_slice %arg2[%dma_start3A_229, %dma_start3A_230] : memref<10000x128xf32, #tpu.memory_space<hbm>> -> memref<10000x128xf32, #tpu.memory_space<hbm>>
    tpu.enqueue_indirect_dma source(%dma_start3A_231 : memref<10000x128xf32, #tpu.memory_space<hbm>>) target(%arg15 : memref<64x128xf32, #tpu.memory_space<vmem>>) offsets(%arg7 : memref<64xi32, #tpu.memory_space<vmem>>) semaphore(%arg23 : memref<!tpu.dma_semaphore, #tpu.memory_space<semaphore_mem>>)
    %dma_wait3A_232 = arith.constant 0 : i32
    %dma_wait3A_233 = arith.constant 0 : i32
    %dma_wait3A_234 = tpu.memref_slice %arg22[%dma_wait3A_232, %dma_wait3A_233] : memref<10240x128xf32, #tpu.memory_space<vmem_shared>> -> memref<10240x128xf32, #tpu.memory_space<vmem_shared>>
    tpu.wait_indirect_dma semaphore(%arg28 : memref<!tpu.dma_semaphore, #tpu.memory_space<semaphore_mem>>) src(%arg16 : memref<64x128xf32, #tpu.memory_space<vmem>>) dst(%dma_wait3A_234 : memref<10240x128xf32, #tpu.memory_space<vmem_shared>>)
    %add3A_235 = arith.constant 320 : i32
    %add3A_236 = arith.addi %mul3A_127, %add3A_235 : i32
    %dma_start3A_237 = tpu.memref_slice %arg3[%add3A_236] : memref<320000xi32, #tpu.memory_space<hbm>> -> memref<64xi32, #tpu.memory_space<hbm>>
    %dma_start3A_238 = tpu.memref_slice %arg3[%add3A_236] : memref<320000xi32, #tpu.memory_space<hbm>> -> memref<64xi32, #tpu.memory_space<hbm>>
    tpu.enqueue_dma source(%dma_start3A_238 : memref<64xi32, #tpu.memory_space<hbm>>) target(%arg8 : memref<64xi32, #tpu.memory_space<vmem>>) target_semaphore(%arg32 : memref<!tpu.dma_semaphore, #tpu.memory_space<semaphore_mem>>)
    %dma_start3A_239 = tpu.memref_slice %arg4[%add3A_236] : memref<320000xi32, #tpu.memory_space<hbm>> -> memref<64xi32, #tpu.memory_space<hbm>>
    %dma_start3A_240 = tpu.memref_slice %arg4[%add3A_236] : memref<320000xi32, #tpu.memory_space<hbm>> -> memref<64xi32, #tpu.memory_space<hbm>>
    tpu.enqueue_dma source(%dma_start3A_240 : memref<64xi32, #tpu.memory_space<hbm>>) target(%arg12 : memref<64xi32, #tpu.memory_space<vmem>>) target_semaphore(%arg32 : memref<!tpu.dma_semaphore, #tpu.memory_space<semaphore_mem>>)
    %dma_wait3A_241 = arith.constant 0 : i32
    %dma_wait3A_242 = arith.constant 0 : i32
    %dma_wait3A_243 = tpu.memref_slice %arg2[%dma_wait3A_241, %dma_wait3A_242] : memref<10000x128xf32, #tpu.memory_space<hbm>> -> memref<10000x128xf32, #tpu.memory_space<hbm>>
    tpu.wait_indirect_dma semaphore(%arg26 : memref<!tpu.dma_semaphore, #tpu.memory_space<semaphore_mem>>) src(%dma_wait3A_243 : memref<10000x128xf32, #tpu.memory_space<hbm>>) dst(%arg18 : memref<64x128xf32, #tpu.memory_space<vmem>>)
    %dma_start3A_244 = arith.constant 0 : i32
    %dma_start3A_245 = arith.constant 0 : i32
    %dma_start3A_246 = tpu.memref_slice %arg22[%dma_start3A_244, %dma_start3A_245] : memref<10240x128xf32, #tpu.memory_space<vmem_shared>> -> memref<10240x128xf32, #tpu.memory_space<vmem_shared>>
    tpu.enqueue_indirect_dma source(%arg18 : memref<64x128xf32, #tpu.memory_space<vmem>>) target(%dma_start3A_246 : memref<10240x128xf32, #tpu.memory_space<vmem_shared>>) offsets(%arg14 : memref<64xi32, #tpu.memory_space<vmem>>) semaphore(%arg30 : memref<!tpu.dma_semaphore, #tpu.memory_space<semaphore_mem>>) {add = true}
    %dma_wait3A_247 = arith.constant 0 : i32
    %dma_wait3A_248 = tpu.memref_slice %arg3[%dma_wait3A_247] : memref<320000xi32, #tpu.memory_space<hbm>> -> memref<64xi32, #tpu.memory_space<hbm>>
    %dma_wait3A_249 = arith.constant 0 : i32
    %dma_wait3A_250 = tpu.memref_slice %arg3[%dma_wait3A_249] : memref<320000xi32, #tpu.memory_space<hbm>> -> memref<64xi32, #tpu.memory_space<hbm>>
    tpu.wait_dma2 semaphore(%arg32 : memref<!tpu.dma_semaphore, #tpu.memory_space<semaphore_mem>>) src(%dma_wait3A_250 : memref<64xi32, #tpu.memory_space<hbm>>) dst(%arg8 : memref<64xi32, #tpu.memory_space<vmem>>)
    %dma_wait3A_251 = arith.constant 0 : i32
    %dma_wait3A_252 = tpu.memref_slice %arg4[%dma_wait3A_251] : memref<320000xi32, #tpu.memory_space<hbm>> -> memref<64xi32, #tpu.memory_space<hbm>>
    %dma_wait3A_253 = arith.constant 0 : i32
    %dma_wait3A_254 = tpu.memref_slice %arg4[%dma_wait3A_253] : memref<320000xi32, #tpu.memory_space<hbm>> -> memref<64xi32, #tpu.memory_space<hbm>>
    tpu.wait_dma2 semaphore(%arg32 : memref<!tpu.dma_semaphore, #tpu.memory_space<semaphore_mem>>) src(%dma_wait3A_254 : memref<64xi32, #tpu.memory_space<hbm>>) dst(%arg12 : memref<64xi32, #tpu.memory_space<vmem>>)
    %dma_start3A_255 = arith.constant 0 : i32
    %dma_start3A_256 = arith.constant 0 : i32
    %dma_start3A_257 = tpu.memref_slice %arg2[%dma_start3A_255, %dma_start3A_256] : memref<10000x128xf32, #tpu.memory_space<hbm>> -> memref<10000x128xf32, #tpu.memory_space<hbm>>
    tpu.enqueue_indirect_dma source(%dma_start3A_257 : memref<10000x128xf32, #tpu.memory_space<hbm>>) target(%arg16 : memref<64x128xf32, #tpu.memory_space<vmem>>) offsets(%arg8 : memref<64xi32, #tpu.memory_space<vmem>>) semaphore(%arg24 : memref<!tpu.dma_semaphore, #tpu.memory_space<semaphore_mem>>)
    %scan3A_258 = arith.constant 0 : i32
    %scan3A_259 = arith.constant 1 : i32
    %scan3A_260 = arith.constant 38 : i32
    %scan3A_261 = arith.addi %scan3A_259, %scan3A_260 : i32
    %scan3A_262 = arith.constant 1 : i32
    scf.for %scan3A_642 = %scan3A_259 to %scan3A_261 step %scan3A_262  : i32 {
      %mul3A_643 = arith.constant 4 : i32
      %mul3A_644 = arith.muli %scan3A_642, %mul3A_643 : i32
      %add3A_645 = arith.constant 0 : i32
      %add3A_646 = arith.addi %mul3A_644, %add3A_645 : i32
      %add3A_647 = arith.constant 2 : i32
      %add3A_648 = arith.addi %add3A_646, %add3A_647 : i32
      %lt3A = arith.constant 156 : i32
      %lt3A_649 = arith.cmpi slt, %add3A_648, %lt3A : i32
      %convert_element_type3A_650 = arith.extui %lt3A_649 : i1 to i32
      %cond3A_651 = arith.constant 0 : i32
      %cond3A_652 = arith.cmpi ne, %convert_element_type3A_650, %cond3A_651 : i32
      scf.if %cond3A_652 {
        %dma_wait3A_738 = arith.constant 0 : i32
        %dma_wait3A_739 = arith.constant 0 : i32
        %dma_wait3A_740 = tpu.memref_slice %arg22[%dma_wait3A_738, %dma_wait3A_739] : memref<10240x128xf32, #tpu.memory_space<vmem_shared>> -> memref<10240x128xf32, #tpu.memory_space<vmem_shared>>
        tpu.wait_indirect_dma semaphore(%arg29 : memref<!tpu.dma_semaphore, #tpu.memory_space<semaphore_mem>>) src(%arg17 : memref<64x128xf32, #tpu.memory_space<vmem>>) dst(%dma_wait3A_740 : memref<10240x128xf32, #tpu.memory_space<vmem_shared>>)
        %add3A_741 = arith.constant 2 : i32
        %add3A_742 = arith.addi %add3A_646, %add3A_741 : i32
        %mul3A_743 = arith.constant 64 : i32
        %mul3A_744 = arith.muli %add3A_742, %mul3A_743 : i32
        %add3A_745 = arith.addi %mul3A_127, %mul3A_744 : i32
        %dma_start3A_746 = tpu.memref_slice %arg3[%add3A_745] : memref<320000xi32, #tpu.memory_space<hbm>> -> memref<64xi32, #tpu.memory_space<hbm>>
        %dma_start3A_747 = tpu.memref_slice %arg3[%add3A_745] : memref<320000xi32, #tpu.memory_space<hbm>> -> memref<64xi32, #tpu.memory_space<hbm>>
        tpu.enqueue_dma source(%dma_start3A_747 : memref<64xi32, #tpu.memory_space<hbm>>) target(%arg9 : memref<64xi32, #tpu.memory_space<vmem>>) target_semaphore(%arg33 : memref<!tpu.dma_semaphore, #tpu.memory_space<semaphore_mem>>)
        %dma_start3A_748 = tpu.memref_slice %arg4[%add3A_745] : memref<320000xi32, #tpu.memory_space<hbm>> -> memref<64xi32, #tpu.memory_space<hbm>>
        %dma_start3A_749 = tpu.memref_slice %arg4[%add3A_745] : memref<320000xi32, #tpu.memory_space<hbm>> -> memref<64xi32, #tpu.memory_space<hbm>>
        tpu.enqueue_dma source(%dma_start3A_749 : memref<64xi32, #tpu.memory_space<hbm>>) target(%arg13 : memref<64xi32, #tpu.memory_space<vmem>>) target_semaphore(%arg33 : memref<!tpu.dma_semaphore, #tpu.memory_space<semaphore_mem>>)
      } else {
      }
      %dma_wait3A_653 = arith.constant 0 : i32
      %dma_wait3A_654 = arith.constant 0 : i32
      %dma_wait3A_655 = tpu.memref_slice %arg2[%dma_wait3A_653, %dma_wait3A_654] : memref<10000x128xf32, #tpu.memory_space<hbm>> -> memref<10000x128xf32, #tpu.memory_space<hbm>>
      tpu.wait_indirect_dma semaphore(%arg23 : memref<!tpu.dma_semaphore, #tpu.memory_space<semaphore_mem>>) src(%dma_wait3A_655 : memref<10000x128xf32, #tpu.memory_space<hbm>>) dst(%arg15 : memref<64x128xf32, #tpu.memory_space<vmem>>)
      %dma_start3A_656 = arith.constant 0 : i32
      %dma_start3A_657 = arith.constant 0 : i32
      %dma_start3A_658 = tpu.memref_slice %arg22[%dma_start3A_656, %dma_start3A_657] : memref<10240x128xf32, #tpu.memory_space<vmem_shared>> -> memref<10240x128xf32, #tpu.memory_space<vmem_shared>>
      tpu.enqueue_indirect_dma source(%arg15 : memref<64x128xf32, #tpu.memory_space<vmem>>) target(%dma_start3A_658 : memref<10240x128xf32, #tpu.memory_space<vmem_shared>>) offsets(%arg11 : memref<64xi32, #tpu.memory_space<vmem>>) semaphore(%arg27 : memref<!tpu.dma_semaphore, #tpu.memory_space<semaphore_mem>>) {add = true}
      %add3A_659 = arith.constant 2 : i32
      %add3A_660 = arith.addi %add3A_646, %add3A_659 : i32
      %lt3A_661 = arith.constant 156 : i32
      %lt3A_662 = arith.cmpi slt, %add3A_660, %lt3A_661 : i32
      %convert_element_type3A_663 = arith.extui %lt3A_662 : i1 to i32
      %cond3A_664 = arith.constant 0 : i32
      %cond3A_665 = arith.cmpi ne, %convert_element_type3A_663, %cond3A_664 : i32
      scf.if %cond3A_665 {
        %dma_wait3A_738 = arith.constant 0 : i32
        %dma_wait3A_739 = tpu.memref_slice %arg3[%dma_wait3A_738] : memref<320000xi32, #tpu.memory_space<hbm>> -> memref<64xi32, #tpu.memory_space<hbm>>
        %dma_wait3A_740 = arith.constant 0 : i32
        %dma_wait3A_741 = tpu.memref_slice %arg3[%dma_wait3A_740] : memref<320000xi32, #tpu.memory_space<hbm>> -> memref<64xi32, #tpu.memory_space<hbm>>
        tpu.wait_dma2 semaphore(%arg33 : memref<!tpu.dma_semaphore, #tpu.memory_space<semaphore_mem>>) src(%dma_wait3A_741 : memref<64xi32, #tpu.memory_space<hbm>>) dst(%arg9 : memref<64xi32, #tpu.memory_space<vmem>>)
        %dma_wait3A_742 = arith.constant 0 : i32
        %dma_wait3A_743 = tpu.memref_slice %arg4[%dma_wait3A_742] : memref<320000xi32, #tpu.memory_space<hbm>> -> memref<64xi32, #tpu.memory_space<hbm>>
        %dma_wait3A_744 = arith.constant 0 : i32
        %dma_wait3A_745 = tpu.memref_slice %arg4[%dma_wait3A_744] : memref<320000xi32, #tpu.memory_space<hbm>> -> memref<64xi32, #tpu.memory_space<hbm>>
        tpu.wait_dma2 semaphore(%arg33 : memref<!tpu.dma_semaphore, #tpu.memory_space<semaphore_mem>>) src(%dma_wait3A_745 : memref<64xi32, #tpu.memory_space<hbm>>) dst(%arg13 : memref<64xi32, #tpu.memory_space<vmem>>)
        %dma_start3A_746 = arith.constant 0 : i32
        %dma_start3A_747 = arith.constant 0 : i32
        %dma_start3A_748 = tpu.memref_slice %arg2[%dma_start3A_746, %dma_start3A_747] : memref<10000x128xf32, #tpu.memory_space<hbm>> -> memref<10000x128xf32, #tpu.memory_space<hbm>>
        tpu.enqueue_indirect_dma source(%dma_start3A_748 : memref<10000x128xf32, #tpu.memory_space<hbm>>) target(%arg17 : memref<64x128xf32, #tpu.memory_space<vmem>>) offsets(%arg9 : memref<64xi32, #tpu.memory_space<vmem>>) semaphore(%arg25 : memref<!tpu.dma_semaphore, #tpu.memory_space<semaphore_mem>>)
      } else {
      }
      %mul3A_666 = arith.constant 4 : i32
      %mul3A_667 = arith.muli %scan3A_642, %mul3A_666 : i32
      %add3A_668 = arith.constant 1 : i32
      %add3A_669 = arith.addi %mul3A_667, %add3A_668 : i32
      %add3A_670 = arith.constant 2 : i32
      %add3A_671 = arith.addi %add3A_669, %add3A_670 : i32
      %lt3A_672 = arith.constant 156 : i32
      %lt3A_673 = arith.cmpi slt, %add3A_671, %lt3A_672 : i32
      %convert_element_type3A_674 = arith.extui %lt3A_673 : i1 to i32
      %cond3A_675 = arith.constant 0 : i32
      %cond3A_676 = arith.cmpi ne, %convert_element_type3A_674, %cond3A_675 : i32
      scf.if %cond3A_676 {
        %dma_wait3A_738 = arith.constant 0 : i32
        %dma_wait3A_739 = arith.constant 0 : i32
        %dma_wait3A_740 = tpu.memref_slice %arg22[%dma_wait3A_738, %dma_wait3A_739] : memref<10240x128xf32, #tpu.memory_space<vmem_shared>> -> memref<10240x128xf32, #tpu.memory_space<vmem_shared>>
        tpu.wait_indirect_dma semaphore(%arg30 : memref<!tpu.dma_semaphore, #tpu.memory_space<semaphore_mem>>) src(%arg18 : memref<64x128xf32, #tpu.memory_space<vmem>>) dst(%dma_wait3A_740 : memref<10240x128xf32, #tpu.memory_space<vmem_shared>>)
        %add3A_741 = arith.constant 2 : i32
        %add3A_742 = arith.addi %add3A_669, %add3A_741 : i32
        %mul3A_743 = arith.constant 64 : i32
        %mul3A_744 = arith.muli %add3A_742, %mul3A_743 : i32
        %add3A_745 = arith.addi %mul3A_127, %mul3A_744 : i32
        %dma_start3A_746 = tpu.memref_slice %arg3[%add3A_745] : memref<320000xi32, #tpu.memory_space<hbm>> -> memref<64xi32, #tpu.memory_space<hbm>>
        %dma_start3A_747 = tpu.memref_slice %arg3[%add3A_745] : memref<320000xi32, #tpu.memory_space<hbm>> -> memref<64xi32, #tpu.memory_space<hbm>>
        tpu.enqueue_dma source(%dma_start3A_747 : memref<64xi32, #tpu.memory_space<hbm>>) target(%arg10 : memref<64xi32, #tpu.memory_space<vmem>>) target_semaphore(%arg34 : memref<!tpu.dma_semaphore, #tpu.memory_space<semaphore_mem>>)
        %dma_start3A_748 = tpu.memref_slice %arg4[%add3A_745] : memref<320000xi32, #tpu.memory_space<hbm>> -> memref<64xi32, #tpu.memory_space<hbm>>
        %dma_start3A_749 = tpu.memref_slice %arg4[%add3A_745] : memref<320000xi32, #tpu.memory_space<hbm>> -> memref<64xi32, #tpu.memory_space<hbm>>
        tpu.enqueue_dma source(%dma_start3A_749 : memref<64xi32, #tpu.memory_space<hbm>>) target(%arg14 : memref<64xi32, #tpu.memory_space<vmem>>) target_semaphore(%arg34 : memref<!tpu.dma_semaphore, #tpu.memory_space<semaphore_mem>>)
      } else {
      }
      %dma_wait3A_677 = arith.constant 0 : i32
      %dma_wait3A_678 = arith.constant 0 : i32
      %dma_wait3A_679 = tpu.memref_slice %arg2[%dma_wait3A_677, %dma_wait3A_678] : memref<10000x128xf32, #tpu.memory_space<hbm>> -> memref<10000x128xf32, #tpu.memory_space<hbm>>
      tpu.wait_indirect_dma semaphore(%arg24 : memref<!tpu.dma_semaphore, #tpu.memory_space<semaphore_mem>>) src(%dma_wait3A_679 : memref<10000x128xf32, #tpu.memory_space<hbm>>) dst(%arg16 : memref<64x128xf32, #tpu.memory_space<vmem>>)
      %dma_start3A_680 = arith.constant 0 : i32
      %dma_start3A_681 = arith.constant 0 : i32
      %dma_start3A_682 = tpu.memref_slice %arg22[%dma_start3A_680, %dma_start3A_681] : memref<10240x128xf32, #tpu.memory_space<vmem_shared>> -> memref<10240x128xf32, #tpu.memory_space<vmem_shared>>
      tpu.enqueue_indirect_dma source(%arg16 : memref<64x128xf32, #tpu.memory_space<vmem>>) target(%dma_start3A_682 : memref<10240x128xf32, #tpu.memory_space<vmem_shared>>) offsets(%arg12 : memref<64xi32, #tpu.memory_space<vmem>>) semaphore(%arg28 : memref<!tpu.dma_semaphore, #tpu.memory_space<semaphore_mem>>) {add = true}
      %add3A_683 = arith.constant 2 : i32
      %add3A_684 = arith.addi %add3A_669, %add3A_683 : i32
      %lt3A_685 = arith.constant 156 : i32
      %lt3A_686 = arith.cmpi slt, %add3A_684, %lt3A_685 : i32
      %convert_element_type3A_687 = arith.extui %lt3A_686 : i1 to i32
      %cond3A_688 = arith.constant 0 : i32
      %cond3A_689 = arith.cmpi ne, %convert_element_type3A_687, %cond3A_688 : i32
      scf.if %cond3A_689 {
        %dma_wait3A_738 = arith.constant 0 : i32
        %dma_wait3A_739 = tpu.memref_slice %arg3[%dma_wait3A_738] : memref<320000xi32, #tpu.memory_space<hbm>> -> memref<64xi32, #tpu.memory_space<hbm>>
        %dma_wait3A_740 = arith.constant 0 : i32
        %dma_wait3A_741 = tpu.memref_slice %arg3[%dma_wait3A_740] : memref<320000xi32, #tpu.memory_space<hbm>> -> memref<64xi32, #tpu.memory_space<hbm>>
        tpu.wait_dma2 semaphore(%arg34 : memref<!tpu.dma_semaphore, #tpu.memory_space<semaphore_mem>>) src(%dma_wait3A_741 : memref<64xi32, #tpu.memory_space<hbm>>) dst(%arg10 : memref<64xi32, #tpu.memory_space<vmem>>)
        %dma_wait3A_742 = arith.constant 0 : i32
        %dma_wait3A_743 = tpu.memref_slice %arg4[%dma_wait3A_742] : memref<320000xi32, #tpu.memory_space<hbm>> -> memref<64xi32, #tpu.memory_space<hbm>>
        %dma_wait3A_744 = arith.constant 0 : i32
        %dma_wait3A_745 = tpu.memref_slice %arg4[%dma_wait3A_744] : memref<320000xi32, #tpu.memory_space<hbm>> -> memref<64xi32, #tpu.memory_space<hbm>>
        tpu.wait_dma2 semaphore(%arg34 : memref<!tpu.dma_semaphore, #tpu.memory_space<semaphore_mem>>) src(%dma_wait3A_745 : memref<64xi32, #tpu.memory_space<hbm>>) dst(%arg14 : memref<64xi32, #tpu.memory_space<vmem>>)
        %dma_start3A_746 = arith.constant 0 : i32
        %dma_start3A_747 = arith.constant 0 : i32
        %dma_start3A_748 = tpu.memref_slice %arg2[%dma_start3A_746, %dma_start3A_747] : memref<10000x128xf32, #tpu.memory_space<hbm>> -> memref<10000x128xf32, #tpu.memory_space<hbm>>
        tpu.enqueue_indirect_dma source(%dma_start3A_748 : memref<10000x128xf32, #tpu.memory_space<hbm>>) target(%arg18 : memref<64x128xf32, #tpu.memory_space<vmem>>) offsets(%arg10 : memref<64xi32, #tpu.memory_space<vmem>>) semaphore(%arg26 : memref<!tpu.dma_semaphore, #tpu.memory_space<semaphore_mem>>)
      } else {
      }
      %mul3A_690 = arith.constant 4 : i32
      %mul3A_691 = arith.muli %scan3A_642, %mul3A_690 : i32
      %add3A_692 = arith.constant 2 : i32
      %add3A_693 = arith.addi %mul3A_691, %add3A_692 : i32
      %add3A_694 = arith.constant 2 : i32
      %add3A_695 = arith.addi %add3A_693, %add3A_694 : i32
      %lt3A_696 = arith.constant 156 : i32
      %lt3A_697 = arith.cmpi slt, %add3A_695, %lt3A_696 : i32
      %convert_element_type3A_698 = arith.extui %lt3A_697 : i1 to i32
      %cond3A_699 = arith.constant 0 : i32
      %cond3A_700 = arith.cmpi ne, %convert_element_type3A_698, %cond3A_699 : i32
      scf.if %cond3A_700 {
        %dma_wait3A_738 = arith.constant 0 : i32
        %dma_wait3A_739 = arith.constant 0 : i32
        %dma_wait3A_740 = tpu.memref_slice %arg22[%dma_wait3A_738, %dma_wait3A_739] : memref<10240x128xf32, #tpu.memory_space<vmem_shared>> -> memref<10240x128xf32, #tpu.memory_space<vmem_shared>>
        tpu.wait_indirect_dma semaphore(%arg27 : memref<!tpu.dma_semaphore, #tpu.memory_space<semaphore_mem>>) src(%arg15 : memref<64x128xf32, #tpu.memory_space<vmem>>) dst(%dma_wait3A_740 : memref<10240x128xf32, #tpu.memory_space<vmem_shared>>)
        %add3A_741 = arith.constant 2 : i32
        %add3A_742 = arith.addi %add3A_693, %add3A_741 : i32
        %mul3A_743 = arith.constant 64 : i32
        %mul3A_744 = arith.muli %add3A_742, %mul3A_743 : i32
        %add3A_745 = arith.addi %mul3A_127, %mul3A_744 : i32
        %dma_start3A_746 = tpu.memref_slice %arg3[%add3A_745] : memref<320000xi32, #tpu.memory_space<hbm>> -> memref<64xi32, #tpu.memory_space<hbm>>
        %dma_start3A_747 = tpu.memref_slice %arg3[%add3A_745] : memref<320000xi32, #tpu.memory_space<hbm>> -> memref<64xi32, #tpu.memory_space<hbm>>
        tpu.enqueue_dma source(%dma_start3A_747 : memref<64xi32, #tpu.memory_space<hbm>>) target(%arg7 : memref<64xi32, #tpu.memory_space<vmem>>) target_semaphore(%arg31 : memref<!tpu.dma_semaphore, #tpu.memory_space<semaphore_mem>>)
        %dma_start3A_748 = tpu.memref_slice %arg4[%add3A_745] : memref<320000xi32, #tpu.memory_space<hbm>> -> memref<64xi32, #tpu.memory_space<hbm>>
        %dma_start3A_749 = tpu.memref_slice %arg4[%add3A_745] : memref<320000xi32, #tpu.memory_space<hbm>> -> memref<64xi32, #tpu.memory_space<hbm>>
        tpu.enqueue_dma source(%dma_start3A_749 : memref<64xi32, #tpu.memory_space<hbm>>) target(%arg11 : memref<64xi32, #tpu.memory_space<vmem>>) target_semaphore(%arg31 : memref<!tpu.dma_semaphore, #tpu.memory_space<semaphore_mem>>)
      } else {
      }
      %dma_wait3A_701 = arith.constant 0 : i32
      %dma_wait3A_702 = arith.constant 0 : i32
      %dma_wait3A_703 = tpu.memref_slice %arg2[%dma_wait3A_701, %dma_wait3A_702] : memref<10000x128xf32, #tpu.memory_space<hbm>> -> memref<10000x128xf32, #tpu.memory_space<hbm>>
      tpu.wait_indirect_dma semaphore(%arg25 : memref<!tpu.dma_semaphore, #tpu.memory_space<semaphore_mem>>) src(%dma_wait3A_703 : memref<10000x128xf32, #tpu.memory_space<hbm>>) dst(%arg17 : memref<64x128xf32, #tpu.memory_space<vmem>>)
      %dma_start3A_704 = arith.constant 0 : i32
      %dma_start3A_705 = arith.constant 0 : i32
      %dma_start3A_706 = tpu.memref_slice %arg22[%dma_start3A_704, %dma_start3A_705] : memref<10240x128xf32, #tpu.memory_space<vmem_shared>> -> memref<10240x128xf32, #tpu.memory_space<vmem_shared>>
      tpu.enqueue_indirect_dma source(%arg17 : memref<64x128xf32, #tpu.memory_space<vmem>>) target(%dma_start3A_706 : memref<10240x128xf32, #tpu.memory_space<vmem_shared>>) offsets(%arg13 : memref<64xi32, #tpu.memory_space<vmem>>) semaphore(%arg29 : memref<!tpu.dma_semaphore, #tpu.memory_space<semaphore_mem>>) {add = true}
      %add3A_707 = arith.constant 2 : i32
      %add3A_708 = arith.addi %add3A_693, %add3A_707 : i32
      %lt3A_709 = arith.constant 156 : i32
      %lt3A_710 = arith.cmpi slt, %add3A_708, %lt3A_709 : i32
      %convert_element_type3A_711 = arith.extui %lt3A_710 : i1 to i32
      %cond3A_712 = arith.constant 0 : i32
      %cond3A_713 = arith.cmpi ne, %convert_element_type3A_711, %cond3A_712 : i32
      scf.if %cond3A_713 {
        %dma_wait3A_738 = arith.constant 0 : i32
        %dma_wait3A_739 = tpu.memref_slice %arg3[%dma_wait3A_738] : memref<320000xi32, #tpu.memory_space<hbm>> -> memref<64xi32, #tpu.memory_space<hbm>>
        %dma_wait3A_740 = arith.constant 0 : i32
        %dma_wait3A_741 = tpu.memref_slice %arg3[%dma_wait3A_740] : memref<320000xi32, #tpu.memory_space<hbm>> -> memref<64xi32, #tpu.memory_space<hbm>>
        tpu.wait_dma2 semaphore(%arg31 : memref<!tpu.dma_semaphore, #tpu.memory_space<semaphore_mem>>) src(%dma_wait3A_741 : memref<64xi32, #tpu.memory_space<hbm>>) dst(%arg7 : memref<64xi32, #tpu.memory_space<vmem>>)
        %dma_wait3A_742 = arith.constant 0 : i32
        %dma_wait3A_743 = tpu.memref_slice %arg4[%dma_wait3A_742] : memref<320000xi32, #tpu.memory_space<hbm>> -> memref<64xi32, #tpu.memory_space<hbm>>
        %dma_wait3A_744 = arith.constant 0 : i32
        %dma_wait3A_745 = tpu.memref_slice %arg4[%dma_wait3A_744] : memref<320000xi32, #tpu.memory_space<hbm>> -> memref<64xi32, #tpu.memory_space<hbm>>
        tpu.wait_dma2 semaphore(%arg31 : memref<!tpu.dma_semaphore, #tpu.memory_space<semaphore_mem>>) src(%dma_wait3A_745 : memref<64xi32, #tpu.memory_space<hbm>>) dst(%arg11 : memref<64xi32, #tpu.memory_space<vmem>>)
        %dma_start3A_746 = arith.constant 0 : i32
        %dma_start3A_747 = arith.constant 0 : i32
        %dma_start3A_748 = tpu.memref_slice %arg2[%dma_start3A_746, %dma_start3A_747] : memref<10000x128xf32, #tpu.memory_space<hbm>> -> memref<10000x128xf32, #tpu.memory_space<hbm>>
        tpu.enqueue_indirect_dma source(%dma_start3A_748 : memref<10000x128xf32, #tpu.memory_space<hbm>>) target(%arg15 : memref<64x128xf32, #tpu.memory_space<vmem>>) offsets(%arg7 : memref<64xi32, #tpu.memory_space<vmem>>) semaphore(%arg23 : memref<!tpu.dma_semaphore, #tpu.memory_space<semaphore_mem>>)
      } else {
      }
      %mul3A_714 = arith.constant 4 : i32
      %mul3A_715 = arith.muli %scan3A_642, %mul3A_714 : i32
      %add3A_716 = arith.constant 3 : i32
      %add3A_717 = arith.addi %mul3A_715, %add3A_716 : i32
      %add3A_718 = arith.constant 2 : i32
      %add3A_719 = arith.addi %add3A_717, %add3A_718 : i32
      %lt3A_720 = arith.constant 156 : i32
      %lt3A_721 = arith.cmpi slt, %add3A_719, %lt3A_720 : i32
      %convert_element_type3A_722 = arith.extui %lt3A_721 : i1 to i32
      %cond3A_723 = arith.constant 0 : i32
      %cond3A_724 = arith.cmpi ne, %convert_element_type3A_722, %cond3A_723 : i32
      scf.if %cond3A_724 {
        %dma_wait3A_738 = arith.constant 0 : i32
        %dma_wait3A_739 = arith.constant 0 : i32
        %dma_wait3A_740 = tpu.memref_slice %arg22[%dma_wait3A_738, %dma_wait3A_739] : memref<10240x128xf32, #tpu.memory_space<vmem_shared>> -> memref<10240x128xf32, #tpu.memory_space<vmem_shared>>
        tpu.wait_indirect_dma semaphore(%arg28 : memref<!tpu.dma_semaphore, #tpu.memory_space<semaphore_mem>>) src(%arg16 : memref<64x128xf32, #tpu.memory_space<vmem>>) dst(%dma_wait3A_740 : memref<10240x128xf32, #tpu.memory_space<vmem_shared>>)
        %add3A_741 = arith.constant 2 : i32
        %add3A_742 = arith.addi %add3A_717, %add3A_741 : i32
        %mul3A_743 = arith.constant 64 : i32
        %mul3A_744 = arith.muli %add3A_742, %mul3A_743 : i32
        %add3A_745 = arith.addi %mul3A_127, %mul3A_744 : i32
        %dma_start3A_746 = tpu.memref_slice %arg3[%add3A_745] : memref<320000xi32, #tpu.memory_space<hbm>> -> memref<64xi32, #tpu.memory_space<hbm>>
        %dma_start3A_747 = tpu.memref_slice %arg3[%add3A_745] : memref<320000xi32, #tpu.memory_space<hbm>> -> memref<64xi32, #tpu.memory_space<hbm>>
        tpu.enqueue_dma source(%dma_start3A_747 : memref<64xi32, #tpu.memory_space<hbm>>) target(%arg8 : memref<64xi32, #tpu.memory_space<vmem>>) target_semaphore(%arg32 : memref<!tpu.dma_semaphore, #tpu.memory_space<semaphore_mem>>)
        %dma_start3A_748 = tpu.memref_slice %arg4[%add3A_745] : memref<320000xi32, #tpu.memory_space<hbm>> -> memref<64xi32, #tpu.memory_space<hbm>>
        %dma_start3A_749 = tpu.memref_slice %arg4[%add3A_745] : memref<320000xi32, #tpu.memory_space<hbm>> -> memref<64xi32, #tpu.memory_space<hbm>>
        tpu.enqueue_dma source(%dma_start3A_749 : memref<64xi32, #tpu.memory_space<hbm>>) target(%arg12 : memref<64xi32, #tpu.memory_space<vmem>>) target_semaphore(%arg32 : memref<!tpu.dma_semaphore, #tpu.memory_space<semaphore_mem>>)
      } else {
      }
      %dma_wait3A_725 = arith.constant 0 : i32
      %dma_wait3A_726 = arith.constant 0 : i32
      %dma_wait3A_727 = tpu.memref_slice %arg2[%dma_wait3A_725, %dma_wait3A_726] : memref<10000x128xf32, #tpu.memory_space<hbm>> -> memref<10000x128xf32, #tpu.memory_space<hbm>>
      tpu.wait_indirect_dma semaphore(%arg26 : memref<!tpu.dma_semaphore, #tpu.memory_space<semaphore_mem>>) src(%dma_wait3A_727 : memref<10000x128xf32, #tpu.memory_space<hbm>>) dst(%arg18 : memref<64x128xf32, #tpu.memory_space<vmem>>)
      %dma_start3A_728 = arith.constant 0 : i32
      %dma_start3A_729 = arith.constant 0 : i32
      %dma_start3A_730 = tpu.memref_slice %arg22[%dma_start3A_728, %dma_start3A_729] : memref<10240x128xf32, #tpu.memory_space<vmem_shared>> -> memref<10240x128xf32, #tpu.memory_space<vmem_shared>>
      tpu.enqueue_indirect_dma source(%arg18 : memref<64x128xf32, #tpu.memory_space<vmem>>) target(%dma_start3A_730 : memref<10240x128xf32, #tpu.memory_space<vmem_shared>>) offsets(%arg14 : memref<64xi32, #tpu.memory_space<vmem>>) semaphore(%arg30 : memref<!tpu.dma_semaphore, #tpu.memory_space<semaphore_mem>>) {add = true}
      %add3A_731 = arith.constant 2 : i32
      %add3A_732 = arith.addi %add3A_717, %add3A_731 : i32
      %lt3A_733 = arith.constant 156 : i32
      %lt3A_734 = arith.cmpi slt, %add3A_732, %lt3A_733 : i32
      %convert_element_type3A_735 = arith.extui %lt3A_734 : i1 to i32
      %cond3A_736 = arith.constant 0 : i32
      %cond3A_737 = arith.cmpi ne, %convert_element_type3A_735, %cond3A_736 : i32
      scf.if %cond3A_737 {
        %dma_wait3A_738 = arith.constant 0 : i32
        %dma_wait3A_739 = tpu.memref_slice %arg3[%dma_wait3A_738] : memref<320000xi32, #tpu.memory_space<hbm>> -> memref<64xi32, #tpu.memory_space<hbm>>
        %dma_wait3A_740 = arith.constant 0 : i32
        %dma_wait3A_741 = tpu.memref_slice %arg3[%dma_wait3A_740] : memref<320000xi32, #tpu.memory_space<hbm>> -> memref<64xi32, #tpu.memory_space<hbm>>
        tpu.wait_dma2 semaphore(%arg32 : memref<!tpu.dma_semaphore, #tpu.memory_space<semaphore_mem>>) src(%dma_wait3A_741 : memref<64xi32, #tpu.memory_space<hbm>>) dst(%arg8 : memref<64xi32, #tpu.memory_space<vmem>>)
        %dma_wait3A_742 = arith.constant 0 : i32
        %dma_wait3A_743 = tpu.memref_slice %arg4[%dma_wait3A_742] : memref<320000xi32, #tpu.memory_space<hbm>> -> memref<64xi32, #tpu.memory_space<hbm>>
        %dma_wait3A_744 = arith.constant 0 : i32
        %dma_wait3A_745 = tpu.memref_slice %arg4[%dma_wait3A_744] : memref<320000xi32, #tpu.memory_space<hbm>> -> memref<64xi32, #tpu.memory_space<hbm>>
        tpu.wait_dma2 semaphore(%arg32 : memref<!tpu.dma_semaphore, #tpu.memory_space<semaphore_mem>>) src(%dma_wait3A_745 : memref<64xi32, #tpu.memory_space<hbm>>) dst(%arg12 : memref<64xi32, #tpu.memory_space<vmem>>)
        %dma_start3A_746 = arith.constant 0 : i32
        %dma_start3A_747 = arith.constant 0 : i32
        %dma_start3A_748 = tpu.memref_slice %arg2[%dma_start3A_746, %dma_start3A_747] : memref<10000x128xf32, #tpu.memory_space<hbm>> -> memref<10000x128xf32, #tpu.memory_space<hbm>>
        tpu.enqueue_indirect_dma source(%dma_start3A_748 : memref<10000x128xf32, #tpu.memory_space<hbm>>) target(%arg16 : memref<64x128xf32, #tpu.memory_space<vmem>>) offsets(%arg8 : memref<64xi32, #tpu.memory_space<vmem>>) semaphore(%arg24 : memref<!tpu.dma_semaphore, #tpu.memory_space<semaphore_mem>>)
      } else {
      }
    }
    %scan3A_263 = arith.constant 38 : i32
    %dma_wait3A_264 = arith.constant 0 : i32
    %dma_wait3A_265 = arith.constant 0 : i32
    %dma_wait3A_266 = tpu.memref_slice %arg22[%dma_wait3A_264, %dma_wait3A_265] : memref<10240x128xf32, #tpu.memory_space<vmem_shared>> -> memref<10240x128xf32, #tpu.memory_space<vmem_shared>>
    tpu.wait_indirect_dma semaphore(%arg27 : memref<!tpu.dma_semaphore, #tpu.memory_space<semaphore_mem>>) src(%arg15 : memref<64x128xf32, #tpu.memory_space<vmem>>) dst(%dma_wait3A_266 : memref<10240x128xf32, #tpu.memory_space<vmem_shared>>)
    %dma_wait3A_267 = arith.constant 0 : i32
    %dma_wait3A_268 = arith.constant 0 : i32
    %dma_wait3A_269 = tpu.memref_slice %arg22[%dma_wait3A_267, %dma_wait3A_268] : memref<10240x128xf32, #tpu.memory_space<vmem_shared>> -> memref<10240x128xf32, #tpu.memory_space<vmem_shared>>
    tpu.wait_indirect_dma semaphore(%arg28 : memref<!tpu.dma_semaphore, #tpu.memory_space<semaphore_mem>>) src(%arg16 : memref<64x128xf32, #tpu.memory_space<vmem>>) dst(%dma_wait3A_269 : memref<10240x128xf32, #tpu.memory_space<vmem_shared>>)
    %dma_wait3A_270 = arith.constant 0 : i32
    %dma_wait3A_271 = arith.constant 0 : i32
    %dma_wait3A_272 = tpu.memref_slice %arg22[%dma_wait3A_270, %dma_wait3A_271] : memref<10240x128xf32, #tpu.memory_space<vmem_shared>> -> memref<10240x128xf32, #tpu.memory_space<vmem_shared>>
    tpu.wait_indirect_dma semaphore(%arg29 : memref<!tpu.dma_semaphore, #tpu.memory_space<semaphore_mem>>) src(%arg17 : memref<64x128xf32, #tpu.memory_space<vmem>>) dst(%dma_wait3A_272 : memref<10240x128xf32, #tpu.memory_space<vmem_shared>>)
    %dma_wait3A_273 = arith.constant 0 : i32
    %dma_wait3A_274 = arith.constant 0 : i32
    %dma_wait3A_275 = tpu.memref_slice %arg22[%dma_wait3A_273, %dma_wait3A_274] : memref<10240x128xf32, #tpu.memory_space<vmem_shared>> -> memref<10240x128xf32, #tpu.memory_space<vmem_shared>>
    tpu.wait_indirect_dma semaphore(%arg30 : memref<!tpu.dma_semaphore, #tpu.memory_space<semaphore_mem>>) src(%arg18 : memref<64x128xf32, #tpu.memory_space<vmem>>) dst(%dma_wait3A_275 : memref<10240x128xf32, #tpu.memory_space<vmem_shared>>)
    %add3A_276 = arith.constant 9984 : i32
    %add3A_277 = arith.addi %mul3A_127, %add3A_276 : i32
    "tpu.region"() ({
      %run_scoped3A = tpu.sem_alloc : memref<!tpu.dma_semaphore, #tpu.memory_space<semaphore_mem>>
      %dma_start3A_642 = tpu.memref_slice %arg3[%add3A_277] : memref<320000xi32, #tpu.memory_space<hbm>> -> memref<16xi32, #tpu.memory_space<hbm>>
      %dma_start3A_643 = tpu.memref_slice %arg3[%add3A_277] : memref<320000xi32, #tpu.memory_space<hbm>> -> memref<16xi32, #tpu.memory_space<hbm>>
      tpu.enqueue_dma source(%dma_start3A_643 : memref<16xi32, #tpu.memory_space<hbm>>) target(%arg19 : memref<16xi32, #tpu.memory_space<vmem>>) target_semaphore(%run_scoped3A : memref<!tpu.dma_semaphore, #tpu.memory_space<semaphore_mem>>)
      %dma_wait3A_644 = tpu.memref_slice %arg3[%add3A_277] : memref<320000xi32, #tpu.memory_space<hbm>> -> memref<16xi32, #tpu.memory_space<hbm>>
      %dma_wait3A_645 = tpu.memref_slice %arg3[%add3A_277] : memref<320000xi32, #tpu.memory_space<hbm>> -> memref<16xi32, #tpu.memory_space<hbm>>
      tpu.wait_dma2 semaphore(%run_scoped3A : memref<!tpu.dma_semaphore, #tpu.memory_space<semaphore_mem>>) src(%dma_wait3A_645 : memref<16xi32, #tpu.memory_space<hbm>>) dst(%arg19 : memref<16xi32, #tpu.memory_space<vmem>>)
      tpu.yield
    }) : () -> ()
    "tpu.region"() ({
      %run_scoped3A = tpu.sem_alloc : memref<!tpu.dma_semaphore, #tpu.memory_space<semaphore_mem>>
      %dma_start3A_642 = tpu.memref_slice %arg4[%add3A_277] : memref<320000xi32, #tpu.memory_space<hbm>> -> memref<16xi32, #tpu.memory_space<hbm>>
      %dma_start3A_643 = tpu.memref_slice %arg4[%add3A_277] : memref<320000xi32, #tpu.memory_space<hbm>> -> memref<16xi32, #tpu.memory_space<hbm>>
      tpu.enqueue_dma source(%dma_start3A_643 : memref<16xi32, #tpu.memory_space<hbm>>) target(%arg20 : memref<16xi32, #tpu.memory_space<vmem>>) target_semaphore(%run_scoped3A : memref<!tpu.dma_semaphore, #tpu.memory_space<semaphore_mem>>)
      %dma_wait3A_644 = tpu.memref_slice %arg4[%add3A_277] : memref<320000xi32, #tpu.memory_space<hbm>> -> memref<16xi32, #tpu.memory_space<hbm>>
      %dma_wait3A_645 = tpu.memref_slice %arg4[%add3A_277] : memref<320000xi32, #tpu.memory_space<hbm>> -> memref<16xi32, #tpu.memory_space<hbm>>
      tpu.wait_dma2 semaphore(%run_scoped3A : memref<!tpu.dma_semaphore, #tpu.memory_space<semaphore_mem>>) src(%dma_wait3A_645 : memref<16xi32, #tpu.memory_space<hbm>>) dst(%arg20 : memref<16xi32, #tpu.memory_space<vmem>>)
      tpu.yield
    }) : () -> ()
    %dma_start3A_278 = arith.constant 0 : i32
    %dma_start3A_279 = arith.constant 0 : i32
    %dma_start3A_280 = tpu.memref_slice %arg2[%dma_start3A_278, %dma_start3A_279] : memref<10000x128xf32, #tpu.memory_space<hbm>> -> memref<10000x128xf32, #tpu.memory_space<hbm>>
    tpu.enqueue_indirect_dma source(%dma_start3A_280 : memref<10000x128xf32, #tpu.memory_space<hbm>>) target(%arg21 : memref<16x128xf32, #tpu.memory_space<vmem>>) offsets(%arg19 : memref<16xi32, #tpu.memory_space<vmem>>) semaphore(%arg35 : memref<!tpu.dma_semaphore, #tpu.memory_space<semaphore_mem>>)
    %dma_wait3A_281 = arith.constant 0 : i32
    %dma_wait3A_282 = arith.constant 0 : i32
    %dma_wait3A_283 = tpu.memref_slice %arg2[%dma_wait3A_281, %dma_wait3A_282] : memref<10000x128xf32, #tpu.memory_space<hbm>> -> memref<10000x128xf32, #tpu.memory_space<hbm>>
    tpu.wait_indirect_dma semaphore(%arg35 : memref<!tpu.dma_semaphore, #tpu.memory_space<semaphore_mem>>) src(%dma_wait3A_283 : memref<10000x128xf32, #tpu.memory_space<hbm>>) dst(%arg21 : memref<16x128xf32, #tpu.memory_space<vmem>>)
    "tpu.region"() ({
      %run_scoped3A = tpu.sem_alloc : memref<!tpu.dma_semaphore, #tpu.memory_space<semaphore_mem>>
      %dma_start3A_642 = arith.constant 0 : i32
      %dma_start3A_643 = arith.constant 0 : i32
      %dma_start3A_644 = tpu.memref_slice %arg22[%dma_start3A_642, %dma_start3A_643] : memref<10240x128xf32, #tpu.memory_space<vmem_shared>> -> memref<10240x128xf32, #tpu.memory_space<vmem_shared>>
      tpu.enqueue_indirect_dma source(%arg21 : memref<16x128xf32, #tpu.memory_space<vmem>>) target(%dma_start3A_644 : memref<10240x128xf32, #tpu.memory_space<vmem_shared>>) offsets(%arg20 : memref<16xi32, #tpu.memory_space<vmem>>) semaphore(%run_scoped3A : memref<!tpu.dma_semaphore, #tpu.memory_space<semaphore_mem>>) {add = true}
      %dma_wait3A_645 = arith.constant 0 : i32
      %dma_wait3A_646 = arith.constant 0 : i32
      %dma_wait3A_647 = tpu.memref_slice %arg22[%dma_wait3A_645, %dma_wait3A_646] : memref<10240x128xf32, #tpu.memory_space<vmem_shared>> -> memref<10240x128xf32, #tpu.memory_space<vmem_shared>>
      tpu.wait_indirect_dma semaphore(%run_scoped3A : memref<!tpu.dma_semaphore, #tpu.memory_space<semaphore_mem>>) src(%arg21 : memref<16x128xf32, #tpu.memory_space<vmem>>) dst(%dma_wait3A_647 : memref<10240x128xf32, #tpu.memory_space<vmem_shared>>)
      tpu.yield
    }) : () -> ()
    %barrier3A_284 = arith.constant 0 : index
    tpu.barrier barrier_id(%barrier3A_284)
    %add3A_285 = arith.constant 0 : i32
    %add3A_286 = arith.addi %mul3A_2, %add3A_285 : i32
    %dma_start3A_287 = arith.constant 0 : i32
    %dma_start3A_288 = tpu.memref_slice %arg22[%add3A_286, %dma_start3A_287] : memref<10240x128xf32, #tpu.memory_space<vmem_shared>> -> memref<64x128xf32, #tpu.memory_space<vmem_shared>>
    %dma_start3A_289 = arith.constant 0 : i32
    %dma_start3A_290 = tpu.memref_slice %arg22[%add3A_286, %dma_start3A_289] : memref<10240x128xf32, #tpu.memory_space<vmem_shared>> -> memref<64x128xf32, #tpu.memory_space<vmem_shared>>
    tpu.enqueue_dma source(%dma_start3A_290 : memref<64x128xf32, #tpu.memory_space<vmem_shared>>) target(%arg15 : memref<64x128xf32, #tpu.memory_space<vmem>>) target_semaphore(%arg23 : memref<!tpu.dma_semaphore, #tpu.memory_space<semaphore_mem>>)
    %add3A_291 = arith.constant 64 : i32
    %add3A_292 = arith.addi %mul3A_2, %add3A_291 : i32
    %dma_start3A_293 = arith.constant 0 : i32
    %dma_start3A_294 = tpu.memref_slice %arg22[%add3A_292, %dma_start3A_293] : memref<10240x128xf32, #tpu.memory_space<vmem_shared>> -> memref<64x128xf32, #tpu.memory_space<vmem_shared>>
    %dma_start3A_295 = arith.constant 0 : i32
    %dma_start3A_296 = tpu.memref_slice %arg22[%add3A_292, %dma_start3A_295] : memref<10240x128xf32, #tpu.memory_space<vmem_shared>> -> memref<64x128xf32, #tpu.memory_space<vmem_shared>>
    tpu.enqueue_dma source(%dma_start3A_296 : memref<64x128xf32, #tpu.memory_space<vmem_shared>>) target(%arg16 : memref<64x128xf32, #tpu.memory_space<vmem>>) target_semaphore(%arg24 : memref<!tpu.dma_semaphore, #tpu.memory_space<semaphore_mem>>)
    %add3A_297 = arith.constant 0 : i32
    %add3A_298 = arith.addi %mul3A_2, %add3A_297 : i32
    %dma_wait3A_299 = arith.constant 0 : i32
    %dma_wait3A_300 = tpu.memref_slice %arg22[%add3A_298, %dma_wait3A_299] : memref<10240x128xf32, #tpu.memory_space<vmem_shared>> -> memref<64x128xf32, #tpu.memory_space<vmem_shared>>
    %dma_wait3A_301 = arith.constant 0 : i32
    %dma_wait3A_302 = tpu.memref_slice %arg22[%add3A_298, %dma_wait3A_301] : memref<10240x128xf32, #tpu.memory_space<vmem_shared>> -> memref<64x128xf32, #tpu.memory_space<vmem_shared>>
    tpu.wait_dma2 semaphore(%arg23 : memref<!tpu.dma_semaphore, #tpu.memory_space<semaphore_mem>>) src(%dma_wait3A_302 : memref<64x128xf32, #tpu.memory_space<vmem_shared>>) dst(%arg15 : memref<64x128xf32, #tpu.memory_space<vmem>>)
    %add3A_303 = arith.constant 0 : i32
    %add3A_304 = arith.addi %mul3A_2, %add3A_303 : i32
    %eq3A = arith.constant 0 : i32
    %eq3A_305 = arith.cmpi eq, %arg0, %eq3A : i32
    %convert_element_type3A = arith.extui %eq3A_305 : i1 to i32
    %cond3A = arith.constant 0 : i32
    %cond3A_306 = arith.cmpi ne, %convert_element_type3A, %cond3A : i32
    scf.if %cond3A_306 {
      %dma_start3A_642 = arith.constant 0 : i32
      %dma_start3A_643 = tpu.memref_slice %arg5[%add3A_304, %dma_start3A_642] : memref<10240x128xf32, #tpu.memory_space<hbm>> -> memref<64x128xf32, #tpu.memory_space<hbm>>
      %dma_start3A_644 = arith.constant 0 : i32
      %dma_start3A_645 = tpu.memref_slice %arg5[%add3A_304, %dma_start3A_644] : memref<10240x128xf32, #tpu.memory_space<hbm>> -> memref<64x128xf32, #tpu.memory_space<hbm>>
      tpu.enqueue_dma source(%arg15 : memref<64x128xf32, #tpu.memory_space<vmem>>) target(%dma_start3A_645 : memref<64x128xf32, #tpu.memory_space<hbm>>) target_semaphore(%arg27 : memref<!tpu.dma_semaphore, #tpu.memory_space<semaphore_mem>>)
    } else {
    }
    %eq3A_307 = arith.constant 1 : i32
    %eq3A_308 = arith.cmpi eq, %arg0, %eq3A_307 : i32
    %convert_element_type3A_309 = arith.extui %eq3A_308 : i1 to i32
    %cond3A_310 = arith.constant 0 : i32
    %cond3A_311 = arith.cmpi ne, %convert_element_type3A_309, %cond3A_310 : i32
    scf.if %cond3A_311 {
      %dma_start3A_642 = arith.constant 0 : i32
      %dma_start3A_643 = tpu.memref_slice %arg6[%add3A_304, %dma_start3A_642] : memref<10240x128xf32, #tpu.memory_space<hbm>> -> memref<64x128xf32, #tpu.memory_space<hbm>>
      %dma_start3A_644 = arith.constant 0 : i32
      %dma_start3A_645 = tpu.memref_slice %arg6[%add3A_304, %dma_start3A_644] : memref<10240x128xf32, #tpu.memory_space<hbm>> -> memref<64x128xf32, #tpu.memory_space<hbm>>
      tpu.enqueue_dma source(%arg15 : memref<64x128xf32, #tpu.memory_space<vmem>>) target(%dma_start3A_645 : memref<64x128xf32, #tpu.memory_space<hbm>>) target_semaphore(%arg27 : memref<!tpu.dma_semaphore, #tpu.memory_space<semaphore_mem>>)
    } else {
    }
    %add3A_312 = arith.constant 0 : i32
    %add3A_313 = arith.addi %mul3A_2, %add3A_312 : i32
    %eq3A_314 = arith.constant 0 : i32
    %eq3A_315 = arith.cmpi eq, %arg0, %eq3A_314 : i32
    %convert_element_type3A_316 = arith.extui %eq3A_315 : i1 to i32
    %cond3A_317 = arith.constant 0 : i32
    %cond3A_318 = arith.cmpi ne, %convert_element_type3A_316, %cond3A_317 : i32
    scf.if %cond3A_318 {
      %dma_wait3A_642 = arith.constant 0 : i32
      %dma_wait3A_643 = tpu.memref_slice %arg5[%add3A_313, %dma_wait3A_642] : memref<10240x128xf32, #tpu.memory_space<hbm>> -> memref<64x128xf32, #tpu.memory_space<hbm>>
      %dma_wait3A_644 = arith.constant 0 : i32
      %dma_wait3A_645 = tpu.memref_slice %arg5[%add3A_313, %dma_wait3A_644] : memref<10240x128xf32, #tpu.memory_space<hbm>> -> memref<64x128xf32, #tpu.memory_space<hbm>>
      tpu.wait_dma2 semaphore(%arg27 : memref<!tpu.dma_semaphore, #tpu.memory_space<semaphore_mem>>) src(%arg15 : memref<64x128xf32, #tpu.memory_space<vmem>>) dst(%dma_wait3A_645 : memref<64x128xf32, #tpu.memory_space<hbm>>)
    } else {
    }
    %eq3A_319 = arith.constant 1 : i32
    %eq3A_320 = arith.cmpi eq, %arg0, %eq3A_319 : i32
    %convert_element_type3A_321 = arith.extui %eq3A_320 : i1 to i32
    %cond3A_322 = arith.constant 0 : i32
    %cond3A_323 = arith.cmpi ne, %convert_element_type3A_321, %cond3A_322 : i32
    scf.if %cond3A_323 {
      %dma_wait3A_642 = arith.constant 0 : i32
      %dma_wait3A_643 = tpu.memref_slice %arg6[%add3A_313, %dma_wait3A_642] : memref<10240x128xf32, #tpu.memory_space<hbm>> -> memref<64x128xf32, #tpu.memory_space<hbm>>
      %dma_wait3A_644 = arith.constant 0 : i32
      %dma_wait3A_645 = tpu.memref_slice %arg6[%add3A_313, %dma_wait3A_644] : memref<10240x128xf32, #tpu.memory_space<hbm>> -> memref<64x128xf32, #tpu.memory_space<hbm>>
      tpu.wait_dma2 semaphore(%arg27 : memref<!tpu.dma_semaphore, #tpu.memory_space<semaphore_mem>>) src(%arg15 : memref<64x128xf32, #tpu.memory_space<vmem>>) dst(%dma_wait3A_645 : memref<64x128xf32, #tpu.memory_space<hbm>>)
    } else {
    }
    %add3A_324 = arith.constant 128 : i32
    %add3A_325 = arith.addi %mul3A_2, %add3A_324 : i32
    %dma_start3A_326 = arith.constant 0 : i32
    %dma_start3A_327 = tpu.memref_slice %arg22[%add3A_325, %dma_start3A_326] : memref<10240x128xf32, #tpu.memory_space<vmem_shared>> -> memref<64x128xf32, #tpu.memory_space<vmem_shared>>
    %dma_start3A_328 = arith.constant 0 : i32
    %dma_start3A_329 = tpu.memref_slice %arg22[%add3A_325, %dma_start3A_328] : memref<10240x128xf32, #tpu.memory_space<vmem_shared>> -> memref<64x128xf32, #tpu.memory_space<vmem_shared>>
    tpu.enqueue_dma source(%dma_start3A_329 : memref<64x128xf32, #tpu.memory_space<vmem_shared>>) target(%arg15 : memref<64x128xf32, #tpu.memory_space<vmem>>) target_semaphore(%arg23 : memref<!tpu.dma_semaphore, #tpu.memory_space<semaphore_mem>>)
    %add3A_330 = arith.constant 64 : i32
    %add3A_331 = arith.addi %mul3A_2, %add3A_330 : i32
    %dma_wait3A_332 = arith.constant 0 : i32
    %dma_wait3A_333 = tpu.memref_slice %arg22[%add3A_331, %dma_wait3A_332] : memref<10240x128xf32, #tpu.memory_space<vmem_shared>> -> memref<64x128xf32, #tpu.memory_space<vmem_shared>>
    %dma_wait3A_334 = arith.constant 0 : i32
    %dma_wait3A_335 = tpu.memref_slice %arg22[%add3A_331, %dma_wait3A_334] : memref<10240x128xf32, #tpu.memory_space<vmem_shared>> -> memref<64x128xf32, #tpu.memory_space<vmem_shared>>
    tpu.wait_dma2 semaphore(%arg24 : memref<!tpu.dma_semaphore, #tpu.memory_space<semaphore_mem>>) src(%dma_wait3A_335 : memref<64x128xf32, #tpu.memory_space<vmem_shared>>) dst(%arg16 : memref<64x128xf32, #tpu.memory_space<vmem>>)
    %add3A_336 = arith.constant 64 : i32
    %add3A_337 = arith.addi %mul3A_2, %add3A_336 : i32
    %eq3A_338 = arith.constant 0 : i32
    %eq3A_339 = arith.cmpi eq, %arg0, %eq3A_338 : i32
    %convert_element_type3A_340 = arith.extui %eq3A_339 : i1 to i32
    %cond3A_341 = arith.constant 0 : i32
    %cond3A_342 = arith.cmpi ne, %convert_element_type3A_340, %cond3A_341 : i32
    scf.if %cond3A_342 {
      %dma_start3A_642 = arith.constant 0 : i32
      %dma_start3A_643 = tpu.memref_slice %arg5[%add3A_337, %dma_start3A_642] : memref<10240x128xf32, #tpu.memory_space<hbm>> -> memref<64x128xf32, #tpu.memory_space<hbm>>
      %dma_start3A_644 = arith.constant 0 : i32
      %dma_start3A_645 = tpu.memref_slice %arg5[%add3A_337, %dma_start3A_644] : memref<10240x128xf32, #tpu.memory_space<hbm>> -> memref<64x128xf32, #tpu.memory_space<hbm>>
      tpu.enqueue_dma source(%arg16 : memref<64x128xf32, #tpu.memory_space<vmem>>) target(%dma_start3A_645 : memref<64x128xf32, #tpu.memory_space<hbm>>) target_semaphore(%arg28 : memref<!tpu.dma_semaphore, #tpu.memory_space<semaphore_mem>>)
    } else {
    }
    %eq3A_343 = arith.constant 1 : i32
    %eq3A_344 = arith.cmpi eq, %arg0, %eq3A_343 : i32
    %convert_element_type3A_345 = arith.extui %eq3A_344 : i1 to i32
    %cond3A_346 = arith.constant 0 : i32
    %cond3A_347 = arith.cmpi ne, %convert_element_type3A_345, %cond3A_346 : i32
    scf.if %cond3A_347 {
      %dma_start3A_642 = arith.constant 0 : i32
      %dma_start3A_643 = tpu.memref_slice %arg6[%add3A_337, %dma_start3A_642] : memref<10240x128xf32, #tpu.memory_space<hbm>> -> memref<64x128xf32, #tpu.memory_space<hbm>>
      %dma_start3A_644 = arith.constant 0 : i32
      %dma_start3A_645 = tpu.memref_slice %arg6[%add3A_337, %dma_start3A_644] : memref<10240x128xf32, #tpu.memory_space<hbm>> -> memref<64x128xf32, #tpu.memory_space<hbm>>
      tpu.enqueue_dma source(%arg16 : memref<64x128xf32, #tpu.memory_space<vmem>>) target(%dma_start3A_645 : memref<64x128xf32, #tpu.memory_space<hbm>>) target_semaphore(%arg28 : memref<!tpu.dma_semaphore, #tpu.memory_space<semaphore_mem>>)
    } else {
    }
    %add3A_348 = arith.constant 64 : i32
    %add3A_349 = arith.addi %mul3A_2, %add3A_348 : i32
    %eq3A_350 = arith.constant 0 : i32
    %eq3A_351 = arith.cmpi eq, %arg0, %eq3A_350 : i32
    %convert_element_type3A_352 = arith.extui %eq3A_351 : i1 to i32
    %cond3A_353 = arith.constant 0 : i32
    %cond3A_354 = arith.cmpi ne, %convert_element_type3A_352, %cond3A_353 : i32
    scf.if %cond3A_354 {
      %dma_wait3A_642 = arith.constant 0 : i32
      %dma_wait3A_643 = tpu.memref_slice %arg5[%add3A_349, %dma_wait3A_642] : memref<10240x128xf32, #tpu.memory_space<hbm>> -> memref<64x128xf32, #tpu.memory_space<hbm>>
      %dma_wait3A_644 = arith.constant 0 : i32
      %dma_wait3A_645 = tpu.memref_slice %arg5[%add3A_349, %dma_wait3A_644] : memref<10240x128xf32, #tpu.memory_space<hbm>> -> memref<64x128xf32, #tpu.memory_space<hbm>>
      tpu.wait_dma2 semaphore(%arg28 : memref<!tpu.dma_semaphore, #tpu.memory_space<semaphore_mem>>) src(%arg16 : memref<64x128xf32, #tpu.memory_space<vmem>>) dst(%dma_wait3A_645 : memref<64x128xf32, #tpu.memory_space<hbm>>)
    } else {
    }
    %eq3A_355 = arith.constant 1 : i32
    %eq3A_356 = arith.cmpi eq, %arg0, %eq3A_355 : i32
    %convert_element_type3A_357 = arith.extui %eq3A_356 : i1 to i32
    %cond3A_358 = arith.constant 0 : i32
    %cond3A_359 = arith.cmpi ne, %convert_element_type3A_357, %cond3A_358 : i32
    scf.if %cond3A_359 {
      %dma_wait3A_642 = arith.constant 0 : i32
      %dma_wait3A_643 = tpu.memref_slice %arg6[%add3A_349, %dma_wait3A_642] : memref<10240x128xf32, #tpu.memory_space<hbm>> -> memref<64x128xf32, #tpu.memory_space<hbm>>
      %dma_wait3A_644 = arith.constant 0 : i32
      %dma_wait3A_645 = tpu.memref_slice %arg6[%add3A_349, %dma_wait3A_644] : memref<10240x128xf32, #tpu.memory_space<hbm>> -> memref<64x128xf32, #tpu.memory_space<hbm>>
      tpu.wait_dma2 semaphore(%arg28 : memref<!tpu.dma_semaphore, #tpu.memory_space<semaphore_mem>>) src(%arg16 : memref<64x128xf32, #tpu.memory_space<vmem>>) dst(%dma_wait3A_645 : memref<64x128xf32, #tpu.memory_space<hbm>>)
    } else {
    }
    %add3A_360 = arith.constant 192 : i32
    %add3A_361 = arith.addi %mul3A_2, %add3A_360 : i32
    %dma_start3A_362 = arith.constant 0 : i32
    %dma_start3A_363 = tpu.memref_slice %arg22[%add3A_361, %dma_start3A_362] : memref<10240x128xf32, #tpu.memory_space<vmem_shared>> -> memref<64x128xf32, #tpu.memory_space<vmem_shared>>
    %dma_start3A_364 = arith.constant 0 : i32
    %dma_start3A_365 = tpu.memref_slice %arg22[%add3A_361, %dma_start3A_364] : memref<10240x128xf32, #tpu.memory_space<vmem_shared>> -> memref<64x128xf32, #tpu.memory_space<vmem_shared>>
    tpu.enqueue_dma source(%dma_start3A_365 : memref<64x128xf32, #tpu.memory_space<vmem_shared>>) target(%arg16 : memref<64x128xf32, #tpu.memory_space<vmem>>) target_semaphore(%arg24 : memref<!tpu.dma_semaphore, #tpu.memory_space<semaphore_mem>>)
    %add3A_366 = arith.constant 128 : i32
    %add3A_367 = arith.addi %mul3A_2, %add3A_366 : i32
    %dma_wait3A_368 = arith.constant 0 : i32
    %dma_wait3A_369 = tpu.memref_slice %arg22[%add3A_367, %dma_wait3A_368] : memref<10240x128xf32, #tpu.memory_space<vmem_shared>> -> memref<64x128xf32, #tpu.memory_space<vmem_shared>>
    %dma_wait3A_370 = arith.constant 0 : i32
    %dma_wait3A_371 = tpu.memref_slice %arg22[%add3A_367, %dma_wait3A_370] : memref<10240x128xf32, #tpu.memory_space<vmem_shared>> -> memref<64x128xf32, #tpu.memory_space<vmem_shared>>
    tpu.wait_dma2 semaphore(%arg23 : memref<!tpu.dma_semaphore, #tpu.memory_space<semaphore_mem>>) src(%dma_wait3A_371 : memref<64x128xf32, #tpu.memory_space<vmem_shared>>) dst(%arg15 : memref<64x128xf32, #tpu.memory_space<vmem>>)
    %add3A_372 = arith.constant 128 : i32
    %add3A_373 = arith.addi %mul3A_2, %add3A_372 : i32
    %eq3A_374 = arith.constant 0 : i32
    %eq3A_375 = arith.cmpi eq, %arg0, %eq3A_374 : i32
    %convert_element_type3A_376 = arith.extui %eq3A_375 : i1 to i32
    %cond3A_377 = arith.constant 0 : i32
    %cond3A_378 = arith.cmpi ne, %convert_element_type3A_376, %cond3A_377 : i32
    scf.if %cond3A_378 {
      %dma_start3A_642 = arith.constant 0 : i32
      %dma_start3A_643 = tpu.memref_slice %arg5[%add3A_373, %dma_start3A_642] : memref<10240x128xf32, #tpu.memory_space<hbm>> -> memref<64x128xf32, #tpu.memory_space<hbm>>
      %dma_start3A_644 = arith.constant 0 : i32
      %dma_start3A_645 = tpu.memref_slice %arg5[%add3A_373, %dma_start3A_644] : memref<10240x128xf32, #tpu.memory_space<hbm>> -> memref<64x128xf32, #tpu.memory_space<hbm>>
      tpu.enqueue_dma source(%arg15 : memref<64x128xf32, #tpu.memory_space<vmem>>) target(%dma_start3A_645 : memref<64x128xf32, #tpu.memory_space<hbm>>) target_semaphore(%arg27 : memref<!tpu.dma_semaphore, #tpu.memory_space<semaphore_mem>>)
    } else {
    }
    %eq3A_379 = arith.constant 1 : i32
    %eq3A_380 = arith.cmpi eq, %arg0, %eq3A_379 : i32
    %convert_element_type3A_381 = arith.extui %eq3A_380 : i1 to i32
    %cond3A_382 = arith.constant 0 : i32
    %cond3A_383 = arith.cmpi ne, %convert_element_type3A_381, %cond3A_382 : i32
    scf.if %cond3A_383 {
      %dma_start3A_642 = arith.constant 0 : i32
      %dma_start3A_643 = tpu.memref_slice %arg6[%add3A_373, %dma_start3A_642] : memref<10240x128xf32, #tpu.memory_space<hbm>> -> memref<64x128xf32, #tpu.memory_space<hbm>>
      %dma_start3A_644 = arith.constant 0 : i32
      %dma_start3A_645 = tpu.memref_slice %arg6[%add3A_373, %dma_start3A_644] : memref<10240x128xf32, #tpu.memory_space<hbm>> -> memref<64x128xf32, #tpu.memory_space<hbm>>
      tpu.enqueue_dma source(%arg15 : memref<64x128xf32, #tpu.memory_space<vmem>>) target(%dma_start3A_645 : memref<64x128xf32, #tpu.memory_space<hbm>>) target_semaphore(%arg27 : memref<!tpu.dma_semaphore, #tpu.memory_space<semaphore_mem>>)
    } else {
    }
    %add3A_384 = arith.constant 128 : i32
    %add3A_385 = arith.addi %mul3A_2, %add3A_384 : i32
    %eq3A_386 = arith.constant 0 : i32
    %eq3A_387 = arith.cmpi eq, %arg0, %eq3A_386 : i32
    %convert_element_type3A_388 = arith.extui %eq3A_387 : i1 to i32
    %cond3A_389 = arith.constant 0 : i32
    %cond3A_390 = arith.cmpi ne, %convert_element_type3A_388, %cond3A_389 : i32
    scf.if %cond3A_390 {
      %dma_wait3A_642 = arith.constant 0 : i32
      %dma_wait3A_643 = tpu.memref_slice %arg5[%add3A_385, %dma_wait3A_642] : memref<10240x128xf32, #tpu.memory_space<hbm>> -> memref<64x128xf32, #tpu.memory_space<hbm>>
      %dma_wait3A_644 = arith.constant 0 : i32
      %dma_wait3A_645 = tpu.memref_slice %arg5[%add3A_385, %dma_wait3A_644] : memref<10240x128xf32, #tpu.memory_space<hbm>> -> memref<64x128xf32, #tpu.memory_space<hbm>>
      tpu.wait_dma2 semaphore(%arg27 : memref<!tpu.dma_semaphore, #tpu.memory_space<semaphore_mem>>) src(%arg15 : memref<64x128xf32, #tpu.memory_space<vmem>>) dst(%dma_wait3A_645 : memref<64x128xf32, #tpu.memory_space<hbm>>)
    } else {
    }
    %eq3A_391 = arith.constant 1 : i32
    %eq3A_392 = arith.cmpi eq, %arg0, %eq3A_391 : i32
    %convert_element_type3A_393 = arith.extui %eq3A_392 : i1 to i32
    %cond3A_394 = arith.constant 0 : i32
    %cond3A_395 = arith.cmpi ne, %convert_element_type3A_393, %cond3A_394 : i32
    scf.if %cond3A_395 {
      %dma_wait3A_642 = arith.constant 0 : i32
      %dma_wait3A_643 = tpu.memref_slice %arg6[%add3A_385, %dma_wait3A_642] : memref<10240x128xf32, #tpu.memory_space<hbm>> -> memref<64x128xf32, #tpu.memory_space<hbm>>
      %dma_wait3A_644 = arith.constant 0 : i32
      %dma_wait3A_645 = tpu.memref_slice %arg6[%add3A_385, %dma_wait3A_644] : memref<10240x128xf32, #tpu.memory_space<hbm>> -> memref<64x128xf32, #tpu.memory_space<hbm>>
      tpu.wait_dma2 semaphore(%arg27 : memref<!tpu.dma_semaphore, #tpu.memory_space<semaphore_mem>>) src(%arg15 : memref<64x128xf32, #tpu.memory_space<vmem>>) dst(%dma_wait3A_645 : memref<64x128xf32, #tpu.memory_space<hbm>>)
    } else {
    }
    %add3A_396 = arith.constant 256 : i32
    %add3A_397 = arith.addi %mul3A_2, %add3A_396 : i32
    %dma_start3A_398 = arith.constant 0 : i32
    %dma_start3A_399 = tpu.memref_slice %arg22[%add3A_397, %dma_start3A_398] : memref<10240x128xf32, #tpu.memory_space<vmem_shared>> -> memref<64x128xf32, #tpu.memory_space<vmem_shared>>
    %dma_start3A_400 = arith.constant 0 : i32
    %dma_start3A_401 = tpu.memref_slice %arg22[%add3A_397, %dma_start3A_400] : memref<10240x128xf32, #tpu.memory_space<vmem_shared>> -> memref<64x128xf32, #tpu.memory_space<vmem_shared>>
    tpu.enqueue_dma source(%dma_start3A_401 : memref<64x128xf32, #tpu.memory_space<vmem_shared>>) target(%arg15 : memref<64x128xf32, #tpu.memory_space<vmem>>) target_semaphore(%arg23 : memref<!tpu.dma_semaphore, #tpu.memory_space<semaphore_mem>>)
    %add3A_402 = arith.constant 192 : i32
    %add3A_403 = arith.addi %mul3A_2, %add3A_402 : i32
    %dma_wait3A_404 = arith.constant 0 : i32
    %dma_wait3A_405 = tpu.memref_slice %arg22[%add3A_403, %dma_wait3A_404] : memref<10240x128xf32, #tpu.memory_space<vmem_shared>> -> memref<64x128xf32, #tpu.memory_space<vmem_shared>>
    %dma_wait3A_406 = arith.constant 0 : i32
    %dma_wait3A_407 = tpu.memref_slice %arg22[%add3A_403, %dma_wait3A_406] : memref<10240x128xf32, #tpu.memory_space<vmem_shared>> -> memref<64x128xf32, #tpu.memory_space<vmem_shared>>
    tpu.wait_dma2 semaphore(%arg24 : memref<!tpu.dma_semaphore, #tpu.memory_space<semaphore_mem>>) src(%dma_wait3A_407 : memref<64x128xf32, #tpu.memory_space<vmem_shared>>) dst(%arg16 : memref<64x128xf32, #tpu.memory_space<vmem>>)
    %add3A_408 = arith.constant 192 : i32
    %add3A_409 = arith.addi %mul3A_2, %add3A_408 : i32
    %eq3A_410 = arith.constant 0 : i32
    %eq3A_411 = arith.cmpi eq, %arg0, %eq3A_410 : i32
    %convert_element_type3A_412 = arith.extui %eq3A_411 : i1 to i32
    %cond3A_413 = arith.constant 0 : i32
    %cond3A_414 = arith.cmpi ne, %convert_element_type3A_412, %cond3A_413 : i32
    scf.if %cond3A_414 {
      %dma_start3A_642 = arith.constant 0 : i32
      %dma_start3A_643 = tpu.memref_slice %arg5[%add3A_409, %dma_start3A_642] : memref<10240x128xf32, #tpu.memory_space<hbm>> -> memref<64x128xf32, #tpu.memory_space<hbm>>
      %dma_start3A_644 = arith.constant 0 : i32
      %dma_start3A_645 = tpu.memref_slice %arg5[%add3A_409, %dma_start3A_644] : memref<10240x128xf32, #tpu.memory_space<hbm>> -> memref<64x128xf32, #tpu.memory_space<hbm>>
      tpu.enqueue_dma source(%arg16 : memref<64x128xf32, #tpu.memory_space<vmem>>) target(%dma_start3A_645 : memref<64x128xf32, #tpu.memory_space<hbm>>) target_semaphore(%arg28 : memref<!tpu.dma_semaphore, #tpu.memory_space<semaphore_mem>>)
    } else {
    }
    %eq3A_415 = arith.constant 1 : i32
    %eq3A_416 = arith.cmpi eq, %arg0, %eq3A_415 : i32
    %convert_element_type3A_417 = arith.extui %eq3A_416 : i1 to i32
    %cond3A_418 = arith.constant 0 : i32
    %cond3A_419 = arith.cmpi ne, %convert_element_type3A_417, %cond3A_418 : i32
    scf.if %cond3A_419 {
      %dma_start3A_642 = arith.constant 0 : i32
      %dma_start3A_643 = tpu.memref_slice %arg6[%add3A_409, %dma_start3A_642] : memref<10240x128xf32, #tpu.memory_space<hbm>> -> memref<64x128xf32, #tpu.memory_space<hbm>>
      %dma_start3A_644 = arith.constant 0 : i32
      %dma_start3A_645 = tpu.memref_slice %arg6[%add3A_409, %dma_start3A_644] : memref<10240x128xf32, #tpu.memory_space<hbm>> -> memref<64x128xf32, #tpu.memory_space<hbm>>
      tpu.enqueue_dma source(%arg16 : memref<64x128xf32, #tpu.memory_space<vmem>>) target(%dma_start3A_645 : memref<64x128xf32, #tpu.memory_space<hbm>>) target_semaphore(%arg28 : memref<!tpu.dma_semaphore, #tpu.memory_space<semaphore_mem>>)
    } else {
    }
    %add3A_420 = arith.constant 192 : i32
    %add3A_421 = arith.addi %mul3A_2, %add3A_420 : i32
    %eq3A_422 = arith.constant 0 : i32
    %eq3A_423 = arith.cmpi eq, %arg0, %eq3A_422 : i32
    %convert_element_type3A_424 = arith.extui %eq3A_423 : i1 to i32
    %cond3A_425 = arith.constant 0 : i32
    %cond3A_426 = arith.cmpi ne, %convert_element_type3A_424, %cond3A_425 : i32
    scf.if %cond3A_426 {
      %dma_wait3A_642 = arith.constant 0 : i32
      %dma_wait3A_643 = tpu.memref_slice %arg5[%add3A_421, %dma_wait3A_642] : memref<10240x128xf32, #tpu.memory_space<hbm>> -> memref<64x128xf32, #tpu.memory_space<hbm>>
      %dma_wait3A_644 = arith.constant 0 : i32
      %dma_wait3A_645 = tpu.memref_slice %arg5[%add3A_421, %dma_wait3A_644] : memref<10240x128xf32, #tpu.memory_space<hbm>> -> memref<64x128xf32, #tpu.memory_space<hbm>>
      tpu.wait_dma2 semaphore(%arg28 : memref<!tpu.dma_semaphore, #tpu.memory_space<semaphore_mem>>) src(%arg16 : memref<64x128xf32, #tpu.memory_space<vmem>>) dst(%dma_wait3A_645 : memref<64x128xf32, #tpu.memory_space<hbm>>)
    } else {
    }
    %eq3A_427 = arith.constant 1 : i32
    %eq3A_428 = arith.cmpi eq, %arg0, %eq3A_427 : i32
    %convert_element_type3A_429 = arith.extui %eq3A_428 : i1 to i32
    %cond3A_430 = arith.constant 0 : i32
    %cond3A_431 = arith.cmpi ne, %convert_element_type3A_429, %cond3A_430 : i32
    scf.if %cond3A_431 {
      %dma_wait3A_642 = arith.constant 0 : i32
      %dma_wait3A_643 = tpu.memref_slice %arg6[%add3A_421, %dma_wait3A_642] : memref<10240x128xf32, #tpu.memory_space<hbm>> -> memref<64x128xf32, #tpu.memory_space<hbm>>
      %dma_wait3A_644 = arith.constant 0 : i32
      %dma_wait3A_645 = tpu.memref_slice %arg6[%add3A_421, %dma_wait3A_644] : memref<10240x128xf32, #tpu.memory_space<hbm>> -> memref<64x128xf32, #tpu.memory_space<hbm>>
      tpu.wait_dma2 semaphore(%arg28 : memref<!tpu.dma_semaphore, #tpu.memory_space<semaphore_mem>>) src(%arg16 : memref<64x128xf32, #tpu.memory_space<vmem>>) dst(%dma_wait3A_645 : memref<64x128xf32, #tpu.memory_space<hbm>>)
    } else {
    }
    %add3A_432 = arith.constant 320 : i32
    %add3A_433 = arith.addi %mul3A_2, %add3A_432 : i32
    %dma_start3A_434 = arith.constant 0 : i32
    %dma_start3A_435 = tpu.memref_slice %arg22[%add3A_433, %dma_start3A_434] : memref<10240x128xf32, #tpu.memory_space<vmem_shared>> -> memref<64x128xf32, #tpu.memory_space<vmem_shared>>
    %dma_start3A_436 = arith.constant 0 : i32
    %dma_start3A_437 = tpu.memref_slice %arg22[%add3A_433, %dma_start3A_436] : memref<10240x128xf32, #tpu.memory_space<vmem_shared>> -> memref<64x128xf32, #tpu.memory_space<vmem_shared>>
    tpu.enqueue_dma source(%dma_start3A_437 : memref<64x128xf32, #tpu.memory_space<vmem_shared>>) target(%arg16 : memref<64x128xf32, #tpu.memory_space<vmem>>) target_semaphore(%arg24 : memref<!tpu.dma_semaphore, #tpu.memory_space<semaphore_mem>>)
    %add3A_438 = arith.constant 256 : i32
    %add3A_439 = arith.addi %mul3A_2, %add3A_438 : i32
    %dma_wait3A_440 = arith.constant 0 : i32
    %dma_wait3A_441 = tpu.memref_slice %arg22[%add3A_439, %dma_wait3A_440] : memref<10240x128xf32, #tpu.memory_space<vmem_shared>> -> memref<64x128xf32, #tpu.memory_space<vmem_shared>>
    %dma_wait3A_442 = arith.constant 0 : i32
    %dma_wait3A_443 = tpu.memref_slice %arg22[%add3A_439, %dma_wait3A_442] : memref<10240x128xf32, #tpu.memory_space<vmem_shared>> -> memref<64x128xf32, #tpu.memory_space<vmem_shared>>
    tpu.wait_dma2 semaphore(%arg23 : memref<!tpu.dma_semaphore, #tpu.memory_space<semaphore_mem>>) src(%dma_wait3A_443 : memref<64x128xf32, #tpu.memory_space<vmem_shared>>) dst(%arg15 : memref<64x128xf32, #tpu.memory_space<vmem>>)
    %add3A_444 = arith.constant 256 : i32
    %add3A_445 = arith.addi %mul3A_2, %add3A_444 : i32
    %eq3A_446 = arith.constant 0 : i32
    %eq3A_447 = arith.cmpi eq, %arg0, %eq3A_446 : i32
    %convert_element_type3A_448 = arith.extui %eq3A_447 : i1 to i32
    %cond3A_449 = arith.constant 0 : i32
    %cond3A_450 = arith.cmpi ne, %convert_element_type3A_448, %cond3A_449 : i32
    scf.if %cond3A_450 {
      %dma_start3A_642 = arith.constant 0 : i32
      %dma_start3A_643 = tpu.memref_slice %arg5[%add3A_445, %dma_start3A_642] : memref<10240x128xf32, #tpu.memory_space<hbm>> -> memref<64x128xf32, #tpu.memory_space<hbm>>
      %dma_start3A_644 = arith.constant 0 : i32
      %dma_start3A_645 = tpu.memref_slice %arg5[%add3A_445, %dma_start3A_644] : memref<10240x128xf32, #tpu.memory_space<hbm>> -> memref<64x128xf32, #tpu.memory_space<hbm>>
      tpu.enqueue_dma source(%arg15 : memref<64x128xf32, #tpu.memory_space<vmem>>) target(%dma_start3A_645 : memref<64x128xf32, #tpu.memory_space<hbm>>) target_semaphore(%arg27 : memref<!tpu.dma_semaphore, #tpu.memory_space<semaphore_mem>>)
    } else {
    }
    %eq3A_451 = arith.constant 1 : i32
    %eq3A_452 = arith.cmpi eq, %arg0, %eq3A_451 : i32
    %convert_element_type3A_453 = arith.extui %eq3A_452 : i1 to i32
    %cond3A_454 = arith.constant 0 : i32
    %cond3A_455 = arith.cmpi ne, %convert_element_type3A_453, %cond3A_454 : i32
    scf.if %cond3A_455 {
      %dma_start3A_642 = arith.constant 0 : i32
      %dma_start3A_643 = tpu.memref_slice %arg6[%add3A_445, %dma_start3A_642] : memref<10240x128xf32, #tpu.memory_space<hbm>> -> memref<64x128xf32, #tpu.memory_space<hbm>>
      %dma_start3A_644 = arith.constant 0 : i32
      %dma_start3A_645 = tpu.memref_slice %arg6[%add3A_445, %dma_start3A_644] : memref<10240x128xf32, #tpu.memory_space<hbm>> -> memref<64x128xf32, #tpu.memory_space<hbm>>
      tpu.enqueue_dma source(%arg15 : memref<64x128xf32, #tpu.memory_space<vmem>>) target(%dma_start3A_645 : memref<64x128xf32, #tpu.memory_space<hbm>>) target_semaphore(%arg27 : memref<!tpu.dma_semaphore, #tpu.memory_space<semaphore_mem>>)
    } else {
    }
    %add3A_456 = arith.constant 256 : i32
    %add3A_457 = arith.addi %mul3A_2, %add3A_456 : i32
    %eq3A_458 = arith.constant 0 : i32
    %eq3A_459 = arith.cmpi eq, %arg0, %eq3A_458 : i32
    %convert_element_type3A_460 = arith.extui %eq3A_459 : i1 to i32
    %cond3A_461 = arith.constant 0 : i32
    %cond3A_462 = arith.cmpi ne, %convert_element_type3A_460, %cond3A_461 : i32
    scf.if %cond3A_462 {
      %dma_wait3A_642 = arith.constant 0 : i32
      %dma_wait3A_643 = tpu.memref_slice %arg5[%add3A_457, %dma_wait3A_642] : memref<10240x128xf32, #tpu.memory_space<hbm>> -> memref<64x128xf32, #tpu.memory_space<hbm>>
      %dma_wait3A_644 = arith.constant 0 : i32
      %dma_wait3A_645 = tpu.memref_slice %arg5[%add3A_457, %dma_wait3A_644] : memref<10240x128xf32, #tpu.memory_space<hbm>> -> memref<64x128xf32, #tpu.memory_space<hbm>>
      tpu.wait_dma2 semaphore(%arg27 : memref<!tpu.dma_semaphore, #tpu.memory_space<semaphore_mem>>) src(%arg15 : memref<64x128xf32, #tpu.memory_space<vmem>>) dst(%dma_wait3A_645 : memref<64x128xf32, #tpu.memory_space<hbm>>)
    } else {
    }
    %eq3A_463 = arith.constant 1 : i32
    %eq3A_464 = arith.cmpi eq, %arg0, %eq3A_463 : i32
    %convert_element_type3A_465 = arith.extui %eq3A_464 : i1 to i32
    %cond3A_466 = arith.constant 0 : i32
    %cond3A_467 = arith.cmpi ne, %convert_element_type3A_465, %cond3A_466 : i32
    scf.if %cond3A_467 {
      %dma_wait3A_642 = arith.constant 0 : i32
      %dma_wait3A_643 = tpu.memref_slice %arg6[%add3A_457, %dma_wait3A_642] : memref<10240x128xf32, #tpu.memory_space<hbm>> -> memref<64x128xf32, #tpu.memory_space<hbm>>
      %dma_wait3A_644 = arith.constant 0 : i32
      %dma_wait3A_645 = tpu.memref_slice %arg6[%add3A_457, %dma_wait3A_644] : memref<10240x128xf32, #tpu.memory_space<hbm>> -> memref<64x128xf32, #tpu.memory_space<hbm>>
      tpu.wait_dma2 semaphore(%arg27 : memref<!tpu.dma_semaphore, #tpu.memory_space<semaphore_mem>>) src(%arg15 : memref<64x128xf32, #tpu.memory_space<vmem>>) dst(%dma_wait3A_645 : memref<64x128xf32, #tpu.memory_space<hbm>>)
    } else {
    }
    %add3A_468 = arith.constant 384 : i32
    %add3A_469 = arith.addi %mul3A_2, %add3A_468 : i32
    %dma_start3A_470 = arith.constant 0 : i32
    %dma_start3A_471 = tpu.memref_slice %arg22[%add3A_469, %dma_start3A_470] : memref<10240x128xf32, #tpu.memory_space<vmem_shared>> -> memref<64x128xf32, #tpu.memory_space<vmem_shared>>
    %dma_start3A_472 = arith.constant 0 : i32
    %dma_start3A_473 = tpu.memref_slice %arg22[%add3A_469, %dma_start3A_472] : memref<10240x128xf32, #tpu.memory_space<vmem_shared>> -> memref<64x128xf32, #tpu.memory_space<vmem_shared>>
    tpu.enqueue_dma source(%dma_start3A_473 : memref<64x128xf32, #tpu.memory_space<vmem_shared>>) target(%arg15 : memref<64x128xf32, #tpu.memory_space<vmem>>) target_semaphore(%arg23 : memref<!tpu.dma_semaphore, #tpu.memory_space<semaphore_mem>>)
    %add3A_474 = arith.constant 320 : i32
    %add3A_475 = arith.addi %mul3A_2, %add3A_474 : i32
    %dma_wait3A_476 = arith.constant 0 : i32
    %dma_wait3A_477 = tpu.memref_slice %arg22[%add3A_475, %dma_wait3A_476] : memref<10240x128xf32, #tpu.memory_space<vmem_shared>> -> memref<64x128xf32, #tpu.memory_space<vmem_shared>>
    %dma_wait3A_478 = arith.constant 0 : i32
    %dma_wait3A_479 = tpu.memref_slice %arg22[%add3A_475, %dma_wait3A_478] : memref<10240x128xf32, #tpu.memory_space<vmem_shared>> -> memref<64x128xf32, #tpu.memory_space<vmem_shared>>
    tpu.wait_dma2 semaphore(%arg24 : memref<!tpu.dma_semaphore, #tpu.memory_space<semaphore_mem>>) src(%dma_wait3A_479 : memref<64x128xf32, #tpu.memory_space<vmem_shared>>) dst(%arg16 : memref<64x128xf32, #tpu.memory_space<vmem>>)
    %add3A_480 = arith.constant 320 : i32
    %add3A_481 = arith.addi %mul3A_2, %add3A_480 : i32
    %eq3A_482 = arith.constant 0 : i32
    %eq3A_483 = arith.cmpi eq, %arg0, %eq3A_482 : i32
    %convert_element_type3A_484 = arith.extui %eq3A_483 : i1 to i32
    %cond3A_485 = arith.constant 0 : i32
    %cond3A_486 = arith.cmpi ne, %convert_element_type3A_484, %cond3A_485 : i32
    scf.if %cond3A_486 {
      %dma_start3A_642 = arith.constant 0 : i32
      %dma_start3A_643 = tpu.memref_slice %arg5[%add3A_481, %dma_start3A_642] : memref<10240x128xf32, #tpu.memory_space<hbm>> -> memref<64x128xf32, #tpu.memory_space<hbm>>
      %dma_start3A_644 = arith.constant 0 : i32
      %dma_start3A_645 = tpu.memref_slice %arg5[%add3A_481, %dma_start3A_644] : memref<10240x128xf32, #tpu.memory_space<hbm>> -> memref<64x128xf32, #tpu.memory_space<hbm>>
      tpu.enqueue_dma source(%arg16 : memref<64x128xf32, #tpu.memory_space<vmem>>) target(%dma_start3A_645 : memref<64x128xf32, #tpu.memory_space<hbm>>) target_semaphore(%arg28 : memref<!tpu.dma_semaphore, #tpu.memory_space<semaphore_mem>>)
    } else {
    }
    %eq3A_487 = arith.constant 1 : i32
    %eq3A_488 = arith.cmpi eq, %arg0, %eq3A_487 : i32
    %convert_element_type3A_489 = arith.extui %eq3A_488 : i1 to i32
    %cond3A_490 = arith.constant 0 : i32
    %cond3A_491 = arith.cmpi ne, %convert_element_type3A_489, %cond3A_490 : i32
    scf.if %cond3A_491 {
      %dma_start3A_642 = arith.constant 0 : i32
      %dma_start3A_643 = tpu.memref_slice %arg6[%add3A_481, %dma_start3A_642] : memref<10240x128xf32, #tpu.memory_space<hbm>> -> memref<64x128xf32, #tpu.memory_space<hbm>>
      %dma_start3A_644 = arith.constant 0 : i32
      %dma_start3A_645 = tpu.memref_slice %arg6[%add3A_481, %dma_start3A_644] : memref<10240x128xf32, #tpu.memory_space<hbm>> -> memref<64x128xf32, #tpu.memory_space<hbm>>
      tpu.enqueue_dma source(%arg16 : memref<64x128xf32, #tpu.memory_space<vmem>>) target(%dma_start3A_645 : memref<64x128xf32, #tpu.memory_space<hbm>>) target_semaphore(%arg28 : memref<!tpu.dma_semaphore, #tpu.memory_space<semaphore_mem>>)
    } else {
    }
    %add3A_492 = arith.constant 320 : i32
    %add3A_493 = arith.addi %mul3A_2, %add3A_492 : i32
    %eq3A_494 = arith.constant 0 : i32
    %eq3A_495 = arith.cmpi eq, %arg0, %eq3A_494 : i32
    %convert_element_type3A_496 = arith.extui %eq3A_495 : i1 to i32
    %cond3A_497 = arith.constant 0 : i32
    %cond3A_498 = arith.cmpi ne, %convert_element_type3A_496, %cond3A_497 : i32
    scf.if %cond3A_498 {
      %dma_wait3A_642 = arith.constant 0 : i32
      %dma_wait3A_643 = tpu.memref_slice %arg5[%add3A_493, %dma_wait3A_642] : memref<10240x128xf32, #tpu.memory_space<hbm>> -> memref<64x128xf32, #tpu.memory_space<hbm>>
      %dma_wait3A_644 = arith.constant 0 : i32
      %dma_wait3A_645 = tpu.memref_slice %arg5[%add3A_493, %dma_wait3A_644] : memref<10240x128xf32, #tpu.memory_space<hbm>> -> memref<64x128xf32, #tpu.memory_space<hbm>>
      tpu.wait_dma2 semaphore(%arg28 : memref<!tpu.dma_semaphore, #tpu.memory_space<semaphore_mem>>) src(%arg16 : memref<64x128xf32, #tpu.memory_space<vmem>>) dst(%dma_wait3A_645 : memref<64x128xf32, #tpu.memory_space<hbm>>)
    } else {
    }
    %eq3A_499 = arith.constant 1 : i32
    %eq3A_500 = arith.cmpi eq, %arg0, %eq3A_499 : i32
    %convert_element_type3A_501 = arith.extui %eq3A_500 : i1 to i32
    %cond3A_502 = arith.constant 0 : i32
    %cond3A_503 = arith.cmpi ne, %convert_element_type3A_501, %cond3A_502 : i32
    scf.if %cond3A_503 {
      %dma_wait3A_642 = arith.constant 0 : i32
      %dma_wait3A_643 = tpu.memref_slice %arg6[%add3A_493, %dma_wait3A_642] : memref<10240x128xf32, #tpu.memory_space<hbm>> -> memref<64x128xf32, #tpu.memory_space<hbm>>
      %dma_wait3A_644 = arith.constant 0 : i32
      %dma_wait3A_645 = tpu.memref_slice %arg6[%add3A_493, %dma_wait3A_644] : memref<10240x128xf32, #tpu.memory_space<hbm>> -> memref<64x128xf32, #tpu.memory_space<hbm>>
      tpu.wait_dma2 semaphore(%arg28 : memref<!tpu.dma_semaphore, #tpu.memory_space<semaphore_mem>>) src(%arg16 : memref<64x128xf32, #tpu.memory_space<vmem>>) dst(%dma_wait3A_645 : memref<64x128xf32, #tpu.memory_space<hbm>>)
    } else {
    }
    %add3A_504 = arith.constant 448 : i32
    %add3A_505 = arith.addi %mul3A_2, %add3A_504 : i32
    %dma_start3A_506 = arith.constant 0 : i32
    %dma_start3A_507 = tpu.memref_slice %arg22[%add3A_505, %dma_start3A_506] : memref<10240x128xf32, #tpu.memory_space<vmem_shared>> -> memref<64x128xf32, #tpu.memory_space<vmem_shared>>
    %dma_start3A_508 = arith.constant 0 : i32
    %dma_start3A_509 = tpu.memref_slice %arg22[%add3A_505, %dma_start3A_508] : memref<10240x128xf32, #tpu.memory_space<vmem_shared>> -> memref<64x128xf32, #tpu.memory_space<vmem_shared>>
    tpu.enqueue_dma source(%dma_start3A_509 : memref<64x128xf32, #tpu.memory_space<vmem_shared>>) target(%arg16 : memref<64x128xf32, #tpu.memory_space<vmem>>) target_semaphore(%arg24 : memref<!tpu.dma_semaphore, #tpu.memory_space<semaphore_mem>>)
    %add3A_510 = arith.constant 384 : i32
    %add3A_511 = arith.addi %mul3A_2, %add3A_510 : i32
    %dma_wait3A_512 = arith.constant 0 : i32
    %dma_wait3A_513 = tpu.memref_slice %arg22[%add3A_511, %dma_wait3A_512] : memref<10240x128xf32, #tpu.memory_space<vmem_shared>> -> memref<64x128xf32, #tpu.memory_space<vmem_shared>>
    %dma_wait3A_514 = arith.constant 0 : i32
    %dma_wait3A_515 = tpu.memref_slice %arg22[%add3A_511, %dma_wait3A_514] : memref<10240x128xf32, #tpu.memory_space<vmem_shared>> -> memref<64x128xf32, #tpu.memory_space<vmem_shared>>
    tpu.wait_dma2 semaphore(%arg23 : memref<!tpu.dma_semaphore, #tpu.memory_space<semaphore_mem>>) src(%dma_wait3A_515 : memref<64x128xf32, #tpu.memory_space<vmem_shared>>) dst(%arg15 : memref<64x128xf32, #tpu.memory_space<vmem>>)
    %add3A_516 = arith.constant 384 : i32
    %add3A_517 = arith.addi %mul3A_2, %add3A_516 : i32
    %eq3A_518 = arith.constant 0 : i32
    %eq3A_519 = arith.cmpi eq, %arg0, %eq3A_518 : i32
    %convert_element_type3A_520 = arith.extui %eq3A_519 : i1 to i32
    %cond3A_521 = arith.constant 0 : i32
    %cond3A_522 = arith.cmpi ne, %convert_element_type3A_520, %cond3A_521 : i32
    scf.if %cond3A_522 {
      %dma_start3A_642 = arith.constant 0 : i32
      %dma_start3A_643 = tpu.memref_slice %arg5[%add3A_517, %dma_start3A_642] : memref<10240x128xf32, #tpu.memory_space<hbm>> -> memref<64x128xf32, #tpu.memory_space<hbm>>
      %dma_start3A_644 = arith.constant 0 : i32
      %dma_start3A_645 = tpu.memref_slice %arg5[%add3A_517, %dma_start3A_644] : memref<10240x128xf32, #tpu.memory_space<hbm>> -> memref<64x128xf32, #tpu.memory_space<hbm>>
      tpu.enqueue_dma source(%arg15 : memref<64x128xf32, #tpu.memory_space<vmem>>) target(%dma_start3A_645 : memref<64x128xf32, #tpu.memory_space<hbm>>) target_semaphore(%arg27 : memref<!tpu.dma_semaphore, #tpu.memory_space<semaphore_mem>>)
    } else {
    }
    %eq3A_523 = arith.constant 1 : i32
    %eq3A_524 = arith.cmpi eq, %arg0, %eq3A_523 : i32
    %convert_element_type3A_525 = arith.extui %eq3A_524 : i1 to i32
    %cond3A_526 = arith.constant 0 : i32
    %cond3A_527 = arith.cmpi ne, %convert_element_type3A_525, %cond3A_526 : i32
    scf.if %cond3A_527 {
      %dma_start3A_642 = arith.constant 0 : i32
      %dma_start3A_643 = tpu.memref_slice %arg6[%add3A_517, %dma_start3A_642] : memref<10240x128xf32, #tpu.memory_space<hbm>> -> memref<64x128xf32, #tpu.memory_space<hbm>>
      %dma_start3A_644 = arith.constant 0 : i32
      %dma_start3A_645 = tpu.memref_slice %arg6[%add3A_517, %dma_start3A_644] : memref<10240x128xf32, #tpu.memory_space<hbm>> -> memref<64x128xf32, #tpu.memory_space<hbm>>
      tpu.enqueue_dma source(%arg15 : memref<64x128xf32, #tpu.memory_space<vmem>>) target(%dma_start3A_645 : memref<64x128xf32, #tpu.memory_space<hbm>>) target_semaphore(%arg27 : memref<!tpu.dma_semaphore, #tpu.memory_space<semaphore_mem>>)
    } else {
    }
    %add3A_528 = arith.constant 384 : i32
    %add3A_529 = arith.addi %mul3A_2, %add3A_528 : i32
    %eq3A_530 = arith.constant 0 : i32
    %eq3A_531 = arith.cmpi eq, %arg0, %eq3A_530 : i32
    %convert_element_type3A_532 = arith.extui %eq3A_531 : i1 to i32
    %cond3A_533 = arith.constant 0 : i32
    %cond3A_534 = arith.cmpi ne, %convert_element_type3A_532, %cond3A_533 : i32
    scf.if %cond3A_534 {
      %dma_wait3A_642 = arith.constant 0 : i32
      %dma_wait3A_643 = tpu.memref_slice %arg5[%add3A_529, %dma_wait3A_642] : memref<10240x128xf32, #tpu.memory_space<hbm>> -> memref<64x128xf32, #tpu.memory_space<hbm>>
      %dma_wait3A_644 = arith.constant 0 : i32
      %dma_wait3A_645 = tpu.memref_slice %arg5[%add3A_529, %dma_wait3A_644] : memref<10240x128xf32, #tpu.memory_space<hbm>> -> memref<64x128xf32, #tpu.memory_space<hbm>>
      tpu.wait_dma2 semaphore(%arg27 : memref<!tpu.dma_semaphore, #tpu.memory_space<semaphore_mem>>) src(%arg15 : memref<64x128xf32, #tpu.memory_space<vmem>>) dst(%dma_wait3A_645 : memref<64x128xf32, #tpu.memory_space<hbm>>)
    } else {
    }
    %eq3A_535 = arith.constant 1 : i32
    %eq3A_536 = arith.cmpi eq, %arg0, %eq3A_535 : i32
    %convert_element_type3A_537 = arith.extui %eq3A_536 : i1 to i32
    %cond3A_538 = arith.constant 0 : i32
    %cond3A_539 = arith.cmpi ne, %convert_element_type3A_537, %cond3A_538 : i32
    scf.if %cond3A_539 {
      %dma_wait3A_642 = arith.constant 0 : i32
      %dma_wait3A_643 = tpu.memref_slice %arg6[%add3A_529, %dma_wait3A_642] : memref<10240x128xf32, #tpu.memory_space<hbm>> -> memref<64x128xf32, #tpu.memory_space<hbm>>
      %dma_wait3A_644 = arith.constant 0 : i32
      %dma_wait3A_645 = tpu.memref_slice %arg6[%add3A_529, %dma_wait3A_644] : memref<10240x128xf32, #tpu.memory_space<hbm>> -> memref<64x128xf32, #tpu.memory_space<hbm>>
      tpu.wait_dma2 semaphore(%arg27 : memref<!tpu.dma_semaphore, #tpu.memory_space<semaphore_mem>>) src(%arg15 : memref<64x128xf32, #tpu.memory_space<vmem>>) dst(%dma_wait3A_645 : memref<64x128xf32, #tpu.memory_space<hbm>>)
    } else {
    }
    %add3A_540 = arith.constant 512 : i32
    %add3A_541 = arith.addi %mul3A_2, %add3A_540 : i32
    %dma_start3A_542 = arith.constant 0 : i32
    %dma_start3A_543 = tpu.memref_slice %arg22[%add3A_541, %dma_start3A_542] : memref<10240x128xf32, #tpu.memory_space<vmem_shared>> -> memref<64x128xf32, #tpu.memory_space<vmem_shared>>
    %dma_start3A_544 = arith.constant 0 : i32
    %dma_start3A_545 = tpu.memref_slice %arg22[%add3A_541, %dma_start3A_544] : memref<10240x128xf32, #tpu.memory_space<vmem_shared>> -> memref<64x128xf32, #tpu.memory_space<vmem_shared>>
    tpu.enqueue_dma source(%dma_start3A_545 : memref<64x128xf32, #tpu.memory_space<vmem_shared>>) target(%arg15 : memref<64x128xf32, #tpu.memory_space<vmem>>) target_semaphore(%arg23 : memref<!tpu.dma_semaphore, #tpu.memory_space<semaphore_mem>>)
    %add3A_546 = arith.constant 448 : i32
    %add3A_547 = arith.addi %mul3A_2, %add3A_546 : i32
    %dma_wait3A_548 = arith.constant 0 : i32
    %dma_wait3A_549 = tpu.memref_slice %arg22[%add3A_547, %dma_wait3A_548] : memref<10240x128xf32, #tpu.memory_space<vmem_shared>> -> memref<64x128xf32, #tpu.memory_space<vmem_shared>>
    %dma_wait3A_550 = arith.constant 0 : i32
    %dma_wait3A_551 = tpu.memref_slice %arg22[%add3A_547, %dma_wait3A_550] : memref<10240x128xf32, #tpu.memory_space<vmem_shared>> -> memref<64x128xf32, #tpu.memory_space<vmem_shared>>
    tpu.wait_dma2 semaphore(%arg24 : memref<!tpu.dma_semaphore, #tpu.memory_space<semaphore_mem>>) src(%dma_wait3A_551 : memref<64x128xf32, #tpu.memory_space<vmem_shared>>) dst(%arg16 : memref<64x128xf32, #tpu.memory_space<vmem>>)
    %add3A_552 = arith.constant 448 : i32
    %add3A_553 = arith.addi %mul3A_2, %add3A_552 : i32
    %eq3A_554 = arith.constant 0 : i32
    %eq3A_555 = arith.cmpi eq, %arg0, %eq3A_554 : i32
    %convert_element_type3A_556 = arith.extui %eq3A_555 : i1 to i32
    %cond3A_557 = arith.constant 0 : i32
    %cond3A_558 = arith.cmpi ne, %convert_element_type3A_556, %cond3A_557 : i32
    scf.if %cond3A_558 {
      %dma_start3A_642 = arith.constant 0 : i32
      %dma_start3A_643 = tpu.memref_slice %arg5[%add3A_553, %dma_start3A_642] : memref<10240x128xf32, #tpu.memory_space<hbm>> -> memref<64x128xf32, #tpu.memory_space<hbm>>
      %dma_start3A_644 = arith.constant 0 : i32
      %dma_start3A_645 = tpu.memref_slice %arg5[%add3A_553, %dma_start3A_644] : memref<10240x128xf32, #tpu.memory_space<hbm>> -> memref<64x128xf32, #tpu.memory_space<hbm>>
      tpu.enqueue_dma source(%arg16 : memref<64x128xf32, #tpu.memory_space<vmem>>) target(%dma_start3A_645 : memref<64x128xf32, #tpu.memory_space<hbm>>) target_semaphore(%arg28 : memref<!tpu.dma_semaphore, #tpu.memory_space<semaphore_mem>>)
    } else {
    }
    %eq3A_559 = arith.constant 1 : i32
    %eq3A_560 = arith.cmpi eq, %arg0, %eq3A_559 : i32
    %convert_element_type3A_561 = arith.extui %eq3A_560 : i1 to i32
    %cond3A_562 = arith.constant 0 : i32
    %cond3A_563 = arith.cmpi ne, %convert_element_type3A_561, %cond3A_562 : i32
    scf.if %cond3A_563 {
      %dma_start3A_642 = arith.constant 0 : i32
      %dma_start3A_643 = tpu.memref_slice %arg6[%add3A_553, %dma_start3A_642] : memref<10240x128xf32, #tpu.memory_space<hbm>> -> memref<64x128xf32, #tpu.memory_space<hbm>>
      %dma_start3A_644 = arith.constant 0 : i32
      %dma_start3A_645 = tpu.memref_slice %arg6[%add3A_553, %dma_start3A_644] : memref<10240x128xf32, #tpu.memory_space<hbm>> -> memref<64x128xf32, #tpu.memory_space<hbm>>
      tpu.enqueue_dma source(%arg16 : memref<64x128xf32, #tpu.memory_space<vmem>>) target(%dma_start3A_645 : memref<64x128xf32, #tpu.memory_space<hbm>>) target_semaphore(%arg28 : memref<!tpu.dma_semaphore, #tpu.memory_space<semaphore_mem>>)
    } else {
    }
    %add3A_564 = arith.constant 448 : i32
    %add3A_565 = arith.addi %mul3A_2, %add3A_564 : i32
    %eq3A_566 = arith.constant 0 : i32
    %eq3A_567 = arith.cmpi eq, %arg0, %eq3A_566 : i32
    %convert_element_type3A_568 = arith.extui %eq3A_567 : i1 to i32
    %cond3A_569 = arith.constant 0 : i32
    %cond3A_570 = arith.cmpi ne, %convert_element_type3A_568, %cond3A_569 : i32
    scf.if %cond3A_570 {
      %dma_wait3A_642 = arith.constant 0 : i32
      %dma_wait3A_643 = tpu.memref_slice %arg5[%add3A_565, %dma_wait3A_642] : memref<10240x128xf32, #tpu.memory_space<hbm>> -> memref<64x128xf32, #tpu.memory_space<hbm>>
      %dma_wait3A_644 = arith.constant 0 : i32
      %dma_wait3A_645 = tpu.memref_slice %arg5[%add3A_565, %dma_wait3A_644] : memref<10240x128xf32, #tpu.memory_space<hbm>> -> memref<64x128xf32, #tpu.memory_space<hbm>>
      tpu.wait_dma2 semaphore(%arg28 : memref<!tpu.dma_semaphore, #tpu.memory_space<semaphore_mem>>) src(%arg16 : memref<64x128xf32, #tpu.memory_space<vmem>>) dst(%dma_wait3A_645 : memref<64x128xf32, #tpu.memory_space<hbm>>)
    } else {
    }
    %eq3A_571 = arith.constant 1 : i32
    %eq3A_572 = arith.cmpi eq, %arg0, %eq3A_571 : i32
    %convert_element_type3A_573 = arith.extui %eq3A_572 : i1 to i32
    %cond3A_574 = arith.constant 0 : i32
    %cond3A_575 = arith.cmpi ne, %convert_element_type3A_573, %cond3A_574 : i32
    scf.if %cond3A_575 {
      %dma_wait3A_642 = arith.constant 0 : i32
      %dma_wait3A_643 = tpu.memref_slice %arg6[%add3A_565, %dma_wait3A_642] : memref<10240x128xf32, #tpu.memory_space<hbm>> -> memref<64x128xf32, #tpu.memory_space<hbm>>
      %dma_wait3A_644 = arith.constant 0 : i32
      %dma_wait3A_645 = tpu.memref_slice %arg6[%add3A_565, %dma_wait3A_644] : memref<10240x128xf32, #tpu.memory_space<hbm>> -> memref<64x128xf32, #tpu.memory_space<hbm>>
      tpu.wait_dma2 semaphore(%arg28 : memref<!tpu.dma_semaphore, #tpu.memory_space<semaphore_mem>>) src(%arg16 : memref<64x128xf32, #tpu.memory_space<vmem>>) dst(%dma_wait3A_645 : memref<64x128xf32, #tpu.memory_space<hbm>>)
    } else {
    }
    %add3A_576 = arith.constant 576 : i32
    %add3A_577 = arith.addi %mul3A_2, %add3A_576 : i32
    %dma_start3A_578 = arith.constant 0 : i32
    %dma_start3A_579 = tpu.memref_slice %arg22[%add3A_577, %dma_start3A_578] : memref<10240x128xf32, #tpu.memory_space<vmem_shared>> -> memref<64x128xf32, #tpu.memory_space<vmem_shared>>
    %dma_start3A_580 = arith.constant 0 : i32
    %dma_start3A_581 = tpu.memref_slice %arg22[%add3A_577, %dma_start3A_580] : memref<10240x128xf32, #tpu.memory_space<vmem_shared>> -> memref<64x128xf32, #tpu.memory_space<vmem_shared>>
    tpu.enqueue_dma source(%dma_start3A_581 : memref<64x128xf32, #tpu.memory_space<vmem_shared>>) target(%arg16 : memref<64x128xf32, #tpu.memory_space<vmem>>) target_semaphore(%arg24 : memref<!tpu.dma_semaphore, #tpu.memory_space<semaphore_mem>>)
    %add3A_582 = arith.constant 512 : i32
    %add3A_583 = arith.addi %mul3A_2, %add3A_582 : i32
    %dma_wait3A_584 = arith.constant 0 : i32
    %dma_wait3A_585 = tpu.memref_slice %arg22[%add3A_583, %dma_wait3A_584] : memref<10240x128xf32, #tpu.memory_space<vmem_shared>> -> memref<64x128xf32, #tpu.memory_space<vmem_shared>>
    %dma_wait3A_586 = arith.constant 0 : i32
    %dma_wait3A_587 = tpu.memref_slice %arg22[%add3A_583, %dma_wait3A_586] : memref<10240x128xf32, #tpu.memory_space<vmem_shared>> -> memref<64x128xf32, #tpu.memory_space<vmem_shared>>
    tpu.wait_dma2 semaphore(%arg23 : memref<!tpu.dma_semaphore, #tpu.memory_space<semaphore_mem>>) src(%dma_wait3A_587 : memref<64x128xf32, #tpu.memory_space<vmem_shared>>) dst(%arg15 : memref<64x128xf32, #tpu.memory_space<vmem>>)
    %add3A_588 = arith.constant 512 : i32
    %add3A_589 = arith.addi %mul3A_2, %add3A_588 : i32
    %eq3A_590 = arith.constant 0 : i32
    %eq3A_591 = arith.cmpi eq, %arg0, %eq3A_590 : i32
    %convert_element_type3A_592 = arith.extui %eq3A_591 : i1 to i32
    %cond3A_593 = arith.constant 0 : i32
    %cond3A_594 = arith.cmpi ne, %convert_element_type3A_592, %cond3A_593 : i32
    scf.if %cond3A_594 {
      %dma_start3A_642 = arith.constant 0 : i32
      %dma_start3A_643 = tpu.memref_slice %arg5[%add3A_589, %dma_start3A_642] : memref<10240x128xf32, #tpu.memory_space<hbm>> -> memref<64x128xf32, #tpu.memory_space<hbm>>
      %dma_start3A_644 = arith.constant 0 : i32
      %dma_start3A_645 = tpu.memref_slice %arg5[%add3A_589, %dma_start3A_644] : memref<10240x128xf32, #tpu.memory_space<hbm>> -> memref<64x128xf32, #tpu.memory_space<hbm>>
      tpu.enqueue_dma source(%arg15 : memref<64x128xf32, #tpu.memory_space<vmem>>) target(%dma_start3A_645 : memref<64x128xf32, #tpu.memory_space<hbm>>) target_semaphore(%arg27 : memref<!tpu.dma_semaphore, #tpu.memory_space<semaphore_mem>>)
    } else {
    }
    %eq3A_595 = arith.constant 1 : i32
    %eq3A_596 = arith.cmpi eq, %arg0, %eq3A_595 : i32
    %convert_element_type3A_597 = arith.extui %eq3A_596 : i1 to i32
    %cond3A_598 = arith.constant 0 : i32
    %cond3A_599 = arith.cmpi ne, %convert_element_type3A_597, %cond3A_598 : i32
    scf.if %cond3A_599 {
      %dma_start3A_642 = arith.constant 0 : i32
      %dma_start3A_643 = tpu.memref_slice %arg6[%add3A_589, %dma_start3A_642] : memref<10240x128xf32, #tpu.memory_space<hbm>> -> memref<64x128xf32, #tpu.memory_space<hbm>>
      %dma_start3A_644 = arith.constant 0 : i32
      %dma_start3A_645 = tpu.memref_slice %arg6[%add3A_589, %dma_start3A_644] : memref<10240x128xf32, #tpu.memory_space<hbm>> -> memref<64x128xf32, #tpu.memory_space<hbm>>
      tpu.enqueue_dma source(%arg15 : memref<64x128xf32, #tpu.memory_space<vmem>>) target(%dma_start3A_645 : memref<64x128xf32, #tpu.memory_space<hbm>>) target_semaphore(%arg27 : memref<!tpu.dma_semaphore, #tpu.memory_space<semaphore_mem>>)
    } else {
    }
    %add3A_600 = arith.constant 576 : i32
    %add3A_601 = arith.addi %mul3A_2, %add3A_600 : i32
    %dma_wait3A_602 = arith.constant 0 : i32
    %dma_wait3A_603 = tpu.memref_slice %arg22[%add3A_601, %dma_wait3A_602] : memref<10240x128xf32, #tpu.memory_space<vmem_shared>> -> memref<64x128xf32, #tpu.memory_space<vmem_shared>>
    %dma_wait3A_604 = arith.constant 0 : i32
    %dma_wait3A_605 = tpu.memref_slice %arg22[%add3A_601, %dma_wait3A_604] : memref<10240x128xf32, #tpu.memory_space<vmem_shared>> -> memref<64x128xf32, #tpu.memory_space<vmem_shared>>
    tpu.wait_dma2 semaphore(%arg24 : memref<!tpu.dma_semaphore, #tpu.memory_space<semaphore_mem>>) src(%dma_wait3A_605 : memref<64x128xf32, #tpu.memory_space<vmem_shared>>) dst(%arg16 : memref<64x128xf32, #tpu.memory_space<vmem>>)
    %add3A_606 = arith.constant 576 : i32
    %add3A_607 = arith.addi %mul3A_2, %add3A_606 : i32
    %eq3A_608 = arith.constant 0 : i32
    %eq3A_609 = arith.cmpi eq, %arg0, %eq3A_608 : i32
    %convert_element_type3A_610 = arith.extui %eq3A_609 : i1 to i32
    %cond3A_611 = arith.constant 0 : i32
    %cond3A_612 = arith.cmpi ne, %convert_element_type3A_610, %cond3A_611 : i32
    scf.if %cond3A_612 {
      %dma_start3A_642 = arith.constant 0 : i32
      %dma_start3A_643 = tpu.memref_slice %arg5[%add3A_607, %dma_start3A_642] : memref<10240x128xf32, #tpu.memory_space<hbm>> -> memref<64x128xf32, #tpu.memory_space<hbm>>
      %dma_start3A_644 = arith.constant 0 : i32
      %dma_start3A_645 = tpu.memref_slice %arg5[%add3A_607, %dma_start3A_644] : memref<10240x128xf32, #tpu.memory_space<hbm>> -> memref<64x128xf32, #tpu.memory_space<hbm>>
      tpu.enqueue_dma source(%arg16 : memref<64x128xf32, #tpu.memory_space<vmem>>) target(%dma_start3A_645 : memref<64x128xf32, #tpu.memory_space<hbm>>) target_semaphore(%arg28 : memref<!tpu.dma_semaphore, #tpu.memory_space<semaphore_mem>>)
    } else {
    }
    %eq3A_613 = arith.constant 1 : i32
    %eq3A_614 = arith.cmpi eq, %arg0, %eq3A_613 : i32
    %convert_element_type3A_615 = arith.extui %eq3A_614 : i1 to i32
    %cond3A_616 = arith.constant 0 : i32
    %cond3A_617 = arith.cmpi ne, %convert_element_type3A_615, %cond3A_616 : i32
    scf.if %cond3A_617 {
      %dma_start3A_642 = arith.constant 0 : i32
      %dma_start3A_643 = tpu.memref_slice %arg6[%add3A_607, %dma_start3A_642] : memref<10240x128xf32, #tpu.memory_space<hbm>> -> memref<64x128xf32, #tpu.memory_space<hbm>>
      %dma_start3A_644 = arith.constant 0 : i32
      %dma_start3A_645 = tpu.memref_slice %arg6[%add3A_607, %dma_start3A_644] : memref<10240x128xf32, #tpu.memory_space<hbm>> -> memref<64x128xf32, #tpu.memory_space<hbm>>
      tpu.enqueue_dma source(%arg16 : memref<64x128xf32, #tpu.memory_space<vmem>>) target(%dma_start3A_645 : memref<64x128xf32, #tpu.memory_space<hbm>>) target_semaphore(%arg28 : memref<!tpu.dma_semaphore, #tpu.memory_space<semaphore_mem>>)
    } else {
    }
    %add3A_618 = arith.constant 512 : i32
    %add3A_619 = arith.addi %mul3A_2, %add3A_618 : i32
    %eq3A_620 = arith.constant 0 : i32
    %eq3A_621 = arith.cmpi eq, %arg0, %eq3A_620 : i32
    %convert_element_type3A_622 = arith.extui %eq3A_621 : i1 to i32
    %cond3A_623 = arith.constant 0 : i32
    %cond3A_624 = arith.cmpi ne, %convert_element_type3A_622, %cond3A_623 : i32
    scf.if %cond3A_624 {
      %dma_wait3A_642 = arith.constant 0 : i32
      %dma_wait3A_643 = tpu.memref_slice %arg5[%add3A_619, %dma_wait3A_642] : memref<10240x128xf32, #tpu.memory_space<hbm>> -> memref<64x128xf32, #tpu.memory_space<hbm>>
      %dma_wait3A_644 = arith.constant 0 : i32
      %dma_wait3A_645 = tpu.memref_slice %arg5[%add3A_619, %dma_wait3A_644] : memref<10240x128xf32, #tpu.memory_space<hbm>> -> memref<64x128xf32, #tpu.memory_space<hbm>>
      tpu.wait_dma2 semaphore(%arg27 : memref<!tpu.dma_semaphore, #tpu.memory_space<semaphore_mem>>) src(%arg15 : memref<64x128xf32, #tpu.memory_space<vmem>>) dst(%dma_wait3A_645 : memref<64x128xf32, #tpu.memory_space<hbm>>)
    } else {
    }
    %eq3A_625 = arith.constant 1 : i32
    %eq3A_626 = arith.cmpi eq, %arg0, %eq3A_625 : i32
    %convert_element_type3A_627 = arith.extui %eq3A_626 : i1 to i32
    %cond3A_628 = arith.constant 0 : i32
    %cond3A_629 = arith.cmpi ne, %convert_element_type3A_627, %cond3A_628 : i32
    scf.if %cond3A_629 {
      %dma_wait3A_642 = arith.constant 0 : i32
      %dma_wait3A_643 = tpu.memref_slice %arg6[%add3A_619, %dma_wait3A_642] : memref<10240x128xf32, #tpu.memory_space<hbm>> -> memref<64x128xf32, #tpu.memory_space<hbm>>
      %dma_wait3A_644 = arith.constant 0 : i32
      %dma_wait3A_645 = tpu.memref_slice %arg6[%add3A_619, %dma_wait3A_644] : memref<10240x128xf32, #tpu.memory_space<hbm>> -> memref<64x128xf32, #tpu.memory_space<hbm>>
      tpu.wait_dma2 semaphore(%arg27 : memref<!tpu.dma_semaphore, #tpu.memory_space<semaphore_mem>>) src(%arg15 : memref<64x128xf32, #tpu.memory_space<vmem>>) dst(%dma_wait3A_645 : memref<64x128xf32, #tpu.memory_space<hbm>>)
    } else {
    }
    %add3A_630 = arith.constant 576 : i32
    %add3A_631 = arith.addi %mul3A_2, %add3A_630 : i32
    %eq3A_632 = arith.constant 0 : i32
    %eq3A_633 = arith.cmpi eq, %arg0, %eq3A_632 : i32
    %convert_element_type3A_634 = arith.extui %eq3A_633 : i1 to i32
    %cond3A_635 = arith.constant 0 : i32
    %cond3A_636 = arith.cmpi ne, %convert_element_type3A_634, %cond3A_635 : i32
    scf.if %cond3A_636 {
      %dma_wait3A_642 = arith.constant 0 : i32
      %dma_wait3A_643 = tpu.memref_slice %arg5[%add3A_631, %dma_wait3A_642] : memref<10240x128xf32, #tpu.memory_space<hbm>> -> memref<64x128xf32, #tpu.memory_space<hbm>>
      %dma_wait3A_644 = arith.constant 0 : i32
      %dma_wait3A_645 = tpu.memref_slice %arg5[%add3A_631, %dma_wait3A_644] : memref<10240x128xf32, #tpu.memory_space<hbm>> -> memref<64x128xf32, #tpu.memory_space<hbm>>
      tpu.wait_dma2 semaphore(%arg28 : memref<!tpu.dma_semaphore, #tpu.memory_space<semaphore_mem>>) src(%arg16 : memref<64x128xf32, #tpu.memory_space<vmem>>) dst(%dma_wait3A_645 : memref<64x128xf32, #tpu.memory_space<hbm>>)
    } else {
    }
    %eq3A_637 = arith.constant 1 : i32
    %eq3A_638 = arith.cmpi eq, %arg0, %eq3A_637 : i32
    %convert_element_type3A_639 = arith.extui %eq3A_638 : i1 to i32
    %cond3A_640 = arith.constant 0 : i32
    %cond3A_641 = arith.cmpi ne, %convert_element_type3A_639, %cond3A_640 : i32
    scf.if %cond3A_641 {
      %dma_wait3A_642 = arith.constant 0 : i32
      %dma_wait3A_643 = tpu.memref_slice %arg6[%add3A_631, %dma_wait3A_642] : memref<10240x128xf32, #tpu.memory_space<hbm>> -> memref<64x128xf32, #tpu.memory_space<hbm>>
      %dma_wait3A_644 = arith.constant 0 : i32
      %dma_wait3A_645 = tpu.memref_slice %arg6[%add3A_631, %dma_wait3A_644] : memref<10240x128xf32, #tpu.memory_space<hbm>> -> memref<64x128xf32, #tpu.memory_space<hbm>>
      tpu.wait_dma2 semaphore(%arg28 : memref<!tpu.dma_semaphore, #tpu.memory_space<semaphore_mem>>) src(%arg16 : memref<64x128xf32, #tpu.memory_space<vmem>>) dst(%dma_wait3A_645 : memref<64x128xf32, #tpu.memory_space<hbm>>)
    } else {
    }
    return
  }
}

module attributes {stable_mosaic.version = 14 : i64} {
  func.func @sage_tc_mid(%arg0: i32, %arg1: memref<400x128xf32, #tpu.memory_space<vmem>>, %arg2: memref<400x128xf32, #tpu.memory_space<vmem>>, %arg3: memref<400x1xf32, #tpu.memory_space<vmem>>, %arg4: memref<400x1xf32, #tpu.memory_space<vmem>>, %arg5: memref<400x128xf32, #tpu.memory_space<vmem>>, %arg6: memref<256x128xf32, #tpu.memory_space<vmem>>, %arg7: memref<1x256xf32, #tpu.memory_space<vmem>>, %arg8: memref<256x128xf32, #tpu.memory_space<vmem>>, %arg9: memref<128x256xf32, #tpu.memory_space<vmem>>, %arg10: memref<1x128xf32, #tpu.memory_space<vmem>>, %arg11: memref<128x256xf32, #tpu.memory_space<vmem>>, %arg12: memref<400x128xf32, #tpu.memory_space<vmem>>, %arg13: memref<400x128xf32, #tpu.memory_space<vmem>>) attributes {dimension_semantics = [#tpu.dimension_semantics<arbitrary>], iteration_bounds = array<i64: 25>, scalar_prefetch = 0 : i64, scratch_operands = 0 : i64, tpu.core_type = #tpu.core_type<tc>, window_params = [{transform_indices = @transform_0, window_bounds = array<i64: 400, 128>}, {transform_indices = @transform_1, window_bounds = array<i64: 400, 128>}, {transform_indices = @transform_2, window_bounds = array<i64: 400, 1>}, {transform_indices = @transform_3, window_bounds = array<i64: 400, 1>}, {transform_indices = @transform_4, window_bounds = array<i64: 400, 128>}, {pipeline_mode = #tpu.pipeline_mode<synchronous>, transform_indices = @transform_5, window_bounds = array<i64: 256, 128>}, {pipeline_mode = #tpu.pipeline_mode<synchronous>, transform_indices = @transform_6, window_bounds = array<i64: 1, 256>}, {pipeline_mode = #tpu.pipeline_mode<synchronous>, transform_indices = @transform_7, window_bounds = array<i64: 256, 128>}, {pipeline_mode = #tpu.pipeline_mode<synchronous>, transform_indices = @transform_8, window_bounds = array<i64: 128, 256>}, {pipeline_mode = #tpu.pipeline_mode<synchronous>, transform_indices = @transform_9, window_bounds = array<i64: 1, 128>}, {pipeline_mode = #tpu.pipeline_mode<synchronous>, transform_indices = @transform_10, window_bounds = array<i64: 128, 256>}, {transform_indices = @transform_11, window_bounds = array<i64: 400, 128>}, {transform_indices = @transform_12, window_bounds = array<i64: 400, 128>}]} {
    %get3A = arith.constant 0 : index
    %get3A_0 = arith.constant 0 : index
    %get3A_1 = vector.load %arg3[%get3A, %get3A_0] : memref<400x1xf32, #tpu.memory_space<vmem>>, vector<400x1xf32>
    %get3A_2 = arith.constant 0 : index
    %get3A_3 = arith.constant 0 : index
    %get3A_4 = vector.load %arg4[%get3A_2, %get3A_3] : memref<400x1xf32, #tpu.memory_space<vmem>>, vector<400x1xf32>
    %add3A = arith.addf %get3A_1, %get3A_4 : vector<400x1xf32>
    %max3A = arith.constant 1.000000e+00 : f32
    %max3A_5 = vector.broadcast %max3A : f32 to vector<400x1xf32>
    %max3A_6 = arith.maximumf %add3A, %max3A_5 : vector<400x1xf32>
    %div3A = arith.constant 1.000000e+00 : f32
    %div3A_7 = vector.broadcast %div3A : f32 to vector<400x1xf32>
    %div3A_8 = arith.divf %div3A_7, %max3A_6 : vector<400x1xf32>
    %get3A_9 = arith.constant 0 : index
    %get3A_10 = arith.constant 0 : index
    %get3A_11 = vector.load %arg1[%get3A_9, %get3A_10] : memref<400x128xf32, #tpu.memory_space<vmem>>, vector<400x128xf32>
    %get3A_12 = arith.constant 0 : index
    %get3A_13 = arith.constant 0 : index
    %get3A_14 = vector.load %arg2[%get3A_12, %get3A_13] : memref<400x128xf32, #tpu.memory_space<vmem>>, vector<400x128xf32>
    %add3A_15 = arith.addf %get3A_11, %get3A_14 : vector<400x128xf32>
    %mul3A = vector.broadcast %div3A_8 : vector<400x1xf32> to vector<400x128xf32>
    %mul3A_16 = arith.mulf %add3A_15, %mul3A : vector<400x128xf32>
    %get3A_17 = arith.constant 0 : index
    %get3A_18 = arith.constant 0 : index
    %get3A_19 = vector.load %arg6[%get3A_17, %get3A_18] : memref<256x128xf32, #tpu.memory_space<vmem>>, vector<256x128xf32>
    %dot_general3A = arith.constant dense<0.000000e+00> : vector<400x256xf32>
    %dot_general3A_20 = tpu.matmul %mul3A_16, %get3A_19, %dot_general3A {dimension_numbers = #tpu.dot_dimension_numbers<[1], [1], [0], [0], [0, 0, 1, 0], [], []>, transpose_lhs_hint = false} : vector<400x128xf32>, vector<256x128xf32>, vector<400x256xf32> -> vector<400x256xf32>
    %get3A_21 = arith.constant 0 : index
    %get3A_22 = arith.constant 0 : index
    %get3A_23 = vector.load %arg5[%get3A_21, %get3A_22] : memref<400x128xf32, #tpu.memory_space<vmem>>, vector<400x128xf32>
    %get3A_24 = arith.constant 0 : index
    %get3A_25 = arith.constant 0 : index
    %get3A_26 = vector.load %arg8[%get3A_24, %get3A_25] : memref<256x128xf32, #tpu.memory_space<vmem>>, vector<256x128xf32>
    %dot_general3A_27 = arith.constant dense<0.000000e+00> : vector<400x256xf32>
    %dot_general3A_28 = tpu.matmul %get3A_23, %get3A_26, %dot_general3A_27 {dimension_numbers = #tpu.dot_dimension_numbers<[1], [1], [0], [0], [0, 0, 1, 0], [], []>, transpose_lhs_hint = false} : vector<400x128xf32>, vector<256x128xf32>, vector<400x256xf32> -> vector<400x256xf32>
    %add3A_29 = arith.addf %dot_general3A_20, %dot_general3A_28 : vector<400x256xf32>
    %get3A_30 = arith.constant 0 : index
    %get3A_31 = arith.constant 0 : index
    %get3A_32 = vector.load %arg7[%get3A_30, %get3A_31] : memref<1x256xf32, #tpu.memory_space<vmem>>, vector<1x256xf32>
    %add3A_33 = vector.broadcast %get3A_32 : vector<1x256xf32> to vector<400x256xf32>
    %add3A_34 = arith.addf %add3A_29, %add3A_33 : vector<400x256xf32>
    %max3A_35 = arith.constant 0.000000e+00 : f32
    %max3A_36 = vector.broadcast %max3A_35 : f32 to vector<400x256xf32>
    %max3A_37 = arith.maximumf %add3A_34, %max3A_36 : vector<400x256xf32>
    %get3A_38 = arith.constant 0 : index
    %get3A_39 = arith.constant 0 : index
    %get3A_40 = vector.load %arg9[%get3A_38, %get3A_39] : memref<128x256xf32, #tpu.memory_space<vmem>>, vector<128x256xf32>
    %dot_general3A_41 = arith.constant dense<0.000000e+00> : vector<400x128xf32>
    %dot_general3A_42 = tpu.matmul %max3A_37, %get3A_40, %dot_general3A_41 {dimension_numbers = #tpu.dot_dimension_numbers<[1], [1], [0], [0], [0, 0, 1, 0], [], []>, transpose_lhs_hint = false} : vector<400x256xf32>, vector<128x256xf32>, vector<400x128xf32> -> vector<400x128xf32>
    %swap3A = arith.constant 0 : index
    %swap3A_43 = arith.constant 0 : index
    %swap3A_44 = vector.load %arg12[%swap3A, %swap3A_43] : memref<400x128xf32, #tpu.memory_space<vmem>>, vector<400x128xf32>
    tpu.vector_store %arg12[%swap3A, %swap3A_43], %dot_general3A_42 {strides = array<i32>} : memref<400x128xf32, #tpu.memory_space<vmem>>, vector<400x128xf32>,
    %get3A_45 = arith.constant 0 : index
    %get3A_46 = arith.constant 0 : index
    %get3A_47 = vector.load %arg11[%get3A_45, %get3A_46] : memref<128x256xf32, #tpu.memory_space<vmem>>, vector<128x256xf32>
    %dot_general3A_48 = arith.constant dense<0.000000e+00> : vector<400x128xf32>
    %dot_general3A_49 = tpu.matmul %max3A_37, %get3A_47, %dot_general3A_48 {dimension_numbers = #tpu.dot_dimension_numbers<[1], [1], [0], [0], [0, 0, 1, 0], [], []>, transpose_lhs_hint = false} : vector<400x256xf32>, vector<128x256xf32>, vector<400x128xf32> -> vector<400x128xf32>
    %get3A_50 = arith.constant 0 : index
    %get3A_51 = arith.constant 0 : index
    %get3A_52 = vector.load %arg10[%get3A_50, %get3A_51] : memref<1x128xf32, #tpu.memory_space<vmem>>, vector<1x128xf32>
    %add3A_53 = vector.broadcast %get3A_52 : vector<1x128xf32> to vector<400x128xf32>
    %add3A_54 = arith.addf %dot_general3A_49, %add3A_53 : vector<400x128xf32>
    %swap3A_55 = arith.constant 0 : index
    %swap3A_56 = arith.constant 0 : index
    %swap3A_57 = vector.load %arg13[%swap3A_55, %swap3A_56] : memref<400x128xf32, #tpu.memory_space<vmem>>, vector<400x128xf32>
    tpu.vector_store %arg13[%swap3A_55, %swap3A_56], %add3A_54 {strides = array<i32>} : memref<400x128xf32, #tpu.memory_space<vmem>>, vector<400x128xf32>,
    return
  }
  func.func @transform_0(%arg0: i32) -> (i32, i32) {
    %c0_i32 = arith.constant 0 : i32
    %c0_i32_0 = arith.constant 0 : i32
    return %arg0, %c0_i32 : i32, i32
  }
  func.func @transform_1(%arg0: i32) -> (i32, i32) {
    %c0_i32 = arith.constant 0 : i32
    %c0_i32_0 = arith.constant 0 : i32
    return %arg0, %c0_i32 : i32, i32
  }
  func.func @transform_2(%arg0: i32) -> (i32, i32) {
    %c0_i32 = arith.constant 0 : i32
    %c0_i32_0 = arith.constant 0 : i32
    return %arg0, %c0_i32 : i32, i32
  }
  func.func @transform_3(%arg0: i32) -> (i32, i32) {
    %c0_i32 = arith.constant 0 : i32
    %c0_i32_0 = arith.constant 0 : i32
    return %arg0, %c0_i32 : i32, i32
  }
  func.func @transform_4(%arg0: i32) -> (i32, i32) {
    %c0_i32 = arith.constant 0 : i32
    %c0_i32_0 = arith.constant 0 : i32
    return %arg0, %c0_i32 : i32, i32
  }
  func.func @transform_5(%arg0: i32) -> (i32, i32) {
    %c0_i32 = arith.constant 0 : i32
    %c0_i32_0 = arith.constant 0 : i32
    %c0_i32_1 = arith.constant 0 : i32
    return %c0_i32, %c0_i32_0 : i32, i32
  }
  func.func @transform_6(%arg0: i32) -> (i32, i32) {
    %c0_i32 = arith.constant 0 : i32
    %c0_i32_0 = arith.constant 0 : i32
    %c0_i32_1 = arith.constant 0 : i32
    return %c0_i32, %c0_i32_0 : i32, i32
  }
  func.func @transform_7(%arg0: i32) -> (i32, i32) {
    %c0_i32 = arith.constant 0 : i32
    %c0_i32_0 = arith.constant 0 : i32
    %c0_i32_1 = arith.constant 0 : i32
    return %c0_i32, %c0_i32_0 : i32, i32
  }
  func.func @transform_8(%arg0: i32) -> (i32, i32) {
    %c0_i32 = arith.constant 0 : i32
    %c0_i32_0 = arith.constant 0 : i32
    %c0_i32_1 = arith.constant 0 : i32
    return %c0_i32, %c0_i32_0 : i32, i32
  }
  func.func @transform_9(%arg0: i32) -> (i32, i32) {
    %c0_i32 = arith.constant 0 : i32
    %c0_i32_0 = arith.constant 0 : i32
    %c0_i32_1 = arith.constant 0 : i32
    return %c0_i32, %c0_i32_0 : i32, i32
  }
  func.func @transform_10(%arg0: i32) -> (i32, i32) {
    %c0_i32 = arith.constant 0 : i32
    %c0_i32_0 = arith.constant 0 : i32
    %c0_i32_1 = arith.constant 0 : i32
    return %c0_i32, %c0_i32_0 : i32, i32
  }
  func.func @transform_11(%arg0: i32) -> (i32, i32) {
    %c0_i32 = arith.constant 0 : i32
    %c0_i32_0 = arith.constant 0 : i32
    return %arg0, %c0_i32 : i32, i32
  }
  func.func @transform_12(%arg0: i32) -> (i32, i32) {
    %c0_i32 = arith.constant 0 : i32
    %c0_i32_0 = arith.constant 0 : i32
    return %arg0, %c0_i32 : i32, i32
  }
}

module attributes {stable_mosaic.version = 14 : i64} {
  func.func @sage_tc_out(%arg0: i32, %arg1: memref<400x128xf32, #tpu.memory_space<vmem>>, %arg2: memref<400x128xf32, #tpu.memory_space<vmem>>, %arg3: memref<400x1xf32, #tpu.memory_space<vmem>>, %arg4: memref<400x1xf32, #tpu.memory_space<vmem>>, %arg5: memref<400x128xf32, #tpu.memory_space<vmem>>, %arg6: memref<400x128xf32, #tpu.memory_space<vmem>>) attributes {dimension_semantics = [#tpu.dimension_semantics<arbitrary>], iteration_bounds = array<i64: 25>, scalar_prefetch = 0 : i64, scratch_operands = 0 : i64, tpu.core_type = #tpu.core_type<tc>, window_params = [{transform_indices = @transform_0, window_bounds = array<i64: 400, 128>}, {transform_indices = @transform_1, window_bounds = array<i64: 400, 128>}, {transform_indices = @transform_2, window_bounds = array<i64: 400, 1>}, {transform_indices = @transform_3, window_bounds = array<i64: 400, 1>}, {transform_indices = @transform_4, window_bounds = array<i64: 400, 128>}, {transform_indices = @transform_5, window_bounds = array<i64: 400, 128>}]} {
    %get3A = arith.constant 0 : index
    %get3A_0 = arith.constant 0 : index
    %get3A_1 = vector.load %arg3[%get3A, %get3A_0] : memref<400x1xf32, #tpu.memory_space<vmem>>, vector<400x1xf32>
    %get3A_2 = arith.constant 0 : index
    %get3A_3 = arith.constant 0 : index
    %get3A_4 = vector.load %arg4[%get3A_2, %get3A_3] : memref<400x1xf32, #tpu.memory_space<vmem>>, vector<400x1xf32>
    %add3A = arith.addf %get3A_1, %get3A_4 : vector<400x1xf32>
    %max3A = arith.constant 1.000000e+00 : f32
    %max3A_5 = vector.broadcast %max3A : f32 to vector<400x1xf32>
    %max3A_6 = arith.maximumf %add3A, %max3A_5 : vector<400x1xf32>
    %div3A = arith.constant 1.000000e+00 : f32
    %div3A_7 = vector.broadcast %div3A : f32 to vector<400x1xf32>
    %div3A_8 = arith.divf %div3A_7, %max3A_6 : vector<400x1xf32>
    %get3A_9 = arith.constant 0 : index
    %get3A_10 = arith.constant 0 : index
    %get3A_11 = vector.load %arg1[%get3A_9, %get3A_10] : memref<400x128xf32, #tpu.memory_space<vmem>>, vector<400x128xf32>
    %get3A_12 = arith.constant 0 : index
    %get3A_13 = arith.constant 0 : index
    %get3A_14 = vector.load %arg2[%get3A_12, %get3A_13] : memref<400x128xf32, #tpu.memory_space<vmem>>, vector<400x128xf32>
    %add3A_15 = arith.addf %get3A_11, %get3A_14 : vector<400x128xf32>
    %mul3A = vector.broadcast %div3A_8 : vector<400x1xf32> to vector<400x128xf32>
    %mul3A_16 = arith.mulf %add3A_15, %mul3A : vector<400x128xf32>
    %get3A_17 = arith.constant 0 : index
    %get3A_18 = arith.constant 0 : index
    %get3A_19 = vector.load %arg5[%get3A_17, %get3A_18] : memref<400x128xf32, #tpu.memory_space<vmem>>, vector<400x128xf32>
    %add3A_20 = arith.addf %mul3A_16, %get3A_19 : vector<400x128xf32>
    %swap3A = arith.constant 0 : index
    %swap3A_21 = arith.constant 0 : index
    %swap3A_22 = vector.load %arg6[%swap3A, %swap3A_21] : memref<400x128xf32, #tpu.memory_space<vmem>>, vector<400x128xf32>
    tpu.vector_store %arg6[%swap3A, %swap3A_21], %add3A_20 {strides = array<i32>} : memref<400x128xf32, #tpu.memory_space<vmem>>, vector<400x128xf32>,
    return
  }
  func.func @transform_0(%arg0: i32) -> (i32, i32) {
    %c0_i32 = arith.constant 0 : i32
    %c0_i32_0 = arith.constant 0 : i32
    return %arg0, %c0_i32 : i32, i32
  }
  func.func @transform_1(%arg0: i32) -> (i32, i32) {
    %c0_i32 = arith.constant 0 : i32
    %c0_i32_0 = arith.constant 0 : i32
    return %arg0, %c0_i32 : i32, i32
  }
  func.func @transform_2(%arg0: i32) -> (i32, i32) {
    %c0_i32 = arith.constant 0 : i32
    %c0_i32_0 = arith.constant 0 : i32
    return %arg0, %c0_i32 : i32, i32
  }
  func.func @transform_3(%arg0: i32) -> (i32, i32) {
    %c0_i32 = arith.constant 0 : i32
    %c0_i32_0 = arith.constant 0 : i32
    return %arg0, %c0_i32 : i32, i32
  }
  func.func @transform_4(%arg0: i32) -> (i32, i32) {
    %c0_i32 = arith.constant 0 : i32
    %c0_i32_0 = arith.constant 0 : i32
    return %arg0, %c0_i32 : i32, i32
  }
  func.func @transform_5(%arg0: i32) -> (i32, i32) {
    %c0_i32 = arith.constant 0 : i32
    %c0_i32_0 = arith.constant 0 : i32
    return %arg0, %c0_i32 : i32, i32
  }
}

</mosaic_0001>

<sc_bundles>
// kernel: sage_sc_pass1.3.cloned.1.call-start
scs
__scs_entry_jumppad:
0x0: {  	(pc) =	sbr.rel $0x88, $3  }
0x1: {  	(tag) =	ssettag $0x0;
	lr =	simm.s32 $0x1  }
0x2: {  	[smem:$0x3F99] =	sst lr;
	_ =	strace $0xD0000000  }
0x3: {  	_ = 	snop  }
0x4: {  	_ = 	snop  }
0x5: {  	_ = 	snop  }
0x6: {  	_ = 	snop  }
0x7: {  	_ = 	snop  }
__scs_overlays_trampoline_lowered:
0x8: {  	[smem:$0x3FA8] =	sst s0  }
0x9: {  	[smem:$0x3FA9] =	sst s1  }
0xa: {  	[smem:$0x3FAA] =	sst s2  }
0xb: {  	[smem:$0x3FAB] =	sst s3  }
0xc: {  	[smem:$0x3FAC] =	sst s4  }
0xd: {  	[smem:$0x3FAD] =	sst s5  }
0xe: {  	[smem:$0x3FAE] =	sst s6  }
0xf: {  	[smem:$0x3FAF] =	sst s7  }
0x10: {  	[smem:$0x3FB0] =	sst s8  }
0x11: {  	[smem:$0x3FB1] =	sst s9;
	s0 =	simm.s32 @!p0 $0x0  }
0x12: {  	s1 =	sld [smem:$0x3F97];
	s0 =	simm.s32 @p0 $0x1  }
0x13: {  	[smem:$0x3FB2] =	sst s0;
	s0 =	simm.s32 @!p1 $0x0  }
0x14: {  	s2 =	sld [smem:$0x3F96];
	s0 =	simm.s32 @p1 $0x1  }
0x15: {  	[smem:$0x3FB3] =	sst s0;
	s0 =	simm.s32 @!p2 $0x0  }
0x16: {  	s3 =	sld [smem:$0x3FDB];
	s0 =	simm.s32 @p2 $0x1  }
0x17: {  	s4 =	simm.s32 $0x1BF5;
	[smem:$0x3FB5] =	sst s0  }
0x18: {  	s0 =	sld [smem:$0x3F98];
	_ =	swait.ge [sflag:s4], $0x0  }
0x19: {  	s7 =	sld [smem:$0x3F99]  }
0x1a: {  	s8 =	sadd.s32 $0xFFFFE003, lr  }
0x1b: {  	s9 =	sadd.s32 $0xFFFFFEF7, lr;
	s5 =	simm.s32 $0xFFFFFFFF;
	p2 =	slt.u32 s8, $0xFFFFF086  }
0x1c: {  	p1 =	slt.u32 s9, $0xF7A;
	s5 =	simm.s32 @!p2 $0x0  }
0x1d: {  	s5 =	simm.s32 @p1 $0x1;
	p0 =	seq.s32 s7, s2  }
0x1e: {  	s7 =	smul.u32 @!p0 $0xF7A, s2;
	p2 =	seq.s32 @!p0 s5, $0x0  }
0x1f: {  	s9 =	smul.u32 $0xF7A, s1;
	s8 =	simm.s32 @!p0 $0x1BF5;
	p2 =	por !p2, p0  }
0x20: {  	[sflag:s8] =	ssyncset.s32 @!p0 $0xFFFFF086;
	s6 =	sadd.s32 @!p0 s3, s7;
	s7 =	simm.s32 @!p0 $0x108  }
0x21: {  	s3 =	sadd.s32 s3, s9;
	s6 =	sadd.s32 @!p0 $0x88, s6;
	s7 =	simm.s32 @p2 $0x1082  }
0x22: {  	[simem:s7], [sflag:s8] =	dma.local @!p0 [hbm:s6], $0xF7A  }
0x23: {  	s9 =	sor.u32 $0xD0000000, s2;
	s6 =	simm.s32 $0x108;
	_ =	swait.ge @!p0 [sflag:s8], $0x0  }
0x24: {  	s3 =	sadd.s32 $0x88, s3;
	s6 =	simm.s32 @!p1 $0x1082;
	[sflag:s4] =	ssyncset.s32 $0xFFFFF086  }
0x25: {  	[simem:s6], [sflag:s4] =	dma.local [hbm:s3], $0xF7A  }
0x26: {  	[smem:$0x3F99] =	sst s1;
	(tag) =	ssettag s2;
	_ =	strace s9  }
0x27: {  	s1 =	sld [smem:$0x3FA9]  }
0x28: {  	s2 =	sld [smem:$0x3FAA]  }
0x29: {  	s4 =	sld [smem:$0x3FAC]  }
0x2a: {  	p0 =	seq.s32 s5, $0x0;
	s5 =	sld [smem:$0x3FAD]  }
0x2b: {  	s6 =	sld [smem:$0x3FAE]  }
0x2c: {  	s7 =	sld [smem:$0x3FAF]  }
0x2d: {  	s3 =	simm.s32 $0x108;
	s8 =	sld [smem:$0x3FB0]  }
0x2e: {  	s3 =	simm.s32 @!p0 $0x1082;
	s9 =	sld [smem:$0x3FB1]  }
0x2f: {  	lr =	sadd.s32 s0, s3;
	s0 =	sld [smem:$0x3FA8]  }
0x30: {  	s3 =	sld [smem:$0x3FAB]  }
0x31: {  	[smem:$0x3FB4] =	sst s10  }
0x32: {  	s10 =	sld [smem:$0x3FB2];
	_ =	sdelay $0x3  }
0x33: {  	p0 =	seq.s32 s10, $0x1;
	s10 =	sld [smem:$0x3FB4];
	_ =	sdelay $0x3  }
0x34: {  	[smem:$0x3FB4] =	sst s10  }
0x35: {  	s10 =	sld [smem:$0x3FB3];
	_ =	sdelay $0x3  }
0x36: {  	p1 =	seq.s32 s10, $0x1;
	s10 =	sld [smem:$0x3FB4];
	_ =	sdelay $0x3  }
0x37: {  	[smem:$0x3FB4] =	sst s10  }
0x38: {  	s10 =	sld [smem:$0x3FB5]  }
0x39: {  	_ = 	snop;
	(pc) =	sbr.ind lr, $3  }
0x3a: {  	_ = 	snop  }
0x3b: {  	_ = 	snop  }
0x3c: {  	p2 =	seq.s32 s10, $0x1;
	s10 =	sld [smem:$0x3FB4]  }
0x3d: {  	_ =	shalt  }
0x3e: {  	_ =	shalt  }
0x3f: {  	_ =	shalt  }
0x40: {  	_ =	shalt  }
0x41: {  	_ =	shalt  }
0x42: {  	_ =	shalt  }
0x43: {  	_ =	shalt  }
0x44: {  	_ =	shalt  }
0x45: {  	_ =	shalt  }
0x46: {  	_ =	shalt  }
0x47: {  	_ =	shalt  }
0x48: {  	_ =	shalt  }
0x49: {  	_ =	shalt  }
0x4a: {  	_ =	shalt  }
0x4b: {  	_ =	shalt  }
0x4c: {  	_ =	shalt  }
0x4d: {  	_ =	shalt  }
0x4e: {  	_ =	shalt  }
0x4f: {  	_ =	shalt  }
0x50: {  	_ =	shalt  }
0x51: {  	_ =	shalt  }
0x52: {  	_ =	shalt  }
0x53: {  	_ =	shalt  }
0x54: {  	_ =	shalt  }
0x55: {  	_ =	shalt  }
0x56: {  	_ =	shalt  }
0x57: {  	_ =	shalt  }
0x58: {  	_ =	shalt  }
0x59: {  	_ =	shalt  }
0x5a: {  	_ =	shalt  }
0x5b: {  	_ =	shalt  }
0x5c: {  	_ =	shalt  }
0x5d: {  	_ =	shalt  }
0x5e: {  	_ =	shalt  }
0x5f: {  	_ =	shalt  }
0x60: {  	_ =	shalt  }
0x61: {  	_ =	shalt  }
0x62: {  	_ =	shalt  }
0x63: {  	_ =	shalt  }
0x64: {  	_ =	shalt  }
0x65: {  	_ =	shalt  }
0x66: {  	_ =	shalt  }
0x67: {  	_ =	shalt  }
0x68: {  	_ =	shalt  }
0x69: {  	_ =	shalt  }
0x6a: {  	_ =	shalt  }
0x6b: {  	_ =	shalt  }
0x6c: {  	_ =	shalt  }
0x6d: {  	_ =	shalt  }
0x6e: {  	_ =	shalt  }
0x6f: {  	_ =	shalt  }
0x70: {  	_ =	shalt  }
0x71: {  	_ =	shalt  }
0x72: {  	_ =	shalt  }
0x73: {  	_ =	shalt  }
0x74: {  	_ =	shalt  }
0x75: {  	_ =	shalt  }
0x76: {  	_ =	shalt  }
0x77: {  	_ =	shalt  }
0x78: {  	_ =	shalt  }
0x79: {  	_ =	shalt  }
0x7a: {  	_ =	shalt  }
0x7b: {  	_ =	shalt  }
0x7c: {  	_ =	shalt  }
0x7d: {  	_ =	shalt  }
0x7e: {  	_ =	shalt  }
0x7f: {  	_ =	shalt  }
0x80: {  	_ =	shalt  }
0x81: {  	_ =	shalt  }
0x82: {  	_ =	shalt  }
0x83: {  	_ =	shalt  }
0x84: {  	_ =	shalt  }
0x85: {  	_ =	shalt  }
0x86: {  	_ =	shalt  }
0x87: {  	_ =	shalt  }
.Lfunc_end0:
.L_simem_size_0:
called_computation_lowered:
.L_overlay_start_0:
0x88: {  	s2 =	sld [smem:$0x3FD9]  }
0x89: {  	s3 =	sld [smem:$0x3FFE];
	_ =	sdelay $0x1  }
0x8a: {  	s1 =	srdreg.scid  }
0x8b: {  	s0 =	sand.u32 $0x1, s1  }
0x8c: {  	s17 =	sshll.u32 s0, $0xA;
	s2 =	sadd.s32 s3, s2  }
0x8d: {  	s2 =	sadd.s32 s2, s17  }
0x8e: {  	[smem:$0x3FC0] =	sst s2  }
0x8f: {  	_ = 	snop  }
0x90: {  	s2 =	sld [smem:$0x3FC9]  }
0x91: {  	s18 =	sld [smem:$0x3FD0];
	(tm) =	ssettm $0x1  }
0x92: {  	s4 =	sld [smem:$0x3FFB];
	_ =	sdelay $0x3  }
0x93: {  	_ =	strace s4  }
0x94: {  	s4 =	sld [smem:$0x3FFC];
	_ =	sdelay $0x3  }
0x95: {  	_ =	strace s4  }
0x96: {  	s4 =	sld [smem:$0x3FFD];
	_ =	sdelay $0x3  }
0x97: {  	_ =	strace s4  }
0x98: {  	_ =	strace $0x8FFFFFFF  }
0x99: {  	s19 =	sld [smem:$0x3FDB];
	_ =	sdelay $0x1  }
0x9a: {  	s5 =	simm.s32 $_scs_section_size  }
0x9b: {  	s6 =	simm.s32 $_size__tile_overlayer_lowered;
	s7 =	simm.s32 $_tile_overlayer_lowered  }
0x9c: {  	s22 =	simm.s32 $0x1BFF;
	s21 =	sshll.u32 s7, $0x1;
	s4 =	sadd.s32 s5, s19  }
0x9d: {  	s8 =	simm.s32 $0x0;
	s20 =	sshll.u32 s6, $0x1;
	s6 =	sadd.s32 s21, s4  }
0x9e: {  	[timem:s8], [sflag:s22] =	dma.local [hbm:s6], s20  }
0x9f: {  	_ =	swait.ge [sflag:s22], s20  }
0xa0: {  	s5 =	ssub.s32 $0x0, s20;
	[sflag:s22] =	ssyncset.done $0x0  }
0xa1: {  	[sflag:s22] =	ssyncadd.s32 s5;
	_ =	sdelay $0x1  }
0xa2: {  	s23 =	simm.s32 $0x1B8B  }
0xa3: {  	_ =	swait.ge [sflag:s23], $0x1  }
0xa4: {  	[sflag:s23] =	ssyncset.done $0x0  }
0xa5: {  	s25 =	simm.s32 $0x1B8E;
	s24 =	sld [smem:$0x3FFE];
	[sflag:s23] =	ssyncadd.s32 $0xFFFFFFFF  }
0xa6: {  	s26 =	simm.s32 $execute0_lowered;
	[smem:$0x3FD2] =	sst s25  }
0xa7: {  	s6 =	sshll.u32 s26, $0x1;
	_ =	strace $0x80000046;
	[dreg:$0x1] =	wrdreg $0xFFFFFFFF  }
0xa8: {  	s28 =	simm.s32 $_size_execute0_lowered;
	s4 =	sadd.s32 s4, s6;
	[dreg:$0x0] =	wrdreg $0x0  }
0xa9: {  	s6 =	sshll.u32 s28, $0x1;
	[dreg:$0x2] =	wrdreg s4  }
0xaa: {  	[dreg:$0x3] =	wrdreg s6  }
0xab: {  	[dreg:$0x4] =	wrdreg $0xC0  }
0xac: {  	_ =	task [dreg:s8], $0x5FFFF  }
0xad: {  	[dreg:$0x1] =	wrdreg $0xFFFFFFFF  }
0xae: {  	[dreg:$0x0] =	wrdreg $0x60  }
0xaf: {  	[dreg:$0x2] =	wrdreg s2  }
0xb0: {  	[dreg:$0x3] =	wrdreg s24  }
0xb1: {  	[dreg:$0x4] =	wrdreg s18  }
0xb2: {  	[dreg:$0x5] =	wrdreg $0x92800  }
0xb3: {  	[dreg:$0x6] =	wrdreg $0x8D800  }
0xb4: {  	[dreg:$0x7] =	wrdreg $0x9  }
0xb5: {  	_ =	task.clear_ibuf [dreg:s8], $0x8FFFF;
	_ =	strace $0x90000046  }
0xb6: {  	s29 =	simm.s32 $0x9;
	_ =	strace $0x80000048  }
0xb7: {  	_ =	swait.ge [sflag:s29], $0x1  }
0xb8: {  	[sflag:s29] =	ssyncadd.s32 $0xFFFFFFFF  }
0xb9: {  	_ =	strace $0x90000048  }
0xba: {  	_ =	sfence  }
0xbb: {  	s30 =	sld [smem:$0x0];
	_ =	sdelay $0x2  }
0xbc: {  	s31 =	sshll.u32 s1, $0xD;
	s1 =	sshrl.u32 s1, $0x2  }
0xbd: {  	s3 =	sand.u32 $0x4000, s31;
	s1 =	sadd.s32 s1, s30  }
0xbe: {  	s0 =	sor.u32 s3, s0;
	s1 =	sshll.u32 s1, $0x11  }
0xbf: {  	s0 =	sor.u32 s1, s0  }
0xc0: {  	s0 =	sadd.s32 $0x8F2B, s0  }
0xc1: {  	[sflag:s0] =	ssyncadd.remote.s32 $0x1  }
0xc2: {  	_ =	sfence.sel $0xFFFF  }
0xc3: {  	[dreg:$0x0] =	wrdreg $0xFFFFFFFF;
	(pc) =	sbr.abs _section_cstart, $3  }
0xc4: {  	[dreg:$0x1] =	wrdreg $0xFFFFFFFF  }
0xc5: {  	_ =	task.clear_ibuf [dreg:s8], $0x2FFFF;
	_ =	strace $0x9FFFFFFF  }
0xc6: {  	(tm) =	ssettm $0x7FFFFFFF  }
0xc7: {  	_ =	shalt  }
tec
execute0_lowered:
.L_overlay_start_1:
0x0: {  	(tag) =	ssettag $0x1  }
0x1: {  	s0 =	rddreg [dreg:$0x1];
	s1 =	srdreg.scid  }
0x2: {  	s2 =	rddreg [dreg:$0x2];
	s25 =	stileid.u32  }
0x3: {  	s28 =	simm.s32 $0x5;
	s1 =	sand.u32 $0x1, s1;
	s6 =	sadd.s32 $0x17200, s0  }
0x4: {  	s12 =	sadd.s32 $0x3F200, s0;
	s3 =	smul.u32 $0x280, s25;
	s18 =	sshll.u32 s25, $0x1  }
0x5: {  	s16 =	sadd.s32 $0x16C00, s0;
	s17 =	sor.u32 s1, s18;
	s18 =	smul.u32 $0x2800, s25  }
0x6: {  	s4 =	ssub.s32 $0x2, s1;
	p0 =	seq.s32 s1, $0x0;
	s1 =	smul.u32 $0x2710, s1  }
0x7: {  	s5 =	sshrl.u32 s4, $0x1;
	s14 =	sor.u32 $0x40, s3;
	s15 =	sadd.s32 $0x80, s3  }
0x8: {  	s13 =	sadd.s32 $0xC0, s3;
	s10 =	sadd.s32 $0x100, s3;
	s11 =	sadd.s32 $0x140, s3  }
0x9: {  	s9 =	sadd.s32 $0x180, s3;
	s7 =	sadd.s32 $0x1C0, s3;
	s8 =	sadd.s32 $0x200, s3  }
0xa: {  	s17 =	smul.u32 $0x2710, s17;
	s12 =	smov.u32 @p0 s6;
	s16 =	smov.u32 @p0 s2  }
0xb: {  	s4 =	ssub.s32 s4, s5;
	s5 =	sadd.s32 $0x240, s3;
	s19 =	sshll.u32 s14, $0x4  }
0xc: {  	s20 =	sshll.u32 s15, $0x4;
	s21 =	sshll.u32 s13, $0x4;
	s18 =	sadd.s32 s12, s18  }
0xd: {  	s22 =	sshll.u32 s10, $0x4;
	[dreg:$0x6] =	wrdreg s18;
	s19 =	sadd.s32 s12, s19  }
0xe: {  	s23 =	sshll.u32 s11, $0x4;
	s26 =	sadd.s32 s12, s20;
	[dreg:$0x7] =	wrdreg s19  }
0xf: {  	s24 =	sshll.u32 s9, $0x4;
	s20 =	sadd.s32 s12, s22;
	[dreg:$0x8] =	wrdreg s26  }
0x10: {  	s6 =	sshll.u32 s7, $0x4;
	s22 =	sadd.s32 s12, s24;
	[dreg:$0xa] =	wrdreg s20  }
0x11: {  	s2 =	sshll.u32 s8, $0x4;
	s6 =	sadd.s32 s12, s6;
	[dreg:$0xc] =	wrdreg s22  }
0x12: {  	s2 =	sadd.s32 s12, s2;
	s24 =	sshrl.u32 s3, $0x3;
	[dreg:$0xd] =	wrdreg s6  }
0x13: {  	s19 =	sadd.s32 s12, s21;
	s21 =	sadd.s32 s12, s23;
	[dreg:$0xe] =	wrdreg s2  }
0x14: {  	s23 =	sshll.u32 s5, $0x4;
	s26 =	smul.u32 $0x4E20, s25;
	[dreg:$0x9] =	wrdreg s19  }
0x15: {  	s16 =	sadd.s32 s16, s24;
	[dreg:$0xb] =	wrdreg s21;
	s2 =	sadd.s32 s12, s23  }
0x16: {  	s6 =	sadd.s32 $0xCE00, s0;
	[dreg:$0xf] =	wrdreg s2;
	s2 =	sshrl.u32 s17, $0x3  }
0x17: {  	[dreg:$0x10] =	wrdreg s16;
	s12 =	simm.s32 $0x0;
	s18 =	sadd.s32 $0x8, s2  }
0x18: {  	s16 =	sadd.s32 $0x3000, s0;
	[smem:$0x7FF] =	sst s12;
	s19 =	sadd.s32 s6, s18  }
0x19: {  	s20 =	sadd.s32 $0x10, s2;
	s0 =	sadd.s32 s16, s18;
	[dreg:$0x11] =	wrdreg s19  }
0x1a: {  	s22 =	sadd.s32 $0x18, s2;
	s21 =	sadd.s32 s6, s20;
	[dreg:$0x12] =	wrdreg s0  }
0x1b: {  	s24 =	sadd.s32 $0x20, s2;
	s23 =	sadd.s32 s6, s22;
	[dreg:$0x13] =	wrdreg s21  }
0x1c: {  	s1 =	sadd.s32 s1, s26;
	s26 =	sadd.s32 s6, s24;
	[dreg:$0x15] =	wrdreg s23  }
0x1d: {  	s18 =	sadd.s32 $0x28, s2;
	s0 =	sadd.s32 s16, s20;
	[dreg:$0x17] =	wrdreg s26  }
0x1e: {  	s19 =	sadd.s32 s6, s18;
	s20 =	sadd.s32 s6, s2;
	[dreg:$0x14] =	wrdreg s0  }
0x1f: {  	s21 =	sadd.s32 s16, s2;
	s23 =	sadd.s32 $0x240, s1;
	[dreg:$0x19] =	wrdreg s19  }
0x20: {  	s26 =	sadd.s32 $0x200, s1;
	s0 =	sadd.s32 s16, s22;
	[dreg:$0x1b] =	wrdreg s20  }
0x21: {  	[dreg:$0x1c] =	wrdreg s21;
	s22 =	sadd.s32 $0x4E0, s2;
	s2 =	sshrl.u32 s23, $0x3  }
0x22: {  	s21 =	sadd.s32 $0x1C0, s1;
	s1 =	sadd.s32 $0x180, s1;
	[dreg:$0x16] =	wrdreg s0  }
0x23: {  	s0 =	sadd.s32 s16, s24;
	s23 =	sshrl.u32 s1, $0x3;
	s1 =	rddreg [dreg:$0x3]  }
0x24: {  	s29 =	simm.s32 $0x3;
	s24 =	sadd.s32 s6, s22;
	[dreg:$0x18] =	wrdreg s0  }
0x25: {  	s30 =	simm.s32 $0x6;
	s19 =	sadd.s32 s2, s16;
	[dreg:$0x1d] =	wrdreg s24  }
0x26: {  	s31 =	simm.s32 $0x4;
	s2 =	sadd.s32 s2, s6;
	[dreg:$0x1f] =	wrdreg s19  }
0x27: {  	s5 =	sshll.u32 s5, $0x7;
	s0 =	sadd.s32 s16, s18;
	[smem:$0x7EA] =	sst s2  }
0x28: {  	s18 =	sshrl.u32 s26, $0x3;
	s2 =	rddreg [dreg:$0x4];
	s24 =	smul.u32 $0x50000, s25  }
0x29: {  	s19 =	sshll.u32 s13, $0x7;
	s5 =	sadd.s32 s5, s1;
	s13 =	simm.s32 $0x8D00  }
0x2a: {  	[dreg:$0x1a] =	wrdreg s0;
	s0 =	sadd.s32 s16, s22;
	s20 =	sadd.s32 s18, s16  }
0x2b: {  	s22 =	sshrl.u32 s21, $0x3;
	s21 =	sshll.u32 s11, $0x7;
	[dreg:$0x1e] =	wrdreg s0  }
0x2c: {  	s3 =	sadd.s32 s3, s2;
	s11 =	simm.s32 $0x1;
	[smem:$0x7EB] =	sst s20  }
0x2d: {  	s0 =	sadd.s32 s18, s6;
	s25 =	sadd.s32 s22, s16;
	s17 =	sadd.s32 s22, s6  }
0x2e: {  	s16 =	sadd.s32 s23, s16;
	s6 =	sadd.s32 s23, s6;
	[smem:$0x7EC] =	sst s0  }
0x2f: {  	s26 =	sshrl.u32 s24, $0x2;
	s20 =	sshll.u32 s10, $0x7;
	s0 =	rddreg [dreg:$0x0]  }
0x30: {  	s22 =	sadd.s32 s21, s1;
	s23 =	sshll.u32 s9, $0x7;
	[smem:$0x7ED] =	sst s25  }
0x31: {  	s24 =	sshll.u32 s7, $0x7;
	s7 =	simm.s32 $0xA;
	[smem:$0x7EE] =	sst s17  }
0x32: {  	s9 =	simm.s32 $0x100;
	s10 =	simm.s32 $0x300;
	[smem:$0x7EF] =	sst s16  }
0x33: {  	s21 =	simm.s32 $0x6400;
	[smem:$0x7F0] =	sst s6;
	s6 =	sadd.s32 s26, s1  }
0x34: {  	s16 =	sshll.u32 s14, $0x7;
	s17 =	sshll.u32 s15, $0x7;
	s25 =	sshll.u32 s8, $0x7  }
0x35: {  	s8 =	simm.s32 $0x2400;
	_ =	strace $0x80000047;
	[smem:$0x7F1] =	sst s6  }
0x36: {  	s14 =	simm.s32 $0xB;
	s15 =	simm.s32 $0x4400;
	[smem:$0x7F6] =	sst s22  }
0x37: {  	s6 =	sadd.s32 s16, s1;
	s18 =	sadd.s32 s17, s1;
	[smem:$0x7FA] =	sst s5  }
0x38: {  	s26 =	sadd.s32 s25, s1;
	[smem:$0x7FB] =	sst s3;
	s5 =	smax.u32 s4, $0x1  }
0x39: {  	s25 =	simm.s32 $0x9;
	s22 =	simm.s32 $0x280;
	[smem:$0x7F2] =	sst s6  }
0x3a: {  	s16 =	simm.s32 $0x180;
	s17 =	simm.s32 $0x380;
	[smem:$0x7F3] =	sst s18  }
0x3b: {  	s3 =	simm.s32 $0x7;
	s4 =	simm.s32 $0x8;
	[smem:$0x7F9] =	sst s26  }
0x3c: {  	s6 =	sadd.s32 s19, s1;
	[smem:$0x7FC] =	sst s5;
	s26 =	simm.s32 $0x40  }
.Ltmp0:
0x3d: {  	[smem:$0x7F4] =	sst s6;
	s6 =	sadd.s32 s20, s1;
	(pc) =	sbr.rel .LBB2_1-.Ltmp0, $4  }
0x3e: {  	s19 =	simm.s32 $0x80;
	[smem:$0x7F5] =	sst s6;
	s6 =	sadd.s32 s23, s1  }
0x3f: {  	s18 =	simm.s32 $0x2;
	[smem:$0x7F7] =	sst s6;
	s6 =	sadd.s32 s24, s1  }
0x40: {  	s20 =	simm.s32 $0x400;
	[smem:$0x7F8] =	sst s6;
	s6 =	simm.s32 $0x0  }
0x41: {  	v0 =	vimm.f32 $0.0e+00;
	v1 =	vimm.f32 $1.000000000e+00;
	s23 =	simm.s32 $0xC;
	s24 =	simm.s32 $0x200;
	[smem:$0x7FD] =	sst s6  }
.LBB2_6:
0x42: {  	_ =	swait.ge [sflag:s29], $0x2000  }
0x43: {  	[sflag:s29] =	ssyncset.done $0x0  }
0x44: {  	[sflag:s29] =	ssyncadd.s32 $0xFFFFE000  }
0x45: {  	[spmem:s1] =	stream.indirect.scatter.add.f32 [tilespmem:s15], [sflag:$0x7], $0x80, s10, s26, $0xb8;
	[tilespmem:$0x1D280] =	vst v63  }
0x46: {  	_ = 	snop  }
0x47: {  	[spmem:s2] =	stream.indirect.scatter.add.f32 [tilespmem:s13], [sflag:$0x7], $0x1, s10, s26, $0xb8;
	[tilespmem:$0x1D280] =	vst v63  }
0x48: {  	_ =	swait.ge [sflag:s31], $0x2000  }
0x49: {  	[sflag:s31] =	ssyncset.done $0x0  }
0x4a: {  	[sflag:s31] =	ssyncadd.s32 $0xFFFFE000  }
0x4b: {  	[spmem:s1] =	stream.indirect.scatter.add.f32 [tilespmem:s21], [sflag:$0x8], $0x80, s17, s26, $0xb8;
	[tilespmem:$0x1D280] =	vst v63  }
0x4c: {  	_ = 	snop  }
0x4d: {  	[spmem:s2] =	stream.indirect.scatter.add.f32 [tilespmem:s13], [sflag:$0x8], $0x1, s17, s26, $0xb8;
	[tilespmem:$0x1D280] =	vst v63  }
0x4e: {  	_ =	swait.ge [sflag:s28], $0x2000  }
0x4f: {  	[sflag:s28] =	ssyncset.done $0x0  }
0x50: {  	[sflag:s28] =	ssyncadd.s32 $0xFFFFE000  }
0x51: {  	_ =	swait.ge [sflag:s28], $0x40  }
0x52: {  	[sflag:s28] =	ssyncset.done $0x0  }
0x53: {  	[sflag:s28] =	ssyncadd.s32 $0xFFFFFFC0  }
0x54: {  	_ =	swait.ge [sflag:s30], $0x2000  }
0x55: {  	[sflag:s30] =	ssyncset.done $0x0  }
0x56: {  	[sflag:s30] =	ssyncadd.s32 $0xFFFFE000  }
0x57: {  	_ =	swait.ge [sflag:s30], $0x40  }
0x58: {  	[sflag:s30] =	ssyncset.done $0x0  }
0x59: {  	[sflag:s30] =	ssyncadd.s32 $0xFFFFFFC0  }
0x5a: {  	_ =	swait.ge [sflag:s3], $0x2000  }
0x5b: {  	[sflag:s3] =	ssyncset.done $0x0  }
0x5c: {  	[sflag:s3] =	ssyncadd.s32 $0xFFFFE000  }
0x5d: {  	_ =	swait.ge [sflag:s3], $0x40  }
0x5e: {  	[sflag:s3] =	ssyncset.done $0x0  }
0x5f: {  	[sflag:s3] =	ssyncadd.s32 $0xFFFFFFC0  }
0x60: {  	_ =	swait.ge [sflag:s4], $0x2000  }
0x61: {  	[sflag:s4] =	ssyncset.done $0x0  }
0x62: {  	[sflag:s4] =	ssyncadd.s32 $0xFFFFE000  }
0x63: {  	_ =	swait.ge [sflag:s4], $0x40  }
0x64: {  	[sflag:s4] =	ssyncset.done $0x0  }
0x65: {  	s6 =	simm.s32 $0x8400;
	s5 =	rddreg [dreg:$0x1d];
	[sflag:s4] =	ssyncadd.s32 $0xFFFFFFC0  }
0x66: {  	[tilespmem:s6], [sflag:$0xE] =	stream.linear.gather [hbm4b:s5+s12], $0x10, $0x38;
	[tilespmem:$0x1D280] =	vst v63  }
0x67: {  	s6 =	simm.s32 $0xE  }
0x68: {  	_ =	swait.ge [sflag:s6], $0x10  }
0x69: {  	[sflag:s6] =	ssyncset.done $0x0  }
0x6a: {  	s19 =	simm.s32 $0x8480;
	s9 =	rddreg [dreg:$0x1e];
	[sflag:s6] =	ssyncadd.s32 $0xFFFFFFF0  }
0x6b: {  	[tilespmem:s19], [sflag:$0xE] =	stream.linear.gather [hbm4b:s9+s12], $0x10, $0x38;
	[tilespmem:$0x1D280] =	vst v63  }
0x6c: {  	_ =	swait.ge [sflag:s6], $0x10  }
0x6d: {  	s5 =	simm.s32 $0x8400;
	[sflag:s6] =	ssyncset.done $0x0  }
0x6e: {  	s9 =	simm.s32 $0x10;
	s19 =	simm.s32 $0x8500;
	[sflag:s6] =	ssyncadd.s32 $0xFFFFFFF0  }
0x6f: {  	[tilespmem:s19], [sflag:$0xD] =	stream.indirect.gather [hbm4b:s0+s9], $0x80, s5, s9, $0xb8;
	[tilespmem:$0x1D280] =	vst v63  }
0x70: {  	s19 =	simm.s32 $0xD  }
0x71: {  	_ =	swait.ge [sflag:s19], $0x800  }
0x72: {  	s5 =	simm.s32 $0x10;
	[sflag:s19] =	ssyncset.done $0x0  }
0x73: {  	s9 =	simm.s32 $0x8480;
	[sflag:s19] =	ssyncadd.s32 $0xFFFFF800;
	s19 =	simm.s32 $0x8500  }
0x74: {  	[spmem:s1] =	stream.indirect.scatter.add.f32 [tilespmem:s19], [sflag:$0xE], $0x80, s9, s5, $0xb8;
	[tilespmem:$0x1D280] =	vst v63  }
0x75: {  	_ =	swait.ge [sflag:s6], $0x800  }
0x76: {  	[sflag:s6] =	ssyncset.done $0x0  }
0x77: {  	s5 =	simm.s32 $0x10;
	s19 =	simm.s32 $0x8480;
	[sflag:s6] =	ssyncadd.s32 $0xFFFFF800  }
0x78: {  	[spmem:s2] =	stream.indirect.scatter.add.f32 [tilespmem:s13], [sflag:$0xE], $0x1, s19, s5, $0xb8;
	[tilespmem:$0x1D280] =	vst v63  }
0x79: {  	_ =	swait.ge [sflag:s6], $0x10  }
0x7a: {  	[sflag:s6] =	ssyncset.done $0x0  }
0x7b: {  	[sflag:s6] =	ssyncadd.s32 $0xFFFFFFF0  }
0x7c: {  	[bflag:$0x0] =	sbarrier.arrive $0xFFFF  }
0x7d: {  	s19 =	sld [smem:$0x7F1];
	_ =	sdelay $0x2  }
0x7e: {  	[tilespmem:s20], [sflag:$0x1] =	stream.linear.gather [spmem:s19], $0x2000, $0x38;
	[tilespmem:$0x1D280] =	vst v63  }
0x7f: {  	s19 =	sld [smem:$0x7F2];
	_ =	sdelay $0x2  }
0x80: {  	[tilespmem:s8], [sflag:$0x2] =	stream.linear.gather [spmem:s19], $0x2000, $0x38;
	[tilespmem:$0x1D280] =	vst v63  }
0x81: {  	_ =	swait.ge [sflag:s11], $0x2000  }
0x82: {  	[sflag:s11] =	ssyncset.done $0x0  }
0x83: {  	s19 =	rddreg [dreg:$0x6];
	[sflag:s11] =	ssyncadd.s32 $0xFFFFE000  }
0x84: {  	[hbm4b:s19+s12] =	stream.linear.scatter [tilespmem:s20], [sflag:$0x5], $0x2000, $0x38;
	[tilespmem:$0x1D280] =	vst v63  }
0x85: {  	_ =	swait.ge [sflag:s28], $0x2000  }
0x86: {  	s19 =	sld [smem:$0x7F3]  }
0x87: {  	[sflag:s28] =	ssyncset.done $0x0  }
0x88: {  	[sflag:s28] =	ssyncadd.s32 $0xFFFFE000  }
0x89: {  	[tilespmem:s20], [sflag:$0x1] =	stream.linear.gather [spmem:s19], $0x2000, $0x38;
	[tilespmem:$0x1D280] =	vst v63  }
0x8a: {  	_ =	swait.ge [sflag:s18], $0x2000  }
0x8b: {  	[sflag:s18] =	ssyncset.done $0x0  }
0x8c: {  	s19 =	rddreg [dreg:$0x7];
	[sflag:s18] =	ssyncadd.s32 $0xFFFFE000  }
0x8d: {  	[hbm4b:s19+s12] =	stream.linear.scatter [tilespmem:s8], [sflag:$0x6], $0x2000, $0x38;
	[tilespmem:$0x1D280] =	vst v63  }
0x8e: {  	_ =	swait.ge [sflag:s30], $0x2000  }
0x8f: {  	s19 =	sld [smem:$0x7F4]  }
0x90: {  	[sflag:s30] =	ssyncset.done $0x0  }
0x91: {  	[sflag:s30] =	ssyncadd.s32 $0xFFFFE000  }
0x92: {  	[tilespmem:s8], [sflag:$0x2] =	stream.linear.gather [spmem:s19], $0x2000, $0x38;
	[tilespmem:$0x1D280] =	vst v63  }
0x93: {  	_ =	swait.ge [sflag:s11], $0x2000  }
0x94: {  	[sflag:s11] =	ssyncset.done $0x0  }
0x95: {  	s19 =	rddreg [dreg:$0x8];
	[sflag:s11] =	ssyncadd.s32 $0xFFFFE000  }
0x96: {  	[hbm4b:s19+s12] =	stream.linear.scatter [tilespmem:s20], [sflag:$0x5], $0x2000, $0x38;
	[tilespmem:$0x1D280] =	vst v63  }
0x97: {  	_ =	swait.ge [sflag:s28], $0x2000  }
0x98: {  	s19 =	sld [smem:$0x7F5]  }
0x99: {  	[sflag:s28] =	ssyncset.done $0x0  }
0x9a: {  	[sflag:s28] =	ssyncadd.s32 $0xFFFFE000  }
0x9b: {  	[tilespmem:s20], [sflag:$0x1] =	stream.linear.gather [spmem:s19], $0x2000, $0x38;
	[tilespmem:$0x1D280] =	vst v63  }
0x9c: {  	_ =	swait.ge [sflag:s18], $0x2000  }
0x9d: {  	[sflag:s18] =	ssyncset.done $0x0  }
0x9e: {  	s19 =	rddreg [dreg:$0x9];
	[sflag:s18] =	ssyncadd.s32 $0xFFFFE000  }
0x9f: {  	[hbm4b:s19+s12] =	stream.linear.scatter [tilespmem:s8], [sflag:$0x6], $0x2000, $0x38;
	[tilespmem:$0x1D280] =	vst v63  }
0xa0: {  	_ =	swait.ge [sflag:s30], $0x2000  }
0xa1: {  	s19 =	sld [smem:$0x7F6]  }
0xa2: {  	[sflag:s30] =	ssyncset.done $0x0  }
0xa3: {  	[sflag:s30] =	ssyncadd.s32 $0xFFFFE000  }
0xa4: {  	[tilespmem:s8], [sflag:$0x2] =	stream.linear.gather [spmem:s19], $0x2000, $0x38;
	[tilespmem:$0x1D280] =	vst v63  }
0xa5: {  	_ =	swait.ge [sflag:s11], $0x2000  }
0xa6: {  	[sflag:s11] =	ssyncset.done $0x0  }
0xa7: {  	s19 =	rddreg [dreg:$0xa];
	[sflag:s11] =	ssyncadd.s32 $0xFFFFE000  }
0xa8: {  	[hbm4b:s19+s12] =	stream.linear.scatter [tilespmem:s20], [sflag:$0x5], $0x2000, $0x38;
	[tilespmem:$0x1D280] =	vst v63  }
0xa9: {  	_ =	swait.ge [sflag:s28], $0x2000  }
0xaa: {  	s19 =	sld [smem:$0x7F7]  }
0xab: {  	[sflag:s28] =	ssyncset.done $0x0  }
0xac: {  	[sflag:s28] =	ssyncadd.s32 $0xFFFFE000  }
0xad: {  	[tilespmem:s20], [sflag:$0x1] =	stream.linear.gather [spmem:s19], $0x2000, $0x38;
	[tilespmem:$0x1D280] =	vst v63  }
0xae: {  	_ =	swait.ge [sflag:s18], $0x2000  }
0xaf: {  	[sflag:s18] =	ssyncset.done $0x0  }
0xb0: {  	s19 =	rddreg [dreg:$0xb];
	[sflag:s18] =	ssyncadd.s32 $0xFFFFE000  }
0xb1: {  	[hbm4b:s19+s12] =	stream.linear.scatter [tilespmem:s8], [sflag:$0x6], $0x2000, $0x38;
	[tilespmem:$0x1D280] =	vst v63  }
0xb2: {  	_ =	swait.ge [sflag:s30], $0x2000  }
0xb3: {  	s19 =	sld [smem:$0x7F8]  }
0xb4: {  	[sflag:s30] =	ssyncset.done $0x0  }
0xb5: {  	[sflag:s30] =	ssyncadd.s32 $0xFFFFE000  }
0xb6: {  	[tilespmem:s8], [sflag:$0x2] =	stream.linear.gather [spmem:s19], $0x2000, $0x38;
	[tilespmem:$0x1D280] =	vst v63  }
0xb7: {  	_ =	swait.ge [sflag:s11], $0x2000  }
0xb8: {  	[sflag:s11] =	ssyncset.done $0x0  }
0xb9: {  	s19 =	rddreg [dreg:$0xc];
	[sflag:s11] =	ssyncadd.s32 $0xFFFFE000  }
0xba: {  	[hbm4b:s19+s12] =	stream.linear.scatter [tilespmem:s20], [sflag:$0x5], $0x2000, $0x38;
	[tilespmem:$0x1D280] =	vst v63  }
0xbb: {  	_ =	swait.ge [sflag:s28], $0x2000  }
0xbc: {  	s19 =	sld [smem:$0x7F9]  }
0xbd: {  	[sflag:s28] =	ssyncset.done $0x0  }
0xbe: {  	[sflag:s28] =	ssyncadd.s32 $0xFFFFE000  }
0xbf: {  	[tilespmem:s20], [sflag:$0x1] =	stream.linear.gather [spmem:s19], $0x2000, $0x38;
	[tilespmem:$0x1D280] =	vst v63  }
0xc0: {  	_ =	swait.ge [sflag:s18], $0x2000  }
0xc1: {  	[sflag:s18] =	ssyncset.done $0x0  }
0xc2: {  	s19 =	rddreg [dreg:$0xd];
	[sflag:s18] =	ssyncadd.s32 $0xFFFFE000  }
0xc3: {  	[hbm4b:s19+s12] =	stream.linear.scatter [tilespmem:s8], [sflag:$0x6], $0x2000, $0x38;
	[tilespmem:$0x1D280] =	vst v63  }
0xc4: {  	_ =	swait.ge [sflag:s30], $0x2000  }
0xc5: {  	s19 =	sld [smem:$0x7FA]  }
0xc6: {  	[sflag:s30] =	ssyncset.done $0x0  }
0xc7: {  	[sflag:s30] =	ssyncadd.s32 $0xFFFFE000  }
0xc8: {  	[tilespmem:s8], [sflag:$0x2] =	stream.linear.gather [spmem:s19], $0x2000, $0x38;
	[tilespmem:$0x1D280] =	vst v63  }
0xc9: {  	_ =	swait.ge [sflag:s11], $0x2000  }
0xca: {  	[sflag:s11] =	ssyncset.done $0x0  }
0xcb: {  	s19 =	rddreg [dreg:$0xe];
	[sflag:s11] =	ssyncadd.s32 $0xFFFFE000  }
0xcc: {  	[hbm4b:s19+s12] =	stream.linear.scatter [tilespmem:s20], [sflag:$0x5], $0x2000, $0x38;
	[tilespmem:$0x1D280] =	vst v63  }
0xcd: {  	_ =	swait.ge [sflag:s18], $0x2000  }
0xce: {  	[sflag:s18] =	ssyncset.done $0x0  }
0xcf: {  	s19 =	rddreg [dreg:$0xf];
	[sflag:s18] =	ssyncadd.s32 $0xFFFFE000  }
0xd0: {  	[hbm4b:s19+s12] =	stream.linear.scatter [tilespmem:s8], [sflag:$0x6], $0x2000, $0x38;
	[tilespmem:$0x1D280] =	vst v63  }
0xd1: {  	_ =	swait.ge [sflag:s28], $0x2000  }
0xd2: {  	[sflag:s28] =	ssyncset.done $0x0  }
0xd3: {  	[sflag:s28] =	ssyncadd.s32 $0xFFFFE000  }
0xd4: {  	_ =	swait.ge [sflag:s30], $0x2000  }
0xd5: {  	s5 =	sld [smem:$0x7FB]  }
0xd6: {  	[sflag:s30] =	ssyncset.done $0x0  }
0xd7: {  	s19 =	simm.s32 $0x9000;
	[sflag:s30] =	ssyncadd.s32 $0xFFFFE000  }
0xd8: {  	[tilespmem:s19], [sflag:$0xE] =	stream.linear.gather [spmem:s5], $0x280, $0x38;
	[tilespmem:$0x1D280] =	vst v63  }
0xd9: {  	_ =	swait.ge [sflag:s6], $0x280  }
0xda: {  	[sflag:s6] =	ssyncset.done $0x0  }
0xdb: {  	s5 =	rddreg [dreg:$0x10];
	[sflag:s6] =	ssyncadd.s32 $0xFFFFFD80  }
0xdc: {  	[hbm4b:s5+s12] =	stream.linear.scatter [tilespmem:s19], [sflag:$0xE], $0x280, $0x38;
	[tilespmem:$0x1D280] =	vst v63  }
0xdd: {  	_ =	swait.ge [sflag:s6], $0x280  }
0xde: {  	s5 =	sld [smem:$0x7FD];
	_ =	sdelay $0x2  }
0xdf: {  	s19 =	sadd.s32 $0x1, s5;
	s5 =	sld [smem:$0x7FC];
	_ =	sdelay $0x2  }
0xe0: {  	p0 =	sne.s32 s19, s5  }
.Ltmp1:
0xe1: {  	_ = 	snop;
	(pc) =	sbr.rel @!p0 .LBB2_7-.Ltmp1, $3  }
0xe2: {  	_ =	sdelay $0x1  }
0xe3: {  	s9 =	simm.s32 $0x100;
	[sflag:s6] =	ssyncset.done $0x0  }
0xe4: {  	[sflag:s6] =	ssyncadd.s32 $0xFFFFFD80;
	[smem:$0x7FD] =	sst s19;
	s19 =	simm.s32 $0x80  }
.LBB2_1:
0xe5: {  	s5 =	simm.s32 $0x0;
	s6 =	simm.s32 $0x200  }
.LBB2_2:
0xe6: {  	p0 =	sne.s32 s6, $0x7E00;
	[tilespmem:s5+$0x470] =	vst v0  }
0xe7: {  	[tilespmem:s5+$0x400] =	vst v0  }
0xe8: {  	[tilespmem:s5+$0x410] =	vst v0  }
.Ltmp2:
0xe9: {  	[tilespmem:s5+$0x420] =	vst v0;
	(pc) =	sbr.rel @p0 .LBB2_2-.Ltmp2, $4  }
0xea: {  	[tilespmem:s5+$0x430] =	vst v0  }
0xeb: {  	[tilespmem:s5+$0x440] =	vst v0  }
0xec: {  	[tilespmem:s5+$0x450] =	vst v0  }
0xed: {  	[tilespmem:s5+$0x460] =	vst v0;
	s5 =	sshra.s32 s6, $0x2;
	s6 =	sadd.s32 $0x200, s6  }
0xee: {  	[tilespmem:s5+$0x470] =	vst v0  }
0xef: {  	[tilespmem:s5+$0x400] =	vst v0  }
0xf0: {  	[tilespmem:s5+$0x410] =	vst v0  }
0xf1: {  	[tilespmem:s5+$0x420] =	vst v0  }
0xf2: {  	[tilespmem:s5+$0x430] =	vst v0  }
0xf3: {  	[tilespmem:s5+$0x440] =	vst v0;
	s6 =	sld [smem:$0x7F1]  }
0xf4: {  	[tilespmem:s5+$0x450] =	vst v0  }
0xf5: {  	[tilespmem:s5+$0x460] =	vst v0  }
0xf6: {  	[spmem:s6] =	stream.linear.scatter [tilespmem:s20], [sflag:$0xD], $0x2000, $0x38;
	[tilespmem:$0x1D280] =	vst v63  }
0xf7: {  	s6 =	sld [smem:$0x7F2];
	_ =	sdelay $0x2  }
0xf8: {  	[spmem:s6] =	stream.linear.scatter [tilespmem:s20], [sflag:$0xD], $0x2000, $0x38;
	[tilespmem:$0x1D280] =	vst v63  }
0xf9: {  	s6 =	simm.s32 $0xD  }
0xfa: {  	_ =	swait.ge [sflag:s6], $0x2000  }
0xfb: {  	s5 =	sld [smem:$0x7F3]  }
0xfc: {  	[sflag:s6] =	ssyncset.done $0x0  }
0xfd: {  	[sflag:s6] =	ssyncadd.s32 $0xFFFFE000  }
0xfe: {  	[spmem:s5] =	stream.linear.scatter [tilespmem:s20], [sflag:$0xD], $0x2000, $0x38;
	[tilespmem:$0x1D280] =	vst v63  }
0xff: {  	_ =	swait.ge [sflag:s6], $0x2000  }
0x100: {  	s5 =	sld [smem:$0x7F4]  }
0x101: {  	[sflag:s6] =	ssyncset.done $0x0  }
0x102: {  	[sflag:s6] =	ssyncadd.s32 $0xFFFFE000  }
0x103: {  	[spmem:s5] =	stream.linear.scatter [tilespmem:s20], [sflag:$0xD], $0x2000, $0x38;
	[tilespmem:$0x1D280] =	vst v63  }
0x104: {  	_ =	swait.ge [sflag:s6], $0x2000  }
0x105: {  	s5 =	sld [smem:$0x7F5]  }
0x106: {  	[sflag:s6] =	ssyncset.done $0x0  }
0x107: {  	[sflag:s6] =	ssyncadd.s32 $0xFFFFE000  }
0x108: {  	[spmem:s5] =	stream.linear.scatter [tilespmem:s20], [sflag:$0xD], $0x2000, $0x38;
	[tilespmem:$0x1D280] =	vst v63  }
0x109: {  	_ =	swait.ge [sflag:s6], $0x2000  }
0x10a: {  	s5 =	sld [smem:$0x7F6]  }
0x10b: {  	[sflag:s6] =	ssyncset.done $0x0  }
0x10c: {  	[sflag:s6] =	ssyncadd.s32 $0xFFFFE000  }
0x10d: {  	[spmem:s5] =	stream.linear.scatter [tilespmem:s20], [sflag:$0xD], $0x2000, $0x38;
	[tilespmem:$0x1D280] =	vst v63  }
0x10e: {  	_ =	swait.ge [sflag:s6], $0x2000  }
0x10f: {  	s5 =	sld [smem:$0x7F7]  }
0x110: {  	[sflag:s6] =	ssyncset.done $0x0  }
0x111: {  	[sflag:s6] =	ssyncadd.s32 $0xFFFFE000  }
0x112: {  	[spmem:s5] =	stream.linear.scatter [tilespmem:s20], [sflag:$0xD], $0x2000, $0x38;
	[tilespmem:$0x1D280] =	vst v63  }
0x113: {  	_ =	swait.ge [sflag:s6], $0x2000  }
0x114: {  	s5 =	sld [smem:$0x7F8]  }
0x115: {  	[sflag:s6] =	ssyncset.done $0x0  }
0x116: {  	[sflag:s6] =	ssyncadd.s32 $0xFFFFE000  }
0x117: {  	[spmem:s5] =	stream.linear.scatter [tilespmem:s20], [sflag:$0xD], $0x2000, $0x38;
	[tilespmem:$0x1D280] =	vst v63  }
0x118: {  	_ =	swait.ge [sflag:s6], $0x2000  }
0x119: {  	s5 =	sld [smem:$0x7F9]  }
0x11a: {  	[sflag:s6] =	ssyncset.done $0x0  }
0x11b: {  	[sflag:s6] =	ssyncadd.s32 $0xFFFFE000  }
0x11c: {  	[spmem:s5] =	stream.linear.scatter [tilespmem:s20], [sflag:$0xD], $0x2000, $0x38;
	[tilespmem:$0x1D280] =	vst v63  }
0x11d: {  	_ =	swait.ge [sflag:s6], $0x2000  }
0x11e: {  	s5 =	sld [smem:$0x7FA]  }
0x11f: {  	[sflag:s6] =	ssyncset.done $0x0  }
0x120: {  	[sflag:s6] =	ssyncadd.s32 $0xFFFFE000  }
0x121: {  	[spmem:s5] =	stream.linear.scatter [tilespmem:s20], [sflag:$0xD], $0x2000, $0x38;
	[tilespmem:$0x1D280] =	vst v63  }
0x122: {  	_ =	swait.ge [sflag:s6], $0x2000  }
0x123: {  	[sflag:s6] =	ssyncset.done $0x0  }
0x124: {  	[sflag:s6] =	ssyncadd.s32 $0xFFFFE000  }
0x125: {  	_ =	swait.ge [sflag:s6], $0x2000  }
0x126: {  	[sflag:s6] =	ssyncset.done $0x0  }
0x127: {  	[sflag:s6] =	ssyncadd.s32 $0xFFFFE000  }
0x128: {  	[tilespmem:$0x8D00] =	vst v1  }
0x129: {  	[tilespmem:$0x8D10] =	vst v1  }
0x12a: {  	[tilespmem:$0x8D20] =	vst v1  }
0x12b: {  	[tilespmem:$0x8D30] =	vst v1  }
0x12c: {  	[tilespmem:$0x9000] =	vst v0  }
0x12d: {  	[tilespmem:$0x9010] =	vst v0  }
0x12e: {  	[tilespmem:$0x9020] =	vst v0  }
0x12f: {  	[tilespmem:$0x9030] =	vst v0  }
0x130: {  	[tilespmem:$0x9040] =	vst v0  }
0x131: {  	[tilespmem:$0x9050] =	vst v0  }
0x132: {  	[tilespmem:$0x9060] =	vst v0  }
0x133: {  	[tilespmem:$0x9070] =	vst v0  }
0x134: {  	[tilespmem:$0x9080] =	vst v0  }
0x135: {  	[tilespmem:$0x9090] =	vst v0  }
0x136: {  	[tilespmem:$0x90A0] =	vst v0  }
0x137: {  	[tilespmem:$0x90B0] =	vst v0  }
0x138: {  	[tilespmem:$0x90C0] =	vst v0  }
0x139: {  	[tilespmem:$0x90D0] =	vst v0  }
0x13a: {  	[tilespmem:$0x90E0] =	vst v0  }
0x13b: {  	[tilespmem:$0x90F0] =	vst v0  }
0x13c: {  	[tilespmem:$0x9100] =	vst v0  }
0x13d: {  	[tilespmem:$0x9110] =	vst v0  }
0x13e: {  	[tilespmem:$0x9120] =	vst v0  }
0x13f: {  	[tilespmem:$0x9130] =	vst v0  }
0x140: {  	[tilespmem:$0x9140] =	vst v0  }
0x141: {  	[tilespmem:$0x9150] =	vst v0  }
0x142: {  	[tilespmem:$0x9160] =	vst v0  }
0x143: {  	[tilespmem:$0x9170] =	vst v0  }
0x144: {  	[tilespmem:$0x9180] =	vst v0  }
0x145: {  	[tilespmem:$0x9190] =	vst v0  }
0x146: {  	[tilespmem:$0x91A0] =	vst v0  }
0x147: {  	[tilespmem:$0x91B0] =	vst v0  }
0x148: {  	[tilespmem:$0x91C0] =	vst v0  }
0x149: {  	[tilespmem:$0x91D0] =	vst v0  }
0x14a: {  	[tilespmem:$0x91E0] =	vst v0  }
0x14b: {  	[tilespmem:$0x91F0] =	vst v0  }
0x14c: {  	[tilespmem:$0x9200] =	vst v0  }
0x14d: {  	[tilespmem:$0x9210] =	vst v0  }
0x14e: {  	[tilespmem:$0x9220] =	vst v0  }
0x14f: {  	[tilespmem:$0x9230] =	vst v0  }
0x150: {  	[tilespmem:$0x9240] =	vst v0  }
0x151: {  	s5 =	sld [smem:$0x7FB];
	[tilespmem:$0x9250] =	vst v0  }
0x152: {  	[tilespmem:$0x9260] =	vst v0  }
0x153: {  	s6 =	simm.s32 $0x9000;
	[tilespmem:$0x9270] =	vst v0  }
0x154: {  	[spmem:s5] =	stream.linear.scatter [tilespmem:s6], [sflag:$0xE], $0x280, $0x38;
	[tilespmem:$0x1D280] =	vst v63  }
0x155: {  	s6 =	simm.s32 $0xE  }
0x156: {  	_ =	swait.ge [sflag:s6], $0x280  }
0x157: {  	[sflag:s6] =	ssyncset.done $0x0  }
0x158: {  	[sflag:s6] =	ssyncadd.s32 $0xFFFFFD80  }
0x159: {  	[bflag:$0x0] =	sbarrier.arrive $0xFFFF  }
0x15a: {  	s5 =	simm.s32 $0x0;
	s6 =	rddreg [dreg:$0x1b]  }
0x15b: {  	[tilespmem:s5], [sflag:$0x9] =	stream.linear.gather [hbm4b:s6+s5], $0x40, $0x38;
	[tilespmem:$0x1D280] =	vst v63  }
0x15c: {  	s6 =	rddreg [dreg:$0x1c]  }
0x15d: {  	[tilespmem:s24], [sflag:$0x9] =	stream.linear.gather [hbm4b:s6+s5], $0x40, $0x38;
	[tilespmem:$0x1D280] =	vst v63  }
0x15e: {  	_ =	swait.ge [sflag:s25], $0x40  }
0x15f: {  	[sflag:s25] =	ssyncset.done $0x0  }
0x160: {  	[sflag:s25] =	ssyncadd.s32 $0xFFFFFFC0  }
0x161: {  	_ =	swait.ge [sflag:s25], $0x40  }
0x162: {  	[sflag:s25] =	ssyncset.done $0x0  }
0x163: {  	[sflag:s25] =	ssyncadd.s32 $0xFFFFFFC0  }
0x164: {  	[tilespmem:s20], [sflag:$0x1] =	stream.indirect.gather [hbm4b:s0+s26], $0x80, s5, s26, $0xb8;
	[tilespmem:$0x1D280] =	vst v63  }
0x165: {  	s6 =	rddreg [dreg:$0x11]  }
0x166: {  	[tilespmem:s19], [sflag:$0xA] =	stream.linear.gather [hbm4b:s6+s5], $0x40, $0x38;
	[tilespmem:$0x1D280] =	vst v63  }
0x167: {  	s6 =	rddreg [dreg:$0x12]  }
0x168: {  	[tilespmem:s22], [sflag:$0xA] =	stream.linear.gather [hbm4b:s6+s5], $0x40, $0x38;
	[tilespmem:$0x1D280] =	vst v63  }
0x169: {  	_ =	swait.ge [sflag:s7], $0x40  }
0x16a: {  	[sflag:s7] =	ssyncset.done $0x0  }
0x16b: {  	[sflag:s7] =	ssyncadd.s32 $0xFFFFFFC0  }
0x16c: {  	_ =	swait.ge [sflag:s7], $0x40  }
0x16d: {  	[sflag:s7] =	ssyncset.done $0x0  }
0x16e: {  	[sflag:s7] =	ssyncadd.s32 $0xFFFFFFC0  }
0x16f: {  	[tilespmem:s8], [sflag:$0x2] =	stream.indirect.gather [hbm4b:s0+s26], $0x80, s19, s26, $0xb8;
	[tilespmem:$0x1D280] =	vst v63  }
0x170: {  	s6 =	rddreg [dreg:$0x13]  }
0x171: {  	[tilespmem:s9], [sflag:$0xB] =	stream.linear.gather [hbm4b:s6+s5], $0x40, $0x38;
	[tilespmem:$0x1D280] =	vst v63  }
0x172: {  	s6 =	rddreg [dreg:$0x14]  }
0x173: {  	[tilespmem:s10], [sflag:$0xB] =	stream.linear.gather [hbm4b:s6+s5], $0x40, $0x38;
	[tilespmem:$0x1D280] =	vst v63  }
0x174: {  	_ =	swait.ge [sflag:s11], $0x2000  }
0x175: {  	[sflag:s11] =	ssyncset.done $0x0  }
0x176: {  	[sflag:s11] =	ssyncadd.s32 $0xFFFFE000  }
0x177: {  	[spmem:s1] =	stream.indirect.scatter.add.f32 [tilespmem:s20], [sflag:$0x5], $0x80, s24, s26, $0xb8;
	[tilespmem:$0x1D280] =	vst v63  }
0x178: {  	_ = 	snop  }
0x179: {  	[spmem:s2] =	stream.indirect.scatter.add.f32 [tilespmem:s13], [sflag:$0x5], $0x1, s24, s26, $0xb8;
	[tilespmem:$0x1D280] =	vst v63  }
0x17a: {  	_ =	swait.ge [sflag:s14], $0x40  }
0x17b: {  	[sflag:s14] =	ssyncset.done $0x0  }
0x17c: {  	[sflag:s14] =	ssyncadd.s32 $0xFFFFFFC0  }
0x17d: {  	_ =	swait.ge [sflag:s14], $0x40  }
0x17e: {  	[sflag:s14] =	ssyncset.done $0x0  }
0x17f: {  	[sflag:s14] =	ssyncadd.s32 $0xFFFFFFC0  }
0x180: {  	[tilespmem:s15], [sflag:$0x3] =	stream.indirect.gather [hbm4b:s0+s26], $0x80, s9, s26, $0xb8;
	[tilespmem:$0x1D280] =	vst v63  }
0x181: {  	s6 =	rddreg [dreg:$0x15]  }
0x182: {  	[tilespmem:s16], [sflag:$0xC] =	stream.linear.gather [hbm4b:s6+s5], $0x40, $0x38;
	[tilespmem:$0x1D280] =	vst v63  }
0x183: {  	s6 =	rddreg [dreg:$0x16]  }
0x184: {  	[tilespmem:s17], [sflag:$0xC] =	stream.linear.gather [hbm4b:s6+s5], $0x40, $0x38;
	[tilespmem:$0x1D280] =	vst v63  }
0x185: {  	_ =	swait.ge [sflag:s18], $0x2000  }
0x186: {  	[sflag:s18] =	ssyncset.done $0x0  }
0x187: {  	[sflag:s18] =	ssyncadd.s32 $0xFFFFE000  }
0x188: {  	[spmem:s1] =	stream.indirect.scatter.add.f32 [tilespmem:s8], [sflag:$0x6], $0x80, s22, s26, $0xb8;
	[tilespmem:$0x1D280] =	vst v63  }
0x189: {  	_ = 	snop  }
0x18a: {  	[spmem:s2] =	stream.indirect.scatter.add.f32 [tilespmem:s13], [sflag:$0x6], $0x1, s22, s26, $0xb8;
	[tilespmem:$0x1D280] =	vst v63  }
0x18b: {  	_ =	swait.ge [sflag:s23], $0x40  }
0x18c: {  	[sflag:s23] =	ssyncset.done $0x0  }
0x18d: {  	[sflag:s23] =	ssyncadd.s32 $0xFFFFFFC0  }
0x18e: {  	_ =	swait.ge [sflag:s23], $0x40  }
0x18f: {  	[sflag:s23] =	ssyncset.done $0x0  }
0x190: {  	[sflag:s23] =	ssyncadd.s32 $0xFFFFFFC0  }
0x191: {  	[tilespmem:s21], [sflag:$0x4] =	stream.indirect.gather [hbm4b:s0+s26], $0x80, s16, s26, $0xb8;
	[tilespmem:$0x1D280] =	vst v63  }
0x192: {  	_ =	swait.ge [sflag:s28], $0x2000  }
0x193: {  	[sflag:s28] =	ssyncset.done $0x0  }
0x194: {  	[sflag:s28] =	ssyncadd.s32 $0xFFFFE000  }
0x195: {  	_ =	swait.ge [sflag:s28], $0x40  }
0x196: {  	[sflag:s28] =	ssyncset.done $0x0  }
0x197: {  	s6 =	rddreg [dreg:$0x17];
	[sflag:s28] =	ssyncadd.s32 $0xFFFFFFC0  }
0x198: {  	[tilespmem:s5], [sflag:$0x9] =	stream.linear.gather [hbm4b:s6+s5], $0x40, $0x38;
	[tilespmem:$0x1D280] =	vst v63  }
0x199: {  	s6 =	rddreg [dreg:$0x18]  }
0x19a: {  	[tilespmem:s24], [sflag:$0x9] =	stream.linear.gather [hbm4b:s6+s5], $0x40, $0x38;
	[tilespmem:$0x1D280] =	vst v63  }
0x19b: {  	_ =	swait.ge [sflag:s29], $0x2000  }
0x19c: {  	[sflag:s29] =	ssyncset.done $0x0  }
0x19d: {  	[sflag:s29] =	ssyncadd.s32 $0xFFFFE000  }
0x19e: {  	[spmem:s1] =	stream.indirect.scatter.add.f32 [tilespmem:s15], [sflag:$0x7], $0x80, s10, s26, $0xb8;
	[tilespmem:$0x1D280] =	vst v63  }
0x19f: {  	_ = 	snop  }
0x1a0: {  	[spmem:s2] =	stream.indirect.scatter.add.f32 [tilespmem:s13], [sflag:$0x7], $0x1, s10, s26, $0xb8;
	[tilespmem:$0x1D280] =	vst v63  }
0x1a1: {  	_ =	swait.ge [sflag:s25], $0x40  }
0x1a2: {  	[sflag:s25] =	ssyncset.done $0x0  }
0x1a3: {  	[sflag:s25] =	ssyncadd.s32 $0xFFFFFFC0  }
0x1a4: {  	_ =	swait.ge [sflag:s25], $0x40  }
0x1a5: {  	[sflag:s25] =	ssyncset.done $0x0  }
0x1a6: {  	[sflag:s25] =	ssyncadd.s32 $0xFFFFFFC0  }
0x1a7: {  	[tilespmem:s20], [sflag:$0x1] =	stream.indirect.gather [hbm4b:s0+s26], $0x80, s5, s26, $0xb8;
	[tilespmem:$0x1D280] =	vst v63  }
0x1a8: {  	_ =	swait.ge [sflag:s30], $0x2000  }
0x1a9: {  	[sflag:s30] =	ssyncset.done $0x0  }
0x1aa: {  	[sflag:s30] =	ssyncadd.s32 $0xFFFFE000  }
0x1ab: {  	_ =	swait.ge [sflag:s30], $0x40  }
0x1ac: {  	[sflag:s30] =	ssyncset.done $0x0  }
0x1ad: {  	s6 =	rddreg [dreg:$0x19];
	[sflag:s30] =	ssyncadd.s32 $0xFFFFFFC0  }
0x1ae: {  	[tilespmem:s19], [sflag:$0xA] =	stream.linear.gather [hbm4b:s6+s5], $0x40, $0x38;
	[tilespmem:$0x1D280] =	vst v63  }
0x1af: {  	s6 =	rddreg [dreg:$0x1a]  }
0x1b0: {  	[tilespmem:s22], [sflag:$0xA] =	stream.linear.gather [hbm4b:s6+s5], $0x40, $0x38;
	[tilespmem:$0x1D280] =	vst v63  }
0x1b1: {  	_ =	swait.ge [sflag:s31], $0x2000  }
0x1b2: {  	[sflag:s31] =	ssyncset.done $0x0  }
0x1b3: {  	[sflag:s31] =	ssyncadd.s32 $0xFFFFE000  }
0x1b4: {  	[spmem:s1] =	stream.indirect.scatter.add.f32 [tilespmem:s21], [sflag:$0x8], $0x80, s17, s26, $0xb8;
	[tilespmem:$0x1D280] =	vst v63  }
0x1b5: {  	_ = 	snop  }
0x1b6: {  	[spmem:s2] =	stream.indirect.scatter.add.f32 [tilespmem:s13], [sflag:$0x8], $0x1, s17, s26, $0xb8;
	[tilespmem:$0x1D280] =	vst v63  }
0x1b7: {  	_ =	swait.ge [sflag:s7], $0x40  }
0x1b8: {  	[sflag:s7] =	ssyncset.done $0x0  }
0x1b9: {  	[sflag:s7] =	ssyncadd.s32 $0xFFFFFFC0  }
0x1ba: {  	_ =	swait.ge [sflag:s7], $0x40  }
0x1bb: {  	[sflag:s7] =	ssyncset.done $0x0  }
0x1bc: {  	[sflag:s7] =	ssyncadd.s32 $0xFFFFFFC0  }
0x1bd: {  	[tilespmem:s8], [sflag:$0x2] =	stream.indirect.gather [hbm4b:s0+s26], $0x80, s19, s26, $0xb8;
	[tilespmem:$0x1D280] =	vst v63  }
.LBB2_4:
0x1be: {  	_ =	swait.ge [sflag:s3], $0x2000  }
0x1bf: {  	[sflag:s3] =	ssyncset.done $0x0  }
0x1c0: {  	[sflag:s3] =	ssyncadd.s32 $0xFFFFE000  }
0x1c1: {  	_ =	swait.ge [sflag:s3], $0x40  }
0x1c2: {  	s6 =	sld [smem:$0x7F0];
	_ =	sdelay $0x1  }
0x1c3: {  	[sflag:s3] =	ssyncset.done $0x0  }
0x1c4: {  	[sflag:s3] =	ssyncadd.s32 $0xFFFFFFC0;
	s6 =	sadd.s32 s5, s6  }
0x1c5: {  	[tilespmem:s9], [sflag:$0xB] =	stream.linear.gather [hbm4b:s6+s12], $0x40, $0x38;
	[tilespmem:$0x1D280] =	vst v63  }
0x1c6: {  	s6 =	sld [smem:$0x7EF];
	_ =	sdelay $0x2  }
0x1c7: {  	s6 =	sadd.s32 s5, s6  }
0x1c8: {  	[tilespmem:s10], [sflag:$0xB] =	stream.linear.gather [hbm4b:s6+s12], $0x40, $0x38;
	[tilespmem:$0x1D280] =	vst v63  }
0x1c9: {  	_ =	swait.ge [sflag:s11], $0x2000  }
0x1ca: {  	[sflag:s11] =	ssyncset.done $0x0  }
0x1cb: {  	[sflag:s11] =	ssyncadd.s32 $0xFFFFE000  }
0x1cc: {  	[spmem:s1] =	stream.indirect.scatter.add.f32 [tilespmem:s20], [sflag:$0x5], $0x80, s24, s26, $0xb8;
	[tilespmem:$0x1D280] =	vst v63  }
0x1cd: {  	_ = 	snop  }
0x1ce: {  	[spmem:s2] =	stream.indirect.scatter.add.f32 [tilespmem:s13], [sflag:$0x5], $0x1, s24, s26, $0xb8;
	[tilespmem:$0x1D280] =	vst v63  }
0x1cf: {  	_ =	swait.ge [sflag:s14], $0x40  }
0x1d0: {  	[sflag:s14] =	ssyncset.done $0x0  }
0x1d1: {  	[sflag:s14] =	ssyncadd.s32 $0xFFFFFFC0  }
0x1d2: {  	_ =	swait.ge [sflag:s14], $0x40  }
0x1d3: {  	[sflag:s14] =	ssyncset.done $0x0  }
0x1d4: {  	[sflag:s14] =	ssyncadd.s32 $0xFFFFFFC0  }
0x1d5: {  	[tilespmem:s15], [sflag:$0x3] =	stream.indirect.gather [hbm4b:s0+s26], $0x80, s9, s26, $0xb8;
	[tilespmem:$0x1D280] =	vst v63  }
0x1d6: {  	_ =	swait.ge [sflag:s4], $0x2000  }
0x1d7: {  	[sflag:s4] =	ssyncset.done $0x0  }
0x1d8: {  	[sflag:s4] =	ssyncadd.s32 $0xFFFFE000  }
0x1d9: {  	_ =	swait.ge [sflag:s4], $0x40  }
0x1da: {  	s6 =	sld [smem:$0x7EE];
	_ =	sdelay $0x1  }
0x1db: {  	[sflag:s4] =	ssyncset.done $0x0  }
0x1dc: {  	[sflag:s4] =	ssyncadd.s32 $0xFFFFFFC0;
	s6 =	sadd.s32 s5, s6  }
0x1dd: {  	[tilespmem:s16], [sflag:$0xC] =	stream.linear.gather [hbm4b:s6+s12], $0x40, $0x38;
	[tilespmem:$0x1D280] =	vst v63  }
0x1de: {  	s6 =	sld [smem:$0x7ED];
	_ =	sdelay $0x2  }
0x1df: {  	s6 =	sadd.s32 s5, s6  }
0x1e0: {  	[tilespmem:s17], [sflag:$0xC] =	stream.linear.gather [hbm4b:s6+s12], $0x40, $0x38;
	[tilespmem:$0x1D280] =	vst v63  }
0x1e1: {  	_ =	swait.ge [sflag:s18], $0x2000  }
0x1e2: {  	[sflag:s18] =	ssyncset.done $0x0  }
0x1e3: {  	[sflag:s18] =	ssyncadd.s32 $0xFFFFE000  }
0x1e4: {  	[spmem:s1] =	stream.indirect.scatter.add.f32 [tilespmem:s8], [sflag:$0x6], $0x80, s22, s26, $0xb8;
	[tilespmem:$0x1D280] =	vst v63  }
0x1e5: {  	_ = 	snop  }
0x1e6: {  	[spmem:s2] =	stream.indirect.scatter.add.f32 [tilespmem:s13], [sflag:$0x6], $0x1, s22, s26, $0xb8;
	[tilespmem:$0x1D280] =	vst v63  }
0x1e7: {  	_ =	swait.ge [sflag:s23], $0x40  }
0x1e8: {  	p0 =	seq.s32 s5, $0x4A0;
	[sflag:s23] =	ssyncset.done $0x0  }
.Ltmp3:
0x1e9: {  	[sflag:s23] =	ssyncadd.s32 $0xFFFFFFC0;
	(pc) =	sbr.rel @p0 .LBB2_6-.Ltmp3, $4  }
0x1ea: {  	_ =	swait.ge [sflag:s23], $0x40  }
0x1eb: {  	[sflag:s23] =	ssyncset.done $0x0  }
0x1ec: {  	[sflag:s23] =	ssyncadd.s32 $0xFFFFFFC0  }
0x1ed: {  	[tilespmem:s21], [sflag:$0x4] =	stream.indirect.gather [hbm4b:s0+s26], $0x80, s16, s26, $0xb8;
	[tilespmem:$0x1D280] =	vst v63  }
0x1ee: {  	_ =	swait.ge [sflag:s28], $0x2000  }
0x1ef: {  	[sflag:s28] =	ssyncset.done $0x0  }
0x1f0: {  	[sflag:s28] =	ssyncadd.s32 $0xFFFFE000  }
0x1f1: {  	_ =	swait.ge [sflag:s28], $0x40  }
0x1f2: {  	s6 =	sld [smem:$0x7EC];
	_ =	sdelay $0x1  }
0x1f3: {  	[sflag:s28] =	ssyncset.done $0x0  }
0x1f4: {  	[sflag:s28] =	ssyncadd.s32 $0xFFFFFFC0;
	s6 =	sadd.s32 s5, s6  }
0x1f5: {  	[tilespmem:s12], [sflag:$0x9] =	stream.linear.gather [hbm4b:s6+s12], $0x40, $0x38;
	[tilespmem:$0x1D280] =	vst v63  }
0x1f6: {  	s6 =	sld [smem:$0x7EB];
	_ =	sdelay $0x2  }
0x1f7: {  	s6 =	sadd.s32 s5, s6  }
0x1f8: {  	[tilespmem:s24], [sflag:$0x9] =	stream.linear.gather [hbm4b:s6+s12], $0x40, $0x38;
	[tilespmem:$0x1D280] =	vst v63  }
0x1f9: {  	_ =	swait.ge [sflag:s29], $0x2000  }
0x1fa: {  	[sflag:s29] =	ssyncset.done $0x0  }
0x1fb: {  	[sflag:s29] =	ssyncadd.s32 $0xFFFFE000  }
0x1fc: {  	[spmem:s1] =	stream.indirect.scatter.add.f32 [tilespmem:s15], [sflag:$0x7], $0x80, s10, s26, $0xb8;
	[tilespmem:$0x1D280] =	vst v63  }
0x1fd: {  	_ = 	snop  }
0x1fe: {  	[spmem:s2] =	stream.indirect.scatter.add.f32 [tilespmem:s13], [sflag:$0x7], $0x1, s10, s26, $0xb8;
	[tilespmem:$0x1D280] =	vst v63  }
0x1ff: {  	_ =	swait.ge [sflag:s25], $0x40  }
0x200: {  	[sflag:s25] =	ssyncset.done $0x0  }
0x201: {  	[sflag:s25] =	ssyncadd.s32 $0xFFFFFFC0  }
0x202: {  	_ =	swait.ge [sflag:s25], $0x40  }
0x203: {  	[sflag:s25] =	ssyncset.done $0x0  }
0x204: {  	[sflag:s25] =	ssyncadd.s32 $0xFFFFFFC0  }
0x205: {  	[tilespmem:s20], [sflag:$0x1] =	stream.indirect.gather [hbm4b:s0+s26], $0x80, s12, s26, $0xb8;
	[tilespmem:$0x1D280] =	vst v63  }
0x206: {  	_ =	swait.ge [sflag:s30], $0x2000  }
0x207: {  	[sflag:s30] =	ssyncset.done $0x0  }
0x208: {  	[sflag:s30] =	ssyncadd.s32 $0xFFFFE000  }
0x209: {  	_ =	swait.ge [sflag:s30], $0x40  }
0x20a: {  	s6 =	sld [smem:$0x7EA];
	_ =	sdelay $0x1  }
0x20b: {  	[sflag:s30] =	ssyncset.done $0x0  }
0x20c: {  	[sflag:s30] =	ssyncadd.s32 $0xFFFFFFC0;
	s6 =	sadd.s32 s5, s6  }
0x20d: {  	[tilespmem:s19], [sflag:$0xA] =	stream.linear.gather [hbm4b:s6+s12], $0x40, $0x38;
	[tilespmem:$0x1D280] =	vst v63  }
0x20e: {  	s6 =	rddreg [dreg:$0x1f]  }
0x20f: {  	s6 =	sadd.s32 s5, s6  }
0x210: {  	[tilespmem:s22], [sflag:$0xA] =	stream.linear.gather [hbm4b:s6+s12], $0x40, $0x38;
	[tilespmem:$0x1D280] =	vst v63  }
0x211: {  	_ =	swait.ge [sflag:s31], $0x2000  }
0x212: {  	[sflag:s31] =	ssyncset.done $0x0  }
0x213: {  	[sflag:s31] =	ssyncadd.s32 $0xFFFFE000  }
0x214: {  	[spmem:s1] =	stream.indirect.scatter.add.f32 [tilespmem:s21], [sflag:$0x8], $0x80, s17, s26, $0xb8;
	[tilespmem:$0x1D280] =	vst v63  }
0x215: {  	_ = 	snop  }
0x216: {  	[spmem:s2] =	stream.indirect.scatter.add.f32 [tilespmem:s13], [sflag:$0x8], $0x1, s17, s26, $0xb8;
	[tilespmem:$0x1D280] =	vst v63  }
0x217: {  	_ =	swait.ge [sflag:s7], $0x40  }
0x218: {  	[sflag:s7] =	ssyncset.done $0x0  }
.Ltmp4:
0x219: {  	[sflag:s7] =	ssyncadd.s32 $0xFFFFFFC0;
	(pc) =	sbr.rel .LBB2_4-.Ltmp4, $4  }
0x21a: {  	_ =	swait.ge [sflag:s7], $0x40  }
0x21b: {  	[sflag:s7] =	ssyncset.done $0x0  }
0x21c: {  	s5 =	sadd.s32 $0x20, s5;
	[sflag:s7] =	ssyncadd.s32 $0xFFFFFFC0  }
0x21d: {  	[tilespmem:s8], [sflag:$0x2] =	stream.indirect.gather [hbm4b:s0+s26], $0x80, s19, s26, $0xb8;
	[tilespmem:$0x1D280] =	vst v63  }
.LBB2_7:
0x21e: {  	_ =	sfence.sel $0x180000  }
0x21f: {  	[bflag:$0x0] =	sbarrier.arrive $0xFFFF  }
0x220: {  	_ =	strace $0x90000047  }
0x221: {  	s0 =	stileid.u32;
	[bflag:$0x2] =	sbarrier.arrive $0xFFFF  }
0x222: {  	p0 =	sne.s32 s0, $0x0;
	s0 =	rddreg [dreg:$0x5]  }
0x223: {  	s0 =	sadd.s32 @!p0 $0x100000, s0  }
0x224: {  	[sflag:s0] =	ssyncadd.tile.s32 @!p0 $0x1;
	_ =	shalt  }
.Lfunc_end2:
_tile_overlayer_lowered:
.L_overlay_start_2:
0x225: {  	(tag) =	ssettag $0x2  }
0x226: {  	s0 =	rddreg [dreg:$0x0];
	s2 =	stileid.u32  }
0x227: {  	s1 =	rddreg [dreg:$0x1];
	p0 =	sne.s32 s2, $0x0  }
0x228: {  	s3 =	rddreg [dreg:$0x2];
	[bflag:$0x3] =	sbarrier.arrive $0xFFFF;
	s2 =	simm.s32 @!p0 $0x1C0E  }
0x229: {  	[timem:s3], [sflag:s2] =	dma.local @!p0 [hbm:s0], s1  }
0x22a: {  	s0 =	simm.s32 @!p0 $0xE  }
0x22b: {  	_ =	swait.ge @!p0 [sflag:s0], s1  }
0x22c: {  	s1 =	ssub.s32 @!p0 $0x0, s1;
	[sflag:s0] =	ssyncset.done @!p0 $0x0  }
0x22d: {  	[sflag:s0] =	ssyncadd.s32 @!p0 s1  }
0x22e: {  	[bflag:$0x3] =	sbarrier.arrive $0xFFFF  }
0x22f: {  	_ =	shalt  }

// kernel: sage_sc_pass2.3.cloned.1.call-start
scs
__scs_entry_jumppad:
0x0: {  	(pc) =	sbr.rel $0x88, $3  }
0x1: {  	(tag) =	ssettag $0x0;
	lr =	simm.s32 $0x1  }
0x2: {  	[smem:$0x3F99] =	sst lr;
	_ =	strace $0xD0000000  }
0x3: {  	_ = 	snop  }
0x4: {  	_ = 	snop  }
0x5: {  	_ = 	snop  }
0x6: {  	_ = 	snop  }
0x7: {  	_ = 	snop  }
__scs_overlays_trampoline_lowered:
0x8: {  	[smem:$0x3FA8] =	sst s0  }
0x9: {  	[smem:$0x3FA9] =	sst s1  }
0xa: {  	[smem:$0x3FAA] =	sst s2  }
0xb: {  	[smem:$0x3FAB] =	sst s3  }
0xc: {  	[smem:$0x3FAC] =	sst s4  }
0xd: {  	[smem:$0x3FAD] =	sst s5  }
0xe: {  	[smem:$0x3FAE] =	sst s6  }
0xf: {  	[smem:$0x3FAF] =	sst s7  }
0x10: {  	[smem:$0x3FB0] =	sst s8  }
0x11: {  	[smem:$0x3FB1] =	sst s9;
	s0 =	simm.s32 @!p0 $0x0  }
0x12: {  	s1 =	sld [smem:$0x3F97];
	s0 =	simm.s32 @p0 $0x1  }
0x13: {  	[smem:$0x3FB2] =	sst s0;
	s0 =	simm.s32 @!p1 $0x0  }
0x14: {  	s2 =	sld [smem:$0x3F96];
	s0 =	simm.s32 @p1 $0x1  }
0x15: {  	[smem:$0x3FB3] =	sst s0;
	s0 =	simm.s32 @!p2 $0x0  }
0x16: {  	s3 =	sld [smem:$0x3FDB];
	s0 =	simm.s32 @p2 $0x1  }
0x17: {  	s4 =	simm.s32 $0x1BF5;
	[smem:$0x3FB5] =	sst s0  }
0x18: {  	s0 =	sld [smem:$0x3F98];
	_ =	swait.ge [sflag:s4], $0x0  }
0x19: {  	s7 =	sld [smem:$0x3F99]  }
0x1a: {  	s8 =	sadd.s32 $0xFFFFE003, lr  }
0x1b: {  	s9 =	sadd.s32 $0xFFFFFEF7, lr;
	s5 =	simm.s32 $0xFFFFFFFF;
	p2 =	slt.u32 s8, $0xFFFFF086  }
0x1c: {  	p1 =	slt.u32 s9, $0xF7A;
	s5 =	simm.s32 @!p2 $0x0  }
0x1d: {  	s5 =	simm.s32 @p1 $0x1;
	p0 =	seq.s32 s7, s2  }
0x1e: {  	s7 =	smul.u32 @!p0 $0xF7A, s2;
	p2 =	seq.s32 @!p0 s5, $0x0  }
0x1f: {  	s9 =	smul.u32 $0xF7A, s1;
	s8 =	simm.s32 @!p0 $0x1BF5;
	p2 =	por !p2, p0  }
0x20: {  	[sflag:s8] =	ssyncset.s32 @!p0 $0xFFFFF086;
	s6 =	sadd.s32 @!p0 s3, s7;
	s7 =	simm.s32 @!p0 $0x108  }
0x21: {  	s3 =	sadd.s32 s3, s9;
	s6 =	sadd.s32 @!p0 $0x88, s6;
	s7 =	simm.s32 @p2 $0x1082  }
0x22: {  	[simem:s7], [sflag:s8] =	dma.local @!p0 [hbm:s6], $0xF7A  }
0x23: {  	s9 =	sor.u32 $0xD0000000, s2;
	s6 =	simm.s32 $0x108;
	_ =	swait.ge @!p0 [sflag:s8], $0x0  }
0x24: {  	s3 =	sadd.s32 $0x88, s3;
	s6 =	simm.s32 @!p1 $0x1082;
	[sflag:s4] =	ssyncset.s32 $0xFFFFF086  }
0x25: {  	[simem:s6], [sflag:s4] =	dma.local [hbm:s3], $0xF7A  }
0x26: {  	[smem:$0x3F99] =	sst s1;
	(tag) =	ssettag s2;
	_ =	strace s9  }
0x27: {  	s1 =	sld [smem:$0x3FA9]  }
0x28: {  	s2 =	sld [smem:$0x3FAA]  }
0x29: {  	s4 =	sld [smem:$0x3FAC]  }
0x2a: {  	p0 =	seq.s32 s5, $0x0;
	s5 =	sld [smem:$0x3FAD]  }
0x2b: {  	s6 =	sld [smem:$0x3FAE]  }
0x2c: {  	s7 =	sld [smem:$0x3FAF]  }
0x2d: {  	s3 =	simm.s32 $0x108;
	s8 =	sld [smem:$0x3FB0]  }
0x2e: {  	s3 =	simm.s32 @!p0 $0x1082;
	s9 =	sld [smem:$0x3FB1]  }
0x2f: {  	lr =	sadd.s32 s0, s3;
	s0 =	sld [smem:$0x3FA8]  }
0x30: {  	s3 =	sld [smem:$0x3FAB]  }
0x31: {  	[smem:$0x3FB4] =	sst s10  }
0x32: {  	s10 =	sld [smem:$0x3FB2];
	_ =	sdelay $0x3  }
0x33: {  	p0 =	seq.s32 s10, $0x1;
	s10 =	sld [smem:$0x3FB4];
	_ =	sdelay $0x3  }
0x34: {  	[smem:$0x3FB4] =	sst s10  }
0x35: {  	s10 =	sld [smem:$0x3FB3];
	_ =	sdelay $0x3  }
0x36: {  	p1 =	seq.s32 s10, $0x1;
	s10 =	sld [smem:$0x3FB4];
	_ =	sdelay $0x3  }
0x37: {  	[smem:$0x3FB4] =	sst s10  }
0x38: {  	s10 =	sld [smem:$0x3FB5]  }
0x39: {  	_ = 	snop;
	(pc) =	sbr.ind lr, $3  }
0x3a: {  	_ = 	snop  }
0x3b: {  	_ = 	snop  }
0x3c: {  	p2 =	seq.s32 s10, $0x1;
	s10 =	sld [smem:$0x3FB4]  }
0x3d: {  	_ =	shalt  }
0x3e: {  	_ =	shalt  }
0x3f: {  	_ =	shalt  }
0x40: {  	_ =	shalt  }
0x41: {  	_ =	shalt  }
0x42: {  	_ =	shalt  }
0x43: {  	_ =	shalt  }
0x44: {  	_ =	shalt  }
0x45: {  	_ =	shalt  }
0x46: {  	_ =	shalt  }
0x47: {  	_ =	shalt  }
0x48: {  	_ =	shalt  }
0x49: {  	_ =	shalt  }
0x4a: {  	_ =	shalt  }
0x4b: {  	_ =	shalt  }
0x4c: {  	_ =	shalt  }
0x4d: {  	_ =	shalt  }
0x4e: {  	_ =	shalt  }
0x4f: {  	_ =	shalt  }
0x50: {  	_ =	shalt  }
0x51: {  	_ =	shalt  }
0x52: {  	_ =	shalt  }
0x53: {  	_ =	shalt  }
0x54: {  	_ =	shalt  }
0x55: {  	_ =	shalt  }
0x56: {  	_ =	shalt  }
0x57: {  	_ =	shalt  }
0x58: {  	_ =	shalt  }
0x59: {  	_ =	shalt  }
0x5a: {  	_ =	shalt  }
0x5b: {  	_ =	shalt  }
0x5c: {  	_ =	shalt  }
0x5d: {  	_ =	shalt  }
0x5e: {  	_ =	shalt  }
0x5f: {  	_ =	shalt  }
0x60: {  	_ =	shalt  }
0x61: {  	_ =	shalt  }
0x62: {  	_ =	shalt  }
0x63: {  	_ =	shalt  }
0x64: {  	_ =	shalt  }
0x65: {  	_ =	shalt  }
0x66: {  	_ =	shalt  }
0x67: {  	_ =	shalt  }
0x68: {  	_ =	shalt  }
0x69: {  	_ =	shalt  }
0x6a: {  	_ =	shalt  }
0x6b: {  	_ =	shalt  }
0x6c: {  	_ =	shalt  }
0x6d: {  	_ =	shalt  }
0x6e: {  	_ =	shalt  }
0x6f: {  	_ =	shalt  }
0x70: {  	_ =	shalt  }
0x71: {  	_ =	shalt  }
0x72: {  	_ =	shalt  }
0x73: {  	_ =	shalt  }
0x74: {  	_ =	shalt  }
0x75: {  	_ =	shalt  }
0x76: {  	_ =	shalt  }
0x77: {  	_ =	shalt  }
0x78: {  	_ =	shalt  }
0x79: {  	_ =	shalt  }
0x7a: {  	_ =	shalt  }
0x7b: {  	_ =	shalt  }
0x7c: {  	_ =	shalt  }
0x7d: {  	_ =	shalt  }
0x7e: {  	_ =	shalt  }
0x7f: {  	_ =	shalt  }
0x80: {  	_ =	shalt  }
0x81: {  	_ =	shalt  }
0x82: {  	_ =	shalt  }
0x83: {  	_ =	shalt  }
0x84: {  	_ =	shalt  }
0x85: {  	_ =	shalt  }
0x86: {  	_ =	shalt  }
0x87: {  	_ =	shalt  }
.Lfunc_end0:
.L_simem_size_0:
called_computation.1_lowered:
.L_overlay_start_0:
0x88: {  	s2 =	sld [smem:$0x3FD9]  }
0x89: {  	s3 =	sld [smem:$0x3FFE];
	_ =	sdelay $0x1  }
0x8a: {  	s1 =	srdreg.scid  }
0x8b: {  	s0 =	sand.u32 $0x1, s1  }
0x8c: {  	s17 =	sshll.u32 s0, $0xA;
	s2 =	sadd.s32 s3, s2  }
0x8d: {  	s2 =	sadd.s32 s2, s17  }
0x8e: {  	[smem:$0x3FC0] =	sst s2  }
0x8f: {  	_ = 	snop  }
0x90: {  	s2 =	sld [smem:$0x3FD0];
	(tm) =	ssettm $0x1  }
0x91: {  	s18 =	sld [smem:$0x3FFB];
	_ =	sdelay $0x3  }
0x92: {  	_ =	strace s18  }
0x93: {  	s3 =	sld [smem:$0x3FFC];
	_ =	sdelay $0x3  }
0x94: {  	_ =	strace s3  }
0x95: {  	s3 =	sld [smem:$0x3FFD];
	_ =	sdelay $0x3  }
0x96: {  	_ =	strace s3  }
0x97: {  	_ =	strace $0x8FFFFFFF  }
0x98: {  	s19 =	sld [smem:$0x3FDB];
	_ =	sdelay $0x1  }
0x99: {  	s4 =	simm.s32 $_scs_section_size  }
0x9a: {  	s5 =	simm.s32 $_size__tile_overlayer_lowered;
	s6 =	simm.s32 $_tile_overlayer_lowered  }
0x9b: {  	s22 =	simm.s32 $0x1BFF;
	s21 =	sshll.u32 s6, $0x1;
	s3 =	sadd.s32 s4, s19  }
0x9c: {  	s7 =	simm.s32 $0x0;
	s20 =	sshll.u32 s5, $0x1;
	s5 =	sadd.s32 s21, s3  }
0x9d: {  	[timem:s7], [sflag:s22] =	dma.local [hbm:s5], s20  }
0x9e: {  	_ =	swait.ge [sflag:s22], s20  }
0x9f: {  	s4 =	ssub.s32 $0x0, s20;
	[sflag:s22] =	ssyncset.done $0x0  }
0xa0: {  	[sflag:s22] =	ssyncadd.s32 s4;
	_ =	sdelay $0x1  }
0xa1: {  	s23 =	simm.s32 $0x1B8B  }
0xa2: {  	_ =	swait.ge [sflag:s23], $0x1  }
0xa3: {  	[sflag:s23] =	ssyncset.done $0x0  }
0xa4: {  	s25 =	simm.s32 $0x1B8E;
	s24 =	sld [smem:$0x3FFE];
	[sflag:s23] =	ssyncadd.s32 $0xFFFFFFFF  }
0xa5: {  	s26 =	simm.s32 $execute0_lowered;
	[smem:$0x3FD2] =	sst s25  }
0xa6: {  	s5 =	sshll.u32 s26, $0x1;
	_ =	strace $0x80000049;
	[dreg:$0x1] =	wrdreg $0xFFFFFFFF  }
0xa7: {  	s28 =	simm.s32 $_size_execute0_lowered;
	s3 =	sadd.s32 s3, s5;
	[dreg:$0x0] =	wrdreg $0x0  }
0xa8: {  	s5 =	sshll.u32 s28, $0x1;
	[dreg:$0x2] =	wrdreg s3  }
0xa9: {  	[dreg:$0x3] =	wrdreg s5  }
0xaa: {  	[dreg:$0x4] =	wrdreg $0xC0  }
0xab: {  	_ =	task [dreg:s7], $0x5FFFF  }
0xac: {  	[dreg:$0x1] =	wrdreg $0xFFFFFFFF  }
0xad: {  	[dreg:$0x0] =	wrdreg $0x60  }
0xae: {  	[dreg:$0x2] =	wrdreg s2  }
0xaf: {  	[dreg:$0x3] =	wrdreg s24  }
0xb0: {  	[dreg:$0x4] =	wrdreg $0x8D000  }
0xb1: {  	[dreg:$0x5] =	wrdreg $0x9  }
0xb2: {  	_ =	task.clear_ibuf [dreg:s7], $0x6FFFF;
	_ =	strace $0x90000049  }
0xb3: {  	s29 =	simm.s32 $0x9;
	_ =	strace $0x8000004B  }
0xb4: {  	_ =	swait.ge [sflag:s29], $0x1  }
0xb5: {  	[sflag:s29] =	ssyncadd.s32 $0xFFFFFFFF  }
0xb6: {  	_ =	strace $0x9000004B  }
0xb7: {  	_ =	sfence  }
0xb8: {  	s30 =	sld [smem:$0x0];
	_ =	sdelay $0x2  }
0xb9: {  	s31 =	sshll.u32 s1, $0xD;
	s1 =	sshrl.u32 s1, $0x2  }
0xba: {  	s3 =	sand.u32 $0x4000, s31;
	s1 =	sadd.s32 s1, s30  }
0xbb: {  	s0 =	sor.u32 s3, s0;
	s1 =	sshll.u32 s1, $0x11  }
0xbc: {  	s0 =	sor.u32 s1, s0  }
0xbd: {  	s0 =	sadd.s32 $0x8F2B, s0  }
0xbe: {  	[sflag:s0] =	ssyncadd.remote.s32 $0x1  }
0xbf: {  	_ =	sfence.sel $0xFFFF  }
0xc0: {  	[dreg:$0x0] =	wrdreg $0xFFFFFFFF;
	(pc) =	sbr.abs _section_cstart, $3  }
0xc1: {  	[dreg:$0x1] =	wrdreg $0xFFFFFFFF  }
0xc2: {  	_ =	task.clear_ibuf [dreg:s7], $0x2FFFF;
	_ =	strace $0x9FFFFFFF  }
0xc3: {  	(tm) =	ssettm $0x7FFFFFFF  }
tec
execute0_lowered:
.L_overlay_start_1:
0x0: {  	(tag) =	ssettag $0x1  }
0x1: {  	s0 =	srdreg.scid;
	s25 =	stileid.u32  }
0x2: {  	s3 =	rddreg [dreg:$0x1];
	s1 =	simm.s32 $0x0;
	s19 =	simm.s32 $0x16C00  }
0x3: {  	s31 =	rddreg [dreg:$0x0];
	s28 =	simm.s32 $0x4;
	s29 =	simm.s32 $0x7  }
0x4: {  	s30 =	simm.s32 $0x8;
	s0 =	sand.u32 $0x1, s0;
	s5 =	smul.u32 $0x280, s25  }
0x5: {  	s24 =	sshll.u32 s25, $0x1;
	s26 =	smul.u32 $0x2800, s25;
	s2 =	ssub.s32 $0x2, s0  }
0x6: {  	[smem:$0x7FF] =	sst s1;
	p0 =	seq.s32 s0, $0x0;
	s4 =	sshrl.u32 s2, $0x1  }
0x7: {  	s13 =	sor.u32 $0x40, s5;
	s14 =	sadd.s32 $0x80, s5;
	s12 =	sadd.s32 $0xC0, s5  }
0x8: {  	s10 =	sadd.s32 $0x100, s5;
	s11 =	sadd.s32 $0x140, s5;
	s9 =	sadd.s32 $0x180, s5  }
0x9: {  	s7 =	sadd.s32 $0x1C0, s5;
	s8 =	sadd.s32 $0x200, s5;
	s6 =	sadd.s32 $0x240, s5  }
0xa: {  	s19 =	simm.s32 @!p0 $0x3EC00;
	s2 =	ssub.s32 s2, s4;
	s4 =	sor.u32 s0, s24  }
0xb: {  	s15 =	sshll.u32 s13, $0x4;
	s16 =	sshll.u32 s14, $0x4;
	s17 =	sshll.u32 s12, $0x4  }
0xc: {  	s18 =	sshll.u32 s10, $0x4;
	s20 =	sshll.u32 s11, $0x4;
	s19 =	sadd.s32 s19, s3  }
0xd: {  	s21 =	sshll.u32 s9, $0x4;
	s22 =	sshll.u32 s7, $0x4;
	s5 =	sadd.s32 s19, s26  }
0xe: {  	s23 =	sshll.u32 s8, $0x4;
	s15 =	sadd.s32 s19, s15;
	[dreg:$0x4] =	wrdreg s5  }
0xf: {  	s24 =	sshll.u32 s6, $0x4;
	s16 =	sadd.s32 s19, s16;
	[dreg:$0x5] =	wrdreg s15  }
0x10: {  	s0 =	smul.u32 $0x2710, s0;
	s17 =	sadd.s32 s19, s17;
	[dreg:$0x6] =	wrdreg s16  }
0x11: {  	s4 =	smul.u32 $0x2710, s4;
	s18 =	sadd.s32 s19, s18;
	[dreg:$0x7] =	wrdreg s17  }
0x12: {  	s26 =	sadd.s32 s19, s20;
	s2 =	smax.u32 s2, $0x1;
	[dreg:$0x8] =	wrdreg s18  }
0x13: {  	[dreg:$0x9] =	wrdreg s26;
	s15 =	sadd.s32 s19, s21;
	s16 =	sadd.s32 s19, s22  }
0x14: {  	s17 =	sadd.s32 s19, s23;
	s18 =	smul.u32 $0x4E20, s25;
	[dreg:$0xa] =	wrdreg s15  }
0x15: {  	s19 =	sadd.s32 s19, s24;
	[dreg:$0xb] =	wrdreg s16;
	s4 =	sshrl.u32 s4, $0x3  }
0x16: {  	s5 =	sadd.s32 $0xCE00, s3;
	[dreg:$0xc] =	wrdreg s17;
	s20 =	sadd.s32 $0x8, s4  }
0x17: {  	s3 =	sadd.s32 $0x3000, s3;
	[dreg:$0xd] =	wrdreg s19;
	s21 =	sadd.s32 s5, s20  }
0x18: {  	s22 =	sadd.s32 $0x10, s4;
	s15 =	sadd.s32 s3, s20;
	[dreg:$0xe] =	wrdreg s21  }
0x19: {  	s0 =	sadd.s32 s0, s18;
	s23 =	sadd.s32 s5, s22;
	[dreg:$0xf] =	wrdreg s15  }
0x1a: {  	s24 =	sadd.s32 $0x18, s4;
	s16 =	sadd.s32 s3, s22;
	[dreg:$0x10] =	wrdreg s23  }
0x1b: {  	s17 =	sadd.s32 $0x20, s4;
	s26 =	sadd.s32 s5, s24;
	[dreg:$0x11] =	wrdreg s16  }
0x1c: {  	s19 =	sadd.s32 $0x28, s4;
	s18 =	sadd.s32 s5, s17;
	[dreg:$0x12] =	wrdreg s26  }
0x1d: {  	s20 =	sadd.s32 s5, s19;
	s22 =	sadd.s32 s3, s4;
	[dreg:$0x14] =	wrdreg s18  }
0x1e: {  	s15 =	sadd.s32 s3, s24;
	s16 =	sadd.s32 s3, s17;
	[dreg:$0x16] =	wrdreg s20  }
0x1f: {  	s21 =	sadd.s32 s5, s4;
	[dreg:$0x19] =	wrdreg s22;
	s4 =	sadd.s32 $0x4E0, s4  }
0x20: {  	s24 =	sadd.s32 $0x240, s0;
	s26 =	sadd.s32 $0x200, s0;
	[dreg:$0x13] =	wrdreg s15  }
0x21: {  	s22 =	sadd.s32 $0x1C0, s0;
	s0 =	sadd.s32 $0x180, s0;
	[dreg:$0x15] =	wrdreg s16  }
0x22: {  	s15 =	sadd.s32 s3, s19;
	[dreg:$0x18] =	wrdreg s21;
	s23 =	sadd.s32 s5, s4  }
0x23: {  	s4 =	sadd.s32 s3, s4;
	s17 =	sshrl.u32 s24, $0x3;
	[dreg:$0x17] =	wrdreg s15  }
0x24: {  	s18 =	sshrl.u32 s26, $0x3;
	s24 =	smul.u32 $0x50000, s25;
	[dreg:$0x1a] =	wrdreg s23  }
0x25: {  	s16 =	sshll.u32 s14, $0x7;
	s14 =	simm.s32 $0x6400;
	[dreg:$0x1b] =	wrdreg s4  }
0x26: {  	s19 =	sadd.s32 s17, s3;
	s23 =	sshrl.u32 s0, $0x3;
	s0 =	rddreg [dreg:$0x2]  }
0x27: {  	s4 =	sadd.s32 s17, s5;
	s20 =	sadd.s32 s18, s3;
	[dreg:$0x1c] =	wrdreg s19  }
0x28: {  	s21 =	sadd.s32 s18, s5;
	s15 =	sshll.u32 s13, $0x7;
	[dreg:$0x1d] =	wrdreg s4  }
0x29: {  	s18 =	sshll.u32 s12, $0x7;
	s12 =	simm.s32 $0x2;
	[dreg:$0x1e] =	wrdreg s20  }
0x2a: {  	s13 =	simm.s32 $0xC;
	[dreg:$0x1f] =	wrdreg s21;
	s4 =	sshrl.u32 s22, $0x3  }
0x2b: {  	s26 =	sshrl.u32 s24, $0x2;
	s17 =	sadd.s32 s16, s0;
	s19 =	sshll.u32 s10, $0x7  }
0x2c: {  	s20 =	sshll.u32 s11, $0x7;
	s22 =	sshll.u32 s9, $0x7;
	s24 =	sshll.u32 s8, $0x7  }
0x2d: {  	s16 =	simm.s32 $0x100;
	s8 =	simm.s32 $0xB;
	s9 =	simm.s32 $0x4400  }
0x2e: {  	s10 =	simm.s32 $0x180;
	s11 =	simm.s32 $0x380;
	s25 =	sadd.s32 s4, s3  }
0x2f: {  	s4 =	sadd.s32 s4, s5;
	s5 =	sadd.s32 s23, s5;
	[smem:$0x7EF] =	sst s25  }
0x30: {  	[smem:$0x7F0] =	sst s4;
	s4 =	sadd.s32 s23, s3;
	s3 =	sadd.s32 s26, s0  }
0x31: {  	s21 =	sadd.s32 s20, s0;
	_ =	strace $0x8000004A;
	[smem:$0x7F1] =	sst s3  }
0x32: {  	s20 =	simm.s32 $0x9;
	s23 =	sshll.u32 s7, $0x7;
	[smem:$0x7F3] =	sst s17  }
0x33: {  	s25 =	sadd.s32 s24, s0;
	s26 =	sshll.u32 s6, $0x7;
	[smem:$0x7F6] =	sst s21  }
0x34: {  	s24 =	simm.s32 $0xA;
	s6 =	simm.s32 $0x300;
	[smem:$0x7F9] =	sst s25  }
0x35: {  	s7 =	simm.s32 $0x1;
	s3 =	sadd.s32 s15, s0;
	[smem:$0x7FB] =	sst s2  }
0x36: {  	s17 =	simm.s32 $0x400;
	s21 =	simm.s32 $0x40;
	[smem:$0x7FC] =	sst s4  }
0x37: {  	s25 =	simm.s32 $0x2400;
	s15 =	simm.s32 $0x5;
	[smem:$0x7FD] =	sst s5  }
0x38: {  	[smem:$0x7F2] =	sst s3;
	s3 =	sadd.s32 s18, s0;
	s18 =	simm.s32 $0x3  }
.Ltmp0:
0x39: {  	[smem:$0x7F4] =	sst s3;
	s3 =	sadd.s32 s19, s0;
	(pc) =	sbr.rel .LBB2_1-.Ltmp0, $4  }
0x3a: {  	s19 =	simm.s32 $0x200;
	[smem:$0x7F5] =	sst s3;
	s3 =	sadd.s32 s22, s0  }
0x3b: {  	s22 =	simm.s32 $0x80;
	[smem:$0x7F7] =	sst s3;
	s3 =	sadd.s32 s23, s0  }
0x3c: {  	s23 =	simm.s32 $0x280;
	[smem:$0x7F8] =	sst s3;
	s3 =	sadd.s32 s26, s0  }
0x3d: {  	v0 =	vimm.f32 $0.0e+00;
	s26 =	simm.s32 $0x6;
	[smem:$0x7FA] =	sst s3;
	s3 =	simm.s32 $0x0  }
.LBB2_6:
0x3e: {  	_ =	swait.ge [sflag:s18], $0x2000  }
0x3f: {  	[sflag:s18] =	ssyncset.done $0x0  }
0x40: {  	[sflag:s18] =	ssyncadd.s32 $0xFFFFE000  }
0x41: {  	[spmem:s0] =	stream.indirect.scatter.add.f32 [tilespmem:s9], [sflag:$0x7], $0x80, s6, s21, $0xb8;
	[tilespmem:$0x1CD00] =	vst v63  }
0x42: {  	_ =	swait.ge [sflag:s28], $0x2000  }
0x43: {  	[sflag:s28] =	ssyncset.done $0x0  }
0x44: {  	[sflag:s28] =	ssyncadd.s32 $0xFFFFE000  }
0x45: {  	[spmem:s0] =	stream.indirect.scatter.add.f32 [tilespmem:s14], [sflag:$0x8], $0x80, s11, s21, $0xb8;
	[tilespmem:$0x1CD00] =	vst v63  }
0x46: {  	_ =	swait.ge [sflag:s15], $0x2000  }
0x47: {  	[sflag:s15] =	ssyncset.done $0x0  }
0x48: {  	[sflag:s15] =	ssyncadd.s32 $0xFFFFE000  }
0x49: {  	_ =	swait.ge [sflag:s26], $0x2000  }
0x4a: {  	[sflag:s26] =	ssyncset.done $0x0  }
0x4b: {  	[sflag:s26] =	ssyncadd.s32 $0xFFFFE000  }
0x4c: {  	_ =	swait.ge [sflag:s29], $0x2000  }
0x4d: {  	[sflag:s29] =	ssyncset.done $0x0  }
0x4e: {  	[sflag:s29] =	ssyncadd.s32 $0xFFFFE000  }
0x4f: {  	_ =	swait.ge [sflag:s30], $0x2000  }
0x50: {  	[sflag:s30] =	ssyncset.done $0x0  }
0x51: {  	s3 =	simm.s32 $0x8400;
	s2 =	rddreg [dreg:$0x1a];
	[sflag:s30] =	ssyncadd.s32 $0xFFFFE000  }
0x52: {  	[tilespmem:s3], [sflag:$0xE] =	stream.linear.gather [hbm4b:s2+s1], $0x10, $0x38;
	[tilespmem:$0x1CD00] =	vst v63  }
0x53: {  	s3 =	simm.s32 $0xE  }
0x54: {  	_ =	swait.ge [sflag:s3], $0x10  }
0x55: {  	[sflag:s3] =	ssyncset.done $0x0  }
0x56: {  	s4 =	simm.s32 $0x8480;
	s5 =	rddreg [dreg:$0x1b];
	[sflag:s3] =	ssyncadd.s32 $0xFFFFFFF0  }
0x57: {  	[tilespmem:s4], [sflag:$0xE] =	stream.linear.gather [hbm4b:s5+s1], $0x10, $0x38;
	[tilespmem:$0x1CD00] =	vst v63  }
0x58: {  	_ =	swait.ge [sflag:s3], $0x10  }
0x59: {  	s2 =	simm.s32 $0x8400;
	[sflag:s3] =	ssyncset.done $0x0  }
0x5a: {  	s4 =	simm.s32 $0x10;
	s5 =	simm.s32 $0x8500;
	[sflag:s3] =	ssyncadd.s32 $0xFFFFFFF0  }
0x5b: {  	[tilespmem:s5], [sflag:$0xD] =	stream.indirect.gather [hbm4b:s31+s4], $0x80, s2, s4, $0xb8;
	[tilespmem:$0x1CD00] =	vst v63  }
0x5c: {  	s2 =	simm.s32 $0xD  }
0x5d: {  	_ =	swait.ge [sflag:s2], $0x800  }
0x5e: {  	s5 =	simm.s32 $0x10;
	[sflag:s2] =	ssyncset.done $0x0  }
0x5f: {  	s4 =	simm.s32 $0x8500;
	[sflag:s2] =	ssyncadd.s32 $0xFFFFF800;
	s2 =	simm.s32 $0x8480  }
0x60: {  	[spmem:s0] =	stream.indirect.scatter.add.f32 [tilespmem:s4], [sflag:$0xE], $0x80, s2, s5, $0xb8;
	[tilespmem:$0x1CD00] =	vst v63  }
0x61: {  	s5 =	sld [smem:$0x7FD]  }
0x62: {  	s4 =	sld [smem:$0x7FC];
	_ =	swait.ge [sflag:s3], $0x800  }
0x63: {  	[sflag:s3] =	ssyncset.done $0x0  }
0x64: {  	[sflag:s3] =	ssyncadd.s32 $0xFFFFF800  }
0x65: {  	[bflag:$0x0] =	sbarrier.arrive $0xFFFF  }
0x66: {  	s3 =	sld [smem:$0x7F1];
	_ =	sdelay $0x2  }
0x67: {  	[tilespmem:s17], [sflag:$0x1] =	stream.linear.gather [spmem:s3], $0x2000, $0x38;
	[tilespmem:$0x1CD00] =	vst v63  }
0x68: {  	s3 =	sld [smem:$0x7F2];
	_ =	sdelay $0x2  }
0x69: {  	[tilespmem:s25], [sflag:$0x2] =	stream.linear.gather [spmem:s3], $0x2000, $0x38;
	[tilespmem:$0x1CD00] =	vst v63  }
0x6a: {  	_ =	swait.ge [sflag:s7], $0x2000  }
0x6b: {  	[sflag:s7] =	ssyncset.done $0x0  }
0x6c: {  	s3 =	rddreg [dreg:$0x4];
	[sflag:s7] =	ssyncadd.s32 $0xFFFFE000  }
0x6d: {  	[hbm4b:s3+s1] =	stream.linear.scatter [tilespmem:s17], [sflag:$0x5], $0x2000, $0x38;
	[tilespmem:$0x1CD00] =	vst v63  }
0x6e: {  	_ =	swait.ge [sflag:s15], $0x2000  }
0x6f: {  	s3 =	sld [smem:$0x7F3]  }
0x70: {  	[sflag:s15] =	ssyncset.done $0x0  }
0x71: {  	[sflag:s15] =	ssyncadd.s32 $0xFFFFE000  }
0x72: {  	[tilespmem:s17], [sflag:$0x1] =	stream.linear.gather [spmem:s3], $0x2000, $0x38;
	[tilespmem:$0x1CD00] =	vst v63  }
0x73: {  	_ =	swait.ge [sflag:s12], $0x2000  }
0x74: {  	[sflag:s12] =	ssyncset.done $0x0  }
0x75: {  	s3 =	rddreg [dreg:$0x5];
	[sflag:s12] =	ssyncadd.s32 $0xFFFFE000  }
0x76: {  	[hbm4b:s3+s1] =	stream.linear.scatter [tilespmem:s25], [sflag:$0x6], $0x2000, $0x38;
	[tilespmem:$0x1CD00] =	vst v63  }
0x77: {  	_ =	swait.ge [sflag:s26], $0x2000  }
0x78: {  	s3 =	sld [smem:$0x7F4]  }
0x79: {  	[sflag:s26] =	ssyncset.done $0x0  }
0x7a: {  	[sflag:s26] =	ssyncadd.s32 $0xFFFFE000  }
0x7b: {  	[tilespmem:s25], [sflag:$0x2] =	stream.linear.gather [spmem:s3], $0x2000, $0x38;
	[tilespmem:$0x1CD00] =	vst v63  }
0x7c: {  	_ =	swait.ge [sflag:s7], $0x2000  }
0x7d: {  	[sflag:s7] =	ssyncset.done $0x0  }
0x7e: {  	s3 =	rddreg [dreg:$0x6];
	[sflag:s7] =	ssyncadd.s32 $0xFFFFE000  }
0x7f: {  	[hbm4b:s3+s1] =	stream.linear.scatter [tilespmem:s17], [sflag:$0x5], $0x2000, $0x38;
	[tilespmem:$0x1CD00] =	vst v63  }
0x80: {  	_ =	swait.ge [sflag:s15], $0x2000  }
0x81: {  	s3 =	sld [smem:$0x7F5]  }
0x82: {  	[sflag:s15] =	ssyncset.done $0x0  }
0x83: {  	[sflag:s15] =	ssyncadd.s32 $0xFFFFE000  }
0x84: {  	[tilespmem:s17], [sflag:$0x1] =	stream.linear.gather [spmem:s3], $0x2000, $0x38;
	[tilespmem:$0x1CD00] =	vst v63  }
0x85: {  	_ =	swait.ge [sflag:s12], $0x2000  }
0x86: {  	[sflag:s12] =	ssyncset.done $0x0  }
0x87: {  	s3 =	rddreg [dreg:$0x7];
	[sflag:s12] =	ssyncadd.s32 $0xFFFFE000  }
0x88: {  	[hbm4b:s3+s1] =	stream.linear.scatter [tilespmem:s25], [sflag:$0x6], $0x2000, $0x38;
	[tilespmem:$0x1CD00] =	vst v63  }
0x89: {  	_ =	swait.ge [sflag:s26], $0x2000  }
0x8a: {  	s3 =	sld [smem:$0x7F6]  }
0x8b: {  	[sflag:s26] =	ssyncset.done $0x0  }
0x8c: {  	[sflag:s26] =	ssyncadd.s32 $0xFFFFE000  }
0x8d: {  	[tilespmem:s25], [sflag:$0x2] =	stream.linear.gather [spmem:s3], $0x2000, $0x38;
	[tilespmem:$0x1CD00] =	vst v63  }
0x8e: {  	_ =	swait.ge [sflag:s7], $0x2000  }
0x8f: {  	[sflag:s7] =	ssyncset.done $0x0  }
0x90: {  	s3 =	rddreg [dreg:$0x8];
	[sflag:s7] =	ssyncadd.s32 $0xFFFFE000  }
0x91: {  	[hbm4b:s3+s1] =	stream.linear.scatter [tilespmem:s17], [sflag:$0x5], $0x2000, $0x38;
	[tilespmem:$0x1CD00] =	vst v63  }
0x92: {  	_ =	swait.ge [sflag:s15], $0x2000  }
0x93: {  	s3 =	sld [smem:$0x7F7]  }
0x94: {  	[sflag:s15] =	ssyncset.done $0x0  }
0x95: {  	[sflag:s15] =	ssyncadd.s32 $0xFFFFE000  }
0x96: {  	[tilespmem:s17], [sflag:$0x1] =	stream.linear.gather [spmem:s3], $0x2000, $0x38;
	[tilespmem:$0x1CD00] =	vst v63  }
0x97: {  	_ =	swait.ge [sflag:s12], $0x2000  }
0x98: {  	[sflag:s12] =	ssyncset.done $0x0  }
0x99: {  	s3 =	rddreg [dreg:$0x9];
	[sflag:s12] =	ssyncadd.s32 $0xFFFFE000  }
0x9a: {  	[hbm4b:s3+s1] =	stream.linear.scatter [tilespmem:s25], [sflag:$0x6], $0x2000, $0x38;
	[tilespmem:$0x1CD00] =	vst v63  }
0x9b: {  	_ =	swait.ge [sflag:s26], $0x2000  }
0x9c: {  	s3 =	sld [smem:$0x7F8]  }
0x9d: {  	[sflag:s26] =	ssyncset.done $0x0  }
0x9e: {  	[sflag:s26] =	ssyncadd.s32 $0xFFFFE000  }
0x9f: {  	[tilespmem:s25], [sflag:$0x2] =	stream.linear.gather [spmem:s3], $0x2000, $0x38;
	[tilespmem:$0x1CD00] =	vst v63  }
0xa0: {  	_ =	swait.ge [sflag:s7], $0x2000  }
0xa1: {  	[sflag:s7] =	ssyncset.done $0x0  }
0xa2: {  	s3 =	rddreg [dreg:$0xa];
	[sflag:s7] =	ssyncadd.s32 $0xFFFFE000  }
0xa3: {  	[hbm4b:s3+s1] =	stream.linear.scatter [tilespmem:s17], [sflag:$0x5], $0x2000, $0x38;
	[tilespmem:$0x1CD00] =	vst v63  }
0xa4: {  	_ =	swait.ge [sflag:s15], $0x2000  }
0xa5: {  	s3 =	sld [smem:$0x7F9]  }
0xa6: {  	[sflag:s15] =	ssyncset.done $0x0  }
0xa7: {  	[sflag:s15] =	ssyncadd.s32 $0xFFFFE000  }
0xa8: {  	[tilespmem:s17], [sflag:$0x1] =	stream.linear.gather [spmem:s3], $0x2000, $0x38;
	[tilespmem:$0x1CD00] =	vst v63  }
0xa9: {  	_ =	swait.ge [sflag:s12], $0x2000  }
0xaa: {  	[sflag:s12] =	ssyncset.done $0x0  }
0xab: {  	s3 =	rddreg [dreg:$0xb];
	[sflag:s12] =	ssyncadd.s32 $0xFFFFE000  }
0xac: {  	[hbm4b:s3+s1] =	stream.linear.scatter [tilespmem:s25], [sflag:$0x6], $0x2000, $0x38;
	[tilespmem:$0x1CD00] =	vst v63  }
0xad: {  	_ =	swait.ge [sflag:s26], $0x2000  }
0xae: {  	s3 =	sld [smem:$0x7FA]  }
0xaf: {  	[sflag:s26] =	ssyncset.done $0x0  }
0xb0: {  	[sflag:s26] =	ssyncadd.s32 $0xFFFFE000  }
0xb1: {  	[tilespmem:s25], [sflag:$0x2] =	stream.linear.gather [spmem:s3], $0x2000, $0x38;
	[tilespmem:$0x1CD00] =	vst v63  }
0xb2: {  	_ =	swait.ge [sflag:s7], $0x2000  }
0xb3: {  	[sflag:s7] =	ssyncset.done $0x0  }
0xb4: {  	s3 =	rddreg [dreg:$0xc];
	[sflag:s7] =	ssyncadd.s32 $0xFFFFE000  }
0xb5: {  	[hbm4b:s3+s1] =	stream.linear.scatter [tilespmem:s17], [sflag:$0x5], $0x2000, $0x38;
	[tilespmem:$0x1CD00] =	vst v63  }
0xb6: {  	_ =	swait.ge [sflag:s12], $0x2000  }
0xb7: {  	[sflag:s12] =	ssyncset.done $0x0  }
0xb8: {  	s3 =	rddreg [dreg:$0xd];
	[sflag:s12] =	ssyncadd.s32 $0xFFFFE000  }
0xb9: {  	[hbm4b:s3+s1] =	stream.linear.scatter [tilespmem:s25], [sflag:$0x6], $0x2000, $0x38;
	[tilespmem:$0x1CD00] =	vst v63  }
0xba: {  	_ =	swait.ge [sflag:s15], $0x2000  }
0xbb: {  	[sflag:s15] =	ssyncset.done $0x0  }
0xbc: {  	[sflag:s15] =	ssyncadd.s32 $0xFFFFE000  }
0xbd: {  	_ =	swait.ge [sflag:s26], $0x2000  }
0xbe: {  	s2 =	sld [smem:$0x7EE];
	_ =	sdelay $0x2  }
0xbf: {  	s3 =	sadd.s32 $0x1, s2;
	s2 =	sld [smem:$0x7FB];
	_ =	sdelay $0x2  }
0xc0: {  	p0 =	sne.s32 s3, s2  }
.Ltmp1:
0xc1: {  	_ = 	snop;
	(pc) =	sbr.rel @!p0 .LBB2_7-.Ltmp1, $3  }
0xc2: {  	_ =	sdelay $0x1  }
0xc3: {  	[sflag:s26] =	ssyncset.done $0x0  }
0xc4: {  	[sflag:s26] =	ssyncadd.s32 $0xFFFFE000  }
.LBB2_1:
0xc5: {  	[smem:$0x7EE] =	sst s3;
	s2 =	simm.s32 $0x0;
	s3 =	simm.s32 $0x200  }
.LBB2_2:
0xc6: {  	p0 =	sne.s32 s3, $0x7E00;
	[tilespmem:s2+$0x470] =	vst v0  }
0xc7: {  	[tilespmem:s2+$0x400] =	vst v0  }
0xc8: {  	[tilespmem:s2+$0x410] =	vst v0  }
.Ltmp2:
0xc9: {  	[tilespmem:s2+$0x420] =	vst v0;
	(pc) =	sbr.rel @p0 .LBB2_2-.Ltmp2, $4  }
0xca: {  	[tilespmem:s2+$0x430] =	vst v0  }
0xcb: {  	[tilespmem:s2+$0x440] =	vst v0  }
0xcc: {  	[tilespmem:s2+$0x450] =	vst v0  }
0xcd: {  	[tilespmem:s2+$0x460] =	vst v0;
	s2 =	sshra.s32 s3, $0x2;
	s3 =	sadd.s32 $0x200, s3  }
0xce: {  	[tilespmem:s2+$0x470] =	vst v0  }
0xcf: {  	[tilespmem:s2+$0x400] =	vst v0  }
0xd0: {  	[tilespmem:s2+$0x410] =	vst v0  }
0xd1: {  	[tilespmem:s2+$0x420] =	vst v0  }
0xd2: {  	[tilespmem:s2+$0x430] =	vst v0  }
0xd3: {  	[tilespmem:s2+$0x440] =	vst v0;
	s3 =	sld [smem:$0x7F1]  }
0xd4: {  	[tilespmem:s2+$0x450] =	vst v0  }
0xd5: {  	[tilespmem:s2+$0x460] =	vst v0  }
0xd6: {  	[spmem:s3] =	stream.linear.scatter [tilespmem:s17], [sflag:$0xD], $0x2000, $0x38;
	[tilespmem:$0x1CD00] =	vst v63  }
0xd7: {  	s3 =	sld [smem:$0x7F2];
	_ =	sdelay $0x2  }
0xd8: {  	[spmem:s3] =	stream.linear.scatter [tilespmem:s17], [sflag:$0xD], $0x2000, $0x38;
	[tilespmem:$0x1CD00] =	vst v63  }
0xd9: {  	s3 =	simm.s32 $0xD  }
0xda: {  	_ =	swait.ge [sflag:s3], $0x2000  }
0xdb: {  	s2 =	sld [smem:$0x7F3]  }
0xdc: {  	[sflag:s3] =	ssyncset.done $0x0  }
0xdd: {  	[sflag:s3] =	ssyncadd.s32 $0xFFFFE000  }
0xde: {  	[spmem:s2] =	stream.linear.scatter [tilespmem:s17], [sflag:$0xD], $0x2000, $0x38;
	[tilespmem:$0x1CD00] =	vst v63  }
0xdf: {  	_ =	swait.ge [sflag:s3], $0x2000  }
0xe0: {  	s2 =	sld [smem:$0x7F4]  }
0xe1: {  	[sflag:s3] =	ssyncset.done $0x0  }
0xe2: {  	[sflag:s3] =	ssyncadd.s32 $0xFFFFE000  }
0xe3: {  	[spmem:s2] =	stream.linear.scatter [tilespmem:s17], [sflag:$0xD], $0x2000, $0x38;
	[tilespmem:$0x1CD00] =	vst v63  }
0xe4: {  	_ =	swait.ge [sflag:s3], $0x2000  }
0xe5: {  	s2 =	sld [smem:$0x7F5]  }
0xe6: {  	[sflag:s3] =	ssyncset.done $0x0  }
0xe7: {  	[sflag:s3] =	ssyncadd.s32 $0xFFFFE000  }
0xe8: {  	[spmem:s2] =	stream.linear.scatter [tilespmem:s17], [sflag:$0xD], $0x2000, $0x38;
	[tilespmem:$0x1CD00] =	vst v63  }
0xe9: {  	_ =	swait.ge [sflag:s3], $0x2000  }
0xea: {  	s2 =	sld [smem:$0x7F6]  }
0xeb: {  	[sflag:s3] =	ssyncset.done $0x0  }
0xec: {  	[sflag:s3] =	ssyncadd.s32 $0xFFFFE000  }
0xed: {  	[spmem:s2] =	stream.linear.scatter [tilespmem:s17], [sflag:$0xD], $0x2000, $0x38;
	[tilespmem:$0x1CD00] =	vst v63  }
0xee: {  	_ =	swait.ge [sflag:s3], $0x2000  }
0xef: {  	s2 =	sld [smem:$0x7F7]  }
0xf0: {  	[sflag:s3] =	ssyncset.done $0x0  }
0xf1: {  	[sflag:s3] =	ssyncadd.s32 $0xFFFFE000  }
0xf2: {  	[spmem:s2] =	stream.linear.scatter [tilespmem:s17], [sflag:$0xD], $0x2000, $0x38;
	[tilespmem:$0x1CD00] =	vst v63  }
0xf3: {  	_ =	swait.ge [sflag:s3], $0x2000  }
0xf4: {  	s2 =	sld [smem:$0x7F8]  }
0xf5: {  	[sflag:s3] =	ssyncset.done $0x0  }
0xf6: {  	[sflag:s3] =	ssyncadd.s32 $0xFFFFE000  }
0xf7: {  	[spmem:s2] =	stream.linear.scatter [tilespmem:s17], [sflag:$0xD], $0x2000, $0x38;
	[tilespmem:$0x1CD00] =	vst v63  }
0xf8: {  	_ =	swait.ge [sflag:s3], $0x2000  }
0xf9: {  	s2 =	sld [smem:$0x7F9]  }
0xfa: {  	[sflag:s3] =	ssyncset.done $0x0  }
0xfb: {  	[sflag:s3] =	ssyncadd.s32 $0xFFFFE000  }
0xfc: {  	[spmem:s2] =	stream.linear.scatter [tilespmem:s17], [sflag:$0xD], $0x2000, $0x38;
	[tilespmem:$0x1CD00] =	vst v63  }
0xfd: {  	_ =	swait.ge [sflag:s3], $0x2000  }
0xfe: {  	s2 =	sld [smem:$0x7FA]  }
0xff: {  	[sflag:s3] =	ssyncset.done $0x0  }
0x100: {  	[sflag:s3] =	ssyncadd.s32 $0xFFFFE000  }
0x101: {  	[spmem:s2] =	stream.linear.scatter [tilespmem:s17], [sflag:$0xD], $0x2000, $0x38;
	[tilespmem:$0x1CD00] =	vst v63  }
0x102: {  	_ =	swait.ge [sflag:s3], $0x2000  }
0x103: {  	[sflag:s3] =	ssyncset.done $0x0  }
0x104: {  	[sflag:s3] =	ssyncadd.s32 $0xFFFFE000  }
0x105: {  	_ =	swait.ge [sflag:s3], $0x2000  }
0x106: {  	[sflag:s3] =	ssyncset.done $0x0  }
0x107: {  	[sflag:s3] =	ssyncadd.s32 $0xFFFFE000  }
0x108: {  	[bflag:$0x0] =	sbarrier.arrive $0xFFFF  }
0x109: {  	s2 =	simm.s32 $0x0;
	s3 =	rddreg [dreg:$0x18]  }
0x10a: {  	[tilespmem:s2], [sflag:$0x9] =	stream.linear.gather [hbm4b:s3+s2], $0x40, $0x38;
	[tilespmem:$0x1CD00] =	vst v63  }
0x10b: {  	s3 =	rddreg [dreg:$0x19]  }
0x10c: {  	[tilespmem:s19], [sflag:$0x9] =	stream.linear.gather [hbm4b:s3+s2], $0x40, $0x38;
	[tilespmem:$0x1CD00] =	vst v63  }
0x10d: {  	_ =	swait.ge [sflag:s20], $0x40  }
0x10e: {  	[sflag:s20] =	ssyncset.done $0x0  }
0x10f: {  	[sflag:s20] =	ssyncadd.s32 $0xFFFFFFC0  }
0x110: {  	_ =	swait.ge [sflag:s20], $0x40  }
0x111: {  	[sflag:s20] =	ssyncset.done $0x0  }
0x112: {  	[sflag:s20] =	ssyncadd.s32 $0xFFFFFFC0  }
0x113: {  	[tilespmem:s17], [sflag:$0x1] =	stream.indirect.gather [hbm4b:s31+s21], $0x80, s2, s21, $0xb8;
	[tilespmem:$0x1CD00] =	vst v63  }
0x114: {  	s3 =	rddreg [dreg:$0xe]  }
0x115: {  	[tilespmem:s22], [sflag:$0xA] =	stream.linear.gather [hbm4b:s3+s2], $0x40, $0x38;
	[tilespmem:$0x1CD00] =	vst v63  }
0x116: {  	s3 =	rddreg [dreg:$0xf]  }
0x117: {  	[tilespmem:s23], [sflag:$0xA] =	stream.linear.gather [hbm4b:s3+s2], $0x40, $0x38;
	[tilespmem:$0x1CD00] =	vst v63  }
0x118: {  	_ =	swait.ge [sflag:s24], $0x40  }
0x119: {  	[sflag:s24] =	ssyncset.done $0x0  }
0x11a: {  	[sflag:s24] =	ssyncadd.s32 $0xFFFFFFC0  }
0x11b: {  	_ =	swait.ge [sflag:s24], $0x40  }
0x11c: {  	[sflag:s24] =	ssyncset.done $0x0  }
0x11d: {  	[sflag:s24] =	ssyncadd.s32 $0xFFFFFFC0  }
0x11e: {  	[tilespmem:s25], [sflag:$0x2] =	stream.indirect.gather [hbm4b:s31+s21], $0x80, s22, s21, $0xb8;
	[tilespmem:$0x1CD00] =	vst v63  }
0x11f: {  	s3 =	rddreg [dreg:$0x10]  }
0x120: {  	[tilespmem:s16], [sflag:$0xB] =	stream.linear.gather [hbm4b:s3+s2], $0x40, $0x38;
	[tilespmem:$0x1CD00] =	vst v63  }
0x121: {  	s3 =	rddreg [dreg:$0x11]  }
0x122: {  	[tilespmem:s6], [sflag:$0xB] =	stream.linear.gather [hbm4b:s3+s2], $0x40, $0x38;
	[tilespmem:$0x1CD00] =	vst v63  }
0x123: {  	_ =	swait.ge [sflag:s7], $0x2000  }
0x124: {  	[sflag:s7] =	ssyncset.done $0x0  }
0x125: {  	[sflag:s7] =	ssyncadd.s32 $0xFFFFE000  }
0x126: {  	[spmem:s0] =	stream.indirect.scatter.add.f32 [tilespmem:s17], [sflag:$0x5], $0x80, s19, s21, $0xb8;
	[tilespmem:$0x1CD00] =	vst v63  }
0x127: {  	_ =	swait.ge [sflag:s8], $0x40  }
0x128: {  	[sflag:s8] =	ssyncset.done $0x0  }
0x129: {  	[sflag:s8] =	ssyncadd.s32 $0xFFFFFFC0  }
0x12a: {  	_ =	swait.ge [sflag:s8], $0x40  }
0x12b: {  	[sflag:s8] =	ssyncset.done $0x0  }
0x12c: {  	[sflag:s8] =	ssyncadd.s32 $0xFFFFFFC0  }
0x12d: {  	[tilespmem:s9], [sflag:$0x3] =	stream.indirect.gather [hbm4b:s31+s21], $0x80, s16, s21, $0xb8;
	[tilespmem:$0x1CD00] =	vst v63  }
0x12e: {  	s3 =	rddreg [dreg:$0x12]  }
0x12f: {  	[tilespmem:s10], [sflag:$0xC] =	stream.linear.gather [hbm4b:s3+s2], $0x40, $0x38;
	[tilespmem:$0x1CD00] =	vst v63  }
0x130: {  	s3 =	rddreg [dreg:$0x13]  }
0x131: {  	[tilespmem:s11], [sflag:$0xC] =	stream.linear.gather [hbm4b:s3+s2], $0x40, $0x38;
	[tilespmem:$0x1CD00] =	vst v63  }
0x132: {  	_ =	swait.ge [sflag:s12], $0x2000  }
0x133: {  	[sflag:s12] =	ssyncset.done $0x0  }
0x134: {  	[sflag:s12] =	ssyncadd.s32 $0xFFFFE000  }
0x135: {  	[spmem:s0] =	stream.indirect.scatter.add.f32 [tilespmem:s25], [sflag:$0x6], $0x80, s23, s21, $0xb8;
	[tilespmem:$0x1CD00] =	vst v63  }
0x136: {  	_ =	swait.ge [sflag:s13], $0x40  }
0x137: {  	[sflag:s13] =	ssyncset.done $0x0  }
0x138: {  	[sflag:s13] =	ssyncadd.s32 $0xFFFFFFC0  }
0x139: {  	_ =	swait.ge [sflag:s13], $0x40  }
0x13a: {  	[sflag:s13] =	ssyncset.done $0x0  }
0x13b: {  	[sflag:s13] =	ssyncadd.s32 $0xFFFFFFC0  }
0x13c: {  	[tilespmem:s14], [sflag:$0x4] =	stream.indirect.gather [hbm4b:s31+s21], $0x80, s10, s21, $0xb8;
	[tilespmem:$0x1CD00] =	vst v63  }
0x13d: {  	_ =	swait.ge [sflag:s15], $0x2000  }
0x13e: {  	[sflag:s15] =	ssyncset.done $0x0  }
0x13f: {  	s3 =	rddreg [dreg:$0x14];
	[sflag:s15] =	ssyncadd.s32 $0xFFFFE000  }
0x140: {  	[tilespmem:s2], [sflag:$0x9] =	stream.linear.gather [hbm4b:s3+s2], $0x40, $0x38;
	[tilespmem:$0x1CD00] =	vst v63  }
0x141: {  	s3 =	rddreg [dreg:$0x15]  }
0x142: {  	[tilespmem:s19], [sflag:$0x9] =	stream.linear.gather [hbm4b:s3+s2], $0x40, $0x38;
	[tilespmem:$0x1CD00] =	vst v63  }
0x143: {  	_ =	swait.ge [sflag:s18], $0x2000  }
0x144: {  	[sflag:s18] =	ssyncset.done $0x0  }
0x145: {  	[sflag:s18] =	ssyncadd.s32 $0xFFFFE000  }
0x146: {  	[spmem:s0] =	stream.indirect.scatter.add.f32 [tilespmem:s9], [sflag:$0x7], $0x80, s6, s21, $0xb8;
	[tilespmem:$0x1CD00] =	vst v63  }
0x147: {  	_ =	swait.ge [sflag:s20], $0x40  }
0x148: {  	[sflag:s20] =	ssyncset.done $0x0  }
0x149: {  	[sflag:s20] =	ssyncadd.s32 $0xFFFFFFC0  }
0x14a: {  	_ =	swait.ge [sflag:s20], $0x40  }
0x14b: {  	[sflag:s20] =	ssyncset.done $0x0  }
0x14c: {  	[sflag:s20] =	ssyncadd.s32 $0xFFFFFFC0  }
0x14d: {  	[tilespmem:s17], [sflag:$0x1] =	stream.indirect.gather [hbm4b:s31+s21], $0x80, s2, s21, $0xb8;
	[tilespmem:$0x1CD00] =	vst v63  }
0x14e: {  	_ =	swait.ge [sflag:s26], $0x2000  }
0x14f: {  	[sflag:s26] =	ssyncset.done $0x0  }
0x150: {  	s3 =	rddreg [dreg:$0x16];
	[sflag:s26] =	ssyncadd.s32 $0xFFFFE000  }
0x151: {  	[tilespmem:s22], [sflag:$0xA] =	stream.linear.gather [hbm4b:s3+s2], $0x40, $0x38;
	[tilespmem:$0x1CD00] =	vst v63  }
0x152: {  	s3 =	rddreg [dreg:$0x17]  }
0x153: {  	[tilespmem:s23], [sflag:$0xA] =	stream.linear.gather [hbm4b:s3+s2], $0x40, $0x38;
	[tilespmem:$0x1CD00] =	vst v63  }
0x154: {  	_ =	swait.ge [sflag:s28], $0x2000  }
0x155: {  	[sflag:s28] =	ssyncset.done $0x0  }
0x156: {  	[sflag:s28] =	ssyncadd.s32 $0xFFFFE000  }
0x157: {  	[spmem:s0] =	stream.indirect.scatter.add.f32 [tilespmem:s14], [sflag:$0x8], $0x80, s11, s21, $0xb8;
	[tilespmem:$0x1CD00] =	vst v63  }
0x158: {  	_ =	swait.ge [sflag:s24], $0x40  }
0x159: {  	[sflag:s24] =	ssyncset.done $0x0  }
0x15a: {  	[sflag:s24] =	ssyncadd.s32 $0xFFFFFFC0  }
0x15b: {  	_ =	swait.ge [sflag:s24], $0x40  }
0x15c: {  	[sflag:s24] =	ssyncset.done $0x0  }
0x15d: {  	[sflag:s24] =	ssyncadd.s32 $0xFFFFFFC0  }
0x15e: {  	[tilespmem:s25], [sflag:$0x2] =	stream.indirect.gather [hbm4b:s31+s21], $0x80, s22, s21, $0xb8;
	[tilespmem:$0x1CD00] =	vst v63  }
.LBB2_4:
0x15f: {  	_ =	swait.ge [sflag:s29], $0x2000  }
0x160: {  	[sflag:s29] =	ssyncset.done $0x0  }
0x161: {  	s3 =	sadd.s32 s2, s5;
	[sflag:s29] =	ssyncadd.s32 $0xFFFFE000  }
0x162: {  	[tilespmem:s16], [sflag:$0xB] =	stream.linear.gather [hbm4b:s3+s1], $0x40, $0x38;
	[tilespmem:$0x1CD00] =	vst v63  }
0x163: {  	s3 =	sadd.s32 s2, s4  }
0x164: {  	[tilespmem:s6], [sflag:$0xB] =	stream.linear.gather [hbm4b:s3+s1], $0x40, $0x38;
	[tilespmem:$0x1CD00] =	vst v63  }
0x165: {  	_ =	swait.ge [sflag:s7], $0x2000  }
0x166: {  	[sflag:s7] =	ssyncset.done $0x0  }
0x167: {  	[sflag:s7] =	ssyncadd.s32 $0xFFFFE000  }
0x168: {  	[spmem:s0] =	stream.indirect.scatter.add.f32 [tilespmem:s17], [sflag:$0x5], $0x80, s19, s21, $0xb8;
	[tilespmem:$0x1CD00] =	vst v63  }
0x169: {  	_ =	swait.ge [sflag:s8], $0x40  }
0x16a: {  	[sflag:s8] =	ssyncset.done $0x0  }
0x16b: {  	[sflag:s8] =	ssyncadd.s32 $0xFFFFFFC0  }
0x16c: {  	_ =	swait.ge [sflag:s8], $0x40  }
0x16d: {  	[sflag:s8] =	ssyncset.done $0x0  }
0x16e: {  	[sflag:s8] =	ssyncadd.s32 $0xFFFFFFC0  }
0x16f: {  	[tilespmem:s9], [sflag:$0x3] =	stream.indirect.gather [hbm4b:s31+s21], $0x80, s16, s21, $0xb8;
	[tilespmem:$0x1CD00] =	vst v63  }
0x170: {  	_ =	swait.ge [sflag:s30], $0x2000  }
0x171: {  	s3 =	sld [smem:$0x7F0];
	_ =	sdelay $0x1  }
0x172: {  	[sflag:s30] =	ssyncset.done $0x0  }
0x173: {  	[sflag:s30] =	ssyncadd.s32 $0xFFFFE000;
	s3 =	sadd.s32 s2, s3  }
0x174: {  	[tilespmem:s10], [sflag:$0xC] =	stream.linear.gather [hbm4b:s3+s1], $0x40, $0x38;
	[tilespmem:$0x1CD00] =	vst v63  }
0x175: {  	s3 =	sld [smem:$0x7EF];
	_ =	sdelay $0x2  }
0x176: {  	s3 =	sadd.s32 s2, s3  }
0x177: {  	[tilespmem:s11], [sflag:$0xC] =	stream.linear.gather [hbm4b:s3+s1], $0x40, $0x38;
	[tilespmem:$0x1CD00] =	vst v63  }
0x178: {  	_ =	swait.ge [sflag:s12], $0x2000  }
0x179: {  	[sflag:s12] =	ssyncset.done $0x0  }
0x17a: {  	[sflag:s12] =	ssyncadd.s32 $0xFFFFE000  }
0x17b: {  	[spmem:s0] =	stream.indirect.scatter.add.f32 [tilespmem:s25], [sflag:$0x6], $0x80, s23, s21, $0xb8;
	[tilespmem:$0x1CD00] =	vst v63  }
0x17c: {  	_ =	swait.ge [sflag:s13], $0x40  }
0x17d: {  	p0 =	seq.s32 s2, $0x4A0;
	[sflag:s13] =	ssyncset.done $0x0  }
.Ltmp3:
0x17e: {  	[sflag:s13] =	ssyncadd.s32 $0xFFFFFFC0;
	(pc) =	sbr.rel @p0 .LBB2_6-.Ltmp3, $4  }
0x17f: {  	_ =	swait.ge [sflag:s13], $0x40  }
0x180: {  	[sflag:s13] =	ssyncset.done $0x0  }
0x181: {  	[sflag:s13] =	ssyncadd.s32 $0xFFFFFFC0  }
0x182: {  	[tilespmem:s14], [sflag:$0x4] =	stream.indirect.gather [hbm4b:s31+s21], $0x80, s10, s21, $0xb8;
	[tilespmem:$0x1CD00] =	vst v63  }
0x183: {  	_ =	swait.ge [sflag:s15], $0x2000  }
0x184: {  	[sflag:s15] =	ssyncset.done $0x0;
	s3 =	rddreg [dreg:$0x1f]  }
0x185: {  	[sflag:s15] =	ssyncadd.s32 $0xFFFFE000;
	s3 =	sadd.s32 s2, s3  }
0x186: {  	[tilespmem:s1], [sflag:$0x9] =	stream.linear.gather [hbm4b:s3+s1], $0x40, $0x38;
	[tilespmem:$0x1CD00] =	vst v63  }
0x187: {  	s3 =	rddreg [dreg:$0x1e]  }
0x188: {  	s3 =	sadd.s32 s2, s3  }
0x189: {  	[tilespmem:s19], [sflag:$0x9] =	stream.linear.gather [hbm4b:s3+s1], $0x40, $0x38;
	[tilespmem:$0x1CD00] =	vst v63  }
0x18a: {  	_ =	swait.ge [sflag:s18], $0x2000  }
0x18b: {  	[sflag:s18] =	ssyncset.done $0x0  }
0x18c: {  	[sflag:s18] =	ssyncadd.s32 $0xFFFFE000  }
0x18d: {  	[spmem:s0] =	stream.indirect.scatter.add.f32 [tilespmem:s9], [sflag:$0x7], $0x80, s6, s21, $0xb8;
	[tilespmem:$0x1CD00] =	vst v63  }
0x18e: {  	_ =	swait.ge [sflag:s20], $0x40  }
0x18f: {  	[sflag:s20] =	ssyncset.done $0x0  }
0x190: {  	[sflag:s20] =	ssyncadd.s32 $0xFFFFFFC0  }
0x191: {  	_ =	swait.ge [sflag:s20], $0x40  }
0x192: {  	[sflag:s20] =	ssyncset.done $0x0  }
0x193: {  	[sflag:s20] =	ssyncadd.s32 $0xFFFFFFC0  }
0x194: {  	[tilespmem:s17], [sflag:$0x1] =	stream.indirect.gather [hbm4b:s31+s21], $0x80, s1, s21, $0xb8;
	[tilespmem:$0x1CD00] =	vst v63  }
0x195: {  	_ =	swait.ge [sflag:s26], $0x2000  }
0x196: {  	[sflag:s26] =	ssyncset.done $0x0;
	s3 =	rddreg [dreg:$0x1d]  }
0x197: {  	[sflag:s26] =	ssyncadd.s32 $0xFFFFE000;
	s3 =	sadd.s32 s2, s3  }
0x198: {  	[tilespmem:s22], [sflag:$0xA] =	stream.linear.gather [hbm4b:s3+s1], $0x40, $0x38;
	[tilespmem:$0x1CD00] =	vst v63  }
0x199: {  	s3 =	rddreg [dreg:$0x1c]  }
0x19a: {  	s3 =	sadd.s32 s2, s3  }
0x19b: {  	[tilespmem:s23], [sflag:$0xA] =	stream.linear.gather [hbm4b:s3+s1], $0x40, $0x38;
	[tilespmem:$0x1CD00] =	vst v63  }
0x19c: {  	_ =	swait.ge [sflag:s28], $0x2000  }
0x19d: {  	[sflag:s28] =	ssyncset.done $0x0  }
0x19e: {  	[sflag:s28] =	ssyncadd.s32 $0xFFFFE000  }
0x19f: {  	[spmem:s0] =	stream.indirect.scatter.add.f32 [tilespmem:s14], [sflag:$0x8], $0x80, s11, s21, $0xb8;
	[tilespmem:$0x1CD00] =	vst v63  }
0x1a0: {  	_ =	swait.ge [sflag:s24], $0x40  }
0x1a1: {  	[sflag:s24] =	ssyncset.done $0x0  }
.Ltmp4:
0x1a2: {  	[sflag:s24] =	ssyncadd.s32 $0xFFFFFFC0;
	(pc) =	sbr.rel .LBB2_4-.Ltmp4, $4  }
0x1a3: {  	_ =	swait.ge [sflag:s24], $0x40  }
0x1a4: {  	[sflag:s24] =	ssyncset.done $0x0  }
0x1a5: {  	s2 =	sadd.s32 $0x20, s2;
	[sflag:s24] =	ssyncadd.s32 $0xFFFFFFC0  }
0x1a6: {  	[tilespmem:s25], [sflag:$0x2] =	stream.indirect.gather [hbm4b:s31+s21], $0x80, s22, s21, $0xb8;
	[tilespmem:$0x1CD00] =	vst v63  }
.LBB2_7:
0x1a7: {  	_ =	sfence.sel $0x180000  }
0x1a8: {  	[bflag:$0x0] =	sbarrier.arrive $0xFFFF  }
0x1a9: {  	_ =	strace $0x9000004A  }
0x1aa: {  	s0 =	stileid.u32;
	[bflag:$0x2] =	sbarrier.arrive $0xFFFF  }
0x1ab: {  	p0 =	sne.s32 s0, $0x0;
	s0 =	rddreg [dreg:$0x3]  }
0x1ac: {  	s0 =	sadd.s32 @!p0 $0x100000, s0  }
0x1ad: {  	[sflag:s0] =	ssyncadd.tile.s32 @!p0 $0x1;
	_ =	shalt  }
.Lfunc_end2:
_tile_overlayer_lowered:
.L_overlay_start_2:
0x1ae: {  	(tag) =	ssettag $0x2  }
0x1af: {  	s0 =	rddreg [dreg:$0x0];
	s2 =	stileid.u32  }
0x1b0: {  	s1 =	rddreg [dreg:$0x1];
	p0 =	sne.s32 s2, $0x0  }
0x1b1: {  	s3 =	rddreg [dreg:$0x2];
	[bflag:$0x3] =	sbarrier.arrive $0xFFFF;
	s2 =	simm.s32 @!p0 $0x1C0E  }
0x1b2: {  	[timem:s3], [sflag:s2] =	dma.local @!p0 [hbm:s0], s1  }
0x1b3: {  	s0 =	simm.s32 @!p0 $0xE  }
0x1b4: {  	_ =	swait.ge @!p0 [sflag:s0], s1  }
0x1b5: {  	s1 =	ssub.s32 @!p0 $0x0, s1;
	[sflag:s0] =	ssyncset.done @!p0 $0x0  }
0x1b6: {  	[sflag:s0] =	ssyncadd.s32 @!p0 s1  }
0x1b7: {  	[bflag:$0x3] =	sbarrier.arrive $0xFFFF  }
0x1b8: {  	_ =	shalt  }

</sc_bundles>
